<compile_context>
chip_gen: v7x
topology: tpu7x:2x2x1
jax: 0.10.2.dev20260603
libtpu: 0.0.44.dev20260713+nightly
codegen_flags: <defaults>
</compile_context>

<pallas_src>
import jax
import jax.numpy as jnp
from jax import lax
from jax.experimental import pallas as pl
from jax.experimental.pallas import tpu as pltpu
from jax.experimental.pallas import tpu_sc as plsc

_P = 7
_HALF = 16.0
_B, _C, _H, _W = 4, 96, 224, 224
_N = 512
_K = _N * _P * _P
_TOT = _B * _K
_NC, _NS = 2, 16
_NW = _NC * _NS
_PTS_W = _TOT // _NW
_CHUNK = 64
_NCH = _PTS_W // _CHUNK
_APW = _B * _N // _NW
_HW = _H * _W
_CP = 128


_RB = 8


def _tc_relayout_body(fm_ref, out_ref):
    for hh in range(_RB):
        out_ref[pl.ds(_W * hh, _W), :_C] = fm_ref[0, :, hh, :].T


def _relayout(feature_map):
    return pl.pallas_call(
        _tc_relayout_body,
        grid=(_B, _H // _RB),
        in_specs=[pl.BlockSpec((1, _C, _RB, _W), lambda b, h: (b, 0, h, 0))],
        out_specs=pl.BlockSpec((_RB * _W, _CP),
                               lambda b, h: (b * (_H // _RB) + h, 0)),
        out_shape=jax.ShapeDtypeStruct((_B * _HW, _CP), jnp.float32),
    )(feature_map)


def _sc_body(fm_hbm, xmin_h, xspan_h, ymin_h, yspan_h, out_hbm,
             xm_v, xs_v, ym_v, ys_v, idx_v, dx_v, dy_v, gbuf,
             obuf, gsem0, gsem1):
    wid = lax.axis_index("s") * _NC + lax.axis_index("c")
    asl = pl.ds(wid * _APW, _APW)
    pltpu.sync_copy(xmin_h.at[asl], xm_v)
    pltpu.sync_copy(xspan_h.at[asl], xs_v)
    pltpu.sync_copy(ymin_h.at[asl], ym_v)
    pltpu.sync_copy(yspan_h.at[asl], ys_v)
    scale = float(_H - 1)
    gsems = (gsem0, gsem1)

    def compute_and_fire(cc, slot):
        kbase = wid * _PTS_W + cc * _CHUNK
        for v in range(_CHUNK // 16):
            k = kbase + 16 * v + lax.iota(jnp.int32, 16)
            g = lax.div(k, jnp.full((16,), _P * _P, jnp.int32))
            r = k - g * (_P * _P)
            i = lax.div(r, jnp.full((16,), _P, jnp.int32))
            j = r - i * _P
            b = lax.div(g, jnp.full((16,), _N, jnp.int32))
            nloc = g - wid * _APW
            xm = plsc.load_gather(xm_v, [nloc])
            xs = plsc.load_gather(xs_v, [nloc])
            ym = plsc.load_gather(ym_v, [nloc])
            ys = plsc.load_gather(ys_v, [nloc])
            ti = i.astype(jnp.float32) * (1.0 / (_P - 1))
            tj = j.astype(jnp.float32) * (1.0 / (_P - 1))
            px = jnp.clip((xm + xs * ti) * scale, 0.0, scale)
            py = jnp.clip((ym + ys * tj) * scale, 0.0, scale)
            xb = jnp.minimum(px.astype(jnp.int32), _W - 2)
            yb = jnp.minimum(py.astype(jnp.int32), _H - 2)
            dx = px - xb.astype(jnp.float32)
            dy = py - yb.astype(jnp.float32)
            base = b * _HW + yb * _W + xb
            sl = pl.ds(16 * v, 16)
            idx_v[slot, 0, sl] = base
            idx_v[slot, 1, sl] = base + 1
            idx_v[slot, 2, sl] = base + _W
            idx_v[slot, 3, sl] = base + _W + 1
            dx_v[slot, sl] = dx
            dy_v[slot, sl] = dy
        for c in range(4):
            pltpu.async_copy(fm_hbm.at[idx_v.at[slot, c]],
                             gbuf.at[slot, c], gsems[slot])

    def drain(slot):
        for c in range(4):
            pltpu.make_async_copy(fm_hbm.at[idx_v.at[slot, c]],
                                  gbuf.at[slot, c], gsems[slot]).wait()

    def combine_and_store(cc, slot):
        drain(slot)
        kbase = wid * _PTS_W + cc * _CHUNK

        def pt_body(p, pc):
            dxp = dx_v[slot, pl.ds(p, 16)][0]
            dyp = dy_v[slot, pl.ds(p, 16)][0]
            for s in range(_C // 16):
                csl = pl.ds(16 * s, 16)
                vlt = gbuf[slot, 0, p, csl]
                vrt = gbuf[slot, 1, p, csl]
                vlb = gbuf[slot, 2, p, csl]
                vrb = gbuf[slot, 3, p, csl]
                vt = vlt + (vrt - vlt) * dxp
                vb = vlb + (vrb - vlb) * dxp
                obuf[slot, p, csl] = vt + (vb - vt) * dyp
            return pc

        lax.fori_loop(0, _CHUNK, pt_body, 0)
        pltpu.sync_copy(obuf.at[slot], out_hbm.at[pl.ds(kbase, _CHUNK)])

    compute_and_fire(0, 0)

    def pair_body(it, carry):
        cc = 2 * it
        compute_and_fire(cc + 1, 1)
        combine_and_store(cc, 0)
        compute_and_fire(cc + 2, 0)
        combine_and_store(cc + 1, 1)
        return carry

    lax.fori_loop(0, _NCH // 2, pair_body, 0)
    combine_and_store(_NCH - 1, 0)


def kernel(feature_map, anchor):
    fm_rows = _relayout(feature_map)
    hl = _HALF / _H
    bmin = jnp.clip(anchor - hl, 0.0, 1.0)
    bmax = jnp.clip(anchor + hl, 0.0, 1.0)
    span = bmax - bmin
    xmin = bmin[:, :, 0].reshape(_B * _N)
    ymin = bmin[:, :, 1].reshape(_B * _N)
    xspan = span[:, :, 0].reshape(_B * _N)
    yspan = span[:, :, 1].reshape(_B * _N)
    call = pl.kernel(
        _sc_body,
        out_type=jax.ShapeDtypeStruct((_TOT, _C), jnp.float32),
        mesh=plsc.VectorSubcoreMesh(core_axis_name="c", subcore_axis_name="s"),
        compiler_params=pltpu.CompilerParams(use_tc_tiling_on_sc=True,
                                             needs_layout_passes=False),
        scratch_types=[
            pltpu.VMEM((_APW,), jnp.float32),
            pltpu.VMEM((_APW,), jnp.float32),
            pltpu.VMEM((_APW,), jnp.float32),
            pltpu.VMEM((_APW,), jnp.float32),
            pltpu.VMEM((2, 4, _CHUNK), jnp.int32),
            pltpu.VMEM((2, _CHUNK + 16), jnp.float32),
            pltpu.VMEM((2, _CHUNK + 16), jnp.float32),
            pltpu.VMEM((2, 4, _CHUNK, _CP), jnp.float32),
            pltpu.VMEM((2, _CHUNK, _C), jnp.float32),
            pltpu.SemaphoreType.DMA,
            pltpu.SemaphoreType.DMA,
        ],
    )
    out = call(fm_rows, xmin, xspan, ymin, yspan)
    return out.reshape(_B, _K, _C)

# --- scband reference (transcript-rebuilt; emitter-appended) ---
"""Pipeline reference for scband-interpolation-32710470926871 (READ-ONLY COPY).

The authoritative reference and input builder live on the scoring server;
editing this copy changes nothing except your own understanding.
"""

import jax, jax.numpy as jnp
import numpy as np

P = 7
HALF_LENGTH = 16.0


def setup_inputs(seed: int = 0) -> dict:
    key = jax.random.key(seed)
    k1, k2 = jax.random.split(key)
    feature_map = jax.random.normal(k1, (4, 96, 224, 224), dtype=jnp.float32)
    anchor = jax.random.uniform(k2, (4, 512, 2), dtype=jnp.float32)
    return {"feature_map": feature_map, "anchor": anchor}


def _forward(feature_map, anchor):
    B, C, H, W = feature_map.shape
    Bs, N, _ = anchor.shape
    half_length = jnp.full((Bs, 1, 2), HALF_LENGTH / H, dtype=jnp.float32)
    bounding_min = jnp.clip(anchor - half_length, 0.0, 1.0)
    bounding_max = jnp.clip(anchor + half_length, 0.0, 1.0)
    bounding_box = jnp.concatenate([bounding_min, bounding_max], axis=2)  # [B,N,4]
    # linear interpolate (align_corners=True) from 2 -> P points
    t = jnp.arange(P, dtype=jnp.float32) / (P - 1)
    xs = bounding_box[:, :, 0:1] + (bounding_box[:, :, 2:3] - bounding_box[:, :, 0:1]) * t  # [B,N,P]
    ys = bounding_box[:, :, 1:2] + (bounding_box[:, :, 3:4] - bounding_box[:, :, 1:2]) * t  # [B,N,P]
    xs = jnp.repeat(xs[:, :, :, None], P, axis=3)  # [B,N,P,P]
    ys = jnp.repeat(ys[:, :, None, :], P, axis=2)  # [B,N,P,P]
    meshgrid = jnp.stack([xs, ys], axis=-1).reshape(Bs, N * P * P, 2)
    meshgrid = jax.lax.stop_gradient(meshgrid)  # torch detaches meshgrid
    potential_anchor = jnp.clip(meshgrid * (H - 1), 0.0, H - 1)
    anchors_lt = jnp.floor(potential_anchor).astype(jnp.int32)
    anchors_rb = jnp.ceil(potential_anchor).astype(jnp.int32)
    anchors_lb = jnp.stack([anchors_lt[:, :, 0], anchors_rb[:, :, 1]], axis=2)
    anchors_rt = jnp.stack([anchors_rb[:, :, 0], anchors_lt[:, :, 1]], axis=2)
    flat = feature_map.reshape(B, C, H * W)

    def get_index_point(idx2):
        index = idx2[:, :, 1] * H + idx2[:, :, 0]  # [B,K]
        g = jnp.take_along_axis(flat, index[:, None, :], axis=2)  # [B,C,K]
        return jnp.transpose(g, (0, 2, 1))  # [B,K,C]

    vals_lt = get_index_point(anchors_lt)
    vals_rb = get_index_point(anchors_rb)
    vals_lb = get_index_point(anchors_lb)
    vals_rt = get_index_point(anchors_rt)
    coords_offset_lt = potential_anchor - anchors_lt.astype(potential_anchor.dtype)
    vals_t = vals_lt + (vals_rt - vals_lt) * coords_offset_lt[:, :, 0:1]
    vals_b = vals_lb + (vals_rb - vals_lb) * coords_offset_lt[:, :, 0:1]
    mapped_vals = vals_t + (vals_b - vals_t) * coords_offset_lt[:, :, 1:2]
    return mapped_vals


def reference(feature_map, anchor):
    return _forward(feature_map, anchor)

if __name__ == "__main__":
    import jax
    _d = setup_inputs()
    print(jax.jit(kernel)(*tuple(_d.values())))

</pallas_src>

<mosaic_0001>
#map = affine_map<(d0, d1) -> (0, 0)>
#map1 = affine_map<(d0, d1) -> (0)>
module attributes {stable_mosaic.version = 14 : i64} {
  func.func @_sc_body(%arg0: i32, %arg1: i32, %arg2: memref<200704x128xf32, #tpu.memory_space<hbm>>, %arg3: memref<2048xf32, #tpu.memory_space<hbm>>, %arg4: memref<2048xf32, #tpu.memory_space<hbm>>, %arg5: memref<2048xf32, #tpu.memory_space<hbm>>, %arg6: memref<2048xf32, #tpu.memory_space<hbm>>, %arg7: memref<100352x96xf32, #tpu.memory_space<hbm>>, %arg8: memref<64xf32, #tpu.memory_space<vmem>>, %arg9: memref<64xf32, #tpu.memory_space<vmem>>, %arg10: memref<64xf32, #tpu.memory_space<vmem>>, %arg11: memref<64xf32, #tpu.memory_space<vmem>>, %arg12: memref<2x4x64xi32, #tpu.memory_space<vmem>>, %arg13: memref<2x80xf32, #tpu.memory_space<vmem>>, %arg14: memref<2x80xf32, #tpu.memory_space<vmem>>, %arg15: memref<2x4x64x128xf32, #tpu.memory_space<vmem>>, %arg16: memref<2x64x96xf32, #tpu.memory_space<vmem>>, %arg17: memref<!tpu.dma_semaphore, #tpu.memory_space<semaphore_mem>>, %arg18: memref<!tpu.dma_semaphore, #tpu.memory_space<semaphore_mem>>) attributes {dimension_semantics = [#tpu.dimension_semantics<core_parallel>, #tpu.dimension_semantics<subcore_parallel>], iteration_bounds = array<i64: 2, 16>, scalar_prefetch = 0 : i64, scratch_operands = 11 : i64, tpu.core_type = #tpu.core_type<sc_vector_subcore>, window_params = [{transform_indices = #map}, {transform_indices = #map1}, {transform_indices = #map1}, {transform_indices = #map1}, {transform_indices = #map1}, {transform_indices = #map}]} {
    %mul3A = arith.constant 2 : i32
    %mul3A_0 = arith.muli %arg1, %mul3A : i32
    %add3A = arith.addi %mul3A_0, %arg0 : i32
    %mul3A_1 = arith.constant 64 : i32
    %mul3A_2 = arith.muli %add3A, %mul3A_1 : i32
    "tpu.region"() ({
      %run_scoped3A_618 = tpu.sem_alloc : memref<!tpu.dma_semaphore, #tpu.memory_space<semaphore_mem>>
      %dma_start3A_619 = tpu.memref_slice %arg3[%mul3A_2] : memref<2048xf32, #tpu.memory_space<hbm>> -> memref<64xf32, #tpu.memory_space<hbm>>
      %dma_start3A_620 = tpu.memref_slice %arg3[%mul3A_2] : memref<2048xf32, #tpu.memory_space<hbm>> -> memref<64xf32, #tpu.memory_space<hbm>>
      tpu.enqueue_dma source(%dma_start3A_620 : memref<64xf32, #tpu.memory_space<hbm>>) target(%arg8 : memref<64xf32, #tpu.memory_space<vmem>>) target_semaphore(%run_scoped3A_618 : memref<!tpu.dma_semaphore, #tpu.memory_space<semaphore_mem>>)
      %dma_wait3A_621 = tpu.memref_slice %arg3[%mul3A_2] : memref<2048xf32, #tpu.memory_space<hbm>> -> memref<64xf32, #tpu.memory_space<hbm>>
      %dma_wait3A_622 = tpu.memref_slice %arg3[%mul3A_2] : memref<2048xf32, #tpu.memory_space<hbm>> -> memref<64xf32, #tpu.memory_space<hbm>>
      tpu.wait_dma2 semaphore(%run_scoped3A_618 : memref<!tpu.dma_semaphore, #tpu.memory_space<semaphore_mem>>) src(%dma_wait3A_622 : memref<64xf32, #tpu.memory_space<hbm>>) dst(%arg8 : memref<64xf32, #tpu.memory_space<vmem>>)
      tpu.yield
    }) : () -> ()
    "tpu.region"() ({
      %run_scoped3A_618 = tpu.sem_alloc : memref<!tpu.dma_semaphore, #tpu.memory_space<semaphore_mem>>
      %dma_start3A_619 = tpu.memref_slice %arg4[%mul3A_2] : memref<2048xf32, #tpu.memory_space<hbm>> -> memref<64xf32, #tpu.memory_space<hbm>>
      %dma_start3A_620 = tpu.memref_slice %arg4[%mul3A_2] : memref<2048xf32, #tpu.memory_space<hbm>> -> memref<64xf32, #tpu.memory_space<hbm>>
      tpu.enqueue_dma source(%dma_start3A_620 : memref<64xf32, #tpu.memory_space<hbm>>) target(%arg9 : memref<64xf32, #tpu.memory_space<vmem>>) target_semaphore(%run_scoped3A_618 : memref<!tpu.dma_semaphore, #tpu.memory_space<semaphore_mem>>)
      %dma_wait3A_621 = tpu.memref_slice %arg4[%mul3A_2] : memref<2048xf32, #tpu.memory_space<hbm>> -> memref<64xf32, #tpu.memory_space<hbm>>
      %dma_wait3A_622 = tpu.memref_slice %arg4[%mul3A_2] : memref<2048xf32, #tpu.memory_space<hbm>> -> memref<64xf32, #tpu.memory_space<hbm>>
      tpu.wait_dma2 semaphore(%run_scoped3A_618 : memref<!tpu.dma_semaphore, #tpu.memory_space<semaphore_mem>>) src(%dma_wait3A_622 : memref<64xf32, #tpu.memory_space<hbm>>) dst(%arg9 : memref<64xf32, #tpu.memory_space<vmem>>)
      tpu.yield
    }) : () -> ()
    "tpu.region"() ({
      %run_scoped3A_618 = tpu.sem_alloc : memref<!tpu.dma_semaphore, #tpu.memory_space<semaphore_mem>>
      %dma_start3A_619 = tpu.memref_slice %arg5[%mul3A_2] : memref<2048xf32, #tpu.memory_space<hbm>> -> memref<64xf32, #tpu.memory_space<hbm>>
      %dma_start3A_620 = tpu.memref_slice %arg5[%mul3A_2] : memref<2048xf32, #tpu.memory_space<hbm>> -> memref<64xf32, #tpu.memory_space<hbm>>
      tpu.enqueue_dma source(%dma_start3A_620 : memref<64xf32, #tpu.memory_space<hbm>>) target(%arg10 : memref<64xf32, #tpu.memory_space<vmem>>) target_semaphore(%run_scoped3A_618 : memref<!tpu.dma_semaphore, #tpu.memory_space<semaphore_mem>>)
      %dma_wait3A_621 = tpu.memref_slice %arg5[%mul3A_2] : memref<2048xf32, #tpu.memory_space<hbm>> -> memref<64xf32, #tpu.memory_space<hbm>>
      %dma_wait3A_622 = tpu.memref_slice %arg5[%mul3A_2] : memref<2048xf32, #tpu.memory_space<hbm>> -> memref<64xf32, #tpu.memory_space<hbm>>
      tpu.wait_dma2 semaphore(%run_scoped3A_618 : memref<!tpu.dma_semaphore, #tpu.memory_space<semaphore_mem>>) src(%dma_wait3A_622 : memref<64xf32, #tpu.memory_space<hbm>>) dst(%arg10 : memref<64xf32, #tpu.memory_space<vmem>>)
      tpu.yield
    }) : () -> ()
    "tpu.region"() ({
      %run_scoped3A_618 = tpu.sem_alloc : memref<!tpu.dma_semaphore, #tpu.memory_space<semaphore_mem>>
      %dma_start3A_619 = tpu.memref_slice %arg6[%mul3A_2] : memref<2048xf32, #tpu.memory_space<hbm>> -> memref<64xf32, #tpu.memory_space<hbm>>
      %dma_start3A_620 = tpu.memref_slice %arg6[%mul3A_2] : memref<2048xf32, #tpu.memory_space<hbm>> -> memref<64xf32, #tpu.memory_space<hbm>>
      tpu.enqueue_dma source(%dma_start3A_620 : memref<64xf32, #tpu.memory_space<hbm>>) target(%arg11 : memref<64xf32, #tpu.memory_space<vmem>>) target_semaphore(%run_scoped3A_618 : memref<!tpu.dma_semaphore, #tpu.memory_space<semaphore_mem>>)
      %dma_wait3A_621 = tpu.memref_slice %arg6[%mul3A_2] : memref<2048xf32, #tpu.memory_space<hbm>> -> memref<64xf32, #tpu.memory_space<hbm>>
      %dma_wait3A_622 = tpu.memref_slice %arg6[%mul3A_2] : memref<2048xf32, #tpu.memory_space<hbm>> -> memref<64xf32, #tpu.memory_space<hbm>>
      tpu.wait_dma2 semaphore(%run_scoped3A_618 : memref<!tpu.dma_semaphore, #tpu.memory_space<semaphore_mem>>) src(%dma_wait3A_622 : memref<64xf32, #tpu.memory_space<hbm>>) dst(%arg11 : memref<64xf32, #tpu.memory_space<vmem>>)
      tpu.yield
    }) : () -> ()
    %mul3A_3 = arith.constant 3136 : i32
    %mul3A_4 = arith.muli %add3A, %mul3A_3 : i32
    %add3A_5 = arith.constant 0 : i32
    %add3A_6 = arith.addi %mul3A_4, %add3A_5 : i32
    %add3A_7 = arith.constant 0 : i32
    %add3A_8 = arith.addi %add3A_6, %add3A_7 : i32
    %iota3A = tpu.iota {dimensions = array<i32: 0>} : vector<16xi32>
    %add3A_9 = vector.broadcast %add3A_8 : i32 to vector<16xi32>
    %add3A_10 = arith.addi %add3A_9, %iota3A : vector<16xi32>
    %broadcast_in_dim3A = arith.constant 49 : i32
    %broadcast_in_dim3A_11 = vector.broadcast %broadcast_in_dim3A : i32 to vector<16xi32>
    %div3A = arith.divsi %add3A_10, %broadcast_in_dim3A_11 : vector<16xi32>
    %mul3A_12 = arith.constant 49 : i32
    %mul3A_13 = vector.broadcast %mul3A_12 : i32 to vector<16xi32>
    %mul3A_14 = arith.muli %div3A, %mul3A_13 : vector<16xi32>
    %sub3A = arith.subi %add3A_10, %mul3A_14 : vector<16xi32>
    %broadcast_in_dim3A_15 = arith.constant 7 : i32
    %broadcast_in_dim3A_16 = vector.broadcast %broadcast_in_dim3A_15 : i32 to vector<16xi32>
    %div3A_17 = arith.divsi %sub3A, %broadcast_in_dim3A_16 : vector<16xi32>
    %mul3A_18 = arith.constant 7 : i32
    %mul3A_19 = vector.broadcast %mul3A_18 : i32 to vector<16xi32>
    %mul3A_20 = arith.muli %div3A_17, %mul3A_19 : vector<16xi32>
    %sub3A_21 = arith.subi %sub3A, %mul3A_20 : vector<16xi32>
    %broadcast_in_dim3A_22 = arith.constant 512 : i32
    %broadcast_in_dim3A_23 = vector.broadcast %broadcast_in_dim3A_22 : i32 to vector<16xi32>
    %div3A_24 = arith.divsi %div3A, %broadcast_in_dim3A_23 : vector<16xi32>
    %mul3A_25 = arith.constant 64 : i32
    %mul3A_26 = arith.muli %add3A, %mul3A_25 : i32
    %sub3A_27 = vector.broadcast %mul3A_26 : i32 to vector<16xi32>
    %sub3A_28 = arith.subi %div3A, %sub3A_27 : vector<16xi32>
    %gather3A = tpu.vector_load_idx %arg8[%sub3A_28] : memref<64xf32, #tpu.memory_space<vmem>>[vector<16xi32>], vector<16xf32>,
    %gather3A_29 = tpu.vector_load_idx %arg9[%sub3A_28] : memref<64xf32, #tpu.memory_space<vmem>>[vector<16xi32>], vector<16xf32>,
    %gather3A_30 = tpu.vector_load_idx %arg10[%sub3A_28] : memref<64xf32, #tpu.memory_space<vmem>>[vector<16xi32>], vector<16xf32>,
    %gather3A_31 = tpu.vector_load_idx %arg11[%sub3A_28] : memref<64xf32, #tpu.memory_space<vmem>>[vector<16xi32>], vector<16xf32>,
    %convert_element_type3A = arith.sitofp %div3A_17 : vector<16xi32> to vector<16xf32>
    %mul3A_32 = arith.constant 0.166666672 : f32
    %mul3A_33 = vector.broadcast %mul3A_32 : f32 to vector<16xf32>
    %mul3A_34 = arith.mulf %convert_element_type3A, %mul3A_33 : vector<16xf32>
    %convert_element_type3A_35 = arith.sitofp %sub3A_21 : vector<16xi32> to vector<16xf32>
    %mul3A_36 = arith.constant 0.166666672 : f32
    %mul3A_37 = vector.broadcast %mul3A_36 : f32 to vector<16xf32>
    %mul3A_38 = arith.mulf %convert_element_type3A_35, %mul3A_37 : vector<16xf32>
    %mul3A_39 = arith.mulf %gather3A_29, %mul3A_34 : vector<16xf32>
    %add3A_40 = arith.addf %gather3A, %mul3A_39 : vector<16xf32>
    %mul3A_41 = arith.constant 2.230000e+02 : f32
    %mul3A_42 = vector.broadcast %mul3A_41 : f32 to vector<16xf32>
    %mul3A_43 = arith.mulf %add3A_40, %mul3A_42 : vector<16xf32>
    %jit3A = arith.constant 0.000000e+00 : f32
    %jit3A_44 = arith.constant 2.230000e+02 : f32
    %max3A = vector.broadcast %jit3A : f32 to vector<16xf32>
    %max3A_45 = arith.maximumf %max3A, %mul3A_43 : vector<16xf32>
    %min3A = vector.broadcast %jit3A_44 : f32 to vector<16xf32>
    %min3A_46 = arith.minimumf %min3A, %max3A_45 : vector<16xf32>
    %mul3A_47 = arith.mulf %gather3A_31, %mul3A_38 : vector<16xf32>
    %add3A_48 = arith.addf %gather3A_30, %mul3A_47 : vector<16xf32>
    %mul3A_49 = arith.constant 2.230000e+02 : f32
    %mul3A_50 = vector.broadcast %mul3A_49 : f32 to vector<16xf32>
    %mul3A_51 = arith.mulf %add3A_48, %mul3A_50 : vector<16xf32>
    %jit3A_52 = arith.constant 0.000000e+00 : f32
    %jit3A_53 = arith.constant 2.230000e+02 : f32
    %max3A_54 = vector.broadcast %jit3A_52 : f32 to vector<16xf32>
    %max3A_55 = arith.maximumf %max3A_54, %mul3A_51 : vector<16xf32>
    %min3A_56 = vector.broadcast %jit3A_53 : f32 to vector<16xf32>
    %min3A_57 = arith.minimumf %min3A_56, %max3A_55 : vector<16xf32>
    %convert_element_type3A_58 = arith.fptosi %min3A_46 : vector<16xf32> to vector<16xi32>
    %min3A_59 = arith.constant 222 : i32
    %min3A_60 = vector.broadcast %min3A_59 : i32 to vector<16xi32>
    %min3A_61 = arith.minsi %convert_element_type3A_58, %min3A_60 : vector<16xi32>
    %convert_element_type3A_62 = arith.fptosi %min3A_57 : vector<16xf32> to vector<16xi32>
    %min3A_63 = arith.constant 222 : i32
    %min3A_64 = vector.broadcast %min3A_63 : i32 to vector<16xi32>
    %min3A_65 = arith.minsi %convert_element_type3A_62, %min3A_64 : vector<16xi32>
    %convert_element_type3A_66 = arith.sitofp %min3A_61 : vector<16xi32> to vector<16xf32>
    %sub3A_67 = arith.subf %min3A_46, %convert_element_type3A_66 : vector<16xf32>
    %convert_element_type3A_68 = arith.sitofp %min3A_65 : vector<16xi32> to vector<16xf32>
    %sub3A_69 = arith.subf %min3A_57, %convert_element_type3A_68 : vector<16xf32>
    %mul3A_70 = arith.constant 50176 : i32
    %mul3A_71 = vector.broadcast %mul3A_70 : i32 to vector<16xi32>
    %mul3A_72 = arith.muli %div3A_24, %mul3A_71 : vector<16xi32>
    %mul3A_73 = arith.constant 224 : i32
    %mul3A_74 = vector.broadcast %mul3A_73 : i32 to vector<16xi32>
    %mul3A_75 = arith.muli %min3A_65, %mul3A_74 : vector<16xi32>
    %add3A_76 = arith.addi %mul3A_72, %mul3A_75 : vector<16xi32>
    %add3A_77 = arith.addi %add3A_76, %min3A_61 : vector<16xi32>
    %swap3A = arith.constant 0 : i32
    %swap3A_78 = arith.constant 0 : i32
    %swap3A_79 = arith.index_cast %swap3A : i32 to index
    %swap3A_80 = arith.index_cast %swap3A_78 : i32 to index
    %swap3A_81 = arith.constant 0 : index
    %swap3A_82 = tpu.vector_load %arg12[%swap3A_79, %swap3A_80, %swap3A_81] {strides = array<i32>} : memref<2x4x64xi32, #tpu.memory_space<vmem>>, vector<16xi32>,
    tpu.vector_store %arg12[%swap3A_79, %swap3A_80, %swap3A_81], %add3A_77 {strides = array<i32>} : memref<2x4x64xi32, #tpu.memory_space<vmem>>, vector<16xi32>,
    %add3A_83 = arith.constant 1 : i32
    %add3A_84 = vector.broadcast %add3A_83 : i32 to vector<16xi32>
    %add3A_85 = arith.addi %add3A_77, %add3A_84 : vector<16xi32>
    %swap3A_86 = arith.constant 0 : i32
    %swap3A_87 = arith.constant 1 : i32
    %swap3A_88 = arith.index_cast %swap3A_86 : i32 to index
    %swap3A_89 = arith.index_cast %swap3A_87 : i32 to index
    %swap3A_90 = arith.constant 0 : index
    %swap3A_91 = tpu.vector_load %arg12[%swap3A_88, %swap3A_89, %swap3A_90] {strides = array<i32>} : memref<2x4x64xi32, #tpu.memory_space<vmem>>, vector<16xi32>,
    tpu.vector_store %arg12[%swap3A_88, %swap3A_89, %swap3A_90], %add3A_85 {strides = array<i32>} : memref<2x4x64xi32, #tpu.memory_space<vmem>>, vector<16xi32>,
    %add3A_92 = arith.constant 224 : i32
    %add3A_93 = vector.broadcast %add3A_92 : i32 to vector<16xi32>
    %add3A_94 = arith.addi %add3A_77, %add3A_93 : vector<16xi32>
    %swap3A_95 = arith.constant 0 : i32
    %swap3A_96 = arith.constant 2 : i32
    %swap3A_97 = arith.index_cast %swap3A_95 : i32 to index
    %swap3A_98 = arith.index_cast %swap3A_96 : i32 to index
    %swap3A_99 = arith.constant 0 : index
    %swap3A_100 = tpu.vector_load %arg12[%swap3A_97, %swap3A_98, %swap3A_99] {strides = array<i32>} : memref<2x4x64xi32, #tpu.memory_space<vmem>>, vector<16xi32>,
    tpu.vector_store %arg12[%swap3A_97, %swap3A_98, %swap3A_99], %add3A_94 {strides = array<i32>} : memref<2x4x64xi32, #tpu.memory_space<vmem>>, vector<16xi32>,
    %add3A_101 = arith.constant 224 : i32
    %add3A_102 = vector.broadcast %add3A_101 : i32 to vector<16xi32>
    %add3A_103 = arith.addi %add3A_77, %add3A_102 : vector<16xi32>
    %add3A_104 = arith.constant 1 : i32
    %add3A_105 = vector.broadcast %add3A_104 : i32 to vector<16xi32>
    %add3A_106 = arith.addi %add3A_103, %add3A_105 : vector<16xi32>
    %swap3A_107 = arith.constant 0 : i32
    %swap3A_108 = arith.constant 3 : i32
    %swap3A_109 = arith.index_cast %swap3A_107 : i32 to index
    %swap3A_110 = arith.index_cast %swap3A_108 : i32 to index
    %swap3A_111 = arith.constant 0 : index
    %swap3A_112 = tpu.vector_load %arg12[%swap3A_109, %swap3A_110, %swap3A_111] {strides = array<i32>} : memref<2x4x64xi32, #tpu.memory_space<vmem>>, vector<16xi32>,
    tpu.vector_store %arg12[%swap3A_109, %swap3A_110, %swap3A_111], %add3A_106 {strides = array<i32>} : memref<2x4x64xi32, #tpu.memory_space<vmem>>, vector<16xi32>,
    %swap3A_113 = arith.constant 0 : i32
    %swap3A_114 = arith.index_cast %swap3A_113 : i32 to index
    %swap3A_115 = arith.constant 0 : index
    %swap3A_116 = tpu.vector_load %arg13[%swap3A_114, %swap3A_115] {strides = array<i32>} : memref<2x80xf32, #tpu.memory_space<vmem>>, vector<16xf32>,
    tpu.vector_store %arg13[%swap3A_114, %swap3A_115], %sub3A_67 {strides = array<i32>} : memref<2x80xf32, #tpu.memory_space<vmem>>, vector<16xf32>,
    %swap3A_117 = arith.constant 0 : i32
    %swap3A_118 = arith.index_cast %swap3A_117 : i32 to index
    %swap3A_119 = arith.constant 0 : index
    %swap3A_120 = tpu.vector_load %arg14[%swap3A_118, %swap3A_119] {strides = array<i32>} : memref<2x80xf32, #tpu.memory_space<vmem>>, vector<16xf32>,
    tpu.vector_store %arg14[%swap3A_118, %swap3A_119], %sub3A_69 {strides = array<i32>} : memref<2x80xf32, #tpu.memory_space<vmem>>, vector<16xf32>,
    %add3A_121 = arith.constant 16 : i32
    %add3A_122 = arith.addi %add3A_6, %add3A_121 : i32
    %iota3A_123 = tpu.iota {dimensions = array<i32: 0>} : vector<16xi32>
    %add3A_124 = vector.broadcast %add3A_122 : i32 to vector<16xi32>
    %add3A_125 = arith.addi %add3A_124, %iota3A_123 : vector<16xi32>
    %broadcast_in_dim3A_126 = arith.constant 49 : i32
    %broadcast_in_dim3A_127 = vector.broadcast %broadcast_in_dim3A_126 : i32 to vector<16xi32>
    %div3A_128 = arith.divsi %add3A_125, %broadcast_in_dim3A_127 : vector<16xi32>
    %mul3A_129 = arith.constant 49 : i32
    %mul3A_130 = vector.broadcast %mul3A_129 : i32 to vector<16xi32>
    %mul3A_131 = arith.muli %div3A_128, %mul3A_130 : vector<16xi32>
    %sub3A_132 = arith.subi %add3A_125, %mul3A_131 : vector<16xi32>
    %broadcast_in_dim3A_133 = arith.constant 7 : i32
    %broadcast_in_dim3A_134 = vector.broadcast %broadcast_in_dim3A_133 : i32 to vector<16xi32>
    %div3A_135 = arith.divsi %sub3A_132, %broadcast_in_dim3A_134 : vector<16xi32>
    %mul3A_136 = arith.constant 7 : i32
    %mul3A_137 = vector.broadcast %mul3A_136 : i32 to vector<16xi32>
    %mul3A_138 = arith.muli %div3A_135, %mul3A_137 : vector<16xi32>
    %sub3A_139 = arith.subi %sub3A_132, %mul3A_138 : vector<16xi32>
    %broadcast_in_dim3A_140 = arith.constant 512 : i32
    %broadcast_in_dim3A_141 = vector.broadcast %broadcast_in_dim3A_140 : i32 to vector<16xi32>
    %div3A_142 = arith.divsi %div3A_128, %broadcast_in_dim3A_141 : vector<16xi32>
    %mul3A_143 = arith.constant 64 : i32
    %mul3A_144 = arith.muli %add3A, %mul3A_143 : i32
    %sub3A_145 = vector.broadcast %mul3A_144 : i32 to vector<16xi32>
    %sub3A_146 = arith.subi %div3A_128, %sub3A_145 : vector<16xi32>
    %gather3A_147 = tpu.vector_load_idx %arg8[%sub3A_146] : memref<64xf32, #tpu.memory_space<vmem>>[vector<16xi32>], vector<16xf32>,
    %gather3A_148 = tpu.vector_load_idx %arg9[%sub3A_146] : memref<64xf32, #tpu.memory_space<vmem>>[vector<16xi32>], vector<16xf32>,
    %gather3A_149 = tpu.vector_load_idx %arg10[%sub3A_146] : memref<64xf32, #tpu.memory_space<vmem>>[vector<16xi32>], vector<16xf32>,
    %gather3A_150 = tpu.vector_load_idx %arg11[%sub3A_146] : memref<64xf32, #tpu.memory_space<vmem>>[vector<16xi32>], vector<16xf32>,
    %convert_element_type3A_151 = arith.sitofp %div3A_135 : vector<16xi32> to vector<16xf32>
    %mul3A_152 = arith.constant 0.166666672 : f32
    %mul3A_153 = vector.broadcast %mul3A_152 : f32 to vector<16xf32>
    %mul3A_154 = arith.mulf %convert_element_type3A_151, %mul3A_153 : vector<16xf32>
    %convert_element_type3A_155 = arith.sitofp %sub3A_139 : vector<16xi32> to vector<16xf32>
    %mul3A_156 = arith.constant 0.166666672 : f32
    %mul3A_157 = vector.broadcast %mul3A_156 : f32 to vector<16xf32>
    %mul3A_158 = arith.mulf %convert_element_type3A_155, %mul3A_157 : vector<16xf32>
    %mul3A_159 = arith.mulf %gather3A_148, %mul3A_154 : vector<16xf32>
    %add3A_160 = arith.addf %gather3A_147, %mul3A_159 : vector<16xf32>
    %mul3A_161 = arith.constant 2.230000e+02 : f32
    %mul3A_162 = vector.broadcast %mul3A_161 : f32 to vector<16xf32>
    %mul3A_163 = arith.mulf %add3A_160, %mul3A_162 : vector<16xf32>
    %jit3A_164 = arith.constant 0.000000e+00 : f32
    %jit3A_165 = arith.constant 2.230000e+02 : f32
    %max3A_166 = vector.broadcast %jit3A_164 : f32 to vector<16xf32>
    %max3A_167 = arith.maximumf %max3A_166, %mul3A_163 : vector<16xf32>
    %min3A_168 = vector.broadcast %jit3A_165 : f32 to vector<16xf32>
    %min3A_169 = arith.minimumf %min3A_168, %max3A_167 : vector<16xf32>
    %mul3A_170 = arith.mulf %gather3A_150, %mul3A_158 : vector<16xf32>
    %add3A_171 = arith.addf %gather3A_149, %mul3A_170 : vector<16xf32>
    %mul3A_172 = arith.constant 2.230000e+02 : f32
    %mul3A_173 = vector.broadcast %mul3A_172 : f32 to vector<16xf32>
    %mul3A_174 = arith.mulf %add3A_171, %mul3A_173 : vector<16xf32>
    %jit3A_175 = arith.constant 0.000000e+00 : f32
    %jit3A_176 = arith.constant 2.230000e+02 : f32
    %max3A_177 = vector.broadcast %jit3A_175 : f32 to vector<16xf32>
    %max3A_178 = arith.maximumf %max3A_177, %mul3A_174 : vector<16xf32>
    %min3A_179 = vector.broadcast %jit3A_176 : f32 to vector<16xf32>
    %min3A_180 = arith.minimumf %min3A_179, %max3A_178 : vector<16xf32>
    %convert_element_type3A_181 = arith.fptosi %min3A_169 : vector<16xf32> to vector<16xi32>
    %min3A_182 = arith.constant 222 : i32
    %min3A_183 = vector.broadcast %min3A_182 : i32 to vector<16xi32>
    %min3A_184 = arith.minsi %convert_element_type3A_181, %min3A_183 : vector<16xi32>
    %convert_element_type3A_185 = arith.fptosi %min3A_180 : vector<16xf32> to vector<16xi32>
    %min3A_186 = arith.constant 222 : i32
    %min3A_187 = vector.broadcast %min3A_186 : i32 to vector<16xi32>
    %min3A_188 = arith.minsi %convert_element_type3A_185, %min3A_187 : vector<16xi32>
    %convert_element_type3A_189 = arith.sitofp %min3A_184 : vector<16xi32> to vector<16xf32>
    %sub3A_190 = arith.subf %min3A_169, %convert_element_type3A_189 : vector<16xf32>
    %convert_element_type3A_191 = arith.sitofp %min3A_188 : vector<16xi32> to vector<16xf32>
    %sub3A_192 = arith.subf %min3A_180, %convert_element_type3A_191 : vector<16xf32>
    %mul3A_193 = arith.constant 50176 : i32
    %mul3A_194 = vector.broadcast %mul3A_193 : i32 to vector<16xi32>
    %mul3A_195 = arith.muli %div3A_142, %mul3A_194 : vector<16xi32>
    %mul3A_196 = arith.constant 224 : i32
    %mul3A_197 = vector.broadcast %mul3A_196 : i32 to vector<16xi32>
    %mul3A_198 = arith.muli %min3A_188, %mul3A_197 : vector<16xi32>
    %add3A_199 = arith.addi %mul3A_195, %mul3A_198 : vector<16xi32>
    %add3A_200 = arith.addi %add3A_199, %min3A_184 : vector<16xi32>
    %swap3A_201 = arith.constant 0 : i32
    %swap3A_202 = arith.constant 0 : i32
    %swap3A_203 = arith.index_cast %swap3A_201 : i32 to index
    %swap3A_204 = arith.index_cast %swap3A_202 : i32 to index
    %swap3A_205 = arith.constant 16 : index
    %swap3A_206 = tpu.vector_load %arg12[%swap3A_203, %swap3A_204, %swap3A_205] {strides = array<i32>} : memref<2x4x64xi32, #tpu.memory_space<vmem>>, vector<16xi32>,
    tpu.vector_store %arg12[%swap3A_203, %swap3A_204, %swap3A_205], %add3A_200 {strides = array<i32>} : memref<2x4x64xi32, #tpu.memory_space<vmem>>, vector<16xi32>,
    %add3A_207 = arith.constant 1 : i32
    %add3A_208 = vector.broadcast %add3A_207 : i32 to vector<16xi32>
    %add3A_209 = arith.addi %add3A_200, %add3A_208 : vector<16xi32>
    %swap3A_210 = arith.constant 0 : i32
    %swap3A_211 = arith.constant 1 : i32
    %swap3A_212 = arith.index_cast %swap3A_210 : i32 to index
    %swap3A_213 = arith.index_cast %swap3A_211 : i32 to index
    %swap3A_214 = arith.constant 16 : index
    %swap3A_215 = tpu.vector_load %arg12[%swap3A_212, %swap3A_213, %swap3A_214] {strides = array<i32>} : memref<2x4x64xi32, #tpu.memory_space<vmem>>, vector<16xi32>,
    tpu.vector_store %arg12[%swap3A_212, %swap3A_213, %swap3A_214], %add3A_209 {strides = array<i32>} : memref<2x4x64xi32, #tpu.memory_space<vmem>>, vector<16xi32>,
    %add3A_216 = arith.constant 224 : i32
    %add3A_217 = vector.broadcast %add3A_216 : i32 to vector<16xi32>
    %add3A_218 = arith.addi %add3A_200, %add3A_217 : vector<16xi32>
    %swap3A_219 = arith.constant 0 : i32
    %swap3A_220 = arith.constant 2 : i32
    %swap3A_221 = arith.index_cast %swap3A_219 : i32 to index
    %swap3A_222 = arith.index_cast %swap3A_220 : i32 to index
    %swap3A_223 = arith.constant 16 : index
    %swap3A_224 = tpu.vector_load %arg12[%swap3A_221, %swap3A_222, %swap3A_223] {strides = array<i32>} : memref<2x4x64xi32, #tpu.memory_space<vmem>>, vector<16xi32>,
    tpu.vector_store %arg12[%swap3A_221, %swap3A_222, %swap3A_223], %add3A_218 {strides = array<i32>} : memref<2x4x64xi32, #tpu.memory_space<vmem>>, vector<16xi32>,
    %add3A_225 = arith.constant 224 : i32
    %add3A_226 = vector.broadcast %add3A_225 : i32 to vector<16xi32>
    %add3A_227 = arith.addi %add3A_200, %add3A_226 : vector<16xi32>
    %add3A_228 = arith.constant 1 : i32
    %add3A_229 = vector.broadcast %add3A_228 : i32 to vector<16xi32>
    %add3A_230 = arith.addi %add3A_227, %add3A_229 : vector<16xi32>
    %swap3A_231 = arith.constant 0 : i32
    %swap3A_232 = arith.constant 3 : i32
    %swap3A_233 = arith.index_cast %swap3A_231 : i32 to index
    %swap3A_234 = arith.index_cast %swap3A_232 : i32 to index
    %swap3A_235 = arith.constant 16 : index
    %swap3A_236 = tpu.vector_load %arg12[%swap3A_233, %swap3A_234, %swap3A_235] {strides = array<i32>} : memref<2x4x64xi32, #tpu.memory_space<vmem>>, vector<16xi32>,
    tpu.vector_store %arg12[%swap3A_233, %swap3A_234, %swap3A_235], %add3A_230 {strides = array<i32>} : memref<2x4x64xi32, #tpu.memory_space<vmem>>, vector<16xi32>,
    %swap3A_237 = arith.constant 0 : i32
    %swap3A_238 = arith.index_cast %swap3A_237 : i32 to index
    %swap3A_239 = arith.constant 16 : index
    %swap3A_240 = tpu.vector_load %arg13[%swap3A_238, %swap3A_239] {strides = array<i32>} : memref<2x80xf32, #tpu.memory_space<vmem>>, vector<16xf32>,
    tpu.vector_store %arg13[%swap3A_238, %swap3A_239], %sub3A_190 {strides = array<i32>} : memref<2x80xf32, #tpu.memory_space<vmem>>, vector<16xf32>,
    %swap3A_241 = arith.constant 0 : i32
    %swap3A_242 = arith.index_cast %swap3A_241 : i32 to index
    %swap3A_243 = arith.constant 16 : index
    %swap3A_244 = tpu.vector_load %arg14[%swap3A_242, %swap3A_243] {strides = array<i32>} : memref<2x80xf32, #tpu.memory_space<vmem>>, vector<16xf32>,
    tpu.vector_store %arg14[%swap3A_242, %swap3A_243], %sub3A_192 {strides = array<i32>} : memref<2x80xf32, #tpu.memory_space<vmem>>, vector<16xf32>,
    %add3A_245 = arith.constant 32 : i32
    %add3A_246 = arith.addi %add3A_6, %add3A_245 : i32
    %iota3A_247 = tpu.iota {dimensions = array<i32: 0>} : vector<16xi32>
    %add3A_248 = vector.broadcast %add3A_246 : i32 to vector<16xi32>
    %add3A_249 = arith.addi %add3A_248, %iota3A_247 : vector<16xi32>
    %broadcast_in_dim3A_250 = arith.constant 49 : i32
    %broadcast_in_dim3A_251 = vector.broadcast %broadcast_in_dim3A_250 : i32 to vector<16xi32>
    %div3A_252 = arith.divsi %add3A_249, %broadcast_in_dim3A_251 : vector<16xi32>
    %mul3A_253 = arith.constant 49 : i32
    %mul3A_254 = vector.broadcast %mul3A_253 : i32 to vector<16xi32>
    %mul3A_255 = arith.muli %div3A_252, %mul3A_254 : vector<16xi32>
    %sub3A_256 = arith.subi %add3A_249, %mul3A_255 : vector<16xi32>
    %broadcast_in_dim3A_257 = arith.constant 7 : i32
    %broadcast_in_dim3A_258 = vector.broadcast %broadcast_in_dim3A_257 : i32 to vector<16xi32>
    %div3A_259 = arith.divsi %sub3A_256, %broadcast_in_dim3A_258 : vector<16xi32>
    %mul3A_260 = arith.constant 7 : i32
    %mul3A_261 = vector.broadcast %mul3A_260 : i32 to vector<16xi32>
    %mul3A_262 = arith.muli %div3A_259, %mul3A_261 : vector<16xi32>
    %sub3A_263 = arith.subi %sub3A_256, %mul3A_262 : vector<16xi32>
    %broadcast_in_dim3A_264 = arith.constant 512 : i32
    %broadcast_in_dim3A_265 = vector.broadcast %broadcast_in_dim3A_264 : i32 to vector<16xi32>
    %div3A_266 = arith.divsi %div3A_252, %broadcast_in_dim3A_265 : vector<16xi32>
    %mul3A_267 = arith.constant 64 : i32
    %mul3A_268 = arith.muli %add3A, %mul3A_267 : i32
    %sub3A_269 = vector.broadcast %mul3A_268 : i32 to vector<16xi32>
    %sub3A_270 = arith.subi %div3A_252, %sub3A_269 : vector<16xi32>
    %gather3A_271 = tpu.vector_load_idx %arg8[%sub3A_270] : memref<64xf32, #tpu.memory_space<vmem>>[vector<16xi32>], vector<16xf32>,
    %gather3A_272 = tpu.vector_load_idx %arg9[%sub3A_270] : memref<64xf32, #tpu.memory_space<vmem>>[vector<16xi32>], vector<16xf32>,
    %gather3A_273 = tpu.vector_load_idx %arg10[%sub3A_270] : memref<64xf32, #tpu.memory_space<vmem>>[vector<16xi32>], vector<16xf32>,
    %gather3A_274 = tpu.vector_load_idx %arg11[%sub3A_270] : memref<64xf32, #tpu.memory_space<vmem>>[vector<16xi32>], vector<16xf32>,
    %convert_element_type3A_275 = arith.sitofp %div3A_259 : vector<16xi32> to vector<16xf32>
    %mul3A_276 = arith.constant 0.166666672 : f32
    %mul3A_277 = vector.broadcast %mul3A_276 : f32 to vector<16xf32>
    %mul3A_278 = arith.mulf %convert_element_type3A_275, %mul3A_277 : vector<16xf32>
    %convert_element_type3A_279 = arith.sitofp %sub3A_263 : vector<16xi32> to vector<16xf32>
    %mul3A_280 = arith.constant 0.166666672 : f32
    %mul3A_281 = vector.broadcast %mul3A_280 : f32 to vector<16xf32>
    %mul3A_282 = arith.mulf %convert_element_type3A_279, %mul3A_281 : vector<16xf32>
    %mul3A_283 = arith.mulf %gather3A_272, %mul3A_278 : vector<16xf32>
    %add3A_284 = arith.addf %gather3A_271, %mul3A_283 : vector<16xf32>
    %mul3A_285 = arith.constant 2.230000e+02 : f32
    %mul3A_286 = vector.broadcast %mul3A_285 : f32 to vector<16xf32>
    %mul3A_287 = arith.mulf %add3A_284, %mul3A_286 : vector<16xf32>
    %jit3A_288 = arith.constant 0.000000e+00 : f32
    %jit3A_289 = arith.constant 2.230000e+02 : f32
    %max3A_290 = vector.broadcast %jit3A_288 : f32 to vector<16xf32>
    %max3A_291 = arith.maximumf %max3A_290, %mul3A_287 : vector<16xf32>
    %min3A_292 = vector.broadcast %jit3A_289 : f32 to vector<16xf32>
    %min3A_293 = arith.minimumf %min3A_292, %max3A_291 : vector<16xf32>
    %mul3A_294 = arith.mulf %gather3A_274, %mul3A_282 : vector<16xf32>
    %add3A_295 = arith.addf %gather3A_273, %mul3A_294 : vector<16xf32>
    %mul3A_296 = arith.constant 2.230000e+02 : f32
    %mul3A_297 = vector.broadcast %mul3A_296 : f32 to vector<16xf32>
    %mul3A_298 = arith.mulf %add3A_295, %mul3A_297 : vector<16xf32>
    %jit3A_299 = arith.constant 0.000000e+00 : f32
    %jit3A_300 = arith.constant 2.230000e+02 : f32
    %max3A_301 = vector.broadcast %jit3A_299 : f32 to vector<16xf32>
    %max3A_302 = arith.maximumf %max3A_301, %mul3A_298 : vector<16xf32>
    %min3A_303 = vector.broadcast %jit3A_300 : f32 to vector<16xf32>
    %min3A_304 = arith.minimumf %min3A_303, %max3A_302 : vector<16xf32>
    %convert_element_type3A_305 = arith.fptosi %min3A_293 : vector<16xf32> to vector<16xi32>
    %min3A_306 = arith.constant 222 : i32
    %min3A_307 = vector.broadcast %min3A_306 : i32 to vector<16xi32>
    %min3A_308 = arith.minsi %convert_element_type3A_305, %min3A_307 : vector<16xi32>
    %convert_element_type3A_309 = arith.fptosi %min3A_304 : vector<16xf32> to vector<16xi32>
    %min3A_310 = arith.constant 222 : i32
    %min3A_311 = vector.broadcast %min3A_310 : i32 to vector<16xi32>
    %min3A_312 = arith.minsi %convert_element_type3A_309, %min3A_311 : vector<16xi32>
    %convert_element_type3A_313 = arith.sitofp %min3A_308 : vector<16xi32> to vector<16xf32>
    %sub3A_314 = arith.subf %min3A_293, %convert_element_type3A_313 : vector<16xf32>
    %convert_element_type3A_315 = arith.sitofp %min3A_312 : vector<16xi32> to vector<16xf32>
    %sub3A_316 = arith.subf %min3A_304, %convert_element_type3A_315 : vector<16xf32>
    %mul3A_317 = arith.constant 50176 : i32
    %mul3A_318 = vector.broadcast %mul3A_317 : i32 to vector<16xi32>
    %mul3A_319 = arith.muli %div3A_266, %mul3A_318 : vector<16xi32>
    %mul3A_320 = arith.constant 224 : i32
    %mul3A_321 = vector.broadcast %mul3A_320 : i32 to vector<16xi32>
    %mul3A_322 = arith.muli %min3A_312, %mul3A_321 : vector<16xi32>
    %add3A_323 = arith.addi %mul3A_319, %mul3A_322 : vector<16xi32>
    %add3A_324 = arith.addi %add3A_323, %min3A_308 : vector<16xi32>
    %swap3A_325 = arith.constant 0 : i32
    %swap3A_326 = arith.constant 0 : i32
    %swap3A_327 = arith.index_cast %swap3A_325 : i32 to index
    %swap3A_328 = arith.index_cast %swap3A_326 : i32 to index
    %swap3A_329 = arith.constant 32 : index
    %swap3A_330 = tpu.vector_load %arg12[%swap3A_327, %swap3A_328, %swap3A_329] {strides = array<i32>} : memref<2x4x64xi32, #tpu.memory_space<vmem>>, vector<16xi32>,
    tpu.vector_store %arg12[%swap3A_327, %swap3A_328, %swap3A_329], %add3A_324 {strides = array<i32>} : memref<2x4x64xi32, #tpu.memory_space<vmem>>, vector<16xi32>,
    %add3A_331 = arith.constant 1 : i32
    %add3A_332 = vector.broadcast %add3A_331 : i32 to vector<16xi32>
    %add3A_333 = arith.addi %add3A_324, %add3A_332 : vector<16xi32>
    %swap3A_334 = arith.constant 0 : i32
    %swap3A_335 = arith.constant 1 : i32
    %swap3A_336 = arith.index_cast %swap3A_334 : i32 to index
    %swap3A_337 = arith.index_cast %swap3A_335 : i32 to index
    %swap3A_338 = arith.constant 32 : index
    %swap3A_339 = tpu.vector_load %arg12[%swap3A_336, %swap3A_337, %swap3A_338] {strides = array<i32>} : memref<2x4x64xi32, #tpu.memory_space<vmem>>, vector<16xi32>,
    tpu.vector_store %arg12[%swap3A_336, %swap3A_337, %swap3A_338], %add3A_333 {strides = array<i32>} : memref<2x4x64xi32, #tpu.memory_space<vmem>>, vector<16xi32>,
    %add3A_340 = arith.constant 224 : i32
    %add3A_341 = vector.broadcast %add3A_340 : i32 to vector<16xi32>
    %add3A_342 = arith.addi %add3A_324, %add3A_341 : vector<16xi32>
    %swap3A_343 = arith.constant 0 : i32
    %swap3A_344 = arith.constant 2 : i32
    %swap3A_345 = arith.index_cast %swap3A_343 : i32 to index
    %swap3A_346 = arith.index_cast %swap3A_344 : i32 to index
    %swap3A_347 = arith.constant 32 : index
    %swap3A_348 = tpu.vector_load %arg12[%swap3A_345, %swap3A_346, %swap3A_347] {strides = array<i32>} : memref<2x4x64xi32, #tpu.memory_space<vmem>>, vector<16xi32>,
    tpu.vector_store %arg12[%swap3A_345, %swap3A_346, %swap3A_347], %add3A_342 {strides = array<i32>} : memref<2x4x64xi32, #tpu.memory_space<vmem>>, vector<16xi32>,
    %add3A_349 = arith.constant 224 : i32
    %add3A_350 = vector.broadcast %add3A_349 : i32 to vector<16xi32>
    %add3A_351 = arith.addi %add3A_324, %add3A_350 : vector<16xi32>
    %add3A_352 = arith.constant 1 : i32
    %add3A_353 = vector.broadcast %add3A_352 : i32 to vector<16xi32>
    %add3A_354 = arith.addi %add3A_351, %add3A_353 : vector<16xi32>
    %swap3A_355 = arith.constant 0 : i32
    %swap3A_356 = arith.constant 3 : i32
    %swap3A_357 = arith.index_cast %swap3A_355 : i32 to index
    %swap3A_358 = arith.index_cast %swap3A_356 : i32 to index
    %swap3A_359 = arith.constant 32 : index
    %swap3A_360 = tpu.vector_load %arg12[%swap3A_357, %swap3A_358, %swap3A_359] {strides = array<i32>} : memref<2x4x64xi32, #tpu.memory_space<vmem>>, vector<16xi32>,
    tpu.vector_store %arg12[%swap3A_357, %swap3A_358, %swap3A_359], %add3A_354 {strides = array<i32>} : memref<2x4x64xi32, #tpu.memory_space<vmem>>, vector<16xi32>,
    %swap3A_361 = arith.constant 0 : i32
    %swap3A_362 = arith.index_cast %swap3A_361 : i32 to index
    %swap3A_363 = arith.constant 32 : index
    %swap3A_364 = tpu.vector_load %arg13[%swap3A_362, %swap3A_363] {strides = array<i32>} : memref<2x80xf32, #tpu.memory_space<vmem>>, vector<16xf32>,
    tpu.vector_store %arg13[%swap3A_362, %swap3A_363], %sub3A_314 {strides = array<i32>} : memref<2x80xf32, #tpu.memory_space<vmem>>, vector<16xf32>,
    %swap3A_365 = arith.constant 0 : i32
    %swap3A_366 = arith.index_cast %swap3A_365 : i32 to index
    %swap3A_367 = arith.constant 32 : index
    %swap3A_368 = tpu.vector_load %arg14[%swap3A_366, %swap3A_367] {strides = array<i32>} : memref<2x80xf32, #tpu.memory_space<vmem>>, vector<16xf32>,
    tpu.vector_store %arg14[%swap3A_366, %swap3A_367], %sub3A_316 {strides = array<i32>} : memref<2x80xf32, #tpu.memory_space<vmem>>, vector<16xf32>,
    %add3A_369 = arith.constant 48 : i32
    %add3A_370 = arith.addi %add3A_6, %add3A_369 : i32
    %iota3A_371 = tpu.iota {dimensions = array<i32: 0>} : vector<16xi32>
    %add3A_372 = vector.broadcast %add3A_370 : i32 to vector<16xi32>
    %add3A_373 = arith.addi %add3A_372, %iota3A_371 : vector<16xi32>
    %broadcast_in_dim3A_374 = arith.constant 49 : i32
    %broadcast_in_dim3A_375 = vector.broadcast %broadcast_in_dim3A_374 : i32 to vector<16xi32>
    %div3A_376 = arith.divsi %add3A_373, %broadcast_in_dim3A_375 : vector<16xi32>
    %mul3A_377 = arith.constant 49 : i32
    %mul3A_378 = vector.broadcast %mul3A_377 : i32 to vector<16xi32>
    %mul3A_379 = arith.muli %div3A_376, %mul3A_378 : vector<16xi32>
    %sub3A_380 = arith.subi %add3A_373, %mul3A_379 : vector<16xi32>
    %broadcast_in_dim3A_381 = arith.constant 7 : i32
    %broadcast_in_dim3A_382 = vector.broadcast %broadcast_in_dim3A_381 : i32 to vector<16xi32>
    %div3A_383 = arith.divsi %sub3A_380, %broadcast_in_dim3A_382 : vector<16xi32>
    %mul3A_384 = arith.constant 7 : i32
    %mul3A_385 = vector.broadcast %mul3A_384 : i32 to vector<16xi32>
    %mul3A_386 = arith.muli %div3A_383, %mul3A_385 : vector<16xi32>
    %sub3A_387 = arith.subi %sub3A_380, %mul3A_386 : vector<16xi32>
    %broadcast_in_dim3A_388 = arith.constant 512 : i32
    %broadcast_in_dim3A_389 = vector.broadcast %broadcast_in_dim3A_388 : i32 to vector<16xi32>
    %div3A_390 = arith.divsi %div3A_376, %broadcast_in_dim3A_389 : vector<16xi32>
    %mul3A_391 = arith.constant 64 : i32
    %mul3A_392 = arith.muli %add3A, %mul3A_391 : i32
    %sub3A_393 = vector.broadcast %mul3A_392 : i32 to vector<16xi32>
    %sub3A_394 = arith.subi %div3A_376, %sub3A_393 : vector<16xi32>
    %gather3A_395 = tpu.vector_load_idx %arg8[%sub3A_394] : memref<64xf32, #tpu.memory_space<vmem>>[vector<16xi32>], vector<16xf32>,
    %gather3A_396 = tpu.vector_load_idx %arg9[%sub3A_394] : memref<64xf32, #tpu.memory_space<vmem>>[vector<16xi32>], vector<16xf32>,
    %gather3A_397 = tpu.vector_load_idx %arg10[%sub3A_394] : memref<64xf32, #tpu.memory_space<vmem>>[vector<16xi32>], vector<16xf32>,
    %gather3A_398 = tpu.vector_load_idx %arg11[%sub3A_394] : memref<64xf32, #tpu.memory_space<vmem>>[vector<16xi32>], vector<16xf32>,
    %convert_element_type3A_399 = arith.sitofp %div3A_383 : vector<16xi32> to vector<16xf32>
    %mul3A_400 = arith.constant 0.166666672 : f32
    %mul3A_401 = vector.broadcast %mul3A_400 : f32 to vector<16xf32>
    %mul3A_402 = arith.mulf %convert_element_type3A_399, %mul3A_401 : vector<16xf32>
    %convert_element_type3A_403 = arith.sitofp %sub3A_387 : vector<16xi32> to vector<16xf32>
    %mul3A_404 = arith.constant 0.166666672 : f32
    %mul3A_405 = vector.broadcast %mul3A_404 : f32 to vector<16xf32>
    %mul3A_406 = arith.mulf %convert_element_type3A_403, %mul3A_405 : vector<16xf32>
    %mul3A_407 = arith.mulf %gather3A_396, %mul3A_402 : vector<16xf32>
    %add3A_408 = arith.addf %gather3A_395, %mul3A_407 : vector<16xf32>
    %mul3A_409 = arith.constant 2.230000e+02 : f32
    %mul3A_410 = vector.broadcast %mul3A_409 : f32 to vector<16xf32>
    %mul3A_411 = arith.mulf %add3A_408, %mul3A_410 : vector<16xf32>
    %jit3A_412 = arith.constant 0.000000e+00 : f32
    %jit3A_413 = arith.constant 2.230000e+02 : f32
    %max3A_414 = vector.broadcast %jit3A_412 : f32 to vector<16xf32>
    %max3A_415 = arith.maximumf %max3A_414, %mul3A_411 : vector<16xf32>
    %min3A_416 = vector.broadcast %jit3A_413 : f32 to vector<16xf32>
    %min3A_417 = arith.minimumf %min3A_416, %max3A_415 : vector<16xf32>
    %mul3A_418 = arith.mulf %gather3A_398, %mul3A_406 : vector<16xf32>
    %add3A_419 = arith.addf %gather3A_397, %mul3A_418 : vector<16xf32>
    %mul3A_420 = arith.constant 2.230000e+02 : f32
    %mul3A_421 = vector.broadcast %mul3A_420 : f32 to vector<16xf32>
    %mul3A_422 = arith.mulf %add3A_419, %mul3A_421 : vector<16xf32>
    %jit3A_423 = arith.constant 0.000000e+00 : f32
    %jit3A_424 = arith.constant 2.230000e+02 : f32
    %max3A_425 = vector.broadcast %jit3A_423 : f32 to vector<16xf32>
    %max3A_426 = arith.maximumf %max3A_425, %mul3A_422 : vector<16xf32>
    %min3A_427 = vector.broadcast %jit3A_424 : f32 to vector<16xf32>
    %min3A_428 = arith.minimumf %min3A_427, %max3A_426 : vector<16xf32>
    %convert_element_type3A_429 = arith.fptosi %min3A_417 : vector<16xf32> to vector<16xi32>
    %min3A_430 = arith.constant 222 : i32
    %min3A_431 = vector.broadcast %min3A_430 : i32 to vector<16xi32>
    %min3A_432 = arith.minsi %convert_element_type3A_429, %min3A_431 : vector<16xi32>
    %convert_element_type3A_433 = arith.fptosi %min3A_428 : vector<16xf32> to vector<16xi32>
    %min3A_434 = arith.constant 222 : i32
    %min3A_435 = vector.broadcast %min3A_434 : i32 to vector<16xi32>
    %min3A_436 = arith.minsi %convert_element_type3A_433, %min3A_435 : vector<16xi32>
    %convert_element_type3A_437 = arith.sitofp %min3A_432 : vector<16xi32> to vector<16xf32>
    %sub3A_438 = arith.subf %min3A_417, %convert_element_type3A_437 : vector<16xf32>
    %convert_element_type3A_439 = arith.sitofp %min3A_436 : vector<16xi32> to vector<16xf32>
    %sub3A_440 = arith.subf %min3A_428, %convert_element_type3A_439 : vector<16xf32>
    %mul3A_441 = arith.constant 50176 : i32
    %mul3A_442 = vector.broadcast %mul3A_441 : i32 to vector<16xi32>
    %mul3A_443 = arith.muli %div3A_390, %mul3A_442 : vector<16xi32>
    %mul3A_444 = arith.constant 224 : i32
    %mul3A_445 = vector.broadcast %mul3A_444 : i32 to vector<16xi32>
    %mul3A_446 = arith.muli %min3A_436, %mul3A_445 : vector<16xi32>
    %add3A_447 = arith.addi %mul3A_443, %mul3A_446 : vector<16xi32>
    %add3A_448 = arith.addi %add3A_447, %min3A_432 : vector<16xi32>
    %swap3A_449 = arith.constant 0 : i32
    %swap3A_450 = arith.constant 0 : i32
    %swap3A_451 = arith.index_cast %swap3A_449 : i32 to index
    %swap3A_452 = arith.index_cast %swap3A_450 : i32 to index
    %swap3A_453 = arith.constant 48 : index
    %swap3A_454 = tpu.vector_load %arg12[%swap3A_451, %swap3A_452, %swap3A_453] {strides = array<i32>} : memref<2x4x64xi32, #tpu.memory_space<vmem>>, vector<16xi32>,
    tpu.vector_store %arg12[%swap3A_451, %swap3A_452, %swap3A_453], %add3A_448 {strides = array<i32>} : memref<2x4x64xi32, #tpu.memory_space<vmem>>, vector<16xi32>,
    %add3A_455 = arith.constant 1 : i32
    %add3A_456 = vector.broadcast %add3A_455 : i32 to vector<16xi32>
    %add3A_457 = arith.addi %add3A_448, %add3A_456 : vector<16xi32>
    %swap3A_458 = arith.constant 0 : i32
    %swap3A_459 = arith.constant 1 : i32
    %swap3A_460 = arith.index_cast %swap3A_458 : i32 to index
    %swap3A_461 = arith.index_cast %swap3A_459 : i32 to index
    %swap3A_462 = arith.constant 48 : index
    %swap3A_463 = tpu.vector_load %arg12[%swap3A_460, %swap3A_461, %swap3A_462] {strides = array<i32>} : memref<2x4x64xi32, #tpu.memory_space<vmem>>, vector<16xi32>,
    tpu.vector_store %arg12[%swap3A_460, %swap3A_461, %swap3A_462], %add3A_457 {strides = array<i32>} : memref<2x4x64xi32, #tpu.memory_space<vmem>>, vector<16xi32>,
    %add3A_464 = arith.constant 224 : i32
    %add3A_465 = vector.broadcast %add3A_464 : i32 to vector<16xi32>
    %add3A_466 = arith.addi %add3A_448, %add3A_465 : vector<16xi32>
    %swap3A_467 = arith.constant 0 : i32
    %swap3A_468 = arith.constant 2 : i32
    %swap3A_469 = arith.index_cast %swap3A_467 : i32 to index
    %swap3A_470 = arith.index_cast %swap3A_468 : i32 to index
    %swap3A_471 = arith.constant 48 : index
    %swap3A_472 = tpu.vector_load %arg12[%swap3A_469, %swap3A_470, %swap3A_471] {strides = array<i32>} : memref<2x4x64xi32, #tpu.memory_space<vmem>>, vector<16xi32>,
    tpu.vector_store %arg12[%swap3A_469, %swap3A_470, %swap3A_471], %add3A_466 {strides = array<i32>} : memref<2x4x64xi32, #tpu.memory_space<vmem>>, vector<16xi32>,
    %add3A_473 = arith.constant 224 : i32
    %add3A_474 = vector.broadcast %add3A_473 : i32 to vector<16xi32>
    %add3A_475 = arith.addi %add3A_448, %add3A_474 : vector<16xi32>
    %add3A_476 = arith.constant 1 : i32
    %add3A_477 = vector.broadcast %add3A_476 : i32 to vector<16xi32>
    %add3A_478 = arith.addi %add3A_475, %add3A_477 : vector<16xi32>
    %swap3A_479 = arith.constant 0 : i32
    %swap3A_480 = arith.constant 3 : i32
    %swap3A_481 = arith.index_cast %swap3A_479 : i32 to index
    %swap3A_482 = arith.index_cast %swap3A_480 : i32 to index
    %swap3A_483 = arith.constant 48 : index
    %swap3A_484 = tpu.vector_load %arg12[%swap3A_481, %swap3A_482, %swap3A_483] {strides = array<i32>} : memref<2x4x64xi32, #tpu.memory_space<vmem>>, vector<16xi32>,
    tpu.vector_store %arg12[%swap3A_481, %swap3A_482, %swap3A_483], %add3A_478 {strides = array<i32>} : memref<2x4x64xi32, #tpu.memory_space<vmem>>, vector<16xi32>,
    %swap3A_485 = arith.constant 0 : i32
    %swap3A_486 = arith.index_cast %swap3A_485 : i32 to index
    %swap3A_487 = arith.constant 48 : index
    %swap3A_488 = tpu.vector_load %arg13[%swap3A_486, %swap3A_487] {strides = array<i32>} : memref<2x80xf32, #tpu.memory_space<vmem>>, vector<16xf32>,
    tpu.vector_store %arg13[%swap3A_486, %swap3A_487], %sub3A_438 {strides = array<i32>} : memref<2x80xf32, #tpu.memory_space<vmem>>, vector<16xf32>,
    %swap3A_489 = arith.constant 0 : i32
    %swap3A_490 = arith.index_cast %swap3A_489 : i32 to index
    %swap3A_491 = arith.constant 48 : index
    %swap3A_492 = tpu.vector_load %arg14[%swap3A_490, %swap3A_491] {strides = array<i32>} : memref<2x80xf32, #tpu.memory_space<vmem>>, vector<16xf32>,
    tpu.vector_store %arg14[%swap3A_490, %swap3A_491], %sub3A_440 {strides = array<i32>} : memref<2x80xf32, #tpu.memory_space<vmem>>, vector<16xf32>,
    %dma_start3A = arith.constant 0 : i32
    %dma_start3A_493 = arith.constant 0 : i32
    %dma_start3A_494 = arith.constant 0 : i32
    %dma_start3A_495 = arith.constant 0 : i32
    %dma_start3A_496 = arith.constant 0 : i32
    %dma_start3A_497 = arith.constant 0 : i32
    %dma_start3A_498 = tpu.memref_slice %arg15[%dma_start3A_494, %dma_start3A_495, %dma_start3A_496, %dma_start3A_497] : memref<2x4x64x128xf32, #tpu.memory_space<vmem>> -> memref<1x1x64x128xf32, #tpu.memory_space<vmem>>
    %dma_start3A_499 = tpu.memref_squeeze %dma_start3A_498 : memref<1x1x64x128xf32, #tpu.memory_space<vmem>> -> memref<64x128xf32, #tpu.memory_space<vmem>>
    %dma_start3A_500 = arith.constant 0 : i32
    %dma_start3A_501 = tpu.memref_slice %arg12[%dma_start3A, %dma_start3A_493, %dma_start3A_500] : memref<2x4x64xi32, #tpu.memory_space<vmem>> -> memref<1x1x64xi32, #tpu.memory_space<vmem>>
    %dma_start3A_502 = tpu.memref_squeeze %dma_start3A_501 : memref<1x1x64xi32, #tpu.memory_space<vmem>> -> memref<64xi32, #tpu.memory_space<vmem>>
    %dma_start3A_503 = arith.constant 0 : i32
    %dma_start3A_504 = arith.constant 0 : i32
    %dma_start3A_505 = tpu.memref_slice %arg2[%dma_start3A_503, %dma_start3A_504] : memref<200704x128xf32, #tpu.memory_space<hbm>> -> memref<200704x128xf32, #tpu.memory_space<hbm>>
    tpu.enqueue_indirect_dma source(%dma_start3A_505 : memref<200704x128xf32, #tpu.memory_space<hbm>>) target(%dma_start3A_499 : memref<64x128xf32, #tpu.memory_space<vmem>>) offsets(%dma_start3A_502 : memref<64xi32, #tpu.memory_space<vmem>>) semaphore(%arg17 : memref<!tpu.dma_semaphore, #tpu.memory_space<semaphore_mem>>)
    %dma_start3A_506 = arith.constant 0 : i32
    %dma_start3A_507 = arith.constant 1 : i32
    %dma_start3A_508 = arith.constant 0 : i32
    %dma_start3A_509 = arith.constant 1 : i32
    %dma_start3A_510 = arith.constant 0 : i32
    %dma_start3A_511 = arith.constant 0 : i32
    %dma_start3A_512 = tpu.memref_slice %arg15[%dma_start3A_508, %dma_start3A_509, %dma_start3A_510, %dma_start3A_511] : memref<2x4x64x128xf32, #tpu.memory_space<vmem>> -> memref<1x1x64x128xf32, #tpu.memory_space<vmem>>
    %dma_start3A_513 = tpu.memref_squeeze %dma_start3A_512 : memref<1x1x64x128xf32, #tpu.memory_space<vmem>> -> memref<64x128xf32, #tpu.memory_space<vmem>>
    %dma_start3A_514 = arith.constant 0 : i32
    %dma_start3A_515 = tpu.memref_slice %arg12[%dma_start3A_506, %dma_start3A_507, %dma_start3A_514] : memref<2x4x64xi32, #tpu.memory_space<vmem>> -> memref<1x1x64xi32, #tpu.memory_space<vmem>>
    %dma_start3A_516 = tpu.memref_squeeze %dma_start3A_515 : memref<1x1x64xi32, #tpu.memory_space<vmem>> -> memref<64xi32, #tpu.memory_space<vmem>>
    %dma_start3A_517 = arith.constant 0 : i32
    %dma_start3A_518 = arith.constant 0 : i32
    %dma_start3A_519 = tpu.memref_slice %arg2[%dma_start3A_517, %dma_start3A_518] : memref<200704x128xf32, #tpu.memory_space<hbm>> -> memref<200704x128xf32, #tpu.memory_space<hbm>>
    tpu.enqueue_indirect_dma source(%dma_start3A_519 : memref<200704x128xf32, #tpu.memory_space<hbm>>) target(%dma_start3A_513 : memref<64x128xf32, #tpu.memory_space<vmem>>) offsets(%dma_start3A_516 : memref<64xi32, #tpu.memory_space<vmem>>) semaphore(%arg17 : memref<!tpu.dma_semaphore, #tpu.memory_space<semaphore_mem>>)
    %dma_start3A_520 = arith.constant 0 : i32
    %dma_start3A_521 = arith.constant 2 : i32
    %dma_start3A_522 = arith.constant 0 : i32
    %dma_start3A_523 = arith.constant 2 : i32
    %dma_start3A_524 = arith.constant 0 : i32
    %dma_start3A_525 = arith.constant 0 : i32
    %dma_start3A_526 = tpu.memref_slice %arg15[%dma_start3A_522, %dma_start3A_523, %dma_start3A_524, %dma_start3A_525] : memref<2x4x64x128xf32, #tpu.memory_space<vmem>> -> memref<1x1x64x128xf32, #tpu.memory_space<vmem>>
    %dma_start3A_527 = tpu.memref_squeeze %dma_start3A_526 : memref<1x1x64x128xf32, #tpu.memory_space<vmem>> -> memref<64x128xf32, #tpu.memory_space<vmem>>
    %dma_start3A_528 = arith.constant 0 : i32
    %dma_start3A_529 = tpu.memref_slice %arg12[%dma_start3A_520, %dma_start3A_521, %dma_start3A_528] : memref<2x4x64xi32, #tpu.memory_space<vmem>> -> memref<1x1x64xi32, #tpu.memory_space<vmem>>
    %dma_start3A_530 = tpu.memref_squeeze %dma_start3A_529 : memref<1x1x64xi32, #tpu.memory_space<vmem>> -> memref<64xi32, #tpu.memory_space<vmem>>
    %dma_start3A_531 = arith.constant 0 : i32
    %dma_start3A_532 = arith.constant 0 : i32
    %dma_start3A_533 = tpu.memref_slice %arg2[%dma_start3A_531, %dma_start3A_532] : memref<200704x128xf32, #tpu.memory_space<hbm>> -> memref<200704x128xf32, #tpu.memory_space<hbm>>
    tpu.enqueue_indirect_dma source(%dma_start3A_533 : memref<200704x128xf32, #tpu.memory_space<hbm>>) target(%dma_start3A_527 : memref<64x128xf32, #tpu.memory_space<vmem>>) offsets(%dma_start3A_530 : memref<64xi32, #tpu.memory_space<vmem>>) semaphore(%arg17 : memref<!tpu.dma_semaphore, #tpu.memory_space<semaphore_mem>>)
    %dma_start3A_534 = arith.constant 0 : i32
    %dma_start3A_535 = arith.constant 3 : i32
    %dma_start3A_536 = arith.constant 0 : i32
    %dma_start3A_537 = arith.constant 3 : i32
    %dma_start3A_538 = arith.constant 0 : i32
    %dma_start3A_539 = arith.constant 0 : i32
    %dma_start3A_540 = tpu.memref_slice %arg15[%dma_start3A_536, %dma_start3A_537, %dma_start3A_538, %dma_start3A_539] : memref<2x4x64x128xf32, #tpu.memory_space<vmem>> -> memref<1x1x64x128xf32, #tpu.memory_space<vmem>>
    %dma_start3A_541 = tpu.memref_squeeze %dma_start3A_540 : memref<1x1x64x128xf32, #tpu.memory_space<vmem>> -> memref<64x128xf32, #tpu.memory_space<vmem>>
    %dma_start3A_542 = arith.constant 0 : i32
    %dma_start3A_543 = tpu.memref_slice %arg12[%dma_start3A_534, %dma_start3A_535, %dma_start3A_542] : memref<2x4x64xi32, #tpu.memory_space<vmem>> -> memref<1x1x64xi32, #tpu.memory_space<vmem>>
    %dma_start3A_544 = tpu.memref_squeeze %dma_start3A_543 : memref<1x1x64xi32, #tpu.memory_space<vmem>> -> memref<64xi32, #tpu.memory_space<vmem>>
    %dma_start3A_545 = arith.constant 0 : i32
    %dma_start3A_546 = arith.constant 0 : i32
    %dma_start3A_547 = tpu.memref_slice %arg2[%dma_start3A_545, %dma_start3A_546] : memref<200704x128xf32, #tpu.memory_space<hbm>> -> memref<200704x128xf32, #tpu.memory_space<hbm>>
    tpu.enqueue_indirect_dma source(%dma_start3A_547 : memref<200704x128xf32, #tpu.memory_space<hbm>>) target(%dma_start3A_541 : memref<64x128xf32, #tpu.memory_space<vmem>>) offsets(%dma_start3A_544 : memref<64xi32, #tpu.memory_space<vmem>>) semaphore(%arg17 : memref<!tpu.dma_semaphore, #tpu.memory_space<semaphore_mem>>)
    %scan3A = arith.constant 0 : i32
    %scan3A_548 = arith.constant 0 : i32
    %scan3A_549 = arith.constant 24 : i32
    %scan3A_550 = arith.addi %scan3A_548, %scan3A_549 : i32
    %scan3A_551 = arith.constant 1 : i32
    scf.for %scan3A_618 = %scan3A_548 to %scan3A_550 step %scan3A_551  : i32 {
      %mul3A_619 = arith.constant 2 : i32
      %mul3A_620 = arith.muli %mul3A_619, %scan3A_618 : i32
      %add3A_621 = arith.constant 1 : i32
      %add3A_622 = arith.addi %mul3A_620, %add3A_621 : i32
      %mul3A_623 = arith.constant 3136 : i32
      %mul3A_624 = arith.muli %add3A, %mul3A_623 : i32
      %mul3A_625 = arith.constant 64 : i32
      %mul3A_626 = arith.muli %add3A_622, %mul3A_625 : i32
      %add3A_627 = arith.addi %mul3A_624, %mul3A_626 : i32
      %add3A_628 = arith.constant 0 : i32
      %add3A_629 = arith.addi %add3A_627, %add3A_628 : i32
      %iota3A_630 = tpu.iota {dimensions = array<i32: 0>} : vector<16xi32>
      %add3A_631 = vector.broadcast %add3A_629 : i32 to vector<16xi32>
      %add3A_632 = arith.addi %add3A_631, %iota3A_630 : vector<16xi32>
      %broadcast_in_dim3A_633 = arith.constant 49 : i32
      %broadcast_in_dim3A_634 = vector.broadcast %broadcast_in_dim3A_633 : i32 to vector<16xi32>
      %div3A_635 = arith.divsi %add3A_632, %broadcast_in_dim3A_634 : vector<16xi32>
      %mul3A_636 = arith.constant 49 : i32
      %mul3A_637 = vector.broadcast %mul3A_636 : i32 to vector<16xi32>
      %mul3A_638 = arith.muli %div3A_635, %mul3A_637 : vector<16xi32>
      %sub3A_639 = arith.subi %add3A_632, %mul3A_638 : vector<16xi32>
      %broadcast_in_dim3A_640 = arith.constant 7 : i32
      %broadcast_in_dim3A_641 = vector.broadcast %broadcast_in_dim3A_640 : i32 to vector<16xi32>
      %div3A_642 = arith.divsi %sub3A_639, %broadcast_in_dim3A_641 : vector<16xi32>
      %mul3A_643 = arith.constant 7 : i32
      %mul3A_644 = vector.broadcast %mul3A_643 : i32 to vector<16xi32>
      %mul3A_645 = arith.muli %div3A_642, %mul3A_644 : vector<16xi32>
      %sub3A_646 = arith.subi %sub3A_639, %mul3A_645 : vector<16xi32>
      %broadcast_in_dim3A_647 = arith.constant 512 : i32
      %broadcast_in_dim3A_648 = vector.broadcast %broadcast_in_dim3A_647 : i32 to vector<16xi32>
      %div3A_649 = arith.divsi %div3A_635, %broadcast_in_dim3A_648 : vector<16xi32>
      %mul3A_650 = arith.constant 64 : i32
      %mul3A_651 = arith.muli %add3A, %mul3A_650 : i32
      %sub3A_652 = vector.broadcast %mul3A_651 : i32 to vector<16xi32>
      %sub3A_653 = arith.subi %div3A_635, %sub3A_652 : vector<16xi32>
      %gather3A_654 = tpu.vector_load_idx %arg8[%sub3A_653] : memref<64xf32, #tpu.memory_space<vmem>>[vector<16xi32>], vector<16xf32>,
      %gather3A_655 = tpu.vector_load_idx %arg9[%sub3A_653] : memref<64xf32, #tpu.memory_space<vmem>>[vector<16xi32>], vector<16xf32>,
      %gather3A_656 = tpu.vector_load_idx %arg10[%sub3A_653] : memref<64xf32, #tpu.memory_space<vmem>>[vector<16xi32>], vector<16xf32>,
      %gather3A_657 = tpu.vector_load_idx %arg11[%sub3A_653] : memref<64xf32, #tpu.memory_space<vmem>>[vector<16xi32>], vector<16xf32>,
      %convert_element_type3A_658 = arith.sitofp %div3A_642 : vector<16xi32> to vector<16xf32>
      %mul3A_659 = arith.constant 0.166666672 : f32
      %mul3A_660 = vector.broadcast %mul3A_659 : f32 to vector<16xf32>
      %mul3A_661 = arith.mulf %convert_element_type3A_658, %mul3A_660 : vector<16xf32>
      %convert_element_type3A_662 = arith.sitofp %sub3A_646 : vector<16xi32> to vector<16xf32>
      %mul3A_663 = arith.constant 0.166666672 : f32
      %mul3A_664 = vector.broadcast %mul3A_663 : f32 to vector<16xf32>
      %mul3A_665 = arith.mulf %convert_element_type3A_662, %mul3A_664 : vector<16xf32>
      %mul3A_666 = arith.mulf %gather3A_655, %mul3A_661 : vector<16xf32>
      %add3A_667 = arith.addf %gather3A_654, %mul3A_666 : vector<16xf32>
      %mul3A_668 = arith.constant 2.230000e+02 : f32
      %mul3A_669 = vector.broadcast %mul3A_668 : f32 to vector<16xf32>
      %mul3A_670 = arith.mulf %add3A_667, %mul3A_669 : vector<16xf32>
      %jit3A_671 = arith.constant 0.000000e+00 : f32
      %jit3A_672 = arith.constant 2.230000e+02 : f32
      %max3A_673 = vector.broadcast %jit3A_671 : f32 to vector<16xf32>
      %max3A_674 = arith.maximumf %max3A_673, %mul3A_670 : vector<16xf32>
      %min3A_675 = vector.broadcast %jit3A_672 : f32 to vector<16xf32>
      %min3A_676 = arith.minimumf %min3A_675, %max3A_674 : vector<16xf32>
      %mul3A_677 = arith.mulf %gather3A_657, %mul3A_665 : vector<16xf32>
      %add3A_678 = arith.addf %gather3A_656, %mul3A_677 : vector<16xf32>
      %mul3A_679 = arith.constant 2.230000e+02 : f32
      %mul3A_680 = vector.broadcast %mul3A_679 : f32 to vector<16xf32>
      %mul3A_681 = arith.mulf %add3A_678, %mul3A_680 : vector<16xf32>
      %jit3A_682 = arith.constant 0.000000e+00 : f32
      %jit3A_683 = arith.constant 2.230000e+02 : f32
      %max3A_684 = vector.broadcast %jit3A_682 : f32 to vector<16xf32>
      %max3A_685 = arith.maximumf %max3A_684, %mul3A_681 : vector<16xf32>
      %min3A_686 = vector.broadcast %jit3A_683 : f32 to vector<16xf32>
      %min3A_687 = arith.minimumf %min3A_686, %max3A_685 : vector<16xf32>
      %convert_element_type3A_688 = arith.fptosi %min3A_676 : vector<16xf32> to vector<16xi32>
      %min3A_689 = arith.constant 222 : i32
      %min3A_690 = vector.broadcast %min3A_689 : i32 to vector<16xi32>
      %min3A_691 = arith.minsi %convert_element_type3A_688, %min3A_690 : vector<16xi32>
      %convert_element_type3A_692 = arith.fptosi %min3A_687 : vector<16xf32> to vector<16xi32>
      %min3A_693 = arith.constant 222 : i32
      %min3A_694 = vector.broadcast %min3A_693 : i32 to vector<16xi32>
      %min3A_695 = arith.minsi %convert_element_type3A_692, %min3A_694 : vector<16xi32>
      %convert_element_type3A_696 = arith.sitofp %min3A_691 : vector<16xi32> to vector<16xf32>
      %sub3A_697 = arith.subf %min3A_676, %convert_element_type3A_696 : vector<16xf32>
      %convert_element_type3A_698 = arith.sitofp %min3A_695 : vector<16xi32> to vector<16xf32>
      %sub3A_699 = arith.subf %min3A_687, %convert_element_type3A_698 : vector<16xf32>
      %mul3A_700 = arith.constant 50176 : i32
      %mul3A_701 = vector.broadcast %mul3A_700 : i32 to vector<16xi32>
      %mul3A_702 = arith.muli %div3A_649, %mul3A_701 : vector<16xi32>
      %mul3A_703 = arith.constant 224 : i32
      %mul3A_704 = vector.broadcast %mul3A_703 : i32 to vector<16xi32>
      %mul3A_705 = arith.muli %min3A_695, %mul3A_704 : vector<16xi32>
      %add3A_706 = arith.addi %mul3A_702, %mul3A_705 : vector<16xi32>
      %add3A_707 = arith.addi %add3A_706, %min3A_691 : vector<16xi32>
      %swap3A_708 = arith.constant 1 : i32
      %swap3A_709 = arith.constant 0 : i32
      %swap3A_710 = arith.index_cast %swap3A_708 : i32 to index
      %swap3A_711 = arith.index_cast %swap3A_709 : i32 to index
      %swap3A_712 = arith.constant 0 : index
      %swap3A_713 = tpu.vector_load %arg12[%swap3A_710, %swap3A_711, %swap3A_712] {strides = array<i32>} : memref<2x4x64xi32, #tpu.memory_space<vmem>>, vector<16xi32>,
      tpu.vector_store %arg12[%swap3A_710, %swap3A_711, %swap3A_712], %add3A_707 {strides = array<i32>} : memref<2x4x64xi32, #tpu.memory_space<vmem>>, vector<16xi32>,
      %add3A_714 = arith.constant 1 : i32
      %add3A_715 = vector.broadcast %add3A_714 : i32 to vector<16xi32>
      %add3A_716 = arith.addi %add3A_707, %add3A_715 : vector<16xi32>
      %swap3A_717 = arith.constant 1 : i32
      %swap3A_718 = arith.constant 1 : i32
      %swap3A_719 = arith.index_cast %swap3A_717 : i32 to index
      %swap3A_720 = arith.index_cast %swap3A_718 : i32 to index
      %swap3A_721 = arith.constant 0 : index
      %swap3A_722 = tpu.vector_load %arg12[%swap3A_719, %swap3A_720, %swap3A_721] {strides = array<i32>} : memref<2x4x64xi32, #tpu.memory_space<vmem>>, vector<16xi32>,
      tpu.vector_store %arg12[%swap3A_719, %swap3A_720, %swap3A_721], %add3A_716 {strides = array<i32>} : memref<2x4x64xi32, #tpu.memory_space<vmem>>, vector<16xi32>,
      %add3A_723 = arith.constant 224 : i32
      %add3A_724 = vector.broadcast %add3A_723 : i32 to vector<16xi32>
      %add3A_725 = arith.addi %add3A_707, %add3A_724 : vector<16xi32>
      %swap3A_726 = arith.constant 1 : i32
      %swap3A_727 = arith.constant 2 : i32
      %swap3A_728 = arith.index_cast %swap3A_726 : i32 to index
      %swap3A_729 = arith.index_cast %swap3A_727 : i32 to index
      %swap3A_730 = arith.constant 0 : index
      %swap3A_731 = tpu.vector_load %arg12[%swap3A_728, %swap3A_729, %swap3A_730] {strides = array<i32>} : memref<2x4x64xi32, #tpu.memory_space<vmem>>, vector<16xi32>,
      tpu.vector_store %arg12[%swap3A_728, %swap3A_729, %swap3A_730], %add3A_725 {strides = array<i32>} : memref<2x4x64xi32, #tpu.memory_space<vmem>>, vector<16xi32>,
      %add3A_732 = arith.constant 224 : i32
      %add3A_733 = vector.broadcast %add3A_732 : i32 to vector<16xi32>
      %add3A_734 = arith.addi %add3A_707, %add3A_733 : vector<16xi32>
      %add3A_735 = arith.constant 1 : i32
      %add3A_736 = vector.broadcast %add3A_735 : i32 to vector<16xi32>
      %add3A_737 = arith.addi %add3A_734, %add3A_736 : vector<16xi32>
      %swap3A_738 = arith.constant 1 : i32
      %swap3A_739 = arith.constant 3 : i32
      %swap3A_740 = arith.index_cast %swap3A_738 : i32 to index
      %swap3A_741 = arith.index_cast %swap3A_739 : i32 to index
      %swap3A_742 = arith.constant 0 : index
      %swap3A_743 = tpu.vector_load %arg12[%swap3A_740, %swap3A_741, %swap3A_742] {strides = array<i32>} : memref<2x4x64xi32, #tpu.memory_space<vmem>>, vector<16xi32>,
      tpu.vector_store %arg12[%swap3A_740, %swap3A_741, %swap3A_742], %add3A_737 {strides = array<i32>} : memref<2x4x64xi32, #tpu.memory_space<vmem>>, vector<16xi32>,
      %swap3A_744 = arith.constant 1 : i32
      %swap3A_745 = arith.index_cast %swap3A_744 : i32 to index
      %swap3A_746 = arith.constant 0 : index
      %swap3A_747 = tpu.vector_load %arg13[%swap3A_745, %swap3A_746] {strides = array<i32>} : memref<2x80xf32, #tpu.memory_space<vmem>>, vector<16xf32>,
      tpu.vector_store %arg13[%swap3A_745, %swap3A_746], %sub3A_697 {strides = array<i32>} : memref<2x80xf32, #tpu.memory_space<vmem>>, vector<16xf32>,
      %swap3A_748 = arith.constant 1 : i32
      %swap3A_749 = arith.index_cast %swap3A_748 : i32 to index
      %swap3A_750 = arith.constant 0 : index
      %swap3A_751 = tpu.vector_load %arg14[%swap3A_749, %swap3A_750] {strides = array<i32>} : memref<2x80xf32, #tpu.memory_space<vmem>>, vector<16xf32>,
      tpu.vector_store %arg14[%swap3A_749, %swap3A_750], %sub3A_699 {strides = array<i32>} : memref<2x80xf32, #tpu.memory_space<vmem>>, vector<16xf32>,
      %add3A_752 = arith.constant 16 : i32
      %add3A_753 = arith.addi %add3A_627, %add3A_752 : i32
      %iota3A_754 = tpu.iota {dimensions = array<i32: 0>} : vector<16xi32>
      %add3A_755 = vector.broadcast %add3A_753 : i32 to vector<16xi32>
      %add3A_756 = arith.addi %add3A_755, %iota3A_754 : vector<16xi32>
      %broadcast_in_dim3A_757 = arith.constant 49 : i32
      %broadcast_in_dim3A_758 = vector.broadcast %broadcast_in_dim3A_757 : i32 to vector<16xi32>
      %div3A_759 = arith.divsi %add3A_756, %broadcast_in_dim3A_758 : vector<16xi32>
      %mul3A_760 = arith.constant 49 : i32
      %mul3A_761 = vector.broadcast %mul3A_760 : i32 to vector<16xi32>
      %mul3A_762 = arith.muli %div3A_759, %mul3A_761 : vector<16xi32>
      %sub3A_763 = arith.subi %add3A_756, %mul3A_762 : vector<16xi32>
      %broadcast_in_dim3A_764 = arith.constant 7 : i32
      %broadcast_in_dim3A_765 = vector.broadcast %broadcast_in_dim3A_764 : i32 to vector<16xi32>
      %div3A_766 = arith.divsi %sub3A_763, %broadcast_in_dim3A_765 : vector<16xi32>
      %mul3A_767 = arith.constant 7 : i32
      %mul3A_768 = vector.broadcast %mul3A_767 : i32 to vector<16xi32>
      %mul3A_769 = arith.muli %div3A_766, %mul3A_768 : vector<16xi32>
      %sub3A_770 = arith.subi %sub3A_763, %mul3A_769 : vector<16xi32>
      %broadcast_in_dim3A_771 = arith.constant 512 : i32
      %broadcast_in_dim3A_772 = vector.broadcast %broadcast_in_dim3A_771 : i32 to vector<16xi32>
      %div3A_773 = arith.divsi %div3A_759, %broadcast_in_dim3A_772 : vector<16xi32>
      %mul3A_774 = arith.constant 64 : i32
      %mul3A_775 = arith.muli %add3A, %mul3A_774 : i32
      %sub3A_776 = vector.broadcast %mul3A_775 : i32 to vector<16xi32>
      %sub3A_777 = arith.subi %div3A_759, %sub3A_776 : vector<16xi32>
      %gather3A_778 = tpu.vector_load_idx %arg8[%sub3A_777] : memref<64xf32, #tpu.memory_space<vmem>>[vector<16xi32>], vector<16xf32>,
      %gather3A_779 = tpu.vector_load_idx %arg9[%sub3A_777] : memref<64xf32, #tpu.memory_space<vmem>>[vector<16xi32>], vector<16xf32>,
      %gather3A_780 = tpu.vector_load_idx %arg10[%sub3A_777] : memref<64xf32, #tpu.memory_space<vmem>>[vector<16xi32>], vector<16xf32>,
      %gather3A_781 = tpu.vector_load_idx %arg11[%sub3A_777] : memref<64xf32, #tpu.memory_space<vmem>>[vector<16xi32>], vector<16xf32>,
      %convert_element_type3A_782 = arith.sitofp %div3A_766 : vector<16xi32> to vector<16xf32>
      %mul3A_783 = arith.constant 0.166666672 : f32
      %mul3A_784 = vector.broadcast %mul3A_783 : f32 to vector<16xf32>
      %mul3A_785 = arith.mulf %convert_element_type3A_782, %mul3A_784 : vector<16xf32>
      %convert_element_type3A_786 = arith.sitofp %sub3A_770 : vector<16xi32> to vector<16xf32>
      %mul3A_787 = arith.constant 0.166666672 : f32
      %mul3A_788 = vector.broadcast %mul3A_787 : f32 to vector<16xf32>
      %mul3A_789 = arith.mulf %convert_element_type3A_786, %mul3A_788 : vector<16xf32>
      %mul3A_790 = arith.mulf %gather3A_779, %mul3A_785 : vector<16xf32>
      %add3A_791 = arith.addf %gather3A_778, %mul3A_790 : vector<16xf32>
      %mul3A_792 = arith.constant 2.230000e+02 : f32
      %mul3A_793 = vector.broadcast %mul3A_792 : f32 to vector<16xf32>
      %mul3A_794 = arith.mulf %add3A_791, %mul3A_793 : vector<16xf32>
      %jit3A_795 = arith.constant 0.000000e+00 : f32
      %jit3A_796 = arith.constant 2.230000e+02 : f32
      %max3A_797 = vector.broadcast %jit3A_795 : f32 to vector<16xf32>
      %max3A_798 = arith.maximumf %max3A_797, %mul3A_794 : vector<16xf32>
      %min3A_799 = vector.broadcast %jit3A_796 : f32 to vector<16xf32>
      %min3A_800 = arith.minimumf %min3A_799, %max3A_798 : vector<16xf32>
      %mul3A_801 = arith.mulf %gather3A_781, %mul3A_789 : vector<16xf32>
      %add3A_802 = arith.addf %gather3A_780, %mul3A_801 : vector<16xf32>
      %mul3A_803 = arith.constant 2.230000e+02 : f32
      %mul3A_804 = vector.broadcast %mul3A_803 : f32 to vector<16xf32>
      %mul3A_805 = arith.mulf %add3A_802, %mul3A_804 : vector<16xf32>
      %jit3A_806 = arith.constant 0.000000e+00 : f32
      %jit3A_807 = arith.constant 2.230000e+02 : f32
      %max3A_808 = vector.broadcast %jit3A_806 : f32 to vector<16xf32>
      %max3A_809 = arith.maximumf %max3A_808, %mul3A_805 : vector<16xf32>
      %min3A_810 = vector.broadcast %jit3A_807 : f32 to vector<16xf32>
      %min3A_811 = arith.minimumf %min3A_810, %max3A_809 : vector<16xf32>
      %convert_element_type3A_812 = arith.fptosi %min3A_800 : vector<16xf32> to vector<16xi32>
      %min3A_813 = arith.constant 222 : i32
      %min3A_814 = vector.broadcast %min3A_813 : i32 to vector<16xi32>
      %min3A_815 = arith.minsi %convert_element_type3A_812, %min3A_814 : vector<16xi32>
      %convert_element_type3A_816 = arith.fptosi %min3A_811 : vector<16xf32> to vector<16xi32>
      %min3A_817 = arith.constant 222 : i32
      %min3A_818 = vector.broadcast %min3A_817 : i32 to vector<16xi32>
      %min3A_819 = arith.minsi %convert_element_type3A_816, %min3A_818 : vector<16xi32>
      %convert_element_type3A_820 = arith.sitofp %min3A_815 : vector<16xi32> to vector<16xf32>
      %sub3A_821 = arith.subf %min3A_800, %convert_element_type3A_820 : vector<16xf32>
      %convert_element_type3A_822 = arith.sitofp %min3A_819 : vector<16xi32> to vector<16xf32>
      %sub3A_823 = arith.subf %min3A_811, %convert_element_type3A_822 : vector<16xf32>
      %mul3A_824 = arith.constant 50176 : i32
      %mul3A_825 = vector.broadcast %mul3A_824 : i32 to vector<16xi32>
      %mul3A_826 = arith.muli %div3A_773, %mul3A_825 : vector<16xi32>
      %mul3A_827 = arith.constant 224 : i32
      %mul3A_828 = vector.broadcast %mul3A_827 : i32 to vector<16xi32>
      %mul3A_829 = arith.muli %min3A_819, %mul3A_828 : vector<16xi32>
      %add3A_830 = arith.addi %mul3A_826, %mul3A_829 : vector<16xi32>
      %add3A_831 = arith.addi %add3A_830, %min3A_815 : vector<16xi32>
      %swap3A_832 = arith.constant 1 : i32
      %swap3A_833 = arith.constant 0 : i32
      %swap3A_834 = arith.index_cast %swap3A_832 : i32 to index
      %swap3A_835 = arith.index_cast %swap3A_833 : i32 to index
      %swap3A_836 = arith.constant 16 : index
      %swap3A_837 = tpu.vector_load %arg12[%swap3A_834, %swap3A_835, %swap3A_836] {strides = array<i32>} : memref<2x4x64xi32, #tpu.memory_space<vmem>>, vector<16xi32>,
      tpu.vector_store %arg12[%swap3A_834, %swap3A_835, %swap3A_836], %add3A_831 {strides = array<i32>} : memref<2x4x64xi32, #tpu.memory_space<vmem>>, vector<16xi32>,
      %add3A_838 = arith.constant 1 : i32
      %add3A_839 = vector.broadcast %add3A_838 : i32 to vector<16xi32>
      %add3A_840 = arith.addi %add3A_831, %add3A_839 : vector<16xi32>
      %swap3A_841 = arith.constant 1 : i32
      %swap3A_842 = arith.constant 1 : i32
      %swap3A_843 = arith.index_cast %swap3A_841 : i32 to index
      %swap3A_844 = arith.index_cast %swap3A_842 : i32 to index
      %swap3A_845 = arith.constant 16 : index
      %swap3A_846 = tpu.vector_load %arg12[%swap3A_843, %swap3A_844, %swap3A_845] {strides = array<i32>} : memref<2x4x64xi32, #tpu.memory_space<vmem>>, vector<16xi32>,
      tpu.vector_store %arg12[%swap3A_843, %swap3A_844, %swap3A_845], %add3A_840 {strides = array<i32>} : memref<2x4x64xi32, #tpu.memory_space<vmem>>, vector<16xi32>,
      %add3A_847 = arith.constant 224 : i32
      %add3A_848 = vector.broadcast %add3A_847 : i32 to vector<16xi32>
      %add3A_849 = arith.addi %add3A_831, %add3A_848 : vector<16xi32>
      %swap3A_850 = arith.constant 1 : i32
      %swap3A_851 = arith.constant 2 : i32
      %swap3A_852 = arith.index_cast %swap3A_850 : i32 to index
      %swap3A_853 = arith.index_cast %swap3A_851 : i32 to index
      %swap3A_854 = arith.constant 16 : index
      %swap3A_855 = tpu.vector_load %arg12[%swap3A_852, %swap3A_853, %swap3A_854] {strides = array<i32>} : memref<2x4x64xi32, #tpu.memory_space<vmem>>, vector<16xi32>,
      tpu.vector_store %arg12[%swap3A_852, %swap3A_853, %swap3A_854], %add3A_849 {strides = array<i32>} : memref<2x4x64xi32, #tpu.memory_space<vmem>>, vector<16xi32>,
      %add3A_856 = arith.constant 224 : i32
      %add3A_857 = vector.broadcast %add3A_856 : i32 to vector<16xi32>
      %add3A_858 = arith.addi %add3A_831, %add3A_857 : vector<16xi32>
      %add3A_859 = arith.constant 1 : i32
      %add3A_860 = vector.broadcast %add3A_859 : i32 to vector<16xi32>
      %add3A_861 = arith.addi %add3A_858, %add3A_860 : vector<16xi32>
      %swap3A_862 = arith.constant 1 : i32
      %swap3A_863 = arith.constant 3 : i32
      %swap3A_864 = arith.index_cast %swap3A_862 : i32 to index
      %swap3A_865 = arith.index_cast %swap3A_863 : i32 to index
      %swap3A_866 = arith.constant 16 : index
      %swap3A_867 = tpu.vector_load %arg12[%swap3A_864, %swap3A_865, %swap3A_866] {strides = array<i32>} : memref<2x4x64xi32, #tpu.memory_space<vmem>>, vector<16xi32>,
      tpu.vector_store %arg12[%swap3A_864, %swap3A_865, %swap3A_866], %add3A_861 {strides = array<i32>} : memref<2x4x64xi32, #tpu.memory_space<vmem>>, vector<16xi32>,
      %swap3A_868 = arith.constant 1 : i32
      %swap3A_869 = arith.index_cast %swap3A_868 : i32 to index
      %swap3A_870 = arith.constant 16 : index
      %swap3A_871 = tpu.vector_load %arg13[%swap3A_869, %swap3A_870] {strides = array<i32>} : memref<2x80xf32, #tpu.memory_space<vmem>>, vector<16xf32>,
      tpu.vector_store %arg13[%swap3A_869, %swap3A_870], %sub3A_821 {strides = array<i32>} : memref<2x80xf32, #tpu.memory_space<vmem>>, vector<16xf32>,
      %swap3A_872 = arith.constant 1 : i32
      %swap3A_873 = arith.index_cast %swap3A_872 : i32 to index
      %swap3A_874 = arith.constant 16 : index
      %swap3A_875 = tpu.vector_load %arg14[%swap3A_873, %swap3A_874] {strides = array<i32>} : memref<2x80xf32, #tpu.memory_space<vmem>>, vector<16xf32>,
      tpu.vector_store %arg14[%swap3A_873, %swap3A_874], %sub3A_823 {strides = array<i32>} : memref<2x80xf32, #tpu.memory_space<vmem>>, vector<16xf32>,
      %add3A_876 = arith.constant 32 : i32
      %add3A_877 = arith.addi %add3A_627, %add3A_876 : i32
      %iota3A_878 = tpu.iota {dimensions = array<i32: 0>} : vector<16xi32>
      %add3A_879 = vector.broadcast %add3A_877 : i32 to vector<16xi32>
      %add3A_880 = arith.addi %add3A_879, %iota3A_878 : vector<16xi32>
      %broadcast_in_dim3A_881 = arith.constant 49 : i32
      %broadcast_in_dim3A_882 = vector.broadcast %broadcast_in_dim3A_881 : i32 to vector<16xi32>
      %div3A_883 = arith.divsi %add3A_880, %broadcast_in_dim3A_882 : vector<16xi32>
      %mul3A_884 = arith.constant 49 : i32
      %mul3A_885 = vector.broadcast %mul3A_884 : i32 to vector<16xi32>
      %mul3A_886 = arith.muli %div3A_883, %mul3A_885 : vector<16xi32>
      %sub3A_887 = arith.subi %add3A_880, %mul3A_886 : vector<16xi32>
      %broadcast_in_dim3A_888 = arith.constant 7 : i32
      %broadcast_in_dim3A_889 = vector.broadcast %broadcast_in_dim3A_888 : i32 to vector<16xi32>
      %div3A_890 = arith.divsi %sub3A_887, %broadcast_in_dim3A_889 : vector<16xi32>
      %mul3A_891 = arith.constant 7 : i32
      %mul3A_892 = vector.broadcast %mul3A_891 : i32 to vector<16xi32>
      %mul3A_893 = arith.muli %div3A_890, %mul3A_892 : vector<16xi32>
      %sub3A_894 = arith.subi %sub3A_887, %mul3A_893 : vector<16xi32>
      %broadcast_in_dim3A_895 = arith.constant 512 : i32
      %broadcast_in_dim3A_896 = vector.broadcast %broadcast_in_dim3A_895 : i32 to vector<16xi32>
      %div3A_897 = arith.divsi %div3A_883, %broadcast_in_dim3A_896 : vector<16xi32>
      %mul3A_898 = arith.constant 64 : i32
      %mul3A_899 = arith.muli %add3A, %mul3A_898 : i32
      %sub3A_900 = vector.broadcast %mul3A_899 : i32 to vector<16xi32>
      %sub3A_901 = arith.subi %div3A_883, %sub3A_900 : vector<16xi32>
      %gather3A_902 = tpu.vector_load_idx %arg8[%sub3A_901] : memref<64xf32, #tpu.memory_space<vmem>>[vector<16xi32>], vector<16xf32>,
      %gather3A_903 = tpu.vector_load_idx %arg9[%sub3A_901] : memref<64xf32, #tpu.memory_space<vmem>>[vector<16xi32>], vector<16xf32>,
      %gather3A_904 = tpu.vector_load_idx %arg10[%sub3A_901] : memref<64xf32, #tpu.memory_space<vmem>>[vector<16xi32>], vector<16xf32>,
      %gather3A_905 = tpu.vector_load_idx %arg11[%sub3A_901] : memref<64xf32, #tpu.memory_space<vmem>>[vector<16xi32>], vector<16xf32>,
      %convert_element_type3A_906 = arith.sitofp %div3A_890 : vector<16xi32> to vector<16xf32>
      %mul3A_907 = arith.constant 0.166666672 : f32
      %mul3A_908 = vector.broadcast %mul3A_907 : f32 to vector<16xf32>
      %mul3A_909 = arith.mulf %convert_element_type3A_906, %mul3A_908 : vector<16xf32>
      %convert_element_type3A_910 = arith.sitofp %sub3A_894 : vector<16xi32> to vector<16xf32>
      %mul3A_911 = arith.constant 0.166666672 : f32
      %mul3A_912 = vector.broadcast %mul3A_911 : f32 to vector<16xf32>
      %mul3A_913 = arith.mulf %convert_element_type3A_910, %mul3A_912 : vector<16xf32>
      %mul3A_914 = arith.mulf %gather3A_903, %mul3A_909 : vector<16xf32>
      %add3A_915 = arith.addf %gather3A_902, %mul3A_914 : vector<16xf32>
      %mul3A_916 = arith.constant 2.230000e+02 : f32
      %mul3A_917 = vector.broadcast %mul3A_916 : f32 to vector<16xf32>
      %mul3A_918 = arith.mulf %add3A_915, %mul3A_917 : vector<16xf32>
      %jit3A_919 = arith.constant 0.000000e+00 : f32
      %jit3A_920 = arith.constant 2.230000e+02 : f32
      %max3A_921 = vector.broadcast %jit3A_919 : f32 to vector<16xf32>
      %max3A_922 = arith.maximumf %max3A_921, %mul3A_918 : vector<16xf32>
      %min3A_923 = vector.broadcast %jit3A_920 : f32 to vector<16xf32>
      %min3A_924 = arith.minimumf %min3A_923, %max3A_922 : vector<16xf32>
      %mul3A_925 = arith.mulf %gather3A_905, %mul3A_913 : vector<16xf32>
      %add3A_926 = arith.addf %gather3A_904, %mul3A_925 : vector<16xf32>
      %mul3A_927 = arith.constant 2.230000e+02 : f32
      %mul3A_928 = vector.broadcast %mul3A_927 : f32 to vector<16xf32>
      %mul3A_929 = arith.mulf %add3A_926, %mul3A_928 : vector<16xf32>
      %jit3A_930 = arith.constant 0.000000e+00 : f32
      %jit3A_931 = arith.constant 2.230000e+02 : f32
      %max3A_932 = vector.broadcast %jit3A_930 : f32 to vector<16xf32>
      %max3A_933 = arith.maximumf %max3A_932, %mul3A_929 : vector<16xf32>
      %min3A_934 = vector.broadcast %jit3A_931 : f32 to vector<16xf32>
      %min3A_935 = arith.minimumf %min3A_934, %max3A_933 : vector<16xf32>
      %convert_element_type3A_936 = arith.fptosi %min3A_924 : vector<16xf32> to vector<16xi32>
      %min3A_937 = arith.constant 222 : i32
      %min3A_938 = vector.broadcast %min3A_937 : i32 to vector<16xi32>
      %min3A_939 = arith.minsi %convert_element_type3A_936, %min3A_938 : vector<16xi32>
      %convert_element_type3A_940 = arith.fptosi %min3A_935 : vector<16xf32> to vector<16xi32>
      %min3A_941 = arith.constant 222 : i32
      %min3A_942 = vector.broadcast %min3A_941 : i32 to vector<16xi32>
      %min3A_943 = arith.minsi %convert_element_type3A_940, %min3A_942 : vector<16xi32>
      %convert_element_type3A_944 = arith.sitofp %min3A_939 : vector<16xi32> to vector<16xf32>
      %sub3A_945 = arith.subf %min3A_924, %convert_element_type3A_944 : vector<16xf32>
      %convert_element_type3A_946 = arith.sitofp %min3A_943 : vector<16xi32> to vector<16xf32>
      %sub3A_947 = arith.subf %min3A_935, %convert_element_type3A_946 : vector<16xf32>
      %mul3A_948 = arith.constant 50176 : i32
      %mul3A_949 = vector.broadcast %mul3A_948 : i32 to vector<16xi32>
      %mul3A_950 = arith.muli %div3A_897, %mul3A_949 : vector<16xi32>
      %mul3A_951 = arith.constant 224 : i32
      %mul3A_952 = vector.broadcast %mul3A_951 : i32 to vector<16xi32>
      %mul3A_953 = arith.muli %min3A_943, %mul3A_952 : vector<16xi32>
      %add3A_954 = arith.addi %mul3A_950, %mul3A_953 : vector<16xi32>
      %add3A_955 = arith.addi %add3A_954, %min3A_939 : vector<16xi32>
      %swap3A_956 = arith.constant 1 : i32
      %swap3A_957 = arith.constant 0 : i32
      %swap3A_958 = arith.index_cast %swap3A_956 : i32 to index
      %swap3A_959 = arith.index_cast %swap3A_957 : i32 to index
      %swap3A_960 = arith.constant 32 : index
      %swap3A_961 = tpu.vector_load %arg12[%swap3A_958, %swap3A_959, %swap3A_960] {strides = array<i32>} : memref<2x4x64xi32, #tpu.memory_space<vmem>>, vector<16xi32>,
      tpu.vector_store %arg12[%swap3A_958, %swap3A_959, %swap3A_960], %add3A_955 {strides = array<i32>} : memref<2x4x64xi32, #tpu.memory_space<vmem>>, vector<16xi32>,
      %add3A_962 = arith.constant 1 : i32
      %add3A_963 = vector.broadcast %add3A_962 : i32 to vector<16xi32>
      %add3A_964 = arith.addi %add3A_955, %add3A_963 : vector<16xi32>
      %swap3A_965 = arith.constant 1 : i32
      %swap3A_966 = arith.constant 1 : i32
      %swap3A_967 = arith.index_cast %swap3A_965 : i32 to index
      %swap3A_968 = arith.index_cast %swap3A_966 : i32 to index
      %swap3A_969 = arith.constant 32 : index
      %swap3A_970 = tpu.vector_load %arg12[%swap3A_967, %swap3A_968, %swap3A_969] {strides = array<i32>} : memref<2x4x64xi32, #tpu.memory_space<vmem>>, vector<16xi32>,
      tpu.vector_store %arg12[%swap3A_967, %swap3A_968, %swap3A_969], %add3A_964 {strides = array<i32>} : memref<2x4x64xi32, #tpu.memory_space<vmem>>, vector<16xi32>,
      %add3A_971 = arith.constant 224 : i32
      %add3A_972 = vector.broadcast %add3A_971 : i32 to vector<16xi32>
      %add3A_973 = arith.addi %add3A_955, %add3A_972 : vector<16xi32>
      %swap3A_974 = arith.constant 1 : i32
      %swap3A_975 = arith.constant 2 : i32
      %swap3A_976 = arith.index_cast %swap3A_974 : i32 to index
      %swap3A_977 = arith.index_cast %swap3A_975 : i32 to index
      %swap3A_978 = arith.constant 32 : index
      %swap3A_979 = tpu.vector_load %arg12[%swap3A_976, %swap3A_977, %swap3A_978] {strides = array<i32>} : memref<2x4x64xi32, #tpu.memory_space<vmem>>, vector<16xi32>,
      tpu.vector_store %arg12[%swap3A_976, %swap3A_977, %swap3A_978], %add3A_973 {strides = array<i32>} : memref<2x4x64xi32, #tpu.memory_space<vmem>>, vector<16xi32>,
      %add3A_980 = arith.constant 224 : i32
      %add3A_981 = vector.broadcast %add3A_980 : i32 to vector<16xi32>
      %add3A_982 = arith.addi %add3A_955, %add3A_981 : vector<16xi32>
      %add3A_983 = arith.constant 1 : i32
      %add3A_984 = vector.broadcast %add3A_983 : i32 to vector<16xi32>
      %add3A_985 = arith.addi %add3A_982, %add3A_984 : vector<16xi32>
      %swap3A_986 = arith.constant 1 : i32
      %swap3A_987 = arith.constant 3 : i32
      %swap3A_988 = arith.index_cast %swap3A_986 : i32 to index
      %swap3A_989 = arith.index_cast %swap3A_987 : i32 to index
      %swap3A_990 = arith.constant 32 : index
      %swap3A_991 = tpu.vector_load %arg12[%swap3A_988, %swap3A_989, %swap3A_990] {strides = array<i32>} : memref<2x4x64xi32, #tpu.memory_space<vmem>>, vector<16xi32>,
      tpu.vector_store %arg12[%swap3A_988, %swap3A_989, %swap3A_990], %add3A_985 {strides = array<i32>} : memref<2x4x64xi32, #tpu.memory_space<vmem>>, vector<16xi32>,
      %swap3A_992 = arith.constant 1 : i32
      %swap3A_993 = arith.index_cast %swap3A_992 : i32 to index
      %swap3A_994 = arith.constant 32 : index
      %swap3A_995 = tpu.vector_load %arg13[%swap3A_993, %swap3A_994] {strides = array<i32>} : memref<2x80xf32, #tpu.memory_space<vmem>>, vector<16xf32>,
      tpu.vector_store %arg13[%swap3A_993, %swap3A_994], %sub3A_945 {strides = array<i32>} : memref<2x80xf32, #tpu.memory_space<vmem>>, vector<16xf32>,
      %swap3A_996 = arith.constant 1 : i32
      %swap3A_997 = arith.index_cast %swap3A_996 : i32 to index
      %swap3A_998 = arith.constant 32 : index
      %swap3A_999 = tpu.vector_load %arg14[%swap3A_997, %swap3A_998] {strides = array<i32>} : memref<2x80xf32, #tpu.memory_space<vmem>>, vector<16xf32>,
      tpu.vector_store %arg14[%swap3A_997, %swap3A_998], %sub3A_947 {strides = array<i32>} : memref<2x80xf32, #tpu.memory_space<vmem>>, vector<16xf32>,
      %add3A_1000 = arith.constant 48 : i32
      %add3A_1001 = arith.addi %add3A_627, %add3A_1000 : i32
      %iota3A_1002 = tpu.iota {dimensions = array<i32: 0>} : vector<16xi32>
      %add3A_1003 = vector.broadcast %add3A_1001 : i32 to vector<16xi32>
      %add3A_1004 = arith.addi %add3A_1003, %iota3A_1002 : vector<16xi32>
      %broadcast_in_dim3A_1005 = arith.constant 49 : i32
      %broadcast_in_dim3A_1006 = vector.broadcast %broadcast_in_dim3A_1005 : i32 to vector<16xi32>
      %div3A_1007 = arith.divsi %add3A_1004, %broadcast_in_dim3A_1006 : vector<16xi32>
      %mul3A_1008 = arith.constant 49 : i32
      %mul3A_1009 = vector.broadcast %mul3A_1008 : i32 to vector<16xi32>
      %mul3A_1010 = arith.muli %div3A_1007, %mul3A_1009 : vector<16xi32>
      %sub3A_1011 = arith.subi %add3A_1004, %mul3A_1010 : vector<16xi32>
      %broadcast_in_dim3A_1012 = arith.constant 7 : i32
      %broadcast_in_dim3A_1013 = vector.broadcast %broadcast_in_dim3A_1012 : i32 to vector<16xi32>
      %div3A_1014 = arith.divsi %sub3A_1011, %broadcast_in_dim3A_1013 : vector<16xi32>
      %mul3A_1015 = arith.constant 7 : i32
      %mul3A_1016 = vector.broadcast %mul3A_1015 : i32 to vector<16xi32>
      %mul3A_1017 = arith.muli %div3A_1014, %mul3A_1016 : vector<16xi32>
      %sub3A_1018 = arith.subi %sub3A_1011, %mul3A_1017 : vector<16xi32>
      %broadcast_in_dim3A_1019 = arith.constant 512 : i32
      %broadcast_in_dim3A_1020 = vector.broadcast %broadcast_in_dim3A_1019 : i32 to vector<16xi32>
      %div3A_1021 = arith.divsi %div3A_1007, %broadcast_in_dim3A_1020 : vector<16xi32>
      %mul3A_1022 = arith.constant 64 : i32
      %mul3A_1023 = arith.muli %add3A, %mul3A_1022 : i32
      %sub3A_1024 = vector.broadcast %mul3A_1023 : i32 to vector<16xi32>
      %sub3A_1025 = arith.subi %div3A_1007, %sub3A_1024 : vector<16xi32>
      %gather3A_1026 = tpu.vector_load_idx %arg8[%sub3A_1025] : memref<64xf32, #tpu.memory_space<vmem>>[vector<16xi32>], vector<16xf32>,
      %gather3A_1027 = tpu.vector_load_idx %arg9[%sub3A_1025] : memref<64xf32, #tpu.memory_space<vmem>>[vector<16xi32>], vector<16xf32>,
      %gather3A_1028 = tpu.vector_load_idx %arg10[%sub3A_1025] : memref<64xf32, #tpu.memory_space<vmem>>[vector<16xi32>], vector<16xf32>,
      %gather3A_1029 = tpu.vector_load_idx %arg11[%sub3A_1025] : memref<64xf32, #tpu.memory_space<vmem>>[vector<16xi32>], vector<16xf32>,
      %convert_element_type3A_1030 = arith.sitofp %div3A_1014 : vector<16xi32> to vector<16xf32>
      %mul3A_1031 = arith.constant 0.166666672 : f32
      %mul3A_1032 = vector.broadcast %mul3A_1031 : f32 to vector<16xf32>
      %mul3A_1033 = arith.mulf %convert_element_type3A_1030, %mul3A_1032 : vector<16xf32>
      %convert_element_type3A_1034 = arith.sitofp %sub3A_1018 : vector<16xi32> to vector<16xf32>
      %mul3A_1035 = arith.constant 0.166666672 : f32
      %mul3A_1036 = vector.broadcast %mul3A_1035 : f32 to vector<16xf32>
      %mul3A_1037 = arith.mulf %convert_element_type3A_1034, %mul3A_1036 : vector<16xf32>
      %mul3A_1038 = arith.mulf %gather3A_1027, %mul3A_1033 : vector<16xf32>
      %add3A_1039 = arith.addf %gather3A_1026, %mul3A_1038 : vector<16xf32>
      %mul3A_1040 = arith.constant 2.230000e+02 : f32
      %mul3A_1041 = vector.broadcast %mul3A_1040 : f32 to vector<16xf32>
      %mul3A_1042 = arith.mulf %add3A_1039, %mul3A_1041 : vector<16xf32>
      %jit3A_1043 = arith.constant 0.000000e+00 : f32
      %jit3A_1044 = arith.constant 2.230000e+02 : f32
      %max3A_1045 = vector.broadcast %jit3A_1043 : f32 to vector<16xf32>
      %max3A_1046 = arith.maximumf %max3A_1045, %mul3A_1042 : vector<16xf32>
      %min3A_1047 = vector.broadcast %jit3A_1044 : f32 to vector<16xf32>
      %min3A_1048 = arith.minimumf %min3A_1047, %max3A_1046 : vector<16xf32>
      %mul3A_1049 = arith.mulf %gather3A_1029, %mul3A_1037 : vector<16xf32>
      %add3A_1050 = arith.addf %gather3A_1028, %mul3A_1049 : vector<16xf32>
      %mul3A_1051 = arith.constant 2.230000e+02 : f32
      %mul3A_1052 = vector.broadcast %mul3A_1051 : f32 to vector<16xf32>
      %mul3A_1053 = arith.mulf %add3A_1050, %mul3A_1052 : vector<16xf32>
      %jit3A_1054 = arith.constant 0.000000e+00 : f32
      %jit3A_1055 = arith.constant 2.230000e+02 : f32
      %max3A_1056 = vector.broadcast %jit3A_1054 : f32 to vector<16xf32>
      %max3A_1057 = arith.maximumf %max3A_1056, %mul3A_1053 : vector<16xf32>
      %min3A_1058 = vector.broadcast %jit3A_1055 : f32 to vector<16xf32>
      %min3A_1059 = arith.minimumf %min3A_1058, %max3A_1057 : vector<16xf32>
      %convert_element_type3A_1060 = arith.fptosi %min3A_1048 : vector<16xf32> to vector<16xi32>
      %min3A_1061 = arith.constant 222 : i32
      %min3A_1062 = vector.broadcast %min3A_1061 : i32 to vector<16xi32>
      %min3A_1063 = arith.minsi %convert_element_type3A_1060, %min3A_1062 : vector<16xi32>
      %convert_element_type3A_1064 = arith.fptosi %min3A_1059 : vector<16xf32> to vector<16xi32>
      %min3A_1065 = arith.constant 222 : i32
      %min3A_1066 = vector.broadcast %min3A_1065 : i32 to vector<16xi32>
      %min3A_1067 = arith.minsi %convert_element_type3A_1064, %min3A_1066 : vector<16xi32>
      %convert_element_type3A_1068 = arith.sitofp %min3A_1063 : vector<16xi32> to vector<16xf32>
      %sub3A_1069 = arith.subf %min3A_1048, %convert_element_type3A_1068 : vector<16xf32>
      %convert_element_type3A_1070 = arith.sitofp %min3A_1067 : vector<16xi32> to vector<16xf32>
      %sub3A_1071 = arith.subf %min3A_1059, %convert_element_type3A_1070 : vector<16xf32>
      %mul3A_1072 = arith.constant 50176 : i32
      %mul3A_1073 = vector.broadcast %mul3A_1072 : i32 to vector<16xi32>
      %mul3A_1074 = arith.muli %div3A_1021, %mul3A_1073 : vector<16xi32>
      %mul3A_1075 = arith.constant 224 : i32
      %mul3A_1076 = vector.broadcast %mul3A_1075 : i32 to vector<16xi32>
      %mul3A_1077 = arith.muli %min3A_1067, %mul3A_1076 : vector<16xi32>
      %add3A_1078 = arith.addi %mul3A_1074, %mul3A_1077 : vector<16xi32>
      %add3A_1079 = arith.addi %add3A_1078, %min3A_1063 : vector<16xi32>
      %swap3A_1080 = arith.constant 1 : i32
      %swap3A_1081 = arith.constant 0 : i32
      %swap3A_1082 = arith.index_cast %swap3A_1080 : i32 to index
      %swap3A_1083 = arith.index_cast %swap3A_1081 : i32 to index
      %swap3A_1084 = arith.constant 48 : index
      %swap3A_1085 = tpu.vector_load %arg12[%swap3A_1082, %swap3A_1083, %swap3A_1084] {strides = array<i32>} : memref<2x4x64xi32, #tpu.memory_space<vmem>>, vector<16xi32>,
      tpu.vector_store %arg12[%swap3A_1082, %swap3A_1083, %swap3A_1084], %add3A_1079 {strides = array<i32>} : memref<2x4x64xi32, #tpu.memory_space<vmem>>, vector<16xi32>,
      %add3A_1086 = arith.constant 1 : i32
      %add3A_1087 = vector.broadcast %add3A_1086 : i32 to vector<16xi32>
      %add3A_1088 = arith.addi %add3A_1079, %add3A_1087 : vector<16xi32>
      %swap3A_1089 = arith.constant 1 : i32
      %swap3A_1090 = arith.constant 1 : i32
      %swap3A_1091 = arith.index_cast %swap3A_1089 : i32 to index
      %swap3A_1092 = arith.index_cast %swap3A_1090 : i32 to index
      %swap3A_1093 = arith.constant 48 : index
      %swap3A_1094 = tpu.vector_load %arg12[%swap3A_1091, %swap3A_1092, %swap3A_1093] {strides = array<i32>} : memref<2x4x64xi32, #tpu.memory_space<vmem>>, vector<16xi32>,
      tpu.vector_store %arg12[%swap3A_1091, %swap3A_1092, %swap3A_1093], %add3A_1088 {strides = array<i32>} : memref<2x4x64xi32, #tpu.memory_space<vmem>>, vector<16xi32>,
      %add3A_1095 = arith.constant 224 : i32
      %add3A_1096 = vector.broadcast %add3A_1095 : i32 to vector<16xi32>
      %add3A_1097 = arith.addi %add3A_1079, %add3A_1096 : vector<16xi32>
      %swap3A_1098 = arith.constant 1 : i32
      %swap3A_1099 = arith.constant 2 : i32
      %swap3A_1100 = arith.index_cast %swap3A_1098 : i32 to index
      %swap3A_1101 = arith.index_cast %swap3A_1099 : i32 to index
      %swap3A_1102 = arith.constant 48 : index
      %swap3A_1103 = tpu.vector_load %arg12[%swap3A_1100, %swap3A_1101, %swap3A_1102] {strides = array<i32>} : memref<2x4x64xi32, #tpu.memory_space<vmem>>, vector<16xi32>,
      tpu.vector_store %arg12[%swap3A_1100, %swap3A_1101, %swap3A_1102], %add3A_1097 {strides = array<i32>} : memref<2x4x64xi32, #tpu.memory_space<vmem>>, vector<16xi32>,
      %add3A_1104 = arith.constant 224 : i32
      %add3A_1105 = vector.broadcast %add3A_1104 : i32 to vector<16xi32>
      %add3A_1106 = arith.addi %add3A_1079, %add3A_1105 : vector<16xi32>
      %add3A_1107 = arith.constant 1 : i32
      %add3A_1108 = vector.broadcast %add3A_1107 : i32 to vector<16xi32>
      %add3A_1109 = arith.addi %add3A_1106, %add3A_1108 : vector<16xi32>
      %swap3A_1110 = arith.constant 1 : i32
      %swap3A_1111 = arith.constant 3 : i32
      %swap3A_1112 = arith.index_cast %swap3A_1110 : i32 to index
      %swap3A_1113 = arith.index_cast %swap3A_1111 : i32 to index
      %swap3A_1114 = arith.constant 48 : index
      %swap3A_1115 = tpu.vector_load %arg12[%swap3A_1112, %swap3A_1113, %swap3A_1114] {strides = array<i32>} : memref<2x4x64xi32, #tpu.memory_space<vmem>>, vector<16xi32>,
      tpu.vector_store %arg12[%swap3A_1112, %swap3A_1113, %swap3A_1114], %add3A_1109 {strides = array<i32>} : memref<2x4x64xi32, #tpu.memory_space<vmem>>, vector<16xi32>,
      %swap3A_1116 = arith.constant 1 : i32
      %swap3A_1117 = arith.index_cast %swap3A_1116 : i32 to index
      %swap3A_1118 = arith.constant 48 : index
      %swap3A_1119 = tpu.vector_load %arg13[%swap3A_1117, %swap3A_1118] {strides = array<i32>} : memref<2x80xf32, #tpu.memory_space<vmem>>, vector<16xf32>,
      tpu.vector_store %arg13[%swap3A_1117, %swap3A_1118], %sub3A_1069 {strides = array<i32>} : memref<2x80xf32, #tpu.memory_space<vmem>>, vector<16xf32>,
      %swap3A_1120 = arith.constant 1 : i32
      %swap3A_1121 = arith.index_cast %swap3A_1120 : i32 to index
      %swap3A_1122 = arith.constant 48 : index
      %swap3A_1123 = tpu.vector_load %arg14[%swap3A_1121, %swap3A_1122] {strides = array<i32>} : memref<2x80xf32, #tpu.memory_space<vmem>>, vector<16xf32>,
      tpu.vector_store %arg14[%swap3A_1121, %swap3A_1122], %sub3A_1071 {strides = array<i32>} : memref<2x80xf32, #tpu.memory_space<vmem>>, vector<16xf32>,
      %dma_start3A_1124 = arith.constant 1 : i32
      %dma_start3A_1125 = arith.constant 0 : i32
      %dma_start3A_1126 = arith.constant 1 : i32
      %dma_start3A_1127 = arith.constant 0 : i32
      %dma_start3A_1128 = arith.constant 0 : i32
      %dma_start3A_1129 = arith.constant 0 : i32
      %dma_start3A_1130 = tpu.memref_slice %arg15[%dma_start3A_1126, %dma_start3A_1127, %dma_start3A_1128, %dma_start3A_1129] : memref<2x4x64x128xf32, #tpu.memory_space<vmem>> -> memref<1x1x64x128xf32, #tpu.memory_space<vmem>>
      %dma_start3A_1131 = tpu.memref_squeeze %dma_start3A_1130 : memref<1x1x64x128xf32, #tpu.memory_space<vmem>> -> memref<64x128xf32, #tpu.memory_space<vmem>>
      %dma_start3A_1132 = arith.constant 0 : i32
      %dma_start3A_1133 = tpu.memref_slice %arg12[%dma_start3A_1124, %dma_start3A_1125, %dma_start3A_1132] : memref<2x4x64xi32, #tpu.memory_space<vmem>> -> memref<1x1x64xi32, #tpu.memory_space<vmem>>
      %dma_start3A_1134 = tpu.memref_squeeze %dma_start3A_1133 : memref<1x1x64xi32, #tpu.memory_space<vmem>> -> memref<64xi32, #tpu.memory_space<vmem>>
      %dma_start3A_1135 = arith.constant 0 : i32
      %dma_start3A_1136 = arith.constant 0 : i32
      %dma_start3A_1137 = tpu.memref_slice %arg2[%dma_start3A_1135, %dma_start3A_1136] : memref<200704x128xf32, #tpu.memory_space<hbm>> -> memref<200704x128xf32, #tpu.memory_space<hbm>>
      tpu.enqueue_indirect_dma source(%dma_start3A_1137 : memref<200704x128xf32, #tpu.memory_space<hbm>>) target(%dma_start3A_1131 : memref<64x128xf32, #tpu.memory_space<vmem>>) offsets(%dma_start3A_1134 : memref<64xi32, #tpu.memory_space<vmem>>) semaphore(%arg18 : memref<!tpu.dma_semaphore, #tpu.memory_space<semaphore_mem>>)
      %dma_start3A_1138 = arith.constant 1 : i32
      %dma_start3A_1139 = arith.constant 1 : i32
      %dma_start3A_1140 = arith.constant 1 : i32
      %dma_start3A_1141 = arith.constant 1 : i32
      %dma_start3A_1142 = arith.constant 0 : i32
      %dma_start3A_1143 = arith.constant 0 : i32
      %dma_start3A_1144 = tpu.memref_slice %arg15[%dma_start3A_1140, %dma_start3A_1141, %dma_start3A_1142, %dma_start3A_1143] : memref<2x4x64x128xf32, #tpu.memory_space<vmem>> -> memref<1x1x64x128xf32, #tpu.memory_space<vmem>>
      %dma_start3A_1145 = tpu.memref_squeeze %dma_start3A_1144 : memref<1x1x64x128xf32, #tpu.memory_space<vmem>> -> memref<64x128xf32, #tpu.memory_space<vmem>>
      %dma_start3A_1146 = arith.constant 0 : i32
      %dma_start3A_1147 = tpu.memref_slice %arg12[%dma_start3A_1138, %dma_start3A_1139, %dma_start3A_1146] : memref<2x4x64xi32, #tpu.memory_space<vmem>> -> memref<1x1x64xi32, #tpu.memory_space<vmem>>
      %dma_start3A_1148 = tpu.memref_squeeze %dma_start3A_1147 : memref<1x1x64xi32, #tpu.memory_space<vmem>> -> memref<64xi32, #tpu.memory_space<vmem>>
      %dma_start3A_1149 = arith.constant 0 : i32
      %dma_start3A_1150 = arith.constant 0 : i32
      %dma_start3A_1151 = tpu.memref_slice %arg2[%dma_start3A_1149, %dma_start3A_1150] : memref<200704x128xf32, #tpu.memory_space<hbm>> -> memref<200704x128xf32, #tpu.memory_space<hbm>>
      tpu.enqueue_indirect_dma source(%dma_start3A_1151 : memref<200704x128xf32, #tpu.memory_space<hbm>>) target(%dma_start3A_1145 : memref<64x128xf32, #tpu.memory_space<vmem>>) offsets(%dma_start3A_1148 : memref<64xi32, #tpu.memory_space<vmem>>) semaphore(%arg18 : memref<!tpu.dma_semaphore, #tpu.memory_space<semaphore_mem>>)
      %dma_start3A_1152 = arith.constant 1 : i32
      %dma_start3A_1153 = arith.constant 2 : i32
      %dma_start3A_1154 = arith.constant 1 : i32
      %dma_start3A_1155 = arith.constant 2 : i32
      %dma_start3A_1156 = arith.constant 0 : i32
      %dma_start3A_1157 = arith.constant 0 : i32
      %dma_start3A_1158 = tpu.memref_slice %arg15[%dma_start3A_1154, %dma_start3A_1155, %dma_start3A_1156, %dma_start3A_1157] : memref<2x4x64x128xf32, #tpu.memory_space<vmem>> -> memref<1x1x64x128xf32, #tpu.memory_space<vmem>>
      %dma_start3A_1159 = tpu.memref_squeeze %dma_start3A_1158 : memref<1x1x64x128xf32, #tpu.memory_space<vmem>> -> memref<64x128xf32, #tpu.memory_space<vmem>>
      %dma_start3A_1160 = arith.constant 0 : i32
      %dma_start3A_1161 = tpu.memref_slice %arg12[%dma_start3A_1152, %dma_start3A_1153, %dma_start3A_1160] : memref<2x4x64xi32, #tpu.memory_space<vmem>> -> memref<1x1x64xi32, #tpu.memory_space<vmem>>
      %dma_start3A_1162 = tpu.memref_squeeze %dma_start3A_1161 : memref<1x1x64xi32, #tpu.memory_space<vmem>> -> memref<64xi32, #tpu.memory_space<vmem>>
      %dma_start3A_1163 = arith.constant 0 : i32
      %dma_start3A_1164 = arith.constant 0 : i32
      %dma_start3A_1165 = tpu.memref_slice %arg2[%dma_start3A_1163, %dma_start3A_1164] : memref<200704x128xf32, #tpu.memory_space<hbm>> -> memref<200704x128xf32, #tpu.memory_space<hbm>>
      tpu.enqueue_indirect_dma source(%dma_start3A_1165 : memref<200704x128xf32, #tpu.memory_space<hbm>>) target(%dma_start3A_1159 : memref<64x128xf32, #tpu.memory_space<vmem>>) offsets(%dma_start3A_1162 : memref<64xi32, #tpu.memory_space<vmem>>) semaphore(%arg18 : memref<!tpu.dma_semaphore, #tpu.memory_space<semaphore_mem>>)
      %dma_start3A_1166 = arith.constant 1 : i32
      %dma_start3A_1167 = arith.constant 3 : i32
      %dma_start3A_1168 = arith.constant 1 : i32
      %dma_start3A_1169 = arith.constant 3 : i32
      %dma_start3A_1170 = arith.constant 0 : i32
      %dma_start3A_1171 = arith.constant 0 : i32
      %dma_start3A_1172 = tpu.memref_slice %arg15[%dma_start3A_1168, %dma_start3A_1169, %dma_start3A_1170, %dma_start3A_1171] : memref<2x4x64x128xf32, #tpu.memory_space<vmem>> -> memref<1x1x64x128xf32, #tpu.memory_space<vmem>>
      %dma_start3A_1173 = tpu.memref_squeeze %dma_start3A_1172 : memref<1x1x64x128xf32, #tpu.memory_space<vmem>> -> memref<64x128xf32, #tpu.memory_space<vmem>>
      %dma_start3A_1174 = arith.constant 0 : i32
      %dma_start3A_1175 = tpu.memref_slice %arg12[%dma_start3A_1166, %dma_start3A_1167, %dma_start3A_1174] : memref<2x4x64xi32, #tpu.memory_space<vmem>> -> memref<1x1x64xi32, #tpu.memory_space<vmem>>
      %dma_start3A_1176 = tpu.memref_squeeze %dma_start3A_1175 : memref<1x1x64xi32, #tpu.memory_space<vmem>> -> memref<64xi32, #tpu.memory_space<vmem>>
      %dma_start3A_1177 = arith.constant 0 : i32
      %dma_start3A_1178 = arith.constant 0 : i32
      %dma_start3A_1179 = tpu.memref_slice %arg2[%dma_start3A_1177, %dma_start3A_1178] : memref<200704x128xf32, #tpu.memory_space<hbm>> -> memref<200704x128xf32, #tpu.memory_space<hbm>>
      tpu.enqueue_indirect_dma source(%dma_start3A_1179 : memref<200704x128xf32, #tpu.memory_space<hbm>>) target(%dma_start3A_1173 : memref<64x128xf32, #tpu.memory_space<vmem>>) offsets(%dma_start3A_1176 : memref<64xi32, #tpu.memory_space<vmem>>) semaphore(%arg18 : memref<!tpu.dma_semaphore, #tpu.memory_space<semaphore_mem>>)
      %dma_wait3A_1180 = arith.constant 0 : i32
      %dma_wait3A_1181 = arith.constant 0 : i32
      %dma_wait3A_1182 = arith.constant 0 : i32
      %dma_wait3A_1183 = arith.constant 0 : i32
      %dma_wait3A_1184 = arith.constant 0 : i32
      %dma_wait3A_1185 = arith.constant 0 : i32
      %dma_wait3A_1186 = tpu.memref_slice %arg15[%dma_wait3A_1182, %dma_wait3A_1183, %dma_wait3A_1184, %dma_wait3A_1185] : memref<2x4x64x128xf32, #tpu.memory_space<vmem>> -> memref<1x1x64x128xf32, #tpu.memory_space<vmem>>
      %dma_wait3A_1187 = tpu.memref_squeeze %dma_wait3A_1186 : memref<1x1x64x128xf32, #tpu.memory_space<vmem>> -> memref<64x128xf32, #tpu.memory_space<vmem>>
      %dma_wait3A_1188 = arith.constant 0 : i32
      %dma_wait3A_1189 = tpu.memref_slice %arg12[%dma_wait3A_1180, %dma_wait3A_1181, %dma_wait3A_1188] : memref<2x4x64xi32, #tpu.memory_space<vmem>> -> memref<1x1x64xi32, #tpu.memory_space<vmem>>
      %dma_wait3A_1190 = tpu.memref_squeeze %dma_wait3A_1189 : memref<1x1x64xi32, #tpu.memory_space<vmem>> -> memref<64xi32, #tpu.memory_space<vmem>>
      %dma_wait3A_1191 = arith.constant 0 : i32
      %dma_wait3A_1192 = arith.constant 0 : i32
      %dma_wait3A_1193 = tpu.memref_slice %arg2[%dma_wait3A_1191, %dma_wait3A_1192] : memref<200704x128xf32, #tpu.memory_space<hbm>> -> memref<200704x128xf32, #tpu.memory_space<hbm>>
      tpu.wait_indirect_dma semaphore(%arg17 : memref<!tpu.dma_semaphore, #tpu.memory_space<semaphore_mem>>) src(%dma_wait3A_1193 : memref<200704x128xf32, #tpu.memory_space<hbm>>) dst(%dma_wait3A_1187 : memref<64x128xf32, #tpu.memory_space<vmem>>)
      %dma_wait3A_1194 = arith.constant 0 : i32
      %dma_wait3A_1195 = arith.constant 1 : i32
      %dma_wait3A_1196 = arith.constant 0 : i32
      %dma_wait3A_1197 = arith.constant 1 : i32
      %dma_wait3A_1198 = arith.constant 0 : i32
      %dma_wait3A_1199 = arith.constant 0 : i32
      %dma_wait3A_1200 = tpu.memref_slice %arg15[%dma_wait3A_1196, %dma_wait3A_1197, %dma_wait3A_1198, %dma_wait3A_1199] : memref<2x4x64x128xf32, #tpu.memory_space<vmem>> -> memref<1x1x64x128xf32, #tpu.memory_space<vmem>>
      %dma_wait3A_1201 = tpu.memref_squeeze %dma_wait3A_1200 : memref<1x1x64x128xf32, #tpu.memory_space<vmem>> -> memref<64x128xf32, #tpu.memory_space<vmem>>
      %dma_wait3A_1202 = arith.constant 0 : i32
      %dma_wait3A_1203 = tpu.memref_slice %arg12[%dma_wait3A_1194, %dma_wait3A_1195, %dma_wait3A_1202] : memref<2x4x64xi32, #tpu.memory_space<vmem>> -> memref<1x1x64xi32, #tpu.memory_space<vmem>>
      %dma_wait3A_1204 = tpu.memref_squeeze %dma_wait3A_1203 : memref<1x1x64xi32, #tpu.memory_space<vmem>> -> memref<64xi32, #tpu.memory_space<vmem>>
      %dma_wait3A_1205 = arith.constant 0 : i32
      %dma_wait3A_1206 = arith.constant 0 : i32
      %dma_wait3A_1207 = tpu.memref_slice %arg2[%dma_wait3A_1205, %dma_wait3A_1206] : memref<200704x128xf32, #tpu.memory_space<hbm>> -> memref<200704x128xf32, #tpu.memory_space<hbm>>
      tpu.wait_indirect_dma semaphore(%arg17 : memref<!tpu.dma_semaphore, #tpu.memory_space<semaphore_mem>>) src(%dma_wait3A_1207 : memref<200704x128xf32, #tpu.memory_space<hbm>>) dst(%dma_wait3A_1201 : memref<64x128xf32, #tpu.memory_space<vmem>>)
      %dma_wait3A_1208 = arith.constant 0 : i32
      %dma_wait3A_1209 = arith.constant 2 : i32
      %dma_wait3A_1210 = arith.constant 0 : i32
      %dma_wait3A_1211 = arith.constant 2 : i32
      %dma_wait3A_1212 = arith.constant 0 : i32
      %dma_wait3A_1213 = arith.constant 0 : i32
      %dma_wait3A_1214 = tpu.memref_slice %arg15[%dma_wait3A_1210, %dma_wait3A_1211, %dma_wait3A_1212, %dma_wait3A_1213] : memref<2x4x64x128xf32, #tpu.memory_space<vmem>> -> memref<1x1x64x128xf32, #tpu.memory_space<vmem>>
      %dma_wait3A_1215 = tpu.memref_squeeze %dma_wait3A_1214 : memref<1x1x64x128xf32, #tpu.memory_space<vmem>> -> memref<64x128xf32, #tpu.memory_space<vmem>>
      %dma_wait3A_1216 = arith.constant 0 : i32
      %dma_wait3A_1217 = tpu.memref_slice %arg12[%dma_wait3A_1208, %dma_wait3A_1209, %dma_wait3A_1216] : memref<2x4x64xi32, #tpu.memory_space<vmem>> -> memref<1x1x64xi32, #tpu.memory_space<vmem>>
      %dma_wait3A_1218 = tpu.memref_squeeze %dma_wait3A_1217 : memref<1x1x64xi32, #tpu.memory_space<vmem>> -> memref<64xi32, #tpu.memory_space<vmem>>
      %dma_wait3A_1219 = arith.constant 0 : i32
      %dma_wait3A_1220 = arith.constant 0 : i32
      %dma_wait3A_1221 = tpu.memref_slice %arg2[%dma_wait3A_1219, %dma_wait3A_1220] : memref<200704x128xf32, #tpu.memory_space<hbm>> -> memref<200704x128xf32, #tpu.memory_space<hbm>>
      tpu.wait_indirect_dma semaphore(%arg17 : memref<!tpu.dma_semaphore, #tpu.memory_space<semaphore_mem>>) src(%dma_wait3A_1221 : memref<200704x128xf32, #tpu.memory_space<hbm>>) dst(%dma_wait3A_1215 : memref<64x128xf32, #tpu.memory_space<vmem>>)
      %dma_wait3A_1222 = arith.constant 0 : i32
      %dma_wait3A_1223 = arith.constant 3 : i32
      %dma_wait3A_1224 = arith.constant 0 : i32
      %dma_wait3A_1225 = arith.constant 3 : i32
      %dma_wait3A_1226 = arith.constant 0 : i32
      %dma_wait3A_1227 = arith.constant 0 : i32
      %dma_wait3A_1228 = tpu.memref_slice %arg15[%dma_wait3A_1224, %dma_wait3A_1225, %dma_wait3A_1226, %dma_wait3A_1227] : memref<2x4x64x128xf32, #tpu.memory_space<vmem>> -> memref<1x1x64x128xf32, #tpu.memory_space<vmem>>
      %dma_wait3A_1229 = tpu.memref_squeeze %dma_wait3A_1228 : memref<1x1x64x128xf32, #tpu.memory_space<vmem>> -> memref<64x128xf32, #tpu.memory_space<vmem>>
      %dma_wait3A_1230 = arith.constant 0 : i32
      %dma_wait3A_1231 = tpu.memref_slice %arg12[%dma_wait3A_1222, %dma_wait3A_1223, %dma_wait3A_1230] : memref<2x4x64xi32, #tpu.memory_space<vmem>> -> memref<1x1x64xi32, #tpu.memory_space<vmem>>
      %dma_wait3A_1232 = tpu.memref_squeeze %dma_wait3A_1231 : memref<1x1x64xi32, #tpu.memory_space<vmem>> -> memref<64xi32, #tpu.memory_space<vmem>>
      %dma_wait3A_1233 = arith.constant 0 : i32
      %dma_wait3A_1234 = arith.constant 0 : i32
      %dma_wait3A_1235 = tpu.memref_slice %arg2[%dma_wait3A_1233, %dma_wait3A_1234] : memref<200704x128xf32, #tpu.memory_space<hbm>> -> memref<200704x128xf32, #tpu.memory_space<hbm>>
      tpu.wait_indirect_dma semaphore(%arg17 : memref<!tpu.dma_semaphore, #tpu.memory_space<semaphore_mem>>) src(%dma_wait3A_1235 : memref<200704x128xf32, #tpu.memory_space<hbm>>) dst(%dma_wait3A_1229 : memref<64x128xf32, #tpu.memory_space<vmem>>)
      %mul3A_1236 = arith.constant 3136 : i32
      %mul3A_1237 = arith.muli %add3A, %mul3A_1236 : i32
      %mul3A_1238 = arith.constant 64 : i32
      %mul3A_1239 = arith.muli %mul3A_620, %mul3A_1238 : i32
      %add3A_1240 = arith.addi %mul3A_1237, %mul3A_1239 : i32
      %scan3A_1241 = arith.constant 0 : i32
      %scan3A_1242 = arith.constant 0 : i32
      %scan3A_1243 = arith.constant 64 : i32
      %scan3A_1244 = arith.addi %scan3A_1242, %scan3A_1243 : i32
      %scan3A_1245 = arith.constant 1 : i32
      scf.for %scan3A_1877 = %scan3A_1242 to %scan3A_1244 step %scan3A_1245  : i32 {
        %get3A = arith.constant 0 : i32
        %get3A_1878 = arith.index_cast %get3A : i32 to index
        %get3A_1879 = arith.index_cast %scan3A_1877 : i32 to index
        %get3A_1880 = tpu.vector_load %arg13[%get3A_1878, %get3A_1879] {strides = array<i32>} : memref<2x80xf32, #tpu.memory_space<vmem>>, vector<16xf32>,
        %slice3A = vector.extract_strided_slice %get3A_1880 {offsets = [0], sizes = [1], strides = [1]} : vector<16xf32> to vector<1xf32>
        %squeeze3A = vector.extract %slice3A[0] : f32 from vector<1xf32>
        %get3A_1881 = arith.constant 0 : i32
        %get3A_1882 = arith.index_cast %get3A_1881 : i32 to index
        %get3A_1883 = arith.index_cast %scan3A_1877 : i32 to index
        %get3A_1884 = tpu.vector_load %arg14[%get3A_1882, %get3A_1883] {strides = array<i32>} : memref<2x80xf32, #tpu.memory_space<vmem>>, vector<16xf32>,
        %slice3A_1885 = vector.extract_strided_slice %get3A_1884 {offsets = [0], sizes = [1], strides = [1]} : vector<16xf32> to vector<1xf32>
        %squeeze3A_1886 = vector.extract %slice3A_1885[0] : f32 from vector<1xf32>
        %get3A_1887 = arith.constant 0 : i32
        %get3A_1888 = arith.constant 0 : i32
        %get3A_1889 = arith.index_cast %get3A_1887 : i32 to index
        %get3A_1890 = arith.index_cast %get3A_1888 : i32 to index
        %get3A_1891 = arith.index_cast %scan3A_1877 : i32 to index
        %get3A_1892 = arith.constant 0 : index
        %get3A_1893 = tpu.vector_load %arg15[%get3A_1889, %get3A_1890, %get3A_1891, %get3A_1892] {strides = array<i32>} : memref<2x4x64x128xf32, #tpu.memory_space<vmem>>, vector<16xf32>,
        %get3A_1894 = arith.constant 0 : i32
        %get3A_1895 = arith.constant 1 : i32
        %get3A_1896 = arith.index_cast %get3A_1894 : i32 to index
        %get3A_1897 = arith.index_cast %get3A_1895 : i32 to index
        %get3A_1898 = arith.index_cast %scan3A_1877 : i32 to index
        %get3A_1899 = arith.constant 0 : index
        %get3A_1900 = tpu.vector_load %arg15[%get3A_1896, %get3A_1897, %get3A_1898, %get3A_1899] {strides = array<i32>} : memref<2x4x64x128xf32, #tpu.memory_space<vmem>>, vector<16xf32>,
        %get3A_1901 = arith.constant 0 : i32
        %get3A_1902 = arith.constant 2 : i32
        %get3A_1903 = arith.index_cast %get3A_1901 : i32 to index
        %get3A_1904 = arith.index_cast %get3A_1902 : i32 to index
        %get3A_1905 = arith.index_cast %scan3A_1877 : i32 to index
        %get3A_1906 = arith.constant 0 : index
        %get3A_1907 = tpu.vector_load %arg15[%get3A_1903, %get3A_1904, %get3A_1905, %get3A_1906] {strides = array<i32>} : memref<2x4x64x128xf32, #tpu.memory_space<vmem>>, vector<16xf32>,
        %get3A_1908 = arith.constant 0 : i32
        %get3A_1909 = arith.constant 3 : i32
        %get3A_1910 = arith.index_cast %get3A_1908 : i32 to index
        %get3A_1911 = arith.index_cast %get3A_1909 : i32 to index
        %get3A_1912 = arith.index_cast %scan3A_1877 : i32 to index
        %get3A_1913 = arith.constant 0 : index
        %get3A_1914 = tpu.vector_load %arg15[%get3A_1910, %get3A_1911, %get3A_1912, %get3A_1913] {strides = array<i32>} : memref<2x4x64x128xf32, #tpu.memory_space<vmem>>, vector<16xf32>,
        %sub3A_1915 = arith.subf %get3A_1900, %get3A_1893 : vector<16xf32>
        %mul3A_1916 = vector.broadcast %squeeze3A : f32 to vector<16xf32>
        %mul3A_1917 = arith.mulf %sub3A_1915, %mul3A_1916 : vector<16xf32>
        %add3A_1918 = arith.addf %get3A_1893, %mul3A_1917 : vector<16xf32>
        %sub3A_1919 = arith.subf %get3A_1914, %get3A_1907 : vector<16xf32>
        %mul3A_1920 = vector.broadcast %squeeze3A : f32 to vector<16xf32>
        %mul3A_1921 = arith.mulf %sub3A_1919, %mul3A_1920 : vector<16xf32>
        %add3A_1922 = arith.addf %get3A_1907, %mul3A_1921 : vector<16xf32>
        %sub3A_1923 = arith.subf %add3A_1922, %add3A_1918 : vector<16xf32>
        %mul3A_1924 = vector.broadcast %squeeze3A_1886 : f32 to vector<16xf32>
        %mul3A_1925 = arith.mulf %sub3A_1923, %mul3A_1924 : vector<16xf32>
        %add3A_1926 = arith.addf %add3A_1918, %mul3A_1925 : vector<16xf32>
        %swap3A_1927 = arith.constant 0 : i32
        %swap3A_1928 = arith.index_cast %swap3A_1927 : i32 to index
        %swap3A_1929 = arith.index_cast %scan3A_1877 : i32 to index
        %swap3A_1930 = arith.constant 0 : index
        %swap3A_1931 = tpu.vector_load %arg16[%swap3A_1928, %swap3A_1929, %swap3A_1930] {strides = array<i32>} : memref<2x64x96xf32, #tpu.memory_space<vmem>>, vector<16xf32>,
        tpu.vector_store %arg16[%swap3A_1928, %swap3A_1929, %swap3A_1930], %add3A_1926 {strides = array<i32>} : memref<2x64x96xf32, #tpu.memory_space<vmem>>, vector<16xf32>,
        %get3A_1932 = arith.constant 0 : i32
        %get3A_1933 = arith.constant 0 : i32
        %get3A_1934 = arith.index_cast %get3A_1932 : i32 to index
        %get3A_1935 = arith.index_cast %get3A_1933 : i32 to index
        %get3A_1936 = arith.index_cast %scan3A_1877 : i32 to index
        %get3A_1937 = arith.constant 16 : index
        %get3A_1938 = tpu.vector_load %arg15[%get3A_1934, %get3A_1935, %get3A_1936, %get3A_1937] {strides = array<i32>} : memref<2x4x64x128xf32, #tpu.memory_space<vmem>>, vector<16xf32>,
        %get3A_1939 = arith.constant 0 : i32
        %get3A_1940 = arith.constant 1 : i32
        %get3A_1941 = arith.index_cast %get3A_1939 : i32 to index
        %get3A_1942 = arith.index_cast %get3A_1940 : i32 to index
        %get3A_1943 = arith.index_cast %scan3A_1877 : i32 to index
        %get3A_1944 = arith.constant 16 : index
        %get3A_1945 = tpu.vector_load %arg15[%get3A_1941, %get3A_1942, %get3A_1943, %get3A_1944] {strides = array<i32>} : memref<2x4x64x128xf32, #tpu.memory_space<vmem>>, vector<16xf32>,
        %get3A_1946 = arith.constant 0 : i32
        %get3A_1947 = arith.constant 2 : i32
        %get3A_1948 = arith.index_cast %get3A_1946 : i32 to index
        %get3A_1949 = arith.index_cast %get3A_1947 : i32 to index
        %get3A_1950 = arith.index_cast %scan3A_1877 : i32 to index
        %get3A_1951 = arith.constant 16 : index
        %get3A_1952 = tpu.vector_load %arg15[%get3A_1948, %get3A_1949, %get3A_1950, %get3A_1951] {strides = array<i32>} : memref<2x4x64x128xf32, #tpu.memory_space<vmem>>, vector<16xf32>,
        %get3A_1953 = arith.constant 0 : i32
        %get3A_1954 = arith.constant 3 : i32
        %get3A_1955 = arith.index_cast %get3A_1953 : i32 to index
        %get3A_1956 = arith.index_cast %get3A_1954 : i32 to index
        %get3A_1957 = arith.index_cast %scan3A_1877 : i32 to index
        %get3A_1958 = arith.constant 16 : index
        %get3A_1959 = tpu.vector_load %arg15[%get3A_1955, %get3A_1956, %get3A_1957, %get3A_1958] {strides = array<i32>} : memref<2x4x64x128xf32, #tpu.memory_space<vmem>>, vector<16xf32>,
        %sub3A_1960 = arith.subf %get3A_1945, %get3A_1938 : vector<16xf32>
        %mul3A_1961 = vector.broadcast %squeeze3A : f32 to vector<16xf32>
        %mul3A_1962 = arith.mulf %sub3A_1960, %mul3A_1961 : vector<16xf32>
        %add3A_1963 = arith.addf %get3A_1938, %mul3A_1962 : vector<16xf32>
        %sub3A_1964 = arith.subf %get3A_1959, %get3A_1952 : vector<16xf32>
        %mul3A_1965 = vector.broadcast %squeeze3A : f32 to vector<16xf32>
        %mul3A_1966 = arith.mulf %sub3A_1964, %mul3A_1965 : vector<16xf32>
        %add3A_1967 = arith.addf %get3A_1952, %mul3A_1966 : vector<16xf32>
        %sub3A_1968 = arith.subf %add3A_1967, %add3A_1963 : vector<16xf32>
        %mul3A_1969 = vector.broadcast %squeeze3A_1886 : f32 to vector<16xf32>
        %mul3A_1970 = arith.mulf %sub3A_1968, %mul3A_1969 : vector<16xf32>
        %add3A_1971 = arith.addf %add3A_1963, %mul3A_1970 : vector<16xf32>
        %swap3A_1972 = arith.constant 0 : i32
        %swap3A_1973 = arith.index_cast %swap3A_1972 : i32 to index
        %swap3A_1974 = arith.index_cast %scan3A_1877 : i32 to index
        %swap3A_1975 = arith.constant 16 : index
        %swap3A_1976 = tpu.vector_load %arg16[%swap3A_1973, %swap3A_1974, %swap3A_1975] {strides = array<i32>} : memref<2x64x96xf32, #tpu.memory_space<vmem>>, vector<16xf32>,
        tpu.vector_store %arg16[%swap3A_1973, %swap3A_1974, %swap3A_1975], %add3A_1971 {strides = array<i32>} : memref<2x64x96xf32, #tpu.memory_space<vmem>>, vector<16xf32>,
        %get3A_1977 = arith.constant 0 : i32
        %get3A_1978 = arith.constant 0 : i32
        %get3A_1979 = arith.index_cast %get3A_1977 : i32 to index
        %get3A_1980 = arith.index_cast %get3A_1978 : i32 to index
        %get3A_1981 = arith.index_cast %scan3A_1877 : i32 to index
        %get3A_1982 = arith.constant 32 : index
        %get3A_1983 = tpu.vector_load %arg15[%get3A_1979, %get3A_1980, %get3A_1981, %get3A_1982] {strides = array<i32>} : memref<2x4x64x128xf32, #tpu.memory_space<vmem>>, vector<16xf32>,
        %get3A_1984 = arith.constant 0 : i32
        %get3A_1985 = arith.constant 1 : i32
        %get3A_1986 = arith.index_cast %get3A_1984 : i32 to index
        %get3A_1987 = arith.index_cast %get3A_1985 : i32 to index
        %get3A_1988 = arith.index_cast %scan3A_1877 : i32 to index
        %get3A_1989 = arith.constant 32 : index
        %get3A_1990 = tpu.vector_load %arg15[%get3A_1986, %get3A_1987, %get3A_1988, %get3A_1989] {strides = array<i32>} : memref<2x4x64x128xf32, #tpu.memory_space<vmem>>, vector<16xf32>,
        %get3A_1991 = arith.constant 0 : i32
        %get3A_1992 = arith.constant 2 : i32
        %get3A_1993 = arith.index_cast %get3A_1991 : i32 to index
        %get3A_1994 = arith.index_cast %get3A_1992 : i32 to index
        %get3A_1995 = arith.index_cast %scan3A_1877 : i32 to index
        %get3A_1996 = arith.constant 32 : index
        %get3A_1997 = tpu.vector_load %arg15[%get3A_1993, %get3A_1994, %get3A_1995, %get3A_1996] {strides = array<i32>} : memref<2x4x64x128xf32, #tpu.memory_space<vmem>>, vector<16xf32>,
        %get3A_1998 = arith.constant 0 : i32
        %get3A_1999 = arith.constant 3 : i32
        %get3A_2000 = arith.index_cast %get3A_1998 : i32 to index
        %get3A_2001 = arith.index_cast %get3A_1999 : i32 to index
        %get3A_2002 = arith.index_cast %scan3A_1877 : i32 to index
        %get3A_2003 = arith.constant 32 : index
        %get3A_2004 = tpu.vector_load %arg15[%get3A_2000, %get3A_2001, %get3A_2002, %get3A_2003] {strides = array<i32>} : memref<2x4x64x128xf32, #tpu.memory_space<vmem>>, vector<16xf32>,
        %sub3A_2005 = arith.subf %get3A_1990, %get3A_1983 : vector<16xf32>
        %mul3A_2006 = vector.broadcast %squeeze3A : f32 to vector<16xf32>
        %mul3A_2007 = arith.mulf %sub3A_2005, %mul3A_2006 : vector<16xf32>
        %add3A_2008 = arith.addf %get3A_1983, %mul3A_2007 : vector<16xf32>
        %sub3A_2009 = arith.subf %get3A_2004, %get3A_1997 : vector<16xf32>
        %mul3A_2010 = vector.broadcast %squeeze3A : f32 to vector<16xf32>
        %mul3A_2011 = arith.mulf %sub3A_2009, %mul3A_2010 : vector<16xf32>
        %add3A_2012 = arith.addf %get3A_1997, %mul3A_2011 : vector<16xf32>
        %sub3A_2013 = arith.subf %add3A_2012, %add3A_2008 : vector<16xf32>
        %mul3A_2014 = vector.broadcast %squeeze3A_1886 : f32 to vector<16xf32>
        %mul3A_2015 = arith.mulf %sub3A_2013, %mul3A_2014 : vector<16xf32>
        %add3A_2016 = arith.addf %add3A_2008, %mul3A_2015 : vector<16xf32>
        %swap3A_2017 = arith.constant 0 : i32
        %swap3A_2018 = arith.index_cast %swap3A_2017 : i32 to index
        %swap3A_2019 = arith.index_cast %scan3A_1877 : i32 to index
        %swap3A_2020 = arith.constant 32 : index
        %swap3A_2021 = tpu.vector_load %arg16[%swap3A_2018, %swap3A_2019, %swap3A_2020] {strides = array<i32>} : memref<2x64x96xf32, #tpu.memory_space<vmem>>, vector<16xf32>,
        tpu.vector_store %arg16[%swap3A_2018, %swap3A_2019, %swap3A_2020], %add3A_2016 {strides = array<i32>} : memref<2x64x96xf32, #tpu.memory_space<vmem>>, vector<16xf32>,
        %get3A_2022 = arith.constant 0 : i32
        %get3A_2023 = arith.constant 0 : i32
        %get3A_2024 = arith.index_cast %get3A_2022 : i32 to index
        %get3A_2025 = arith.index_cast %get3A_2023 : i32 to index
        %get3A_2026 = arith.index_cast %scan3A_1877 : i32 to index
        %get3A_2027 = arith.constant 48 : index
        %get3A_2028 = tpu.vector_load %arg15[%get3A_2024, %get3A_2025, %get3A_2026, %get3A_2027] {strides = array<i32>} : memref<2x4x64x128xf32, #tpu.memory_space<vmem>>, vector<16xf32>,
        %get3A_2029 = arith.constant 0 : i32
        %get3A_2030 = arith.constant 1 : i32
        %get3A_2031 = arith.index_cast %get3A_2029 : i32 to index
        %get3A_2032 = arith.index_cast %get3A_2030 : i32 to index
        %get3A_2033 = arith.index_cast %scan3A_1877 : i32 to index
        %get3A_2034 = arith.constant 48 : index
        %get3A_2035 = tpu.vector_load %arg15[%get3A_2031, %get3A_2032, %get3A_2033, %get3A_2034] {strides = array<i32>} : memref<2x4x64x128xf32, #tpu.memory_space<vmem>>, vector<16xf32>,
        %get3A_2036 = arith.constant 0 : i32
        %get3A_2037 = arith.constant 2 : i32
        %get3A_2038 = arith.index_cast %get3A_2036 : i32 to index
        %get3A_2039 = arith.index_cast %get3A_2037 : i32 to index
        %get3A_2040 = arith.index_cast %scan3A_1877 : i32 to index
        %get3A_2041 = arith.constant 48 : index
        %get3A_2042 = tpu.vector_load %arg15[%get3A_2038, %get3A_2039, %get3A_2040, %get3A_2041] {strides = array<i32>} : memref<2x4x64x128xf32, #tpu.memory_space<vmem>>, vector<16xf32>,
        %get3A_2043 = arith.constant 0 : i32
        %get3A_2044 = arith.constant 3 : i32
        %get3A_2045 = arith.index_cast %get3A_2043 : i32 to index
        %get3A_2046 = arith.index_cast %get3A_2044 : i32 to index
        %get3A_2047 = arith.index_cast %scan3A_1877 : i32 to index
        %get3A_2048 = arith.constant 48 : index
        %get3A_2049 = tpu.vector_load %arg15[%get3A_2045, %get3A_2046, %get3A_2047, %get3A_2048] {strides = array<i32>} : memref<2x4x64x128xf32, #tpu.memory_space<vmem>>, vector<16xf32>,
        %sub3A_2050 = arith.subf %get3A_2035, %get3A_2028 : vector<16xf32>
        %mul3A_2051 = vector.broadcast %squeeze3A : f32 to vector<16xf32>
        %mul3A_2052 = arith.mulf %sub3A_2050, %mul3A_2051 : vector<16xf32>
        %add3A_2053 = arith.addf %get3A_2028, %mul3A_2052 : vector<16xf32>
        %sub3A_2054 = arith.subf %get3A_2049, %get3A_2042 : vector<16xf32>
        %mul3A_2055 = vector.broadcast %squeeze3A : f32 to vector<16xf32>
        %mul3A_2056 = arith.mulf %sub3A_2054, %mul3A_2055 : vector<16xf32>
        %add3A_2057 = arith.addf %get3A_2042, %mul3A_2056 : vector<16xf32>
        %sub3A_2058 = arith.subf %add3A_2057, %add3A_2053 : vector<16xf32>
        %mul3A_2059 = vector.broadcast %squeeze3A_1886 : f32 to vector<16xf32>
        %mul3A_2060 = arith.mulf %sub3A_2058, %mul3A_2059 : vector<16xf32>
        %add3A_2061 = arith.addf %add3A_2053, %mul3A_2060 : vector<16xf32>
        %swap3A_2062 = arith.constant 0 : i32
        %swap3A_2063 = arith.index_cast %swap3A_2062 : i32 to index
        %swap3A_2064 = arith.index_cast %scan3A_1877 : i32 to index
        %swap3A_2065 = arith.constant 48 : index
        %swap3A_2066 = tpu.vector_load %arg16[%swap3A_2063, %swap3A_2064, %swap3A_2065] {strides = array<i32>} : memref<2x64x96xf32, #tpu.memory_space<vmem>>, vector<16xf32>,
        tpu.vector_store %arg16[%swap3A_2063, %swap3A_2064, %swap3A_2065], %add3A_2061 {strides = array<i32>} : memref<2x64x96xf32, #tpu.memory_space<vmem>>, vector<16xf32>,
        %get3A_2067 = arith.constant 0 : i32
        %get3A_2068 = arith.constant 0 : i32
        %get3A_2069 = arith.index_cast %get3A_2067 : i32 to index
        %get3A_2070 = arith.index_cast %get3A_2068 : i32 to index
        %get3A_2071 = arith.index_cast %scan3A_1877 : i32 to index
        %get3A_2072 = arith.constant 64 : index
        %get3A_2073 = tpu.vector_load %arg15[%get3A_2069, %get3A_2070, %get3A_2071, %get3A_2072] {strides = array<i32>} : memref<2x4x64x128xf32, #tpu.memory_space<vmem>>, vector<16xf32>,
        %get3A_2074 = arith.constant 0 : i32
        %get3A_2075 = arith.constant 1 : i32
        %get3A_2076 = arith.index_cast %get3A_2074 : i32 to index
        %get3A_2077 = arith.index_cast %get3A_2075 : i32 to index
        %get3A_2078 = arith.index_cast %scan3A_1877 : i32 to index
        %get3A_2079 = arith.constant 64 : index
        %get3A_2080 = tpu.vector_load %arg15[%get3A_2076, %get3A_2077, %get3A_2078, %get3A_2079] {strides = array<i32>} : memref<2x4x64x128xf32, #tpu.memory_space<vmem>>, vector<16xf32>,
        %get3A_2081 = arith.constant 0 : i32
        %get3A_2082 = arith.constant 2 : i32
        %get3A_2083 = arith.index_cast %get3A_2081 : i32 to index
        %get3A_2084 = arith.index_cast %get3A_2082 : i32 to index
        %get3A_2085 = arith.index_cast %scan3A_1877 : i32 to index
        %get3A_2086 = arith.constant 64 : index
        %get3A_2087 = tpu.vector_load %arg15[%get3A_2083, %get3A_2084, %get3A_2085, %get3A_2086] {strides = array<i32>} : memref<2x4x64x128xf32, #tpu.memory_space<vmem>>, vector<16xf32>,
        %get3A_2088 = arith.constant 0 : i32
        %get3A_2089 = arith.constant 3 : i32
        %get3A_2090 = arith.index_cast %get3A_2088 : i32 to index
        %get3A_2091 = arith.index_cast %get3A_2089 : i32 to index
        %get3A_2092 = arith.index_cast %scan3A_1877 : i32 to index
        %get3A_2093 = arith.constant 64 : index
        %get3A_2094 = tpu.vector_load %arg15[%get3A_2090, %get3A_2091, %get3A_2092, %get3A_2093] {strides = array<i32>} : memref<2x4x64x128xf32, #tpu.memory_space<vmem>>, vector<16xf32>,
        %sub3A_2095 = arith.subf %get3A_2080, %get3A_2073 : vector<16xf32>
        %mul3A_2096 = vector.broadcast %squeeze3A : f32 to vector<16xf32>
        %mul3A_2097 = arith.mulf %sub3A_2095, %mul3A_2096 : vector<16xf32>
        %add3A_2098 = arith.addf %get3A_2073, %mul3A_2097 : vector<16xf32>
        %sub3A_2099 = arith.subf %get3A_2094, %get3A_2087 : vector<16xf32>
        %mul3A_2100 = vector.broadcast %squeeze3A : f32 to vector<16xf32>
        %mul3A_2101 = arith.mulf %sub3A_2099, %mul3A_2100 : vector<16xf32>
        %add3A_2102 = arith.addf %get3A_2087, %mul3A_2101 : vector<16xf32>
        %sub3A_2103 = arith.subf %add3A_2102, %add3A_2098 : vector<16xf32>
        %mul3A_2104 = vector.broadcast %squeeze3A_1886 : f32 to vector<16xf32>
        %mul3A_2105 = arith.mulf %sub3A_2103, %mul3A_2104 : vector<16xf32>
        %add3A_2106 = arith.addf %add3A_2098, %mul3A_2105 : vector<16xf32>
        %swap3A_2107 = arith.constant 0 : i32
        %swap3A_2108 = arith.index_cast %swap3A_2107 : i32 to index
        %swap3A_2109 = arith.index_cast %scan3A_1877 : i32 to index
        %swap3A_2110 = arith.constant 64 : index
        %swap3A_2111 = tpu.vector_load %arg16[%swap3A_2108, %swap3A_2109, %swap3A_2110] {strides = array<i32>} : memref<2x64x96xf32, #tpu.memory_space<vmem>>, vector<16xf32>,
        tpu.vector_store %arg16[%swap3A_2108, %swap3A_2109, %swap3A_2110], %add3A_2106 {strides = array<i32>} : memref<2x64x96xf32, #tpu.memory_space<vmem>>, vector<16xf32>,
        %get3A_2112 = arith.constant 0 : i32
        %get3A_2113 = arith.constant 0 : i32
        %get3A_2114 = arith.index_cast %get3A_2112 : i32 to index
        %get3A_2115 = arith.index_cast %get3A_2113 : i32 to index
        %get3A_2116 = arith.index_cast %scan3A_1877 : i32 to index
        %get3A_2117 = arith.constant 80 : index
        %get3A_2118 = tpu.vector_load %arg15[%get3A_2114, %get3A_2115, %get3A_2116, %get3A_2117] {strides = array<i32>} : memref<2x4x64x128xf32, #tpu.memory_space<vmem>>, vector<16xf32>,
        %get3A_2119 = arith.constant 0 : i32
        %get3A_2120 = arith.constant 1 : i32
        %get3A_2121 = arith.index_cast %get3A_2119 : i32 to index
        %get3A_2122 = arith.index_cast %get3A_2120 : i32 to index
        %get3A_2123 = arith.index_cast %scan3A_1877 : i32 to index
        %get3A_2124 = arith.constant 80 : index
        %get3A_2125 = tpu.vector_load %arg15[%get3A_2121, %get3A_2122, %get3A_2123, %get3A_2124] {strides = array<i32>} : memref<2x4x64x128xf32, #tpu.memory_space<vmem>>, vector<16xf32>,
        %get3A_2126 = arith.constant 0 : i32
        %get3A_2127 = arith.constant 2 : i32
        %get3A_2128 = arith.index_cast %get3A_2126 : i32 to index
        %get3A_2129 = arith.index_cast %get3A_2127 : i32 to index
        %get3A_2130 = arith.index_cast %scan3A_1877 : i32 to index
        %get3A_2131 = arith.constant 80 : index
        %get3A_2132 = tpu.vector_load %arg15[%get3A_2128, %get3A_2129, %get3A_2130, %get3A_2131] {strides = array<i32>} : memref<2x4x64x128xf32, #tpu.memory_space<vmem>>, vector<16xf32>,
        %get3A_2133 = arith.constant 0 : i32
        %get3A_2134 = arith.constant 3 : i32
        %get3A_2135 = arith.index_cast %get3A_2133 : i32 to index
        %get3A_2136 = arith.index_cast %get3A_2134 : i32 to index
        %get3A_2137 = arith.index_cast %scan3A_1877 : i32 to index
        %get3A_2138 = arith.constant 80 : index
        %get3A_2139 = tpu.vector_load %arg15[%get3A_2135, %get3A_2136, %get3A_2137, %get3A_2138] {strides = array<i32>} : memref<2x4x64x128xf32, #tpu.memory_space<vmem>>, vector<16xf32>,
        %sub3A_2140 = arith.subf %get3A_2125, %get3A_2118 : vector<16xf32>
        %mul3A_2141 = vector.broadcast %squeeze3A : f32 to vector<16xf32>
        %mul3A_2142 = arith.mulf %sub3A_2140, %mul3A_2141 : vector<16xf32>
        %add3A_2143 = arith.addf %get3A_2118, %mul3A_2142 : vector<16xf32>
        %sub3A_2144 = arith.subf %get3A_2139, %get3A_2132 : vector<16xf32>
        %mul3A_2145 = vector.broadcast %squeeze3A : f32 to vector<16xf32>
        %mul3A_2146 = arith.mulf %sub3A_2144, %mul3A_2145 : vector<16xf32>
        %add3A_2147 = arith.addf %get3A_2132, %mul3A_2146 : vector<16xf32>
        %sub3A_2148 = arith.subf %add3A_2147, %add3A_2143 : vector<16xf32>
        %mul3A_2149 = vector.broadcast %squeeze3A_1886 : f32 to vector<16xf32>
        %mul3A_2150 = arith.mulf %sub3A_2148, %mul3A_2149 : vector<16xf32>
        %add3A_2151 = arith.addf %add3A_2143, %mul3A_2150 : vector<16xf32>
        %swap3A_2152 = arith.constant 0 : i32
        %swap3A_2153 = arith.index_cast %swap3A_2152 : i32 to index
        %swap3A_2154 = arith.index_cast %scan3A_1877 : i32 to index
        %swap3A_2155 = arith.constant 80 : index
        %swap3A_2156 = tpu.vector_load %arg16[%swap3A_2153, %swap3A_2154, %swap3A_2155] {strides = array<i32>} : memref<2x64x96xf32, #tpu.memory_space<vmem>>, vector<16xf32>,
        tpu.vector_store %arg16[%swap3A_2153, %swap3A_2154, %swap3A_2155], %add3A_2151 {strides = array<i32>} : memref<2x64x96xf32, #tpu.memory_space<vmem>>, vector<16xf32>,
      }
      %scan3A_1246 = arith.constant 64 : i32
      %run_scoped3A_1247 = arith.constant 0 : i32
      "tpu.region"() ({
        %run_scoped3A_1877 = tpu.sem_alloc : memref<!tpu.dma_semaphore, #tpu.memory_space<semaphore_mem>>
        %dma_start3A_1878 = arith.constant 0 : i32
        %dma_start3A_1879 = arith.constant 0 : i32
        %dma_start3A_1880 = tpu.memref_slice %arg16[%run_scoped3A_1247, %dma_start3A_1878, %dma_start3A_1879] : memref<2x64x96xf32, #tpu.memory_space<vmem>> -> memref<1x64x96xf32, #tpu.memory_space<vmem>>
        %dma_start3A_1881 = tpu.memref_squeeze %dma_start3A_1880 : memref<1x64x96xf32, #tpu.memory_space<vmem>> -> memref<64x96xf32, #tpu.memory_space<vmem>>
        %dma_start3A_1882 = arith.constant 0 : i32
        %dma_start3A_1883 = tpu.memref_slice %arg7[%add3A_1240, %dma_start3A_1882] : memref<100352x96xf32, #tpu.memory_space<hbm>> -> memref<64x96xf32, #tpu.memory_space<hbm>>
        %dma_start3A_1884 = arith.constant 0 : i32
        %dma_start3A_1885 = tpu.memref_slice %arg7[%add3A_1240, %dma_start3A_1884] : memref<100352x96xf32, #tpu.memory_space<hbm>> -> memref<64x96xf32, #tpu.memory_space<hbm>>
        %dma_start3A_1886 = arith.constant 0 : i32
        %dma_start3A_1887 = arith.constant 0 : i32
        %dma_start3A_1888 = tpu.memref_slice %arg16[%run_scoped3A_1247, %dma_start3A_1886, %dma_start3A_1887] : memref<2x64x96xf32, #tpu.memory_space<vmem>> -> memref<1x64x96xf32, #tpu.memory_space<vmem>>
        %dma_start3A_1889 = tpu.memref_squeeze %dma_start3A_1888 : memref<1x64x96xf32, #tpu.memory_space<vmem>> -> memref<64x96xf32, #tpu.memory_space<vmem>>
        tpu.enqueue_dma source(%dma_start3A_1889 : memref<64x96xf32, #tpu.memory_space<vmem>>) target(%dma_start3A_1885 : memref<64x96xf32, #tpu.memory_space<hbm>>) target_semaphore(%run_scoped3A_1877 : memref<!tpu.dma_semaphore, #tpu.memory_space<semaphore_mem>>)
        %dma_wait3A_1890 = arith.constant 0 : i32
        %dma_wait3A_1891 = arith.constant 0 : i32
        %dma_wait3A_1892 = tpu.memref_slice %arg16[%run_scoped3A_1247, %dma_wait3A_1890, %dma_wait3A_1891] : memref<2x64x96xf32, #tpu.memory_space<vmem>> -> memref<1x64x96xf32, #tpu.memory_space<vmem>>
        %dma_wait3A_1893 = tpu.memref_squeeze %dma_wait3A_1892 : memref<1x64x96xf32, #tpu.memory_space<vmem>> -> memref<64x96xf32, #tpu.memory_space<vmem>>
        %dma_wait3A_1894 = arith.constant 0 : i32
        %dma_wait3A_1895 = tpu.memref_slice %arg7[%add3A_1240, %dma_wait3A_1894] : memref<100352x96xf32, #tpu.memory_space<hbm>> -> memref<64x96xf32, #tpu.memory_space<hbm>>
        %dma_wait3A_1896 = arith.constant 0 : i32
        %dma_wait3A_1897 = tpu.memref_slice %arg7[%add3A_1240, %dma_wait3A_1896] : memref<100352x96xf32, #tpu.memory_space<hbm>> -> memref<64x96xf32, #tpu.memory_space<hbm>>
        %dma_wait3A_1898 = arith.constant 0 : i32
        %dma_wait3A_1899 = arith.constant 0 : i32
        %dma_wait3A_1900 = tpu.memref_slice %arg16[%run_scoped3A_1247, %dma_wait3A_1898, %dma_wait3A_1899] : memref<2x64x96xf32, #tpu.memory_space<vmem>> -> memref<1x64x96xf32, #tpu.memory_space<vmem>>
        %dma_wait3A_1901 = tpu.memref_squeeze %dma_wait3A_1900 : memref<1x64x96xf32, #tpu.memory_space<vmem>> -> memref<64x96xf32, #tpu.memory_space<vmem>>
        tpu.wait_dma2 semaphore(%run_scoped3A_1877 : memref<!tpu.dma_semaphore, #tpu.memory_space<semaphore_mem>>) src(%dma_wait3A_1901 : memref<64x96xf32, #tpu.memory_space<vmem>>) dst(%dma_wait3A_1897 : memref<64x96xf32, #tpu.memory_space<hbm>>)
        tpu.yield
      }) : () -> ()
      %add3A_1248 = arith.constant 2 : i32
      %add3A_1249 = arith.addi %mul3A_620, %add3A_1248 : i32
      %mul3A_1250 = arith.constant 3136 : i32
      %mul3A_1251 = arith.muli %add3A, %mul3A_1250 : i32
      %mul3A_1252 = arith.constant 64 : i32
      %mul3A_1253 = arith.muli %add3A_1249, %mul3A_1252 : i32
      %add3A_1254 = arith.addi %mul3A_1251, %mul3A_1253 : i32
      %add3A_1255 = arith.constant 0 : i32
      %add3A_1256 = arith.addi %add3A_1254, %add3A_1255 : i32
      %iota3A_1257 = tpu.iota {dimensions = array<i32: 0>} : vector<16xi32>
      %add3A_1258 = vector.broadcast %add3A_1256 : i32 to vector<16xi32>
      %add3A_1259 = arith.addi %add3A_1258, %iota3A_1257 : vector<16xi32>
      %broadcast_in_dim3A_1260 = arith.constant 49 : i32
      %broadcast_in_dim3A_1261 = vector.broadcast %broadcast_in_dim3A_1260 : i32 to vector<16xi32>
      %div3A_1262 = arith.divsi %add3A_1259, %broadcast_in_dim3A_1261 : vector<16xi32>
      %mul3A_1263 = arith.constant 49 : i32
      %mul3A_1264 = vector.broadcast %mul3A_1263 : i32 to vector<16xi32>
      %mul3A_1265 = arith.muli %div3A_1262, %mul3A_1264 : vector<16xi32>
      %sub3A_1266 = arith.subi %add3A_1259, %mul3A_1265 : vector<16xi32>
      %broadcast_in_dim3A_1267 = arith.constant 7 : i32
      %broadcast_in_dim3A_1268 = vector.broadcast %broadcast_in_dim3A_1267 : i32 to vector<16xi32>
      %div3A_1269 = arith.divsi %sub3A_1266, %broadcast_in_dim3A_1268 : vector<16xi32>
      %mul3A_1270 = arith.constant 7 : i32
      %mul3A_1271 = vector.broadcast %mul3A_1270 : i32 to vector<16xi32>
      %mul3A_1272 = arith.muli %div3A_1269, %mul3A_1271 : vector<16xi32>
      %sub3A_1273 = arith.subi %sub3A_1266, %mul3A_1272 : vector<16xi32>
      %broadcast_in_dim3A_1274 = arith.constant 512 : i32
      %broadcast_in_dim3A_1275 = vector.broadcast %broadcast_in_dim3A_1274 : i32 to vector<16xi32>
      %div3A_1276 = arith.divsi %div3A_1262, %broadcast_in_dim3A_1275 : vector<16xi32>
      %mul3A_1277 = arith.constant 64 : i32
      %mul3A_1278 = arith.muli %add3A, %mul3A_1277 : i32
      %sub3A_1279 = vector.broadcast %mul3A_1278 : i32 to vector<16xi32>
      %sub3A_1280 = arith.subi %div3A_1262, %sub3A_1279 : vector<16xi32>
      %gather3A_1281 = tpu.vector_load_idx %arg8[%sub3A_1280] : memref<64xf32, #tpu.memory_space<vmem>>[vector<16xi32>], vector<16xf32>,
      %gather3A_1282 = tpu.vector_load_idx %arg9[%sub3A_1280] : memref<64xf32, #tpu.memory_space<vmem>>[vector<16xi32>], vector<16xf32>,
      %gather3A_1283 = tpu.vector_load_idx %arg10[%sub3A_1280] : memref<64xf32, #tpu.memory_space<vmem>>[vector<16xi32>], vector<16xf32>,
      %gather3A_1284 = tpu.vector_load_idx %arg11[%sub3A_1280] : memref<64xf32, #tpu.memory_space<vmem>>[vector<16xi32>], vector<16xf32>,
      %convert_element_type3A_1285 = arith.sitofp %div3A_1269 : vector<16xi32> to vector<16xf32>
      %mul3A_1286 = arith.constant 0.166666672 : f32
      %mul3A_1287 = vector.broadcast %mul3A_1286 : f32 to vector<16xf32>
      %mul3A_1288 = arith.mulf %convert_element_type3A_1285, %mul3A_1287 : vector<16xf32>
      %convert_element_type3A_1289 = arith.sitofp %sub3A_1273 : vector<16xi32> to vector<16xf32>
      %mul3A_1290 = arith.constant 0.166666672 : f32
      %mul3A_1291 = vector.broadcast %mul3A_1290 : f32 to vector<16xf32>
      %mul3A_1292 = arith.mulf %convert_element_type3A_1289, %mul3A_1291 : vector<16xf32>
      %mul3A_1293 = arith.mulf %gather3A_1282, %mul3A_1288 : vector<16xf32>
      %add3A_1294 = arith.addf %gather3A_1281, %mul3A_1293 : vector<16xf32>
      %mul3A_1295 = arith.constant 2.230000e+02 : f32
      %mul3A_1296 = vector.broadcast %mul3A_1295 : f32 to vector<16xf32>
      %mul3A_1297 = arith.mulf %add3A_1294, %mul3A_1296 : vector<16xf32>
      %jit3A_1298 = arith.constant 0.000000e+00 : f32
      %jit3A_1299 = arith.constant 2.230000e+02 : f32
      %max3A_1300 = vector.broadcast %jit3A_1298 : f32 to vector<16xf32>
      %max3A_1301 = arith.maximumf %max3A_1300, %mul3A_1297 : vector<16xf32>
      %min3A_1302 = vector.broadcast %jit3A_1299 : f32 to vector<16xf32>
      %min3A_1303 = arith.minimumf %min3A_1302, %max3A_1301 : vector<16xf32>
      %mul3A_1304 = arith.mulf %gather3A_1284, %mul3A_1292 : vector<16xf32>
      %add3A_1305 = arith.addf %gather3A_1283, %mul3A_1304 : vector<16xf32>
      %mul3A_1306 = arith.constant 2.230000e+02 : f32
      %mul3A_1307 = vector.broadcast %mul3A_1306 : f32 to vector<16xf32>
      %mul3A_1308 = arith.mulf %add3A_1305, %mul3A_1307 : vector<16xf32>
      %jit3A_1309 = arith.constant 0.000000e+00 : f32
      %jit3A_1310 = arith.constant 2.230000e+02 : f32
      %max3A_1311 = vector.broadcast %jit3A_1309 : f32 to vector<16xf32>
      %max3A_1312 = arith.maximumf %max3A_1311, %mul3A_1308 : vector<16xf32>
      %min3A_1313 = vector.broadcast %jit3A_1310 : f32 to vector<16xf32>
      %min3A_1314 = arith.minimumf %min3A_1313, %max3A_1312 : vector<16xf32>
      %convert_element_type3A_1315 = arith.fptosi %min3A_1303 : vector<16xf32> to vector<16xi32>
      %min3A_1316 = arith.constant 222 : i32
      %min3A_1317 = vector.broadcast %min3A_1316 : i32 to vector<16xi32>
      %min3A_1318 = arith.minsi %convert_element_type3A_1315, %min3A_1317 : vector<16xi32>
      %convert_element_type3A_1319 = arith.fptosi %min3A_1314 : vector<16xf32> to vector<16xi32>
      %min3A_1320 = arith.constant 222 : i32
      %min3A_1321 = vector.broadcast %min3A_1320 : i32 to vector<16xi32>
      %min3A_1322 = arith.minsi %convert_element_type3A_1319, %min3A_1321 : vector<16xi32>
      %convert_element_type3A_1323 = arith.sitofp %min3A_1318 : vector<16xi32> to vector<16xf32>
      %sub3A_1324 = arith.subf %min3A_1303, %convert_element_type3A_1323 : vector<16xf32>
      %convert_element_type3A_1325 = arith.sitofp %min3A_1322 : vector<16xi32> to vector<16xf32>
      %sub3A_1326 = arith.subf %min3A_1314, %convert_element_type3A_1325 : vector<16xf32>
      %mul3A_1327 = arith.constant 50176 : i32
      %mul3A_1328 = vector.broadcast %mul3A_1327 : i32 to vector<16xi32>
      %mul3A_1329 = arith.muli %div3A_1276, %mul3A_1328 : vector<16xi32>
      %mul3A_1330 = arith.constant 224 : i32
      %mul3A_1331 = vector.broadcast %mul3A_1330 : i32 to vector<16xi32>
      %mul3A_1332 = arith.muli %min3A_1322, %mul3A_1331 : vector<16xi32>
      %add3A_1333 = arith.addi %mul3A_1329, %mul3A_1332 : vector<16xi32>
      %add3A_1334 = arith.addi %add3A_1333, %min3A_1318 : vector<16xi32>
      %swap3A_1335 = arith.constant 0 : i32
      %swap3A_1336 = arith.constant 0 : i32
      %swap3A_1337 = arith.index_cast %swap3A_1335 : i32 to index
      %swap3A_1338 = arith.index_cast %swap3A_1336 : i32 to index
      %swap3A_1339 = arith.constant 0 : index
      %swap3A_1340 = tpu.vector_load %arg12[%swap3A_1337, %swap3A_1338, %swap3A_1339] {strides = array<i32>} : memref<2x4x64xi32, #tpu.memory_space<vmem>>, vector<16xi32>,
      tpu.vector_store %arg12[%swap3A_1337, %swap3A_1338, %swap3A_1339], %add3A_1334 {strides = array<i32>} : memref<2x4x64xi32, #tpu.memory_space<vmem>>, vector<16xi32>,
      %add3A_1341 = arith.constant 1 : i32
      %add3A_1342 = vector.broadcast %add3A_1341 : i32 to vector<16xi32>
      %add3A_1343 = arith.addi %add3A_1334, %add3A_1342 : vector<16xi32>
      %swap3A_1344 = arith.constant 0 : i32
      %swap3A_1345 = arith.constant 1 : i32
      %swap3A_1346 = arith.index_cast %swap3A_1344 : i32 to index
      %swap3A_1347 = arith.index_cast %swap3A_1345 : i32 to index
      %swap3A_1348 = arith.constant 0 : index
      %swap3A_1349 = tpu.vector_load %arg12[%swap3A_1346, %swap3A_1347, %swap3A_1348] {strides = array<i32>} : memref<2x4x64xi32, #tpu.memory_space<vmem>>, vector<16xi32>,
      tpu.vector_store %arg12[%swap3A_1346, %swap3A_1347, %swap3A_1348], %add3A_1343 {strides = array<i32>} : memref<2x4x64xi32, #tpu.memory_space<vmem>>, vector<16xi32>,
      %add3A_1350 = arith.constant 224 : i32
      %add3A_1351 = vector.broadcast %add3A_1350 : i32 to vector<16xi32>
      %add3A_1352 = arith.addi %add3A_1334, %add3A_1351 : vector<16xi32>
      %swap3A_1353 = arith.constant 0 : i32
      %swap3A_1354 = arith.constant 2 : i32
      %swap3A_1355 = arith.index_cast %swap3A_1353 : i32 to index
      %swap3A_1356 = arith.index_cast %swap3A_1354 : i32 to index
      %swap3A_1357 = arith.constant 0 : index
      %swap3A_1358 = tpu.vector_load %arg12[%swap3A_1355, %swap3A_1356, %swap3A_1357] {strides = array<i32>} : memref<2x4x64xi32, #tpu.memory_space<vmem>>, vector<16xi32>,
      tpu.vector_store %arg12[%swap3A_1355, %swap3A_1356, %swap3A_1357], %add3A_1352 {strides = array<i32>} : memref<2x4x64xi32, #tpu.memory_space<vmem>>, vector<16xi32>,
      %add3A_1359 = arith.constant 224 : i32
      %add3A_1360 = vector.broadcast %add3A_1359 : i32 to vector<16xi32>
      %add3A_1361 = arith.addi %add3A_1334, %add3A_1360 : vector<16xi32>
      %add3A_1362 = arith.constant 1 : i32
      %add3A_1363 = vector.broadcast %add3A_1362 : i32 to vector<16xi32>
      %add3A_1364 = arith.addi %add3A_1361, %add3A_1363 : vector<16xi32>
      %swap3A_1365 = arith.constant 0 : i32
      %swap3A_1366 = arith.constant 3 : i32
      %swap3A_1367 = arith.index_cast %swap3A_1365 : i32 to index
      %swap3A_1368 = arith.index_cast %swap3A_1366 : i32 to index
      %swap3A_1369 = arith.constant 0 : index
      %swap3A_1370 = tpu.vector_load %arg12[%swap3A_1367, %swap3A_1368, %swap3A_1369] {strides = array<i32>} : memref<2x4x64xi32, #tpu.memory_space<vmem>>, vector<16xi32>,
      tpu.vector_store %arg12[%swap3A_1367, %swap3A_1368, %swap3A_1369], %add3A_1364 {strides = array<i32>} : memref<2x4x64xi32, #tpu.memory_space<vmem>>, vector<16xi32>,
      %swap3A_1371 = arith.constant 0 : i32
      %swap3A_1372 = arith.index_cast %swap3A_1371 : i32 to index
      %swap3A_1373 = arith.constant 0 : index
      %swap3A_1374 = tpu.vector_load %arg13[%swap3A_1372, %swap3A_1373] {strides = array<i32>} : memref<2x80xf32, #tpu.memory_space<vmem>>, vector<16xf32>,
      tpu.vector_store %arg13[%swap3A_1372, %swap3A_1373], %sub3A_1324 {strides = array<i32>} : memref<2x80xf32, #tpu.memory_space<vmem>>, vector<16xf32>,
      %swap3A_1375 = arith.constant 0 : i32
      %swap3A_1376 = arith.index_cast %swap3A_1375 : i32 to index
      %swap3A_1377 = arith.constant 0 : index
      %swap3A_1378 = tpu.vector_load %arg14[%swap3A_1376, %swap3A_1377] {strides = array<i32>} : memref<2x80xf32, #tpu.memory_space<vmem>>, vector<16xf32>,
      tpu.vector_store %arg14[%swap3A_1376, %swap3A_1377], %sub3A_1326 {strides = array<i32>} : memref<2x80xf32, #tpu.memory_space<vmem>>, vector<16xf32>,
      %add3A_1379 = arith.constant 16 : i32
      %add3A_1380 = arith.addi %add3A_1254, %add3A_1379 : i32
      %iota3A_1381 = tpu.iota {dimensions = array<i32: 0>} : vector<16xi32>
      %add3A_1382 = vector.broadcast %add3A_1380 : i32 to vector<16xi32>
      %add3A_1383 = arith.addi %add3A_1382, %iota3A_1381 : vector<16xi32>
      %broadcast_in_dim3A_1384 = arith.constant 49 : i32
      %broadcast_in_dim3A_1385 = vector.broadcast %broadcast_in_dim3A_1384 : i32 to vector<16xi32>
      %div3A_1386 = arith.divsi %add3A_1383, %broadcast_in_dim3A_1385 : vector<16xi32>
      %mul3A_1387 = arith.constant 49 : i32
      %mul3A_1388 = vector.broadcast %mul3A_1387 : i32 to vector<16xi32>
      %mul3A_1389 = arith.muli %div3A_1386, %mul3A_1388 : vector<16xi32>
      %sub3A_1390 = arith.subi %add3A_1383, %mul3A_1389 : vector<16xi32>
      %broadcast_in_dim3A_1391 = arith.constant 7 : i32
      %broadcast_in_dim3A_1392 = vector.broadcast %broadcast_in_dim3A_1391 : i32 to vector<16xi32>
      %div3A_1393 = arith.divsi %sub3A_1390, %broadcast_in_dim3A_1392 : vector<16xi32>
      %mul3A_1394 = arith.constant 7 : i32
      %mul3A_1395 = vector.broadcast %mul3A_1394 : i32 to vector<16xi32>
      %mul3A_1396 = arith.muli %div3A_1393, %mul3A_1395 : vector<16xi32>
      %sub3A_1397 = arith.subi %sub3A_1390, %mul3A_1396 : vector<16xi32>
      %broadcast_in_dim3A_1398 = arith.constant 512 : i32
      %broadcast_in_dim3A_1399 = vector.broadcast %broadcast_in_dim3A_1398 : i32 to vector<16xi32>
      %div3A_1400 = arith.divsi %div3A_1386, %broadcast_in_dim3A_1399 : vector<16xi32>
      %mul3A_1401 = arith.constant 64 : i32
      %mul3A_1402 = arith.muli %add3A, %mul3A_1401 : i32
      %sub3A_1403 = vector.broadcast %mul3A_1402 : i32 to vector<16xi32>
      %sub3A_1404 = arith.subi %div3A_1386, %sub3A_1403 : vector<16xi32>
      %gather3A_1405 = tpu.vector_load_idx %arg8[%sub3A_1404] : memref<64xf32, #tpu.memory_space<vmem>>[vector<16xi32>], vector<16xf32>,
      %gather3A_1406 = tpu.vector_load_idx %arg9[%sub3A_1404] : memref<64xf32, #tpu.memory_space<vmem>>[vector<16xi32>], vector<16xf32>,
      %gather3A_1407 = tpu.vector_load_idx %arg10[%sub3A_1404] : memref<64xf32, #tpu.memory_space<vmem>>[vector<16xi32>], vector<16xf32>,
      %gather3A_1408 = tpu.vector_load_idx %arg11[%sub3A_1404] : memref<64xf32, #tpu.memory_space<vmem>>[vector<16xi32>], vector<16xf32>,
      %convert_element_type3A_1409 = arith.sitofp %div3A_1393 : vector<16xi32> to vector<16xf32>
      %mul3A_1410 = arith.constant 0.166666672 : f32
      %mul3A_1411 = vector.broadcast %mul3A_1410 : f32 to vector<16xf32>
      %mul3A_1412 = arith.mulf %convert_element_type3A_1409, %mul3A_1411 : vector<16xf32>
      %convert_element_type3A_1413 = arith.sitofp %sub3A_1397 : vector<16xi32> to vector<16xf32>
      %mul3A_1414 = arith.constant 0.166666672 : f32
      %mul3A_1415 = vector.broadcast %mul3A_1414 : f32 to vector<16xf32>
      %mul3A_1416 = arith.mulf %convert_element_type3A_1413, %mul3A_1415 : vector<16xf32>
      %mul3A_1417 = arith.mulf %gather3A_1406, %mul3A_1412 : vector<16xf32>
      %add3A_1418 = arith.addf %gather3A_1405, %mul3A_1417 : vector<16xf32>
      %mul3A_1419 = arith.constant 2.230000e+02 : f32
      %mul3A_1420 = vector.broadcast %mul3A_1419 : f32 to vector<16xf32>
      %mul3A_1421 = arith.mulf %add3A_1418, %mul3A_1420 : vector<16xf32>
      %jit3A_1422 = arith.constant 0.000000e+00 : f32
      %jit3A_1423 = arith.constant 2.230000e+02 : f32
      %max3A_1424 = vector.broadcast %jit3A_1422 : f32 to vector<16xf32>
      %max3A_1425 = arith.maximumf %max3A_1424, %mul3A_1421 : vector<16xf32>
      %min3A_1426 = vector.broadcast %jit3A_1423 : f32 to vector<16xf32>
      %min3A_1427 = arith.minimumf %min3A_1426, %max3A_1425 : vector<16xf32>
      %mul3A_1428 = arith.mulf %gather3A_1408, %mul3A_1416 : vector<16xf32>
      %add3A_1429 = arith.addf %gather3A_1407, %mul3A_1428 : vector<16xf32>
      %mul3A_1430 = arith.constant 2.230000e+02 : f32
      %mul3A_1431 = vector.broadcast %mul3A_1430 : f32 to vector<16xf32>
      %mul3A_1432 = arith.mulf %add3A_1429, %mul3A_1431 : vector<16xf32>
      %jit3A_1433 = arith.constant 0.000000e+00 : f32
      %jit3A_1434 = arith.constant 2.230000e+02 : f32
      %max3A_1435 = vector.broadcast %jit3A_1433 : f32 to vector<16xf32>
      %max3A_1436 = arith.maximumf %max3A_1435, %mul3A_1432 : vector<16xf32>
      %min3A_1437 = vector.broadcast %jit3A_1434 : f32 to vector<16xf32>
      %min3A_1438 = arith.minimumf %min3A_1437, %max3A_1436 : vector<16xf32>
      %convert_element_type3A_1439 = arith.fptosi %min3A_1427 : vector<16xf32> to vector<16xi32>
      %min3A_1440 = arith.constant 222 : i32
      %min3A_1441 = vector.broadcast %min3A_1440 : i32 to vector<16xi32>
      %min3A_1442 = arith.minsi %convert_element_type3A_1439, %min3A_1441 : vector<16xi32>
      %convert_element_type3A_1443 = arith.fptosi %min3A_1438 : vector<16xf32> to vector<16xi32>
      %min3A_1444 = arith.constant 222 : i32
      %min3A_1445 = vector.broadcast %min3A_1444 : i32 to vector<16xi32>
      %min3A_1446 = arith.minsi %convert_element_type3A_1443, %min3A_1445 : vector<16xi32>
      %convert_element_type3A_1447 = arith.sitofp %min3A_1442 : vector<16xi32> to vector<16xf32>
      %sub3A_1448 = arith.subf %min3A_1427, %convert_element_type3A_1447 : vector<16xf32>
      %convert_element_type3A_1449 = arith.sitofp %min3A_1446 : vector<16xi32> to vector<16xf32>
      %sub3A_1450 = arith.subf %min3A_1438, %convert_element_type3A_1449 : vector<16xf32>
      %mul3A_1451 = arith.constant 50176 : i32
      %mul3A_1452 = vector.broadcast %mul3A_1451 : i32 to vector<16xi32>
      %mul3A_1453 = arith.muli %div3A_1400, %mul3A_1452 : vector<16xi32>
      %mul3A_1454 = arith.constant 224 : i32
      %mul3A_1455 = vector.broadcast %mul3A_1454 : i32 to vector<16xi32>
      %mul3A_1456 = arith.muli %min3A_1446, %mul3A_1455 : vector<16xi32>
      %add3A_1457 = arith.addi %mul3A_1453, %mul3A_1456 : vector<16xi32>
      %add3A_1458 = arith.addi %add3A_1457, %min3A_1442 : vector<16xi32>
      %swap3A_1459 = arith.constant 0 : i32
      %swap3A_1460 = arith.constant 0 : i32
      %swap3A_1461 = arith.index_cast %swap3A_1459 : i32 to index
      %swap3A_1462 = arith.index_cast %swap3A_1460 : i32 to index
      %swap3A_1463 = arith.constant 16 : index
      %swap3A_1464 = tpu.vector_load %arg12[%swap3A_1461, %swap3A_1462, %swap3A_1463] {strides = array<i32>} : memref<2x4x64xi32, #tpu.memory_space<vmem>>, vector<16xi32>,
      tpu.vector_store %arg12[%swap3A_1461, %swap3A_1462, %swap3A_1463], %add3A_1458 {strides = array<i32>} : memref<2x4x64xi32, #tpu.memory_space<vmem>>, vector<16xi32>,
      %add3A_1465 = arith.constant 1 : i32
      %add3A_1466 = vector.broadcast %add3A_1465 : i32 to vector<16xi32>
      %add3A_1467 = arith.addi %add3A_1458, %add3A_1466 : vector<16xi32>
      %swap3A_1468 = arith.constant 0 : i32
      %swap3A_1469 = arith.constant 1 : i32
      %swap3A_1470 = arith.index_cast %swap3A_1468 : i32 to index
      %swap3A_1471 = arith.index_cast %swap3A_1469 : i32 to index
      %swap3A_1472 = arith.constant 16 : index
      %swap3A_1473 = tpu.vector_load %arg12[%swap3A_1470, %swap3A_1471, %swap3A_1472] {strides = array<i32>} : memref<2x4x64xi32, #tpu.memory_space<vmem>>, vector<16xi32>,
      tpu.vector_store %arg12[%swap3A_1470, %swap3A_1471, %swap3A_1472], %add3A_1467 {strides = array<i32>} : memref<2x4x64xi32, #tpu.memory_space<vmem>>, vector<16xi32>,
      %add3A_1474 = arith.constant 224 : i32
      %add3A_1475 = vector.broadcast %add3A_1474 : i32 to vector<16xi32>
      %add3A_1476 = arith.addi %add3A_1458, %add3A_1475 : vector<16xi32>
      %swap3A_1477 = arith.constant 0 : i32
      %swap3A_1478 = arith.constant 2 : i32
      %swap3A_1479 = arith.index_cast %swap3A_1477 : i32 to index
      %swap3A_1480 = arith.index_cast %swap3A_1478 : i32 to index
      %swap3A_1481 = arith.constant 16 : index
      %swap3A_1482 = tpu.vector_load %arg12[%swap3A_1479, %swap3A_1480, %swap3A_1481] {strides = array<i32>} : memref<2x4x64xi32, #tpu.memory_space<vmem>>, vector<16xi32>,
      tpu.vector_store %arg12[%swap3A_1479, %swap3A_1480, %swap3A_1481], %add3A_1476 {strides = array<i32>} : memref<2x4x64xi32, #tpu.memory_space<vmem>>, vector<16xi32>,
      %add3A_1483 = arith.constant 224 : i32
      %add3A_1484 = vector.broadcast %add3A_1483 : i32 to vector<16xi32>
      %add3A_1485 = arith.addi %add3A_1458, %add3A_1484 : vector<16xi32>
      %add3A_1486 = arith.constant 1 : i32
      %add3A_1487 = vector.broadcast %add3A_1486 : i32 to vector<16xi32>
      %add3A_1488 = arith.addi %add3A_1485, %add3A_1487 : vector<16xi32>
      %swap3A_1489 = arith.constant 0 : i32
      %swap3A_1490 = arith.constant 3 : i32
      %swap3A_1491 = arith.index_cast %swap3A_1489 : i32 to index
      %swap3A_1492 = arith.index_cast %swap3A_1490 : i32 to index
      %swap3A_1493 = arith.constant 16 : index
      %swap3A_1494 = tpu.vector_load %arg12[%swap3A_1491, %swap3A_1492, %swap3A_1493] {strides = array<i32>} : memref<2x4x64xi32, #tpu.memory_space<vmem>>, vector<16xi32>,
      tpu.vector_store %arg12[%swap3A_1491, %swap3A_1492, %swap3A_1493], %add3A_1488 {strides = array<i32>} : memref<2x4x64xi32, #tpu.memory_space<vmem>>, vector<16xi32>,
      %swap3A_1495 = arith.constant 0 : i32
      %swap3A_1496 = arith.index_cast %swap3A_1495 : i32 to index
      %swap3A_1497 = arith.constant 16 : index
      %swap3A_1498 = tpu.vector_load %arg13[%swap3A_1496, %swap3A_1497] {strides = array<i32>} : memref<2x80xf32, #tpu.memory_space<vmem>>, vector<16xf32>,
      tpu.vector_store %arg13[%swap3A_1496, %swap3A_1497], %sub3A_1448 {strides = array<i32>} : memref<2x80xf32, #tpu.memory_space<vmem>>, vector<16xf32>,
      %swap3A_1499 = arith.constant 0 : i32
      %swap3A_1500 = arith.index_cast %swap3A_1499 : i32 to index
      %swap3A_1501 = arith.constant 16 : index
      %swap3A_1502 = tpu.vector_load %arg14[%swap3A_1500, %swap3A_1501] {strides = array<i32>} : memref<2x80xf32, #tpu.memory_space<vmem>>, vector<16xf32>,
      tpu.vector_store %arg14[%swap3A_1500, %swap3A_1501], %sub3A_1450 {strides = array<i32>} : memref<2x80xf32, #tpu.memory_space<vmem>>, vector<16xf32>,
      %add3A_1503 = arith.constant 32 : i32
      %add3A_1504 = arith.addi %add3A_1254, %add3A_1503 : i32
      %iota3A_1505 = tpu.iota {dimensions = array<i32: 0>} : vector<16xi32>
      %add3A_1506 = vector.broadcast %add3A_1504 : i32 to vector<16xi32>
      %add3A_1507 = arith.addi %add3A_1506, %iota3A_1505 : vector<16xi32>
      %broadcast_in_dim3A_1508 = arith.constant 49 : i32
      %broadcast_in_dim3A_1509 = vector.broadcast %broadcast_in_dim3A_1508 : i32 to vector<16xi32>
      %div3A_1510 = arith.divsi %add3A_1507, %broadcast_in_dim3A_1509 : vector<16xi32>
      %mul3A_1511 = arith.constant 49 : i32
      %mul3A_1512 = vector.broadcast %mul3A_1511 : i32 to vector<16xi32>
      %mul3A_1513 = arith.muli %div3A_1510, %mul3A_1512 : vector<16xi32>
      %sub3A_1514 = arith.subi %add3A_1507, %mul3A_1513 : vector<16xi32>
      %broadcast_in_dim3A_1515 = arith.constant 7 : i32
      %broadcast_in_dim3A_1516 = vector.broadcast %broadcast_in_dim3A_1515 : i32 to vector<16xi32>
      %div3A_1517 = arith.divsi %sub3A_1514, %broadcast_in_dim3A_1516 : vector<16xi32>
      %mul3A_1518 = arith.constant 7 : i32
      %mul3A_1519 = vector.broadcast %mul3A_1518 : i32 to vector<16xi32>
      %mul3A_1520 = arith.muli %div3A_1517, %mul3A_1519 : vector<16xi32>
      %sub3A_1521 = arith.subi %sub3A_1514, %mul3A_1520 : vector<16xi32>
      %broadcast_in_dim3A_1522 = arith.constant 512 : i32
      %broadcast_in_dim3A_1523 = vector.broadcast %broadcast_in_dim3A_1522 : i32 to vector<16xi32>
      %div3A_1524 = arith.divsi %div3A_1510, %broadcast_in_dim3A_1523 : vector<16xi32>
      %mul3A_1525 = arith.constant 64 : i32
      %mul3A_1526 = arith.muli %add3A, %mul3A_1525 : i32
      %sub3A_1527 = vector.broadcast %mul3A_1526 : i32 to vector<16xi32>
      %sub3A_1528 = arith.subi %div3A_1510, %sub3A_1527 : vector<16xi32>
      %gather3A_1529 = tpu.vector_load_idx %arg8[%sub3A_1528] : memref<64xf32, #tpu.memory_space<vmem>>[vector<16xi32>], vector<16xf32>,
      %gather3A_1530 = tpu.vector_load_idx %arg9[%sub3A_1528] : memref<64xf32, #tpu.memory_space<vmem>>[vector<16xi32>], vector<16xf32>,
      %gather3A_1531 = tpu.vector_load_idx %arg10[%sub3A_1528] : memref<64xf32, #tpu.memory_space<vmem>>[vector<16xi32>], vector<16xf32>,
      %gather3A_1532 = tpu.vector_load_idx %arg11[%sub3A_1528] : memref<64xf32, #tpu.memory_space<vmem>>[vector<16xi32>], vector<16xf32>,
      %convert_element_type3A_1533 = arith.sitofp %div3A_1517 : vector<16xi32> to vector<16xf32>
      %mul3A_1534 = arith.constant 0.166666672 : f32
      %mul3A_1535 = vector.broadcast %mul3A_1534 : f32 to vector<16xf32>
      %mul3A_1536 = arith.mulf %convert_element_type3A_1533, %mul3A_1535 : vector<16xf32>
      %convert_element_type3A_1537 = arith.sitofp %sub3A_1521 : vector<16xi32> to vector<16xf32>
      %mul3A_1538 = arith.constant 0.166666672 : f32
      %mul3A_1539 = vector.broadcast %mul3A_1538 : f32 to vector<16xf32>
      %mul3A_1540 = arith.mulf %convert_element_type3A_1537, %mul3A_1539 : vector<16xf32>
      %mul3A_1541 = arith.mulf %gather3A_1530, %mul3A_1536 : vector<16xf32>
      %add3A_1542 = arith.addf %gather3A_1529, %mul3A_1541 : vector<16xf32>
      %mul3A_1543 = arith.constant 2.230000e+02 : f32
      %mul3A_1544 = vector.broadcast %mul3A_1543 : f32 to vector<16xf32>
      %mul3A_1545 = arith.mulf %add3A_1542, %mul3A_1544 : vector<16xf32>
      %jit3A_1546 = arith.constant 0.000000e+00 : f32
      %jit3A_1547 = arith.constant 2.230000e+02 : f32
      %max3A_1548 = vector.broadcast %jit3A_1546 : f32 to vector<16xf32>
      %max3A_1549 = arith.maximumf %max3A_1548, %mul3A_1545 : vector<16xf32>
      %min3A_1550 = vector.broadcast %jit3A_1547 : f32 to vector<16xf32>
      %min3A_1551 = arith.minimumf %min3A_1550, %max3A_1549 : vector<16xf32>
      %mul3A_1552 = arith.mulf %gather3A_1532, %mul3A_1540 : vector<16xf32>
      %add3A_1553 = arith.addf %gather3A_1531, %mul3A_1552 : vector<16xf32>
      %mul3A_1554 = arith.constant 2.230000e+02 : f32
      %mul3A_1555 = vector.broadcast %mul3A_1554 : f32 to vector<16xf32>
      %mul3A_1556 = arith.mulf %add3A_1553, %mul3A_1555 : vector<16xf32>
      %jit3A_1557 = arith.constant 0.000000e+00 : f32
      %jit3A_1558 = arith.constant 2.230000e+02 : f32
      %max3A_1559 = vector.broadcast %jit3A_1557 : f32 to vector<16xf32>
      %max3A_1560 = arith.maximumf %max3A_1559, %mul3A_1556 : vector<16xf32>
      %min3A_1561 = vector.broadcast %jit3A_1558 : f32 to vector<16xf32>
      %min3A_1562 = arith.minimumf %min3A_1561, %max3A_1560 : vector<16xf32>
      %convert_element_type3A_1563 = arith.fptosi %min3A_1551 : vector<16xf32> to vector<16xi32>
      %min3A_1564 = arith.constant 222 : i32
      %min3A_1565 = vector.broadcast %min3A_1564 : i32 to vector<16xi32>
      %min3A_1566 = arith.minsi %convert_element_type3A_1563, %min3A_1565 : vector<16xi32>
      %convert_element_type3A_1567 = arith.fptosi %min3A_1562 : vector<16xf32> to vector<16xi32>
      %min3A_1568 = arith.constant 222 : i32
      %min3A_1569 = vector.broadcast %min3A_1568 : i32 to vector<16xi32>
      %min3A_1570 = arith.minsi %convert_element_type3A_1567, %min3A_1569 : vector<16xi32>
      %convert_element_type3A_1571 = arith.sitofp %min3A_1566 : vector<16xi32> to vector<16xf32>
      %sub3A_1572 = arith.subf %min3A_1551, %convert_element_type3A_1571 : vector<16xf32>
      %convert_element_type3A_1573 = arith.sitofp %min3A_1570 : vector<16xi32> to vector<16xf32>
      %sub3A_1574 = arith.subf %min3A_1562, %convert_element_type3A_1573 : vector<16xf32>
      %mul3A_1575 = arith.constant 50176 : i32
      %mul3A_1576 = vector.broadcast %mul3A_1575 : i32 to vector<16xi32>
      %mul3A_1577 = arith.muli %div3A_1524, %mul3A_1576 : vector<16xi32>
      %mul3A_1578 = arith.constant 224 : i32
      %mul3A_1579 = vector.broadcast %mul3A_1578 : i32 to vector<16xi32>
      %mul3A_1580 = arith.muli %min3A_1570, %mul3A_1579 : vector<16xi32>
      %add3A_1581 = arith.addi %mul3A_1577, %mul3A_1580 : vector<16xi32>
      %add3A_1582 = arith.addi %add3A_1581, %min3A_1566 : vector<16xi32>
      %swap3A_1583 = arith.constant 0 : i32
      %swap3A_1584 = arith.constant 0 : i32
      %swap3A_1585 = arith.index_cast %swap3A_1583 : i32 to index
      %swap3A_1586 = arith.index_cast %swap3A_1584 : i32 to index
      %swap3A_1587 = arith.constant 32 : index
      %swap3A_1588 = tpu.vector_load %arg12[%swap3A_1585, %swap3A_1586, %swap3A_1587] {strides = array<i32>} : memref<2x4x64xi32, #tpu.memory_space<vmem>>, vector<16xi32>,
      tpu.vector_store %arg12[%swap3A_1585, %swap3A_1586, %swap3A_1587], %add3A_1582 {strides = array<i32>} : memref<2x4x64xi32, #tpu.memory_space<vmem>>, vector<16xi32>,
      %add3A_1589 = arith.constant 1 : i32
      %add3A_1590 = vector.broadcast %add3A_1589 : i32 to vector<16xi32>
      %add3A_1591 = arith.addi %add3A_1582, %add3A_1590 : vector<16xi32>
      %swap3A_1592 = arith.constant 0 : i32
      %swap3A_1593 = arith.constant 1 : i32
      %swap3A_1594 = arith.index_cast %swap3A_1592 : i32 to index
      %swap3A_1595 = arith.index_cast %swap3A_1593 : i32 to index
      %swap3A_1596 = arith.constant 32 : index
      %swap3A_1597 = tpu.vector_load %arg12[%swap3A_1594, %swap3A_1595, %swap3A_1596] {strides = array<i32>} : memref<2x4x64xi32, #tpu.memory_space<vmem>>, vector<16xi32>,
      tpu.vector_store %arg12[%swap3A_1594, %swap3A_1595, %swap3A_1596], %add3A_1591 {strides = array<i32>} : memref<2x4x64xi32, #tpu.memory_space<vmem>>, vector<16xi32>,
      %add3A_1598 = arith.constant 224 : i32
      %add3A_1599 = vector.broadcast %add3A_1598 : i32 to vector<16xi32>
      %add3A_1600 = arith.addi %add3A_1582, %add3A_1599 : vector<16xi32>
      %swap3A_1601 = arith.constant 0 : i32
      %swap3A_1602 = arith.constant 2 : i32
      %swap3A_1603 = arith.index_cast %swap3A_1601 : i32 to index
      %swap3A_1604 = arith.index_cast %swap3A_1602 : i32 to index
      %swap3A_1605 = arith.constant 32 : index
      %swap3A_1606 = tpu.vector_load %arg12[%swap3A_1603, %swap3A_1604, %swap3A_1605] {strides = array<i32>} : memref<2x4x64xi32, #tpu.memory_space<vmem>>, vector<16xi32>,
      tpu.vector_store %arg12[%swap3A_1603, %swap3A_1604, %swap3A_1605], %add3A_1600 {strides = array<i32>} : memref<2x4x64xi32, #tpu.memory_space<vmem>>, vector<16xi32>,
      %add3A_1607 = arith.constant 224 : i32
      %add3A_1608 = vector.broadcast %add3A_1607 : i32 to vector<16xi32>
      %add3A_1609 = arith.addi %add3A_1582, %add3A_1608 : vector<16xi32>
      %add3A_1610 = arith.constant 1 : i32
      %add3A_1611 = vector.broadcast %add3A_1610 : i32 to vector<16xi32>
      %add3A_1612 = arith.addi %add3A_1609, %add3A_1611 : vector<16xi32>
      %swap3A_1613 = arith.constant 0 : i32
      %swap3A_1614 = arith.constant 3 : i32
      %swap3A_1615 = arith.index_cast %swap3A_1613 : i32 to index
      %swap3A_1616 = arith.index_cast %swap3A_1614 : i32 to index
      %swap3A_1617 = arith.constant 32 : index
      %swap3A_1618 = tpu.vector_load %arg12[%swap3A_1615, %swap3A_1616, %swap3A_1617] {strides = array<i32>} : memref<2x4x64xi32, #tpu.memory_space<vmem>>, vector<16xi32>,
      tpu.vector_store %arg12[%swap3A_1615, %swap3A_1616, %swap3A_1617], %add3A_1612 {strides = array<i32>} : memref<2x4x64xi32, #tpu.memory_space<vmem>>, vector<16xi32>,
      %swap3A_1619 = arith.constant 0 : i32
      %swap3A_1620 = arith.index_cast %swap3A_1619 : i32 to index
      %swap3A_1621 = arith.constant 32 : index
      %swap3A_1622 = tpu.vector_load %arg13[%swap3A_1620, %swap3A_1621] {strides = array<i32>} : memref<2x80xf32, #tpu.memory_space<vmem>>, vector<16xf32>,
      tpu.vector_store %arg13[%swap3A_1620, %swap3A_1621], %sub3A_1572 {strides = array<i32>} : memref<2x80xf32, #tpu.memory_space<vmem>>, vector<16xf32>,
      %swap3A_1623 = arith.constant 0 : i32
      %swap3A_1624 = arith.index_cast %swap3A_1623 : i32 to index
      %swap3A_1625 = arith.constant 32 : index
      %swap3A_1626 = tpu.vector_load %arg14[%swap3A_1624, %swap3A_1625] {strides = array<i32>} : memref<2x80xf32, #tpu.memory_space<vmem>>, vector<16xf32>,
      tpu.vector_store %arg14[%swap3A_1624, %swap3A_1625], %sub3A_1574 {strides = array<i32>} : memref<2x80xf32, #tpu.memory_space<vmem>>, vector<16xf32>,
      %add3A_1627 = arith.constant 48 : i32
      %add3A_1628 = arith.addi %add3A_1254, %add3A_1627 : i32
      %iota3A_1629 = tpu.iota {dimensions = array<i32: 0>} : vector<16xi32>
      %add3A_1630 = vector.broadcast %add3A_1628 : i32 to vector<16xi32>
      %add3A_1631 = arith.addi %add3A_1630, %iota3A_1629 : vector<16xi32>
      %broadcast_in_dim3A_1632 = arith.constant 49 : i32
      %broadcast_in_dim3A_1633 = vector.broadcast %broadcast_in_dim3A_1632 : i32 to vector<16xi32>
      %div3A_1634 = arith.divsi %add3A_1631, %broadcast_in_dim3A_1633 : vector<16xi32>
      %mul3A_1635 = arith.constant 49 : i32
      %mul3A_1636 = vector.broadcast %mul3A_1635 : i32 to vector<16xi32>
      %mul3A_1637 = arith.muli %div3A_1634, %mul3A_1636 : vector<16xi32>
      %sub3A_1638 = arith.subi %add3A_1631, %mul3A_1637 : vector<16xi32>
      %broadcast_in_dim3A_1639 = arith.constant 7 : i32
      %broadcast_in_dim3A_1640 = vector.broadcast %broadcast_in_dim3A_1639 : i32 to vector<16xi32>
      %div3A_1641 = arith.divsi %sub3A_1638, %broadcast_in_dim3A_1640 : vector<16xi32>
      %mul3A_1642 = arith.constant 7 : i32
      %mul3A_1643 = vector.broadcast %mul3A_1642 : i32 to vector<16xi32>
      %mul3A_1644 = arith.muli %div3A_1641, %mul3A_1643 : vector<16xi32>
      %sub3A_1645 = arith.subi %sub3A_1638, %mul3A_1644 : vector<16xi32>
      %broadcast_in_dim3A_1646 = arith.constant 512 : i32
      %broadcast_in_dim3A_1647 = vector.broadcast %broadcast_in_dim3A_1646 : i32 to vector<16xi32>
      %div3A_1648 = arith.divsi %div3A_1634, %broadcast_in_dim3A_1647 : vector<16xi32>
      %mul3A_1649 = arith.constant 64 : i32
      %mul3A_1650 = arith.muli %add3A, %mul3A_1649 : i32
      %sub3A_1651 = vector.broadcast %mul3A_1650 : i32 to vector<16xi32>
      %sub3A_1652 = arith.subi %div3A_1634, %sub3A_1651 : vector<16xi32>
      %gather3A_1653 = tpu.vector_load_idx %arg8[%sub3A_1652] : memref<64xf32, #tpu.memory_space<vmem>>[vector<16xi32>], vector<16xf32>,
      %gather3A_1654 = tpu.vector_load_idx %arg9[%sub3A_1652] : memref<64xf32, #tpu.memory_space<vmem>>[vector<16xi32>], vector<16xf32>,
      %gather3A_1655 = tpu.vector_load_idx %arg10[%sub3A_1652] : memref<64xf32, #tpu.memory_space<vmem>>[vector<16xi32>], vector<16xf32>,
      %gather3A_1656 = tpu.vector_load_idx %arg11[%sub3A_1652] : memref<64xf32, #tpu.memory_space<vmem>>[vector<16xi32>], vector<16xf32>,
      %convert_element_type3A_1657 = arith.sitofp %div3A_1641 : vector<16xi32> to vector<16xf32>
      %mul3A_1658 = arith.constant 0.166666672 : f32
      %mul3A_1659 = vector.broadcast %mul3A_1658 : f32 to vector<16xf32>
      %mul3A_1660 = arith.mulf %convert_element_type3A_1657, %mul3A_1659 : vector<16xf32>
      %convert_element_type3A_1661 = arith.sitofp %sub3A_1645 : vector<16xi32> to vector<16xf32>
      %mul3A_1662 = arith.constant 0.166666672 : f32
      %mul3A_1663 = vector.broadcast %mul3A_1662 : f32 to vector<16xf32>
      %mul3A_1664 = arith.mulf %convert_element_type3A_1661, %mul3A_1663 : vector<16xf32>
      %mul3A_1665 = arith.mulf %gather3A_1654, %mul3A_1660 : vector<16xf32>
      %add3A_1666 = arith.addf %gather3A_1653, %mul3A_1665 : vector<16xf32>
      %mul3A_1667 = arith.constant 2.230000e+02 : f32
      %mul3A_1668 = vector.broadcast %mul3A_1667 : f32 to vector<16xf32>
      %mul3A_1669 = arith.mulf %add3A_1666, %mul3A_1668 : vector<16xf32>
      %jit3A_1670 = arith.constant 0.000000e+00 : f32
      %jit3A_1671 = arith.constant 2.230000e+02 : f32
      %max3A_1672 = vector.broadcast %jit3A_1670 : f32 to vector<16xf32>
      %max3A_1673 = arith.maximumf %max3A_1672, %mul3A_1669 : vector<16xf32>
      %min3A_1674 = vector.broadcast %jit3A_1671 : f32 to vector<16xf32>
      %min3A_1675 = arith.minimumf %min3A_1674, %max3A_1673 : vector<16xf32>
      %mul3A_1676 = arith.mulf %gather3A_1656, %mul3A_1664 : vector<16xf32>
      %add3A_1677 = arith.addf %gather3A_1655, %mul3A_1676 : vector<16xf32>
      %mul3A_1678 = arith.constant 2.230000e+02 : f32
      %mul3A_1679 = vector.broadcast %mul3A_1678 : f32 to vector<16xf32>
      %mul3A_1680 = arith.mulf %add3A_1677, %mul3A_1679 : vector<16xf32>
      %jit3A_1681 = arith.constant 0.000000e+00 : f32
      %jit3A_1682 = arith.constant 2.230000e+02 : f32
      %max3A_1683 = vector.broadcast %jit3A_1681 : f32 to vector<16xf32>
      %max3A_1684 = arith.maximumf %max3A_1683, %mul3A_1680 : vector<16xf32>
      %min3A_1685 = vector.broadcast %jit3A_1682 : f32 to vector<16xf32>
      %min3A_1686 = arith.minimumf %min3A_1685, %max3A_1684 : vector<16xf32>
      %convert_element_type3A_1687 = arith.fptosi %min3A_1675 : vector<16xf32> to vector<16xi32>
      %min3A_1688 = arith.constant 222 : i32
      %min3A_1689 = vector.broadcast %min3A_1688 : i32 to vector<16xi32>
      %min3A_1690 = arith.minsi %convert_element_type3A_1687, %min3A_1689 : vector<16xi32>
      %convert_element_type3A_1691 = arith.fptosi %min3A_1686 : vector<16xf32> to vector<16xi32>
      %min3A_1692 = arith.constant 222 : i32
      %min3A_1693 = vector.broadcast %min3A_1692 : i32 to vector<16xi32>
      %min3A_1694 = arith.minsi %convert_element_type3A_1691, %min3A_1693 : vector<16xi32>
      %convert_element_type3A_1695 = arith.sitofp %min3A_1690 : vector<16xi32> to vector<16xf32>
      %sub3A_1696 = arith.subf %min3A_1675, %convert_element_type3A_1695 : vector<16xf32>
      %convert_element_type3A_1697 = arith.sitofp %min3A_1694 : vector<16xi32> to vector<16xf32>
      %sub3A_1698 = arith.subf %min3A_1686, %convert_element_type3A_1697 : vector<16xf32>
      %mul3A_1699 = arith.constant 50176 : i32
      %mul3A_1700 = vector.broadcast %mul3A_1699 : i32 to vector<16xi32>
      %mul3A_1701 = arith.muli %div3A_1648, %mul3A_1700 : vector<16xi32>
      %mul3A_1702 = arith.constant 224 : i32
      %mul3A_1703 = vector.broadcast %mul3A_1702 : i32 to vector<16xi32>
      %mul3A_1704 = arith.muli %min3A_1694, %mul3A_1703 : vector<16xi32>
      %add3A_1705 = arith.addi %mul3A_1701, %mul3A_1704 : vector<16xi32>
      %add3A_1706 = arith.addi %add3A_1705, %min3A_1690 : vector<16xi32>
      %swap3A_1707 = arith.constant 0 : i32
      %swap3A_1708 = arith.constant 0 : i32
      %swap3A_1709 = arith.index_cast %swap3A_1707 : i32 to index
      %swap3A_1710 = arith.index_cast %swap3A_1708 : i32 to index
      %swap3A_1711 = arith.constant 48 : index
      %swap3A_1712 = tpu.vector_load %arg12[%swap3A_1709, %swap3A_1710, %swap3A_1711] {strides = array<i32>} : memref<2x4x64xi32, #tpu.memory_space<vmem>>, vector<16xi32>,
      tpu.vector_store %arg12[%swap3A_1709, %swap3A_1710, %swap3A_1711], %add3A_1706 {strides = array<i32>} : memref<2x4x64xi32, #tpu.memory_space<vmem>>, vector<16xi32>,
      %add3A_1713 = arith.constant 1 : i32
      %add3A_1714 = vector.broadcast %add3A_1713 : i32 to vector<16xi32>
      %add3A_1715 = arith.addi %add3A_1706, %add3A_1714 : vector<16xi32>
      %swap3A_1716 = arith.constant 0 : i32
      %swap3A_1717 = arith.constant 1 : i32
      %swap3A_1718 = arith.index_cast %swap3A_1716 : i32 to index
      %swap3A_1719 = arith.index_cast %swap3A_1717 : i32 to index
      %swap3A_1720 = arith.constant 48 : index
      %swap3A_1721 = tpu.vector_load %arg12[%swap3A_1718, %swap3A_1719, %swap3A_1720] {strides = array<i32>} : memref<2x4x64xi32, #tpu.memory_space<vmem>>, vector<16xi32>,
      tpu.vector_store %arg12[%swap3A_1718, %swap3A_1719, %swap3A_1720], %add3A_1715 {strides = array<i32>} : memref<2x4x64xi32, #tpu.memory_space<vmem>>, vector<16xi32>,
      %add3A_1722 = arith.constant 224 : i32
      %add3A_1723 = vector.broadcast %add3A_1722 : i32 to vector<16xi32>
      %add3A_1724 = arith.addi %add3A_1706, %add3A_1723 : vector<16xi32>
      %swap3A_1725 = arith.constant 0 : i32
      %swap3A_1726 = arith.constant 2 : i32
      %swap3A_1727 = arith.index_cast %swap3A_1725 : i32 to index
      %swap3A_1728 = arith.index_cast %swap3A_1726 : i32 to index
      %swap3A_1729 = arith.constant 48 : index
      %swap3A_1730 = tpu.vector_load %arg12[%swap3A_1727, %swap3A_1728, %swap3A_1729] {strides = array<i32>} : memref<2x4x64xi32, #tpu.memory_space<vmem>>, vector<16xi32>,
      tpu.vector_store %arg12[%swap3A_1727, %swap3A_1728, %swap3A_1729], %add3A_1724 {strides = array<i32>} : memref<2x4x64xi32, #tpu.memory_space<vmem>>, vector<16xi32>,
      %add3A_1731 = arith.constant 224 : i32
      %add3A_1732 = vector.broadcast %add3A_1731 : i32 to vector<16xi32>
      %add3A_1733 = arith.addi %add3A_1706, %add3A_1732 : vector<16xi32>
      %add3A_1734 = arith.constant 1 : i32
      %add3A_1735 = vector.broadcast %add3A_1734 : i32 to vector<16xi32>
      %add3A_1736 = arith.addi %add3A_1733, %add3A_1735 : vector<16xi32>
      %swap3A_1737 = arith.constant 0 : i32
      %swap3A_1738 = arith.constant 3 : i32
      %swap3A_1739 = arith.index_cast %swap3A_1737 : i32 to index
      %swap3A_1740 = arith.index_cast %swap3A_1738 : i32 to index
      %swap3A_1741 = arith.constant 48 : index
      %swap3A_1742 = tpu.vector_load %arg12[%swap3A_1739, %swap3A_1740, %swap3A_1741] {strides = array<i32>} : memref<2x4x64xi32, #tpu.memory_space<vmem>>, vector<16xi32>,
      tpu.vector_store %arg12[%swap3A_1739, %swap3A_1740, %swap3A_1741], %add3A_1736 {strides = array<i32>} : memref<2x4x64xi32, #tpu.memory_space<vmem>>, vector<16xi32>,
      %swap3A_1743 = arith.constant 0 : i32
      %swap3A_1744 = arith.index_cast %swap3A_1743 : i32 to index
      %swap3A_1745 = arith.constant 48 : index
      %swap3A_1746 = tpu.vector_load %arg13[%swap3A_1744, %swap3A_1745] {strides = array<i32>} : memref<2x80xf32, #tpu.memory_space<vmem>>, vector<16xf32>,
      tpu.vector_store %arg13[%swap3A_1744, %swap3A_1745], %sub3A_1696 {strides = array<i32>} : memref<2x80xf32, #tpu.memory_space<vmem>>, vector<16xf32>,
      %swap3A_1747 = arith.constant 0 : i32
      %swap3A_1748 = arith.index_cast %swap3A_1747 : i32 to index
      %swap3A_1749 = arith.constant 48 : index
      %swap3A_1750 = tpu.vector_load %arg14[%swap3A_1748, %swap3A_1749] {strides = array<i32>} : memref<2x80xf32, #tpu.memory_space<vmem>>, vector<16xf32>,
      tpu.vector_store %arg14[%swap3A_1748, %swap3A_1749], %sub3A_1698 {strides = array<i32>} : memref<2x80xf32, #tpu.memory_space<vmem>>, vector<16xf32>,
      %dma_start3A_1751 = arith.constant 0 : i32
      %dma_start3A_1752 = arith.constant 0 : i32
      %dma_start3A_1753 = arith.constant 0 : i32
      %dma_start3A_1754 = arith.constant 0 : i32
      %dma_start3A_1755 = arith.constant 0 : i32
      %dma_start3A_1756 = arith.constant 0 : i32
      %dma_start3A_1757 = tpu.memref_slice %arg15[%dma_start3A_1753, %dma_start3A_1754, %dma_start3A_1755, %dma_start3A_1756] : memref<2x4x64x128xf32, #tpu.memory_space<vmem>> -> memref<1x1x64x128xf32, #tpu.memory_space<vmem>>
      %dma_start3A_1758 = tpu.memref_squeeze %dma_start3A_1757 : memref<1x1x64x128xf32, #tpu.memory_space<vmem>> -> memref<64x128xf32, #tpu.memory_space<vmem>>
      %dma_start3A_1759 = arith.constant 0 : i32
      %dma_start3A_1760 = tpu.memref_slice %arg12[%dma_start3A_1751, %dma_start3A_1752, %dma_start3A_1759] : memref<2x4x64xi32, #tpu.memory_space<vmem>> -> memref<1x1x64xi32, #tpu.memory_space<vmem>>
      %dma_start3A_1761 = tpu.memref_squeeze %dma_start3A_1760 : memref<1x1x64xi32, #tpu.memory_space<vmem>> -> memref<64xi32, #tpu.memory_space<vmem>>
      %dma_start3A_1762 = arith.constant 0 : i32
      %dma_start3A_1763 = arith.constant 0 : i32
      %dma_start3A_1764 = tpu.memref_slice %arg2[%dma_start3A_1762, %dma_start3A_1763] : memref<200704x128xf32, #tpu.memory_space<hbm>> -> memref<200704x128xf32, #tpu.memory_space<hbm>>
      tpu.enqueue_indirect_dma source(%dma_start3A_1764 : memref<200704x128xf32, #tpu.memory_space<hbm>>) target(%dma_start3A_1758 : memref<64x128xf32, #tpu.memory_space<vmem>>) offsets(%dma_start3A_1761 : memref<64xi32, #tpu.memory_space<vmem>>) semaphore(%arg17 : memref<!tpu.dma_semaphore, #tpu.memory_space<semaphore_mem>>)
      %dma_start3A_1765 = arith.constant 0 : i32
      %dma_start3A_1766 = arith.constant 1 : i32
      %dma_start3A_1767 = arith.constant 0 : i32
      %dma_start3A_1768 = arith.constant 1 : i32
      %dma_start3A_1769 = arith.constant 0 : i32
      %dma_start3A_1770 = arith.constant 0 : i32
      %dma_start3A_1771 = tpu.memref_slice %arg15[%dma_start3A_1767, %dma_start3A_1768, %dma_start3A_1769, %dma_start3A_1770] : memref<2x4x64x128xf32, #tpu.memory_space<vmem>> -> memref<1x1x64x128xf32, #tpu.memory_space<vmem>>
      %dma_start3A_1772 = tpu.memref_squeeze %dma_start3A_1771 : memref<1x1x64x128xf32, #tpu.memory_space<vmem>> -> memref<64x128xf32, #tpu.memory_space<vmem>>
      %dma_start3A_1773 = arith.constant 0 : i32
      %dma_start3A_1774 = tpu.memref_slice %arg12[%dma_start3A_1765, %dma_start3A_1766, %dma_start3A_1773] : memref<2x4x64xi32, #tpu.memory_space<vmem>> -> memref<1x1x64xi32, #tpu.memory_space<vmem>>
      %dma_start3A_1775 = tpu.memref_squeeze %dma_start3A_1774 : memref<1x1x64xi32, #tpu.memory_space<vmem>> -> memref<64xi32, #tpu.memory_space<vmem>>
      %dma_start3A_1776 = arith.constant 0 : i32
      %dma_start3A_1777 = arith.constant 0 : i32
      %dma_start3A_1778 = tpu.memref_slice %arg2[%dma_start3A_1776, %dma_start3A_1777] : memref<200704x128xf32, #tpu.memory_space<hbm>> -> memref<200704x128xf32, #tpu.memory_space<hbm>>
      tpu.enqueue_indirect_dma source(%dma_start3A_1778 : memref<200704x128xf32, #tpu.memory_space<hbm>>) target(%dma_start3A_1772 : memref<64x128xf32, #tpu.memory_space<vmem>>) offsets(%dma_start3A_1775 : memref<64xi32, #tpu.memory_space<vmem>>) semaphore(%arg17 : memref<!tpu.dma_semaphore, #tpu.memory_space<semaphore_mem>>)
      %dma_start3A_1779 = arith.constant 0 : i32
      %dma_start3A_1780 = arith.constant 2 : i32
      %dma_start3A_1781 = arith.constant 0 : i32
      %dma_start3A_1782 = arith.constant 2 : i32
      %dma_start3A_1783 = arith.constant 0 : i32
      %dma_start3A_1784 = arith.constant 0 : i32
      %dma_start3A_1785 = tpu.memref_slice %arg15[%dma_start3A_1781, %dma_start3A_1782, %dma_start3A_1783, %dma_start3A_1784] : memref<2x4x64x128xf32, #tpu.memory_space<vmem>> -> memref<1x1x64x128xf32, #tpu.memory_space<vmem>>
      %dma_start3A_1786 = tpu.memref_squeeze %dma_start3A_1785 : memref<1x1x64x128xf32, #tpu.memory_space<vmem>> -> memref<64x128xf32, #tpu.memory_space<vmem>>
      %dma_start3A_1787 = arith.constant 0 : i32
      %dma_start3A_1788 = tpu.memref_slice %arg12[%dma_start3A_1779, %dma_start3A_1780, %dma_start3A_1787] : memref<2x4x64xi32, #tpu.memory_space<vmem>> -> memref<1x1x64xi32, #tpu.memory_space<vmem>>
      %dma_start3A_1789 = tpu.memref_squeeze %dma_start3A_1788 : memref<1x1x64xi32, #tpu.memory_space<vmem>> -> memref<64xi32, #tpu.memory_space<vmem>>
      %dma_start3A_1790 = arith.constant 0 : i32
      %dma_start3A_1791 = arith.constant 0 : i32
      %dma_start3A_1792 = tpu.memref_slice %arg2[%dma_start3A_1790, %dma_start3A_1791] : memref<200704x128xf32, #tpu.memory_space<hbm>> -> memref<200704x128xf32, #tpu.memory_space<hbm>>
      tpu.enqueue_indirect_dma source(%dma_start3A_1792 : memref<200704x128xf32, #tpu.memory_space<hbm>>) target(%dma_start3A_1786 : memref<64x128xf32, #tpu.memory_space<vmem>>) offsets(%dma_start3A_1789 : memref<64xi32, #tpu.memory_space<vmem>>) semaphore(%arg17 : memref<!tpu.dma_semaphore, #tpu.memory_space<semaphore_mem>>)
      %dma_start3A_1793 = arith.constant 0 : i32
      %dma_start3A_1794 = arith.constant 3 : i32
      %dma_start3A_1795 = arith.constant 0 : i32
      %dma_start3A_1796 = arith.constant 3 : i32
      %dma_start3A_1797 = arith.constant 0 : i32
      %dma_start3A_1798 = arith.constant 0 : i32
      %dma_start3A_1799 = tpu.memref_slice %arg15[%dma_start3A_1795, %dma_start3A_1796, %dma_start3A_1797, %dma_start3A_1798] : memref<2x4x64x128xf32, #tpu.memory_space<vmem>> -> memref<1x1x64x128xf32, #tpu.memory_space<vmem>>
      %dma_start3A_1800 = tpu.memref_squeeze %dma_start3A_1799 : memref<1x1x64x128xf32, #tpu.memory_space<vmem>> -> memref<64x128xf32, #tpu.memory_space<vmem>>
      %dma_start3A_1801 = arith.constant 0 : i32
      %dma_start3A_1802 = tpu.memref_slice %arg12[%dma_start3A_1793, %dma_start3A_1794, %dma_start3A_1801] : memref<2x4x64xi32, #tpu.memory_space<vmem>> -> memref<1x1x64xi32, #tpu.memory_space<vmem>>
      %dma_start3A_1803 = tpu.memref_squeeze %dma_start3A_1802 : memref<1x1x64xi32, #tpu.memory_space<vmem>> -> memref<64xi32, #tpu.memory_space<vmem>>
      %dma_start3A_1804 = arith.constant 0 : i32
      %dma_start3A_1805 = arith.constant 0 : i32
      %dma_start3A_1806 = tpu.memref_slice %arg2[%dma_start3A_1804, %dma_start3A_1805] : memref<200704x128xf32, #tpu.memory_space<hbm>> -> memref<200704x128xf32, #tpu.memory_space<hbm>>
      tpu.enqueue_indirect_dma source(%dma_start3A_1806 : memref<200704x128xf32, #tpu.memory_space<hbm>>) target(%dma_start3A_1800 : memref<64x128xf32, #tpu.memory_space<vmem>>) offsets(%dma_start3A_1803 : memref<64xi32, #tpu.memory_space<vmem>>) semaphore(%arg17 : memref<!tpu.dma_semaphore, #tpu.memory_space<semaphore_mem>>)
      %add3A_1807 = arith.constant 1 : i32
      %add3A_1808 = arith.addi %mul3A_620, %add3A_1807 : i32
      %dma_wait3A_1809 = arith.constant 1 : i32
      %dma_wait3A_1810 = arith.constant 0 : i32
      %dma_wait3A_1811 = arith.constant 1 : i32
      %dma_wait3A_1812 = arith.constant 0 : i32
      %dma_wait3A_1813 = arith.constant 0 : i32
      %dma_wait3A_1814 = arith.constant 0 : i32
      %dma_wait3A_1815 = tpu.memref_slice %arg15[%dma_wait3A_1811, %dma_wait3A_1812, %dma_wait3A_1813, %dma_wait3A_1814] : memref<2x4x64x128xf32, #tpu.memory_space<vmem>> -> memref<1x1x64x128xf32, #tpu.memory_space<vmem>>
      %dma_wait3A_1816 = tpu.memref_squeeze %dma_wait3A_1815 : memref<1x1x64x128xf32, #tpu.memory_space<vmem>> -> memref<64x128xf32, #tpu.memory_space<vmem>>
      %dma_wait3A_1817 = arith.constant 0 : i32
      %dma_wait3A_1818 = tpu.memref_slice %arg12[%dma_wait3A_1809, %dma_wait3A_1810, %dma_wait3A_1817] : memref<2x4x64xi32, #tpu.memory_space<vmem>> -> memref<1x1x64xi32, #tpu.memory_space<vmem>>
      %dma_wait3A_1819 = tpu.memref_squeeze %dma_wait3A_1818 : memref<1x1x64xi32, #tpu.memory_space<vmem>> -> memref<64xi32, #tpu.memory_space<vmem>>
      %dma_wait3A_1820 = arith.constant 0 : i32
      %dma_wait3A_1821 = arith.constant 0 : i32
      %dma_wait3A_1822 = tpu.memref_slice %arg2[%dma_wait3A_1820, %dma_wait3A_1821] : memref<200704x128xf32, #tpu.memory_space<hbm>> -> memref<200704x128xf32, #tpu.memory_space<hbm>>
      tpu.wait_indirect_dma semaphore(%arg18 : memref<!tpu.dma_semaphore, #tpu.memory_space<semaphore_mem>>) src(%dma_wait3A_1822 : memref<200704x128xf32, #tpu.memory_space<hbm>>) dst(%dma_wait3A_1816 : memref<64x128xf32, #tpu.memory_space<vmem>>)
      %dma_wait3A_1823 = arith.constant 1 : i32
      %dma_wait3A_1824 = arith.constant 1 : i32
      %dma_wait3A_1825 = arith.constant 1 : i32
      %dma_wait3A_1826 = arith.constant 1 : i32
      %dma_wait3A_1827 = arith.constant 0 : i32
      %dma_wait3A_1828 = arith.constant 0 : i32
      %dma_wait3A_1829 = tpu.memref_slice %arg15[%dma_wait3A_1825, %dma_wait3A_1826, %dma_wait3A_1827, %dma_wait3A_1828] : memref<2x4x64x128xf32, #tpu.memory_space<vmem>> -> memref<1x1x64x128xf32, #tpu.memory_space<vmem>>
      %dma_wait3A_1830 = tpu.memref_squeeze %dma_wait3A_1829 : memref<1x1x64x128xf32, #tpu.memory_space<vmem>> -> memref<64x128xf32, #tpu.memory_space<vmem>>
      %dma_wait3A_1831 = arith.constant 0 : i32
      %dma_wait3A_1832 = tpu.memref_slice %arg12[%dma_wait3A_1823, %dma_wait3A_1824, %dma_wait3A_1831] : memref<2x4x64xi32, #tpu.memory_space<vmem>> -> memref<1x1x64xi32, #tpu.memory_space<vmem>>
      %dma_wait3A_1833 = tpu.memref_squeeze %dma_wait3A_1832 : memref<1x1x64xi32, #tpu.memory_space<vmem>> -> memref<64xi32, #tpu.memory_space<vmem>>
      %dma_wait3A_1834 = arith.constant 0 : i32
      %dma_wait3A_1835 = arith.constant 0 : i32
      %dma_wait3A_1836 = tpu.memref_slice %arg2[%dma_wait3A_1834, %dma_wait3A_1835] : memref<200704x128xf32, #tpu.memory_space<hbm>> -> memref<200704x128xf32, #tpu.memory_space<hbm>>
      tpu.wait_indirect_dma semaphore(%arg18 : memref<!tpu.dma_semaphore, #tpu.memory_space<semaphore_mem>>) src(%dma_wait3A_1836 : memref<200704x128xf32, #tpu.memory_space<hbm>>) dst(%dma_wait3A_1830 : memref<64x128xf32, #tpu.memory_space<vmem>>)
      %dma_wait3A_1837 = arith.constant 1 : i32
      %dma_wait3A_1838 = arith.constant 2 : i32
      %dma_wait3A_1839 = arith.constant 1 : i32
      %dma_wait3A_1840 = arith.constant 2 : i32
      %dma_wait3A_1841 = arith.constant 0 : i32
      %dma_wait3A_1842 = arith.constant 0 : i32
      %dma_wait3A_1843 = tpu.memref_slice %arg15[%dma_wait3A_1839, %dma_wait3A_1840, %dma_wait3A_1841, %dma_wait3A_1842] : memref<2x4x64x128xf32, #tpu.memory_space<vmem>> -> memref<1x1x64x128xf32, #tpu.memory_space<vmem>>
      %dma_wait3A_1844 = tpu.memref_squeeze %dma_wait3A_1843 : memref<1x1x64x128xf32, #tpu.memory_space<vmem>> -> memref<64x128xf32, #tpu.memory_space<vmem>>
      %dma_wait3A_1845 = arith.constant 0 : i32
      %dma_wait3A_1846 = tpu.memref_slice %arg12[%dma_wait3A_1837, %dma_wait3A_1838, %dma_wait3A_1845] : memref<2x4x64xi32, #tpu.memory_space<vmem>> -> memref<1x1x64xi32, #tpu.memory_space<vmem>>
      %dma_wait3A_1847 = tpu.memref_squeeze %dma_wait3A_1846 : memref<1x1x64xi32, #tpu.memory_space<vmem>> -> memref<64xi32, #tpu.memory_space<vmem>>
      %dma_wait3A_1848 = arith.constant 0 : i32
      %dma_wait3A_1849 = arith.constant 0 : i32
      %dma_wait3A_1850 = tpu.memref_slice %arg2[%dma_wait3A_1848, %dma_wait3A_1849] : memref<200704x128xf32, #tpu.memory_space<hbm>> -> memref<200704x128xf32, #tpu.memory_space<hbm>>
      tpu.wait_indirect_dma semaphore(%arg18 : memref<!tpu.dma_semaphore, #tpu.memory_space<semaphore_mem>>) src(%dma_wait3A_1850 : memref<200704x128xf32, #tpu.memory_space<hbm>>) dst(%dma_wait3A_1844 : memref<64x128xf32, #tpu.memory_space<vmem>>)
      %dma_wait3A_1851 = arith.constant 1 : i32
      %dma_wait3A_1852 = arith.constant 3 : i32
      %dma_wait3A_1853 = arith.constant 1 : i32
      %dma_wait3A_1854 = arith.constant 3 : i32
      %dma_wait3A_1855 = arith.constant 0 : i32
      %dma_wait3A_1856 = arith.constant 0 : i32
      %dma_wait3A_1857 = tpu.memref_slice %arg15[%dma_wait3A_1853, %dma_wait3A_1854, %dma_wait3A_1855, %dma_wait3A_1856] : memref<2x4x64x128xf32, #tpu.memory_space<vmem>> -> memref<1x1x64x128xf32, #tpu.memory_space<vmem>>
      %dma_wait3A_1858 = tpu.memref_squeeze %dma_wait3A_1857 : memref<1x1x64x128xf32, #tpu.memory_space<vmem>> -> memref<64x128xf32, #tpu.memory_space<vmem>>
      %dma_wait3A_1859 = arith.constant 0 : i32
      %dma_wait3A_1860 = tpu.memref_slice %arg12[%dma_wait3A_1851, %dma_wait3A_1852, %dma_wait3A_1859] : memref<2x4x64xi32, #tpu.memory_space<vmem>> -> memref<1x1x64xi32, #tpu.memory_space<vmem>>
      %dma_wait3A_1861 = tpu.memref_squeeze %dma_wait3A_1860 : memref<1x1x64xi32, #tpu.memory_space<vmem>> -> memref<64xi32, #tpu.memory_space<vmem>>
      %dma_wait3A_1862 = arith.constant 0 : i32
      %dma_wait3A_1863 = arith.constant 0 : i32
      %dma_wait3A_1864 = tpu.memref_slice %arg2[%dma_wait3A_1862, %dma_wait3A_1863] : memref<200704x128xf32, #tpu.memory_space<hbm>> -> memref<200704x128xf32, #tpu.memory_space<hbm>>
      tpu.wait_indirect_dma semaphore(%arg18 : memref<!tpu.dma_semaphore, #tpu.memory_space<semaphore_mem>>) src(%dma_wait3A_1864 : memref<200704x128xf32, #tpu.memory_space<hbm>>) dst(%dma_wait3A_1858 : memref<64x128xf32, #tpu.memory_space<vmem>>)
      %mul3A_1865 = arith.constant 3136 : i32
      %mul3A_1866 = arith.muli %add3A, %mul3A_1865 : i32
      %mul3A_1867 = arith.constant 64 : i32
      %mul3A_1868 = arith.muli %add3A_1808, %mul3A_1867 : i32
      %add3A_1869 = arith.addi %mul3A_1866, %mul3A_1868 : i32
      %scan3A_1870 = arith.constant 0 : i32
      %scan3A_1871 = arith.constant 0 : i32
      %scan3A_1872 = arith.constant 64 : i32
      %scan3A_1873 = arith.addi %scan3A_1871, %scan3A_1872 : i32
      %scan3A_1874 = arith.constant 1 : i32
      scf.for %scan3A_1877 = %scan3A_1871 to %scan3A_1873 step %scan3A_1874  : i32 {
        %get3A = arith.constant 1 : i32
        %get3A_1878 = arith.index_cast %get3A : i32 to index
        %get3A_1879 = arith.index_cast %scan3A_1877 : i32 to index
        %get3A_1880 = tpu.vector_load %arg13[%get3A_1878, %get3A_1879] {strides = array<i32>} : memref<2x80xf32, #tpu.memory_space<vmem>>, vector<16xf32>,
        %slice3A = vector.extract_strided_slice %get3A_1880 {offsets = [0], sizes = [1], strides = [1]} : vector<16xf32> to vector<1xf32>
        %squeeze3A = vector.extract %slice3A[0] : f32 from vector<1xf32>
        %get3A_1881 = arith.constant 1 : i32
        %get3A_1882 = arith.index_cast %get3A_1881 : i32 to index
        %get3A_1883 = arith.index_cast %scan3A_1877 : i32 to index
        %get3A_1884 = tpu.vector_load %arg14[%get3A_1882, %get3A_1883] {strides = array<i32>} : memref<2x80xf32, #tpu.memory_space<vmem>>, vector<16xf32>,
        %slice3A_1885 = vector.extract_strided_slice %get3A_1884 {offsets = [0], sizes = [1], strides = [1]} : vector<16xf32> to vector<1xf32>
        %squeeze3A_1886 = vector.extract %slice3A_1885[0] : f32 from vector<1xf32>
        %get3A_1887 = arith.constant 1 : i32
        %get3A_1888 = arith.constant 0 : i32
        %get3A_1889 = arith.index_cast %get3A_1887 : i32 to index
        %get3A_1890 = arith.index_cast %get3A_1888 : i32 to index
        %get3A_1891 = arith.index_cast %scan3A_1877 : i32 to index
        %get3A_1892 = arith.constant 0 : index
        %get3A_1893 = tpu.vector_load %arg15[%get3A_1889, %get3A_1890, %get3A_1891, %get3A_1892] {strides = array<i32>} : memref<2x4x64x128xf32, #tpu.memory_space<vmem>>, vector<16xf32>,
        %get3A_1894 = arith.constant 1 : i32
        %get3A_1895 = arith.constant 1 : i32
        %get3A_1896 = arith.index_cast %get3A_1894 : i32 to index
        %get3A_1897 = arith.index_cast %get3A_1895 : i32 to index
        %get3A_1898 = arith.index_cast %scan3A_1877 : i32 to index
        %get3A_1899 = arith.constant 0 : index
        %get3A_1900 = tpu.vector_load %arg15[%get3A_1896, %get3A_1897, %get3A_1898, %get3A_1899] {strides = array<i32>} : memref<2x4x64x128xf32, #tpu.memory_space<vmem>>, vector<16xf32>,
        %get3A_1901 = arith.constant 1 : i32
        %get3A_1902 = arith.constant 2 : i32
        %get3A_1903 = arith.index_cast %get3A_1901 : i32 to index
        %get3A_1904 = arith.index_cast %get3A_1902 : i32 to index
        %get3A_1905 = arith.index_cast %scan3A_1877 : i32 to index
        %get3A_1906 = arith.constant 0 : index
        %get3A_1907 = tpu.vector_load %arg15[%get3A_1903, %get3A_1904, %get3A_1905, %get3A_1906] {strides = array<i32>} : memref<2x4x64x128xf32, #tpu.memory_space<vmem>>, vector<16xf32>,
        %get3A_1908 = arith.constant 1 : i32
        %get3A_1909 = arith.constant 3 : i32
        %get3A_1910 = arith.index_cast %get3A_1908 : i32 to index
        %get3A_1911 = arith.index_cast %get3A_1909 : i32 to index
        %get3A_1912 = arith.index_cast %scan3A_1877 : i32 to index
        %get3A_1913 = arith.constant 0 : index
        %get3A_1914 = tpu.vector_load %arg15[%get3A_1910, %get3A_1911, %get3A_1912, %get3A_1913] {strides = array<i32>} : memref<2x4x64x128xf32, #tpu.memory_space<vmem>>, vector<16xf32>,
        %sub3A_1915 = arith.subf %get3A_1900, %get3A_1893 : vector<16xf32>
        %mul3A_1916 = vector.broadcast %squeeze3A : f32 to vector<16xf32>
        %mul3A_1917 = arith.mulf %sub3A_1915, %mul3A_1916 : vector<16xf32>
        %add3A_1918 = arith.addf %get3A_1893, %mul3A_1917 : vector<16xf32>
        %sub3A_1919 = arith.subf %get3A_1914, %get3A_1907 : vector<16xf32>
        %mul3A_1920 = vector.broadcast %squeeze3A : f32 to vector<16xf32>
        %mul3A_1921 = arith.mulf %sub3A_1919, %mul3A_1920 : vector<16xf32>
        %add3A_1922 = arith.addf %get3A_1907, %mul3A_1921 : vector<16xf32>
        %sub3A_1923 = arith.subf %add3A_1922, %add3A_1918 : vector<16xf32>
        %mul3A_1924 = vector.broadcast %squeeze3A_1886 : f32 to vector<16xf32>
        %mul3A_1925 = arith.mulf %sub3A_1923, %mul3A_1924 : vector<16xf32>
        %add3A_1926 = arith.addf %add3A_1918, %mul3A_1925 : vector<16xf32>
        %swap3A_1927 = arith.constant 1 : i32
        %swap3A_1928 = arith.index_cast %swap3A_1927 : i32 to index
        %swap3A_1929 = arith.index_cast %scan3A_1877 : i32 to index
        %swap3A_1930 = arith.constant 0 : index
        %swap3A_1931 = tpu.vector_load %arg16[%swap3A_1928, %swap3A_1929, %swap3A_1930] {strides = array<i32>} : memref<2x64x96xf32, #tpu.memory_space<vmem>>, vector<16xf32>,
        tpu.vector_store %arg16[%swap3A_1928, %swap3A_1929, %swap3A_1930], %add3A_1926 {strides = array<i32>} : memref<2x64x96xf32, #tpu.memory_space<vmem>>, vector<16xf32>,
        %get3A_1932 = arith.constant 1 : i32
        %get3A_1933 = arith.constant 0 : i32
        %get3A_1934 = arith.index_cast %get3A_1932 : i32 to index
        %get3A_1935 = arith.index_cast %get3A_1933 : i32 to index
        %get3A_1936 = arith.index_cast %scan3A_1877 : i32 to index
        %get3A_1937 = arith.constant 16 : index
        %get3A_1938 = tpu.vector_load %arg15[%get3A_1934, %get3A_1935, %get3A_1936, %get3A_1937] {strides = array<i32>} : memref<2x4x64x128xf32, #tpu.memory_space<vmem>>, vector<16xf32>,
        %get3A_1939 = arith.constant 1 : i32
        %get3A_1940 = arith.constant 1 : i32
        %get3A_1941 = arith.index_cast %get3A_1939 : i32 to index
        %get3A_1942 = arith.index_cast %get3A_1940 : i32 to index
        %get3A_1943 = arith.index_cast %scan3A_1877 : i32 to index
        %get3A_1944 = arith.constant 16 : index
        %get3A_1945 = tpu.vector_load %arg15[%get3A_1941, %get3A_1942, %get3A_1943, %get3A_1944] {strides = array<i32>} : memref<2x4x64x128xf32, #tpu.memory_space<vmem>>, vector<16xf32>,
        %get3A_1946 = arith.constant 1 : i32
        %get3A_1947 = arith.constant 2 : i32
        %get3A_1948 = arith.index_cast %get3A_1946 : i32 to index
        %get3A_1949 = arith.index_cast %get3A_1947 : i32 to index
        %get3A_1950 = arith.index_cast %scan3A_1877 : i32 to index
        %get3A_1951 = arith.constant 16 : index
        %get3A_1952 = tpu.vector_load %arg15[%get3A_1948, %get3A_1949, %get3A_1950, %get3A_1951] {strides = array<i32>} : memref<2x4x64x128xf32, #tpu.memory_space<vmem>>, vector<16xf32>,
        %get3A_1953 = arith.constant 1 : i32
        %get3A_1954 = arith.constant 3 : i32
        %get3A_1955 = arith.index_cast %get3A_1953 : i32 to index
        %get3A_1956 = arith.index_cast %get3A_1954 : i32 to index
        %get3A_1957 = arith.index_cast %scan3A_1877 : i32 to index
        %get3A_1958 = arith.constant 16 : index
        %get3A_1959 = tpu.vector_load %arg15[%get3A_1955, %get3A_1956, %get3A_1957, %get3A_1958] {strides = array<i32>} : memref<2x4x64x128xf32, #tpu.memory_space<vmem>>, vector<16xf32>,
        %sub3A_1960 = arith.subf %get3A_1945, %get3A_1938 : vector<16xf32>
        %mul3A_1961 = vector.broadcast %squeeze3A : f32 to vector<16xf32>
        %mul3A_1962 = arith.mulf %sub3A_1960, %mul3A_1961 : vector<16xf32>
        %add3A_1963 = arith.addf %get3A_1938, %mul3A_1962 : vector<16xf32>
        %sub3A_1964 = arith.subf %get3A_1959, %get3A_1952 : vector<16xf32>
        %mul3A_1965 = vector.broadcast %squeeze3A : f32 to vector<16xf32>
        %mul3A_1966 = arith.mulf %sub3A_1964, %mul3A_1965 : vector<16xf32>
        %add3A_1967 = arith.addf %get3A_1952, %mul3A_1966 : vector<16xf32>
        %sub3A_1968 = arith.subf %add3A_1967, %add3A_1963 : vector<16xf32>
        %mul3A_1969 = vector.broadcast %squeeze3A_1886 : f32 to vector<16xf32>
        %mul3A_1970 = arith.mulf %sub3A_1968, %mul3A_1969 : vector<16xf32>
        %add3A_1971 = arith.addf %add3A_1963, %mul3A_1970 : vector<16xf32>
        %swap3A_1972 = arith.constant 1 : i32
        %swap3A_1973 = arith.index_cast %swap3A_1972 : i32 to index
        %swap3A_1974 = arith.index_cast %scan3A_1877 : i32 to index
        %swap3A_1975 = arith.constant 16 : index
        %swap3A_1976 = tpu.vector_load %arg16[%swap3A_1973, %swap3A_1974, %swap3A_1975] {strides = array<i32>} : memref<2x64x96xf32, #tpu.memory_space<vmem>>, vector<16xf32>,
        tpu.vector_store %arg16[%swap3A_1973, %swap3A_1974, %swap3A_1975], %add3A_1971 {strides = array<i32>} : memref<2x64x96xf32, #tpu.memory_space<vmem>>, vector<16xf32>,
        %get3A_1977 = arith.constant 1 : i32
        %get3A_1978 = arith.constant 0 : i32
        %get3A_1979 = arith.index_cast %get3A_1977 : i32 to index
        %get3A_1980 = arith.index_cast %get3A_1978 : i32 to index
        %get3A_1981 = arith.index_cast %scan3A_1877 : i32 to index
        %get3A_1982 = arith.constant 32 : index
        %get3A_1983 = tpu.vector_load %arg15[%get3A_1979, %get3A_1980, %get3A_1981, %get3A_1982] {strides = array<i32>} : memref<2x4x64x128xf32, #tpu.memory_space<vmem>>, vector<16xf32>,
        %get3A_1984 = arith.constant 1 : i32
        %get3A_1985 = arith.constant 1 : i32
        %get3A_1986 = arith.index_cast %get3A_1984 : i32 to index
        %get3A_1987 = arith.index_cast %get3A_1985 : i32 to index
        %get3A_1988 = arith.index_cast %scan3A_1877 : i32 to index
        %get3A_1989 = arith.constant 32 : index
        %get3A_1990 = tpu.vector_load %arg15[%get3A_1986, %get3A_1987, %get3A_1988, %get3A_1989] {strides = array<i32>} : memref<2x4x64x128xf32, #tpu.memory_space<vmem>>, vector<16xf32>,
        %get3A_1991 = arith.constant 1 : i32
        %get3A_1992 = arith.constant 2 : i32
        %get3A_1993 = arith.index_cast %get3A_1991 : i32 to index
        %get3A_1994 = arith.index_cast %get3A_1992 : i32 to index
        %get3A_1995 = arith.index_cast %scan3A_1877 : i32 to index
        %get3A_1996 = arith.constant 32 : index
        %get3A_1997 = tpu.vector_load %arg15[%get3A_1993, %get3A_1994, %get3A_1995, %get3A_1996] {strides = array<i32>} : memref<2x4x64x128xf32, #tpu.memory_space<vmem>>, vector<16xf32>,
        %get3A_1998 = arith.constant 1 : i32
        %get3A_1999 = arith.constant 3 : i32
        %get3A_2000 = arith.index_cast %get3A_1998 : i32 to index
        %get3A_2001 = arith.index_cast %get3A_1999 : i32 to index
        %get3A_2002 = arith.index_cast %scan3A_1877 : i32 to index
        %get3A_2003 = arith.constant 32 : index
        %get3A_2004 = tpu.vector_load %arg15[%get3A_2000, %get3A_2001, %get3A_2002, %get3A_2003] {strides = array<i32>} : memref<2x4x64x128xf32, #tpu.memory_space<vmem>>, vector<16xf32>,
        %sub3A_2005 = arith.subf %get3A_1990, %get3A_1983 : vector<16xf32>
        %mul3A_2006 = vector.broadcast %squeeze3A : f32 to vector<16xf32>
        %mul3A_2007 = arith.mulf %sub3A_2005, %mul3A_2006 : vector<16xf32>
        %add3A_2008 = arith.addf %get3A_1983, %mul3A_2007 : vector<16xf32>
        %sub3A_2009 = arith.subf %get3A_2004, %get3A_1997 : vector<16xf32>
        %mul3A_2010 = vector.broadcast %squeeze3A : f32 to vector<16xf32>
        %mul3A_2011 = arith.mulf %sub3A_2009, %mul3A_2010 : vector<16xf32>
        %add3A_2012 = arith.addf %get3A_1997, %mul3A_2011 : vector<16xf32>
        %sub3A_2013 = arith.subf %add3A_2012, %add3A_2008 : vector<16xf32>
        %mul3A_2014 = vector.broadcast %squeeze3A_1886 : f32 to vector<16xf32>
        %mul3A_2015 = arith.mulf %sub3A_2013, %mul3A_2014 : vector<16xf32>
        %add3A_2016 = arith.addf %add3A_2008, %mul3A_2015 : vector<16xf32>
        %swap3A_2017 = arith.constant 1 : i32
        %swap3A_2018 = arith.index_cast %swap3A_2017 : i32 to index
        %swap3A_2019 = arith.index_cast %scan3A_1877 : i32 to index
        %swap3A_2020 = arith.constant 32 : index
        %swap3A_2021 = tpu.vector_load %arg16[%swap3A_2018, %swap3A_2019, %swap3A_2020] {strides = array<i32>} : memref<2x64x96xf32, #tpu.memory_space<vmem>>, vector<16xf32>,
        tpu.vector_store %arg16[%swap3A_2018, %swap3A_2019, %swap3A_2020], %add3A_2016 {strides = array<i32>} : memref<2x64x96xf32, #tpu.memory_space<vmem>>, vector<16xf32>,
        %get3A_2022 = arith.constant 1 : i32
        %get3A_2023 = arith.constant 0 : i32
        %get3A_2024 = arith.index_cast %get3A_2022 : i32 to index
        %get3A_2025 = arith.index_cast %get3A_2023 : i32 to index
        %get3A_2026 = arith.index_cast %scan3A_1877 : i32 to index
        %get3A_2027 = arith.constant 48 : index
        %get3A_2028 = tpu.vector_load %arg15[%get3A_2024, %get3A_2025, %get3A_2026, %get3A_2027] {strides = array<i32>} : memref<2x4x64x128xf32, #tpu.memory_space<vmem>>, vector<16xf32>,
        %get3A_2029 = arith.constant 1 : i32
        %get3A_2030 = arith.constant 1 : i32
        %get3A_2031 = arith.index_cast %get3A_2029 : i32 to index
        %get3A_2032 = arith.index_cast %get3A_2030 : i32 to index
        %get3A_2033 = arith.index_cast %scan3A_1877 : i32 to index
        %get3A_2034 = arith.constant 48 : index
        %get3A_2035 = tpu.vector_load %arg15[%get3A_2031, %get3A_2032, %get3A_2033, %get3A_2034] {strides = array<i32>} : memref<2x4x64x128xf32, #tpu.memory_space<vmem>>, vector<16xf32>,
        %get3A_2036 = arith.constant 1 : i32
        %get3A_2037 = arith.constant 2 : i32
        %get3A_2038 = arith.index_cast %get3A_2036 : i32 to index
        %get3A_2039 = arith.index_cast %get3A_2037 : i32 to index
        %get3A_2040 = arith.index_cast %scan3A_1877 : i32 to index
        %get3A_2041 = arith.constant 48 : index
        %get3A_2042 = tpu.vector_load %arg15[%get3A_2038, %get3A_2039, %get3A_2040, %get3A_2041] {strides = array<i32>} : memref<2x4x64x128xf32, #tpu.memory_space<vmem>>, vector<16xf32>,
        %get3A_2043 = arith.constant 1 : i32
        %get3A_2044 = arith.constant 3 : i32
        %get3A_2045 = arith.index_cast %get3A_2043 : i32 to index
        %get3A_2046 = arith.index_cast %get3A_2044 : i32 to index
        %get3A_2047 = arith.index_cast %scan3A_1877 : i32 to index
        %get3A_2048 = arith.constant 48 : index
        %get3A_2049 = tpu.vector_load %arg15[%get3A_2045, %get3A_2046, %get3A_2047, %get3A_2048] {strides = array<i32>} : memref<2x4x64x128xf32, #tpu.memory_space<vmem>>, vector<16xf32>,
        %sub3A_2050 = arith.subf %get3A_2035, %get3A_2028 : vector<16xf32>
        %mul3A_2051 = vector.broadcast %squeeze3A : f32 to vector<16xf32>
        %mul3A_2052 = arith.mulf %sub3A_2050, %mul3A_2051 : vector<16xf32>
        %add3A_2053 = arith.addf %get3A_2028, %mul3A_2052 : vector<16xf32>
        %sub3A_2054 = arith.subf %get3A_2049, %get3A_2042 : vector<16xf32>
        %mul3A_2055 = vector.broadcast %squeeze3A : f32 to vector<16xf32>
        %mul3A_2056 = arith.mulf %sub3A_2054, %mul3A_2055 : vector<16xf32>
        %add3A_2057 = arith.addf %get3A_2042, %mul3A_2056 : vector<16xf32>
        %sub3A_2058 = arith.subf %add3A_2057, %add3A_2053 : vector<16xf32>
        %mul3A_2059 = vector.broadcast %squeeze3A_1886 : f32 to vector<16xf32>
        %mul3A_2060 = arith.mulf %sub3A_2058, %mul3A_2059 : vector<16xf32>
        %add3A_2061 = arith.addf %add3A_2053, %mul3A_2060 : vector<16xf32>
        %swap3A_2062 = arith.constant 1 : i32
        %swap3A_2063 = arith.index_cast %swap3A_2062 : i32 to index
        %swap3A_2064 = arith.index_cast %scan3A_1877 : i32 to index
        %swap3A_2065 = arith.constant 48 : index
        %swap3A_2066 = tpu.vector_load %arg16[%swap3A_2063, %swap3A_2064, %swap3A_2065] {strides = array<i32>} : memref<2x64x96xf32, #tpu.memory_space<vmem>>, vector<16xf32>,
        tpu.vector_store %arg16[%swap3A_2063, %swap3A_2064, %swap3A_2065], %add3A_2061 {strides = array<i32>} : memref<2x64x96xf32, #tpu.memory_space<vmem>>, vector<16xf32>,
        %get3A_2067 = arith.constant 1 : i32
        %get3A_2068 = arith.constant 0 : i32
        %get3A_2069 = arith.index_cast %get3A_2067 : i32 to index
        %get3A_2070 = arith.index_cast %get3A_2068 : i32 to index
        %get3A_2071 = arith.index_cast %scan3A_1877 : i32 to index
        %get3A_2072 = arith.constant 64 : index
        %get3A_2073 = tpu.vector_load %arg15[%get3A_2069, %get3A_2070, %get3A_2071, %get3A_2072] {strides = array<i32>} : memref<2x4x64x128xf32, #tpu.memory_space<vmem>>, vector<16xf32>,
        %get3A_2074 = arith.constant 1 : i32
        %get3A_2075 = arith.constant 1 : i32
        %get3A_2076 = arith.index_cast %get3A_2074 : i32 to index
        %get3A_2077 = arith.index_cast %get3A_2075 : i32 to index
        %get3A_2078 = arith.index_cast %scan3A_1877 : i32 to index
        %get3A_2079 = arith.constant 64 : index
        %get3A_2080 = tpu.vector_load %arg15[%get3A_2076, %get3A_2077, %get3A_2078, %get3A_2079] {strides = array<i32>} : memref<2x4x64x128xf32, #tpu.memory_space<vmem>>, vector<16xf32>,
        %get3A_2081 = arith.constant 1 : i32
        %get3A_2082 = arith.constant 2 : i32
        %get3A_2083 = arith.index_cast %get3A_2081 : i32 to index
        %get3A_2084 = arith.index_cast %get3A_2082 : i32 to index
        %get3A_2085 = arith.index_cast %scan3A_1877 : i32 to index
        %get3A_2086 = arith.constant 64 : index
        %get3A_2087 = tpu.vector_load %arg15[%get3A_2083, %get3A_2084, %get3A_2085, %get3A_2086] {strides = array<i32>} : memref<2x4x64x128xf32, #tpu.memory_space<vmem>>, vector<16xf32>,
        %get3A_2088 = arith.constant 1 : i32
        %get3A_2089 = arith.constant 3 : i32
        %get3A_2090 = arith.index_cast %get3A_2088 : i32 to index
        %get3A_2091 = arith.index_cast %get3A_2089 : i32 to index
        %get3A_2092 = arith.index_cast %scan3A_1877 : i32 to index
        %get3A_2093 = arith.constant 64 : index
        %get3A_2094 = tpu.vector_load %arg15[%get3A_2090, %get3A_2091, %get3A_2092, %get3A_2093] {strides = array<i32>} : memref<2x4x64x128xf32, #tpu.memory_space<vmem>>, vector<16xf32>,
        %sub3A_2095 = arith.subf %get3A_2080, %get3A_2073 : vector<16xf32>
        %mul3A_2096 = vector.broadcast %squeeze3A : f32 to vector<16xf32>
        %mul3A_2097 = arith.mulf %sub3A_2095, %mul3A_2096 : vector<16xf32>
        %add3A_2098 = arith.addf %get3A_2073, %mul3A_2097 : vector<16xf32>
        %sub3A_2099 = arith.subf %get3A_2094, %get3A_2087 : vector<16xf32>
        %mul3A_2100 = vector.broadcast %squeeze3A : f32 to vector<16xf32>
        %mul3A_2101 = arith.mulf %sub3A_2099, %mul3A_2100 : vector<16xf32>
        %add3A_2102 = arith.addf %get3A_2087, %mul3A_2101 : vector<16xf32>
        %sub3A_2103 = arith.subf %add3A_2102, %add3A_2098 : vector<16xf32>
        %mul3A_2104 = vector.broadcast %squeeze3A_1886 : f32 to vector<16xf32>
        %mul3A_2105 = arith.mulf %sub3A_2103, %mul3A_2104 : vector<16xf32>
        %add3A_2106 = arith.addf %add3A_2098, %mul3A_2105 : vector<16xf32>
        %swap3A_2107 = arith.constant 1 : i32
        %swap3A_2108 = arith.index_cast %swap3A_2107 : i32 to index
        %swap3A_2109 = arith.index_cast %scan3A_1877 : i32 to index
        %swap3A_2110 = arith.constant 64 : index
        %swap3A_2111 = tpu.vector_load %arg16[%swap3A_2108, %swap3A_2109, %swap3A_2110] {strides = array<i32>} : memref<2x64x96xf32, #tpu.memory_space<vmem>>, vector<16xf32>,
        tpu.vector_store %arg16[%swap3A_2108, %swap3A_2109, %swap3A_2110], %add3A_2106 {strides = array<i32>} : memref<2x64x96xf32, #tpu.memory_space<vmem>>, vector<16xf32>,
        %get3A_2112 = arith.constant 1 : i32
        %get3A_2113 = arith.constant 0 : i32
        %get3A_2114 = arith.index_cast %get3A_2112 : i32 to index
        %get3A_2115 = arith.index_cast %get3A_2113 : i32 to index
        %get3A_2116 = arith.index_cast %scan3A_1877 : i32 to index
        %get3A_2117 = arith.constant 80 : index
        %get3A_2118 = tpu.vector_load %arg15[%get3A_2114, %get3A_2115, %get3A_2116, %get3A_2117] {strides = array<i32>} : memref<2x4x64x128xf32, #tpu.memory_space<vmem>>, vector<16xf32>,
        %get3A_2119 = arith.constant 1 : i32
        %get3A_2120 = arith.constant 1 : i32
        %get3A_2121 = arith.index_cast %get3A_2119 : i32 to index
        %get3A_2122 = arith.index_cast %get3A_2120 : i32 to index
        %get3A_2123 = arith.index_cast %scan3A_1877 : i32 to index
        %get3A_2124 = arith.constant 80 : index
        %get3A_2125 = tpu.vector_load %arg15[%get3A_2121, %get3A_2122, %get3A_2123, %get3A_2124] {strides = array<i32>} : memref<2x4x64x128xf32, #tpu.memory_space<vmem>>, vector<16xf32>,
        %get3A_2126 = arith.constant 1 : i32
        %get3A_2127 = arith.constant 2 : i32
        %get3A_2128 = arith.index_cast %get3A_2126 : i32 to index
        %get3A_2129 = arith.index_cast %get3A_2127 : i32 to index
        %get3A_2130 = arith.index_cast %scan3A_1877 : i32 to index
        %get3A_2131 = arith.constant 80 : index
        %get3A_2132 = tpu.vector_load %arg15[%get3A_2128, %get3A_2129, %get3A_2130, %get3A_2131] {strides = array<i32>} : memref<2x4x64x128xf32, #tpu.memory_space<vmem>>, vector<16xf32>,
        %get3A_2133 = arith.constant 1 : i32
        %get3A_2134 = arith.constant 3 : i32
        %get3A_2135 = arith.index_cast %get3A_2133 : i32 to index
        %get3A_2136 = arith.index_cast %get3A_2134 : i32 to index
        %get3A_2137 = arith.index_cast %scan3A_1877 : i32 to index
        %get3A_2138 = arith.constant 80 : index
        %get3A_2139 = tpu.vector_load %arg15[%get3A_2135, %get3A_2136, %get3A_2137, %get3A_2138] {strides = array<i32>} : memref<2x4x64x128xf32, #tpu.memory_space<vmem>>, vector<16xf32>,
        %sub3A_2140 = arith.subf %get3A_2125, %get3A_2118 : vector<16xf32>
        %mul3A_2141 = vector.broadcast %squeeze3A : f32 to vector<16xf32>
        %mul3A_2142 = arith.mulf %sub3A_2140, %mul3A_2141 : vector<16xf32>
        %add3A_2143 = arith.addf %get3A_2118, %mul3A_2142 : vector<16xf32>
        %sub3A_2144 = arith.subf %get3A_2139, %get3A_2132 : vector<16xf32>
        %mul3A_2145 = vector.broadcast %squeeze3A : f32 to vector<16xf32>
        %mul3A_2146 = arith.mulf %sub3A_2144, %mul3A_2145 : vector<16xf32>
        %add3A_2147 = arith.addf %get3A_2132, %mul3A_2146 : vector<16xf32>
        %sub3A_2148 = arith.subf %add3A_2147, %add3A_2143 : vector<16xf32>
        %mul3A_2149 = vector.broadcast %squeeze3A_1886 : f32 to vector<16xf32>
        %mul3A_2150 = arith.mulf %sub3A_2148, %mul3A_2149 : vector<16xf32>
        %add3A_2151 = arith.addf %add3A_2143, %mul3A_2150 : vector<16xf32>
        %swap3A_2152 = arith.constant 1 : i32
        %swap3A_2153 = arith.index_cast %swap3A_2152 : i32 to index
        %swap3A_2154 = arith.index_cast %scan3A_1877 : i32 to index
        %swap3A_2155 = arith.constant 80 : index
        %swap3A_2156 = tpu.vector_load %arg16[%swap3A_2153, %swap3A_2154, %swap3A_2155] {strides = array<i32>} : memref<2x64x96xf32, #tpu.memory_space<vmem>>, vector<16xf32>,
        tpu.vector_store %arg16[%swap3A_2153, %swap3A_2154, %swap3A_2155], %add3A_2151 {strides = array<i32>} : memref<2x64x96xf32, #tpu.memory_space<vmem>>, vector<16xf32>,
      }
      %scan3A_1875 = arith.constant 64 : i32
      %run_scoped3A_1876 = arith.constant 1 : i32
      "tpu.region"() ({
        %run_scoped3A_1877 = tpu.sem_alloc : memref<!tpu.dma_semaphore, #tpu.memory_space<semaphore_mem>>
        %dma_start3A_1878 = arith.constant 0 : i32
        %dma_start3A_1879 = arith.constant 0 : i32
        %dma_start3A_1880 = tpu.memref_slice %arg16[%run_scoped3A_1876, %dma_start3A_1878, %dma_start3A_1879] : memref<2x64x96xf32, #tpu.memory_space<vmem>> -> memref<1x64x96xf32, #tpu.memory_space<vmem>>
        %dma_start3A_1881 = tpu.memref_squeeze %dma_start3A_1880 : memref<1x64x96xf32, #tpu.memory_space<vmem>> -> memref<64x96xf32, #tpu.memory_space<vmem>>
        %dma_start3A_1882 = arith.constant 0 : i32
        %dma_start3A_1883 = tpu.memref_slice %arg7[%add3A_1869, %dma_start3A_1882] : memref<100352x96xf32, #tpu.memory_space<hbm>> -> memref<64x96xf32, #tpu.memory_space<hbm>>
        %dma_start3A_1884 = arith.constant 0 : i32
        %dma_start3A_1885 = tpu.memref_slice %arg7[%add3A_1869, %dma_start3A_1884] : memref<100352x96xf32, #tpu.memory_space<hbm>> -> memref<64x96xf32, #tpu.memory_space<hbm>>
        %dma_start3A_1886 = arith.constant 0 : i32
        %dma_start3A_1887 = arith.constant 0 : i32
        %dma_start3A_1888 = tpu.memref_slice %arg16[%run_scoped3A_1876, %dma_start3A_1886, %dma_start3A_1887] : memref<2x64x96xf32, #tpu.memory_space<vmem>> -> memref<1x64x96xf32, #tpu.memory_space<vmem>>
        %dma_start3A_1889 = tpu.memref_squeeze %dma_start3A_1888 : memref<1x64x96xf32, #tpu.memory_space<vmem>> -> memref<64x96xf32, #tpu.memory_space<vmem>>
        tpu.enqueue_dma source(%dma_start3A_1889 : memref<64x96xf32, #tpu.memory_space<vmem>>) target(%dma_start3A_1885 : memref<64x96xf32, #tpu.memory_space<hbm>>) target_semaphore(%run_scoped3A_1877 : memref<!tpu.dma_semaphore, #tpu.memory_space<semaphore_mem>>)
        %dma_wait3A_1890 = arith.constant 0 : i32
        %dma_wait3A_1891 = arith.constant 0 : i32
        %dma_wait3A_1892 = tpu.memref_slice %arg16[%run_scoped3A_1876, %dma_wait3A_1890, %dma_wait3A_1891] : memref<2x64x96xf32, #tpu.memory_space<vmem>> -> memref<1x64x96xf32, #tpu.memory_space<vmem>>
        %dma_wait3A_1893 = tpu.memref_squeeze %dma_wait3A_1892 : memref<1x64x96xf32, #tpu.memory_space<vmem>> -> memref<64x96xf32, #tpu.memory_space<vmem>>
        %dma_wait3A_1894 = arith.constant 0 : i32
        %dma_wait3A_1895 = tpu.memref_slice %arg7[%add3A_1869, %dma_wait3A_1894] : memref<100352x96xf32, #tpu.memory_space<hbm>> -> memref<64x96xf32, #tpu.memory_space<hbm>>
        %dma_wait3A_1896 = arith.constant 0 : i32
        %dma_wait3A_1897 = tpu.memref_slice %arg7[%add3A_1869, %dma_wait3A_1896] : memref<100352x96xf32, #tpu.memory_space<hbm>> -> memref<64x96xf32, #tpu.memory_space<hbm>>
        %dma_wait3A_1898 = arith.constant 0 : i32
        %dma_wait3A_1899 = arith.constant 0 : i32
        %dma_wait3A_1900 = tpu.memref_slice %arg16[%run_scoped3A_1876, %dma_wait3A_1898, %dma_wait3A_1899] : memref<2x64x96xf32, #tpu.memory_space<vmem>> -> memref<1x64x96xf32, #tpu.memory_space<vmem>>
        %dma_wait3A_1901 = tpu.memref_squeeze %dma_wait3A_1900 : memref<1x64x96xf32, #tpu.memory_space<vmem>> -> memref<64x96xf32, #tpu.memory_space<vmem>>
        tpu.wait_dma2 semaphore(%run_scoped3A_1877 : memref<!tpu.dma_semaphore, #tpu.memory_space<semaphore_mem>>) src(%dma_wait3A_1901 : memref<64x96xf32, #tpu.memory_space<vmem>>) dst(%dma_wait3A_1897 : memref<64x96xf32, #tpu.memory_space<hbm>>)
        tpu.yield
      }) : () -> ()
    }
    %scan3A_552 = arith.constant 24 : i32
    %dma_wait3A = arith.constant 0 : i32
    %dma_wait3A_553 = arith.constant 0 : i32
    %dma_wait3A_554 = arith.constant 0 : i32
    %dma_wait3A_555 = arith.constant 0 : i32
    %dma_wait3A_556 = arith.constant 0 : i32
    %dma_wait3A_557 = arith.constant 0 : i32
    %dma_wait3A_558 = tpu.memref_slice %arg15[%dma_wait3A_554, %dma_wait3A_555, %dma_wait3A_556, %dma_wait3A_557] : memref<2x4x64x128xf32, #tpu.memory_space<vmem>> -> memref<1x1x64x128xf32, #tpu.memory_space<vmem>>
    %dma_wait3A_559 = tpu.memref_squeeze %dma_wait3A_558 : memref<1x1x64x128xf32, #tpu.memory_space<vmem>> -> memref<64x128xf32, #tpu.memory_space<vmem>>
    %dma_wait3A_560 = arith.constant 0 : i32
    %dma_wait3A_561 = tpu.memref_slice %arg12[%dma_wait3A, %dma_wait3A_553, %dma_wait3A_560] : memref<2x4x64xi32, #tpu.memory_space<vmem>> -> memref<1x1x64xi32, #tpu.memory_space<vmem>>
    %dma_wait3A_562 = tpu.memref_squeeze %dma_wait3A_561 : memref<1x1x64xi32, #tpu.memory_space<vmem>> -> memref<64xi32, #tpu.memory_space<vmem>>
    %dma_wait3A_563 = arith.constant 0 : i32
    %dma_wait3A_564 = arith.constant 0 : i32
    %dma_wait3A_565 = tpu.memref_slice %arg2[%dma_wait3A_563, %dma_wait3A_564] : memref<200704x128xf32, #tpu.memory_space<hbm>> -> memref<200704x128xf32, #tpu.memory_space<hbm>>
    tpu.wait_indirect_dma semaphore(%arg17 : memref<!tpu.dma_semaphore, #tpu.memory_space<semaphore_mem>>) src(%dma_wait3A_565 : memref<200704x128xf32, #tpu.memory_space<hbm>>) dst(%dma_wait3A_559 : memref<64x128xf32, #tpu.memory_space<vmem>>)
    %dma_wait3A_566 = arith.constant 0 : i32
    %dma_wait3A_567 = arith.constant 1 : i32
    %dma_wait3A_568 = arith.constant 0 : i32
    %dma_wait3A_569 = arith.constant 1 : i32
    %dma_wait3A_570 = arith.constant 0 : i32
    %dma_wait3A_571 = arith.constant 0 : i32
    %dma_wait3A_572 = tpu.memref_slice %arg15[%dma_wait3A_568, %dma_wait3A_569, %dma_wait3A_570, %dma_wait3A_571] : memref<2x4x64x128xf32, #tpu.memory_space<vmem>> -> memref<1x1x64x128xf32, #tpu.memory_space<vmem>>
    %dma_wait3A_573 = tpu.memref_squeeze %dma_wait3A_572 : memref<1x1x64x128xf32, #tpu.memory_space<vmem>> -> memref<64x128xf32, #tpu.memory_space<vmem>>
    %dma_wait3A_574 = arith.constant 0 : i32
    %dma_wait3A_575 = tpu.memref_slice %arg12[%dma_wait3A_566, %dma_wait3A_567, %dma_wait3A_574] : memref<2x4x64xi32, #tpu.memory_space<vmem>> -> memref<1x1x64xi32, #tpu.memory_space<vmem>>
    %dma_wait3A_576 = tpu.memref_squeeze %dma_wait3A_575 : memref<1x1x64xi32, #tpu.memory_space<vmem>> -> memref<64xi32, #tpu.memory_space<vmem>>
    %dma_wait3A_577 = arith.constant 0 : i32
    %dma_wait3A_578 = arith.constant 0 : i32
    %dma_wait3A_579 = tpu.memref_slice %arg2[%dma_wait3A_577, %dma_wait3A_578] : memref<200704x128xf32, #tpu.memory_space<hbm>> -> memref<200704x128xf32, #tpu.memory_space<hbm>>
    tpu.wait_indirect_dma semaphore(%arg17 : memref<!tpu.dma_semaphore, #tpu.memory_space<semaphore_mem>>) src(%dma_wait3A_579 : memref<200704x128xf32, #tpu.memory_space<hbm>>) dst(%dma_wait3A_573 : memref<64x128xf32, #tpu.memory_space<vmem>>)
    %dma_wait3A_580 = arith.constant 0 : i32
    %dma_wait3A_581 = arith.constant 2 : i32
    %dma_wait3A_582 = arith.constant 0 : i32
    %dma_wait3A_583 = arith.constant 2 : i32
    %dma_wait3A_584 = arith.constant 0 : i32
    %dma_wait3A_585 = arith.constant 0 : i32
    %dma_wait3A_586 = tpu.memref_slice %arg15[%dma_wait3A_582, %dma_wait3A_583, %dma_wait3A_584, %dma_wait3A_585] : memref<2x4x64x128xf32, #tpu.memory_space<vmem>> -> memref<1x1x64x128xf32, #tpu.memory_space<vmem>>
    %dma_wait3A_587 = tpu.memref_squeeze %dma_wait3A_586 : memref<1x1x64x128xf32, #tpu.memory_space<vmem>> -> memref<64x128xf32, #tpu.memory_space<vmem>>
    %dma_wait3A_588 = arith.constant 0 : i32
    %dma_wait3A_589 = tpu.memref_slice %arg12[%dma_wait3A_580, %dma_wait3A_581, %dma_wait3A_588] : memref<2x4x64xi32, #tpu.memory_space<vmem>> -> memref<1x1x64xi32, #tpu.memory_space<vmem>>
    %dma_wait3A_590 = tpu.memref_squeeze %dma_wait3A_589 : memref<1x1x64xi32, #tpu.memory_space<vmem>> -> memref<64xi32, #tpu.memory_space<vmem>>
    %dma_wait3A_591 = arith.constant 0 : i32
    %dma_wait3A_592 = arith.constant 0 : i32
    %dma_wait3A_593 = tpu.memref_slice %arg2[%dma_wait3A_591, %dma_wait3A_592] : memref<200704x128xf32, #tpu.memory_space<hbm>> -> memref<200704x128xf32, #tpu.memory_space<hbm>>
    tpu.wait_indirect_dma semaphore(%arg17 : memref<!tpu.dma_semaphore, #tpu.memory_space<semaphore_mem>>) src(%dma_wait3A_593 : memref<200704x128xf32, #tpu.memory_space<hbm>>) dst(%dma_wait3A_587 : memref<64x128xf32, #tpu.memory_space<vmem>>)
    %dma_wait3A_594 = arith.constant 0 : i32
    %dma_wait3A_595 = arith.constant 3 : i32
    %dma_wait3A_596 = arith.constant 0 : i32
    %dma_wait3A_597 = arith.constant 3 : i32
    %dma_wait3A_598 = arith.constant 0 : i32
    %dma_wait3A_599 = arith.constant 0 : i32
    %dma_wait3A_600 = tpu.memref_slice %arg15[%dma_wait3A_596, %dma_wait3A_597, %dma_wait3A_598, %dma_wait3A_599] : memref<2x4x64x128xf32, #tpu.memory_space<vmem>> -> memref<1x1x64x128xf32, #tpu.memory_space<vmem>>
    %dma_wait3A_601 = tpu.memref_squeeze %dma_wait3A_600 : memref<1x1x64x128xf32, #tpu.memory_space<vmem>> -> memref<64x128xf32, #tpu.memory_space<vmem>>
    %dma_wait3A_602 = arith.constant 0 : i32
    %dma_wait3A_603 = tpu.memref_slice %arg12[%dma_wait3A_594, %dma_wait3A_595, %dma_wait3A_602] : memref<2x4x64xi32, #tpu.memory_space<vmem>> -> memref<1x1x64xi32, #tpu.memory_space<vmem>>
    %dma_wait3A_604 = tpu.memref_squeeze %dma_wait3A_603 : memref<1x1x64xi32, #tpu.memory_space<vmem>> -> memref<64xi32, #tpu.memory_space<vmem>>
    %dma_wait3A_605 = arith.constant 0 : i32
    %dma_wait3A_606 = arith.constant 0 : i32
    %dma_wait3A_607 = tpu.memref_slice %arg2[%dma_wait3A_605, %dma_wait3A_606] : memref<200704x128xf32, #tpu.memory_space<hbm>> -> memref<200704x128xf32, #tpu.memory_space<hbm>>
    tpu.wait_indirect_dma semaphore(%arg17 : memref<!tpu.dma_semaphore, #tpu.memory_space<semaphore_mem>>) src(%dma_wait3A_607 : memref<200704x128xf32, #tpu.memory_space<hbm>>) dst(%dma_wait3A_601 : memref<64x128xf32, #tpu.memory_space<vmem>>)
    %mul3A_608 = arith.constant 3136 : i32
    %mul3A_609 = arith.muli %add3A, %mul3A_608 : i32
    %add3A_610 = arith.constant 3072 : i32
    %add3A_611 = arith.addi %mul3A_609, %add3A_610 : i32
    %scan3A_612 = arith.constant 0 : i32
    %scan3A_613 = arith.constant 0 : i32
    %scan3A_614 = arith.constant 64 : i32
    %scan3A_615 = arith.addi %scan3A_613, %scan3A_614 : i32
    %scan3A_616 = arith.constant 1 : i32
    scf.for %scan3A_618 = %scan3A_613 to %scan3A_615 step %scan3A_616  : i32 {
      %get3A = arith.constant 0 : i32
      %get3A_619 = arith.index_cast %get3A : i32 to index
      %get3A_620 = arith.index_cast %scan3A_618 : i32 to index
      %get3A_621 = tpu.vector_load %arg13[%get3A_619, %get3A_620] {strides = array<i32>} : memref<2x80xf32, #tpu.memory_space<vmem>>, vector<16xf32>,
      %slice3A = vector.extract_strided_slice %get3A_621 {offsets = [0], sizes = [1], strides = [1]} : vector<16xf32> to vector<1xf32>
      %squeeze3A = vector.extract %slice3A[0] : f32 from vector<1xf32>
      %get3A_622 = arith.constant 0 : i32
      %get3A_623 = arith.index_cast %get3A_622 : i32 to index
      %get3A_624 = arith.index_cast %scan3A_618 : i32 to index
      %get3A_625 = tpu.vector_load %arg14[%get3A_623, %get3A_624] {strides = array<i32>} : memref<2x80xf32, #tpu.memory_space<vmem>>, vector<16xf32>,
      %slice3A_626 = vector.extract_strided_slice %get3A_625 {offsets = [0], sizes = [1], strides = [1]} : vector<16xf32> to vector<1xf32>
      %squeeze3A_627 = vector.extract %slice3A_626[0] : f32 from vector<1xf32>
      %get3A_628 = arith.constant 0 : i32
      %get3A_629 = arith.constant 0 : i32
      %get3A_630 = arith.index_cast %get3A_628 : i32 to index
      %get3A_631 = arith.index_cast %get3A_629 : i32 to index
      %get3A_632 = arith.index_cast %scan3A_618 : i32 to index
      %get3A_633 = arith.constant 0 : index
      %get3A_634 = tpu.vector_load %arg15[%get3A_630, %get3A_631, %get3A_632, %get3A_633] {strides = array<i32>} : memref<2x4x64x128xf32, #tpu.memory_space<vmem>>, vector<16xf32>,
      %get3A_635 = arith.constant 0 : i32
      %get3A_636 = arith.constant 1 : i32
      %get3A_637 = arith.index_cast %get3A_635 : i32 to index
      %get3A_638 = arith.index_cast %get3A_636 : i32 to index
      %get3A_639 = arith.index_cast %scan3A_618 : i32 to index
      %get3A_640 = arith.constant 0 : index
      %get3A_641 = tpu.vector_load %arg15[%get3A_637, %get3A_638, %get3A_639, %get3A_640] {strides = array<i32>} : memref<2x4x64x128xf32, #tpu.memory_space<vmem>>, vector<16xf32>,
      %get3A_642 = arith.constant 0 : i32
      %get3A_643 = arith.constant 2 : i32
      %get3A_644 = arith.index_cast %get3A_642 : i32 to index
      %get3A_645 = arith.index_cast %get3A_643 : i32 to index
      %get3A_646 = arith.index_cast %scan3A_618 : i32 to index
      %get3A_647 = arith.constant 0 : index
      %get3A_648 = tpu.vector_load %arg15[%get3A_644, %get3A_645, %get3A_646, %get3A_647] {strides = array<i32>} : memref<2x4x64x128xf32, #tpu.memory_space<vmem>>, vector<16xf32>,
      %get3A_649 = arith.constant 0 : i32
      %get3A_650 = arith.constant 3 : i32
      %get3A_651 = arith.index_cast %get3A_649 : i32 to index
      %get3A_652 = arith.index_cast %get3A_650 : i32 to index
      %get3A_653 = arith.index_cast %scan3A_618 : i32 to index
      %get3A_654 = arith.constant 0 : index
      %get3A_655 = tpu.vector_load %arg15[%get3A_651, %get3A_652, %get3A_653, %get3A_654] {strides = array<i32>} : memref<2x4x64x128xf32, #tpu.memory_space<vmem>>, vector<16xf32>,
      %sub3A_656 = arith.subf %get3A_641, %get3A_634 : vector<16xf32>
      %mul3A_657 = vector.broadcast %squeeze3A : f32 to vector<16xf32>
      %mul3A_658 = arith.mulf %sub3A_656, %mul3A_657 : vector<16xf32>
      %add3A_659 = arith.addf %get3A_634, %mul3A_658 : vector<16xf32>
      %sub3A_660 = arith.subf %get3A_655, %get3A_648 : vector<16xf32>
      %mul3A_661 = vector.broadcast %squeeze3A : f32 to vector<16xf32>
      %mul3A_662 = arith.mulf %sub3A_660, %mul3A_661 : vector<16xf32>
      %add3A_663 = arith.addf %get3A_648, %mul3A_662 : vector<16xf32>
      %sub3A_664 = arith.subf %add3A_663, %add3A_659 : vector<16xf32>
      %mul3A_665 = vector.broadcast %squeeze3A_627 : f32 to vector<16xf32>
      %mul3A_666 = arith.mulf %sub3A_664, %mul3A_665 : vector<16xf32>
      %add3A_667 = arith.addf %add3A_659, %mul3A_666 : vector<16xf32>
      %swap3A_668 = arith.constant 0 : i32
      %swap3A_669 = arith.index_cast %swap3A_668 : i32 to index
      %swap3A_670 = arith.index_cast %scan3A_618 : i32 to index
      %swap3A_671 = arith.constant 0 : index
      %swap3A_672 = tpu.vector_load %arg16[%swap3A_669, %swap3A_670, %swap3A_671] {strides = array<i32>} : memref<2x64x96xf32, #tpu.memory_space<vmem>>, vector<16xf32>,
      tpu.vector_store %arg16[%swap3A_669, %swap3A_670, %swap3A_671], %add3A_667 {strides = array<i32>} : memref<2x64x96xf32, #tpu.memory_space<vmem>>, vector<16xf32>,
      %get3A_673 = arith.constant 0 : i32
      %get3A_674 = arith.constant 0 : i32
      %get3A_675 = arith.index_cast %get3A_673 : i32 to index
      %get3A_676 = arith.index_cast %get3A_674 : i32 to index
      %get3A_677 = arith.index_cast %scan3A_618 : i32 to index
      %get3A_678 = arith.constant 16 : index
      %get3A_679 = tpu.vector_load %arg15[%get3A_675, %get3A_676, %get3A_677, %get3A_678] {strides = array<i32>} : memref<2x4x64x128xf32, #tpu.memory_space<vmem>>, vector<16xf32>,
      %get3A_680 = arith.constant 0 : i32
      %get3A_681 = arith.constant 1 : i32
      %get3A_682 = arith.index_cast %get3A_680 : i32 to index
      %get3A_683 = arith.index_cast %get3A_681 : i32 to index
      %get3A_684 = arith.index_cast %scan3A_618 : i32 to index
      %get3A_685 = arith.constant 16 : index
      %get3A_686 = tpu.vector_load %arg15[%get3A_682, %get3A_683, %get3A_684, %get3A_685] {strides = array<i32>} : memref<2x4x64x128xf32, #tpu.memory_space<vmem>>, vector<16xf32>,
      %get3A_687 = arith.constant 0 : i32
      %get3A_688 = arith.constant 2 : i32
      %get3A_689 = arith.index_cast %get3A_687 : i32 to index
      %get3A_690 = arith.index_cast %get3A_688 : i32 to index
      %get3A_691 = arith.index_cast %scan3A_618 : i32 to index
      %get3A_692 = arith.constant 16 : index
      %get3A_693 = tpu.vector_load %arg15[%get3A_689, %get3A_690, %get3A_691, %get3A_692] {strides = array<i32>} : memref<2x4x64x128xf32, #tpu.memory_space<vmem>>, vector<16xf32>,
      %get3A_694 = arith.constant 0 : i32
      %get3A_695 = arith.constant 3 : i32
      %get3A_696 = arith.index_cast %get3A_694 : i32 to index
      %get3A_697 = arith.index_cast %get3A_695 : i32 to index
      %get3A_698 = arith.index_cast %scan3A_618 : i32 to index
      %get3A_699 = arith.constant 16 : index
      %get3A_700 = tpu.vector_load %arg15[%get3A_696, %get3A_697, %get3A_698, %get3A_699] {strides = array<i32>} : memref<2x4x64x128xf32, #tpu.memory_space<vmem>>, vector<16xf32>,
      %sub3A_701 = arith.subf %get3A_686, %get3A_679 : vector<16xf32>
      %mul3A_702 = vector.broadcast %squeeze3A : f32 to vector<16xf32>
      %mul3A_703 = arith.mulf %sub3A_701, %mul3A_702 : vector<16xf32>
      %add3A_704 = arith.addf %get3A_679, %mul3A_703 : vector<16xf32>
      %sub3A_705 = arith.subf %get3A_700, %get3A_693 : vector<16xf32>
      %mul3A_706 = vector.broadcast %squeeze3A : f32 to vector<16xf32>
      %mul3A_707 = arith.mulf %sub3A_705, %mul3A_706 : vector<16xf32>
      %add3A_708 = arith.addf %get3A_693, %mul3A_707 : vector<16xf32>
      %sub3A_709 = arith.subf %add3A_708, %add3A_704 : vector<16xf32>
      %mul3A_710 = vector.broadcast %squeeze3A_627 : f32 to vector<16xf32>
      %mul3A_711 = arith.mulf %sub3A_709, %mul3A_710 : vector<16xf32>
      %add3A_712 = arith.addf %add3A_704, %mul3A_711 : vector<16xf32>
      %swap3A_713 = arith.constant 0 : i32
      %swap3A_714 = arith.index_cast %swap3A_713 : i32 to index
      %swap3A_715 = arith.index_cast %scan3A_618 : i32 to index
      %swap3A_716 = arith.constant 16 : index
      %swap3A_717 = tpu.vector_load %arg16[%swap3A_714, %swap3A_715, %swap3A_716] {strides = array<i32>} : memref<2x64x96xf32, #tpu.memory_space<vmem>>, vector<16xf32>,
      tpu.vector_store %arg16[%swap3A_714, %swap3A_715, %swap3A_716], %add3A_712 {strides = array<i32>} : memref<2x64x96xf32, #tpu.memory_space<vmem>>, vector<16xf32>,
      %get3A_718 = arith.constant 0 : i32
      %get3A_719 = arith.constant 0 : i32
      %get3A_720 = arith.index_cast %get3A_718 : i32 to index
      %get3A_721 = arith.index_cast %get3A_719 : i32 to index
      %get3A_722 = arith.index_cast %scan3A_618 : i32 to index
      %get3A_723 = arith.constant 32 : index
      %get3A_724 = tpu.vector_load %arg15[%get3A_720, %get3A_721, %get3A_722, %get3A_723] {strides = array<i32>} : memref<2x4x64x128xf32, #tpu.memory_space<vmem>>, vector<16xf32>,
      %get3A_725 = arith.constant 0 : i32
      %get3A_726 = arith.constant 1 : i32
      %get3A_727 = arith.index_cast %get3A_725 : i32 to index
      %get3A_728 = arith.index_cast %get3A_726 : i32 to index
      %get3A_729 = arith.index_cast %scan3A_618 : i32 to index
      %get3A_730 = arith.constant 32 : index
      %get3A_731 = tpu.vector_load %arg15[%get3A_727, %get3A_728, %get3A_729, %get3A_730] {strides = array<i32>} : memref<2x4x64x128xf32, #tpu.memory_space<vmem>>, vector<16xf32>,
      %get3A_732 = arith.constant 0 : i32
      %get3A_733 = arith.constant 2 : i32
      %get3A_734 = arith.index_cast %get3A_732 : i32 to index
      %get3A_735 = arith.index_cast %get3A_733 : i32 to index
      %get3A_736 = arith.index_cast %scan3A_618 : i32 to index
      %get3A_737 = arith.constant 32 : index
      %get3A_738 = tpu.vector_load %arg15[%get3A_734, %get3A_735, %get3A_736, %get3A_737] {strides = array<i32>} : memref<2x4x64x128xf32, #tpu.memory_space<vmem>>, vector<16xf32>,
      %get3A_739 = arith.constant 0 : i32
      %get3A_740 = arith.constant 3 : i32
      %get3A_741 = arith.index_cast %get3A_739 : i32 to index
      %get3A_742 = arith.index_cast %get3A_740 : i32 to index
      %get3A_743 = arith.index_cast %scan3A_618 : i32 to index
      %get3A_744 = arith.constant 32 : index
      %get3A_745 = tpu.vector_load %arg15[%get3A_741, %get3A_742, %get3A_743, %get3A_744] {strides = array<i32>} : memref<2x4x64x128xf32, #tpu.memory_space<vmem>>, vector<16xf32>,
      %sub3A_746 = arith.subf %get3A_731, %get3A_724 : vector<16xf32>
      %mul3A_747 = vector.broadcast %squeeze3A : f32 to vector<16xf32>
      %mul3A_748 = arith.mulf %sub3A_746, %mul3A_747 : vector<16xf32>
      %add3A_749 = arith.addf %get3A_724, %mul3A_748 : vector<16xf32>
      %sub3A_750 = arith.subf %get3A_745, %get3A_738 : vector<16xf32>
      %mul3A_751 = vector.broadcast %squeeze3A : f32 to vector<16xf32>
      %mul3A_752 = arith.mulf %sub3A_750, %mul3A_751 : vector<16xf32>
      %add3A_753 = arith.addf %get3A_738, %mul3A_752 : vector<16xf32>
      %sub3A_754 = arith.subf %add3A_753, %add3A_749 : vector<16xf32>
      %mul3A_755 = vector.broadcast %squeeze3A_627 : f32 to vector<16xf32>
      %mul3A_756 = arith.mulf %sub3A_754, %mul3A_755 : vector<16xf32>
      %add3A_757 = arith.addf %add3A_749, %mul3A_756 : vector<16xf32>
      %swap3A_758 = arith.constant 0 : i32
      %swap3A_759 = arith.index_cast %swap3A_758 : i32 to index
      %swap3A_760 = arith.index_cast %scan3A_618 : i32 to index
      %swap3A_761 = arith.constant 32 : index
      %swap3A_762 = tpu.vector_load %arg16[%swap3A_759, %swap3A_760, %swap3A_761] {strides = array<i32>} : memref<2x64x96xf32, #tpu.memory_space<vmem>>, vector<16xf32>,
      tpu.vector_store %arg16[%swap3A_759, %swap3A_760, %swap3A_761], %add3A_757 {strides = array<i32>} : memref<2x64x96xf32, #tpu.memory_space<vmem>>, vector<16xf32>,
      %get3A_763 = arith.constant 0 : i32
      %get3A_764 = arith.constant 0 : i32
      %get3A_765 = arith.index_cast %get3A_763 : i32 to index
      %get3A_766 = arith.index_cast %get3A_764 : i32 to index
      %get3A_767 = arith.index_cast %scan3A_618 : i32 to index
      %get3A_768 = arith.constant 48 : index
      %get3A_769 = tpu.vector_load %arg15[%get3A_765, %get3A_766, %get3A_767, %get3A_768] {strides = array<i32>} : memref<2x4x64x128xf32, #tpu.memory_space<vmem>>, vector<16xf32>,
      %get3A_770 = arith.constant 0 : i32
      %get3A_771 = arith.constant 1 : i32
      %get3A_772 = arith.index_cast %get3A_770 : i32 to index
      %get3A_773 = arith.index_cast %get3A_771 : i32 to index
      %get3A_774 = arith.index_cast %scan3A_618 : i32 to index
      %get3A_775 = arith.constant 48 : index
      %get3A_776 = tpu.vector_load %arg15[%get3A_772, %get3A_773, %get3A_774, %get3A_775] {strides = array<i32>} : memref<2x4x64x128xf32, #tpu.memory_space<vmem>>, vector<16xf32>,
      %get3A_777 = arith.constant 0 : i32
      %get3A_778 = arith.constant 2 : i32
      %get3A_779 = arith.index_cast %get3A_777 : i32 to index
      %get3A_780 = arith.index_cast %get3A_778 : i32 to index
      %get3A_781 = arith.index_cast %scan3A_618 : i32 to index
      %get3A_782 = arith.constant 48 : index
      %get3A_783 = tpu.vector_load %arg15[%get3A_779, %get3A_780, %get3A_781, %get3A_782] {strides = array<i32>} : memref<2x4x64x128xf32, #tpu.memory_space<vmem>>, vector<16xf32>,
      %get3A_784 = arith.constant 0 : i32
      %get3A_785 = arith.constant 3 : i32
      %get3A_786 = arith.index_cast %get3A_784 : i32 to index
      %get3A_787 = arith.index_cast %get3A_785 : i32 to index
      %get3A_788 = arith.index_cast %scan3A_618 : i32 to index
      %get3A_789 = arith.constant 48 : index
      %get3A_790 = tpu.vector_load %arg15[%get3A_786, %get3A_787, %get3A_788, %get3A_789] {strides = array<i32>} : memref<2x4x64x128xf32, #tpu.memory_space<vmem>>, vector<16xf32>,
      %sub3A_791 = arith.subf %get3A_776, %get3A_769 : vector<16xf32>
      %mul3A_792 = vector.broadcast %squeeze3A : f32 to vector<16xf32>
      %mul3A_793 = arith.mulf %sub3A_791, %mul3A_792 : vector<16xf32>
      %add3A_794 = arith.addf %get3A_769, %mul3A_793 : vector<16xf32>
      %sub3A_795 = arith.subf %get3A_790, %get3A_783 : vector<16xf32>
      %mul3A_796 = vector.broadcast %squeeze3A : f32 to vector<16xf32>
      %mul3A_797 = arith.mulf %sub3A_795, %mul3A_796 : vector<16xf32>
      %add3A_798 = arith.addf %get3A_783, %mul3A_797 : vector<16xf32>
      %sub3A_799 = arith.subf %add3A_798, %add3A_794 : vector<16xf32>
      %mul3A_800 = vector.broadcast %squeeze3A_627 : f32 to vector<16xf32>
      %mul3A_801 = arith.mulf %sub3A_799, %mul3A_800 : vector<16xf32>
      %add3A_802 = arith.addf %add3A_794, %mul3A_801 : vector<16xf32>
      %swap3A_803 = arith.constant 0 : i32
      %swap3A_804 = arith.index_cast %swap3A_803 : i32 to index
      %swap3A_805 = arith.index_cast %scan3A_618 : i32 to index
      %swap3A_806 = arith.constant 48 : index
      %swap3A_807 = tpu.vector_load %arg16[%swap3A_804, %swap3A_805, %swap3A_806] {strides = array<i32>} : memref<2x64x96xf32, #tpu.memory_space<vmem>>, vector<16xf32>,
      tpu.vector_store %arg16[%swap3A_804, %swap3A_805, %swap3A_806], %add3A_802 {strides = array<i32>} : memref<2x64x96xf32, #tpu.memory_space<vmem>>, vector<16xf32>,
      %get3A_808 = arith.constant 0 : i32
      %get3A_809 = arith.constant 0 : i32
      %get3A_810 = arith.index_cast %get3A_808 : i32 to index
      %get3A_811 = arith.index_cast %get3A_809 : i32 to index
      %get3A_812 = arith.index_cast %scan3A_618 : i32 to index
      %get3A_813 = arith.constant 64 : index
      %get3A_814 = tpu.vector_load %arg15[%get3A_810, %get3A_811, %get3A_812, %get3A_813] {strides = array<i32>} : memref<2x4x64x128xf32, #tpu.memory_space<vmem>>, vector<16xf32>,
      %get3A_815 = arith.constant 0 : i32
      %get3A_816 = arith.constant 1 : i32
      %get3A_817 = arith.index_cast %get3A_815 : i32 to index
      %get3A_818 = arith.index_cast %get3A_816 : i32 to index
      %get3A_819 = arith.index_cast %scan3A_618 : i32 to index
      %get3A_820 = arith.constant 64 : index
      %get3A_821 = tpu.vector_load %arg15[%get3A_817, %get3A_818, %get3A_819, %get3A_820] {strides = array<i32>} : memref<2x4x64x128xf32, #tpu.memory_space<vmem>>, vector<16xf32>,
      %get3A_822 = arith.constant 0 : i32
      %get3A_823 = arith.constant 2 : i32
      %get3A_824 = arith.index_cast %get3A_822 : i32 to index
      %get3A_825 = arith.index_cast %get3A_823 : i32 to index
      %get3A_826 = arith.index_cast %scan3A_618 : i32 to index
      %get3A_827 = arith.constant 64 : index
      %get3A_828 = tpu.vector_load %arg15[%get3A_824, %get3A_825, %get3A_826, %get3A_827] {strides = array<i32>} : memref<2x4x64x128xf32, #tpu.memory_space<vmem>>, vector<16xf32>,
      %get3A_829 = arith.constant 0 : i32
      %get3A_830 = arith.constant 3 : i32
      %get3A_831 = arith.index_cast %get3A_829 : i32 to index
      %get3A_832 = arith.index_cast %get3A_830 : i32 to index
      %get3A_833 = arith.index_cast %scan3A_618 : i32 to index
      %get3A_834 = arith.constant 64 : index
      %get3A_835 = tpu.vector_load %arg15[%get3A_831, %get3A_832, %get3A_833, %get3A_834] {strides = array<i32>} : memref<2x4x64x128xf32, #tpu.memory_space<vmem>>, vector<16xf32>,
      %sub3A_836 = arith.subf %get3A_821, %get3A_814 : vector<16xf32>
      %mul3A_837 = vector.broadcast %squeeze3A : f32 to vector<16xf32>
      %mul3A_838 = arith.mulf %sub3A_836, %mul3A_837 : vector<16xf32>
      %add3A_839 = arith.addf %get3A_814, %mul3A_838 : vector<16xf32>
      %sub3A_840 = arith.subf %get3A_835, %get3A_828 : vector<16xf32>
      %mul3A_841 = vector.broadcast %squeeze3A : f32 to vector<16xf32>
      %mul3A_842 = arith.mulf %sub3A_840, %mul3A_841 : vector<16xf32>
      %add3A_843 = arith.addf %get3A_828, %mul3A_842 : vector<16xf32>
      %sub3A_844 = arith.subf %add3A_843, %add3A_839 : vector<16xf32>
      %mul3A_845 = vector.broadcast %squeeze3A_627 : f32 to vector<16xf32>
      %mul3A_846 = arith.mulf %sub3A_844, %mul3A_845 : vector<16xf32>
      %add3A_847 = arith.addf %add3A_839, %mul3A_846 : vector<16xf32>
      %swap3A_848 = arith.constant 0 : i32
      %swap3A_849 = arith.index_cast %swap3A_848 : i32 to index
      %swap3A_850 = arith.index_cast %scan3A_618 : i32 to index
      %swap3A_851 = arith.constant 64 : index
      %swap3A_852 = tpu.vector_load %arg16[%swap3A_849, %swap3A_850, %swap3A_851] {strides = array<i32>} : memref<2x64x96xf32, #tpu.memory_space<vmem>>, vector<16xf32>,
      tpu.vector_store %arg16[%swap3A_849, %swap3A_850, %swap3A_851], %add3A_847 {strides = array<i32>} : memref<2x64x96xf32, #tpu.memory_space<vmem>>, vector<16xf32>,
      %get3A_853 = arith.constant 0 : i32
      %get3A_854 = arith.constant 0 : i32
      %get3A_855 = arith.index_cast %get3A_853 : i32 to index
      %get3A_856 = arith.index_cast %get3A_854 : i32 to index
      %get3A_857 = arith.index_cast %scan3A_618 : i32 to index
      %get3A_858 = arith.constant 80 : index
      %get3A_859 = tpu.vector_load %arg15[%get3A_855, %get3A_856, %get3A_857, %get3A_858] {strides = array<i32>} : memref<2x4x64x128xf32, #tpu.memory_space<vmem>>, vector<16xf32>,
      %get3A_860 = arith.constant 0 : i32
      %get3A_861 = arith.constant 1 : i32
      %get3A_862 = arith.index_cast %get3A_860 : i32 to index
      %get3A_863 = arith.index_cast %get3A_861 : i32 to index
      %get3A_864 = arith.index_cast %scan3A_618 : i32 to index
      %get3A_865 = arith.constant 80 : index
      %get3A_866 = tpu.vector_load %arg15[%get3A_862, %get3A_863, %get3A_864, %get3A_865] {strides = array<i32>} : memref<2x4x64x128xf32, #tpu.memory_space<vmem>>, vector<16xf32>,
      %get3A_867 = arith.constant 0 : i32
      %get3A_868 = arith.constant 2 : i32
      %get3A_869 = arith.index_cast %get3A_867 : i32 to index
      %get3A_870 = arith.index_cast %get3A_868 : i32 to index
      %get3A_871 = arith.index_cast %scan3A_618 : i32 to index
      %get3A_872 = arith.constant 80 : index
      %get3A_873 = tpu.vector_load %arg15[%get3A_869, %get3A_870, %get3A_871, %get3A_872] {strides = array<i32>} : memref<2x4x64x128xf32, #tpu.memory_space<vmem>>, vector<16xf32>,
      %get3A_874 = arith.constant 0 : i32
      %get3A_875 = arith.constant 3 : i32
      %get3A_876 = arith.index_cast %get3A_874 : i32 to index
      %get3A_877 = arith.index_cast %get3A_875 : i32 to index
      %get3A_878 = arith.index_cast %scan3A_618 : i32 to index
      %get3A_879 = arith.constant 80 : index
      %get3A_880 = tpu.vector_load %arg15[%get3A_876, %get3A_877, %get3A_878, %get3A_879] {strides = array<i32>} : memref<2x4x64x128xf32, #tpu.memory_space<vmem>>, vector<16xf32>,
      %sub3A_881 = arith.subf %get3A_866, %get3A_859 : vector<16xf32>
      %mul3A_882 = vector.broadcast %squeeze3A : f32 to vector<16xf32>
      %mul3A_883 = arith.mulf %sub3A_881, %mul3A_882 : vector<16xf32>
      %add3A_884 = arith.addf %get3A_859, %mul3A_883 : vector<16xf32>
      %sub3A_885 = arith.subf %get3A_880, %get3A_873 : vector<16xf32>
      %mul3A_886 = vector.broadcast %squeeze3A : f32 to vector<16xf32>
      %mul3A_887 = arith.mulf %sub3A_885, %mul3A_886 : vector<16xf32>
      %add3A_888 = arith.addf %get3A_873, %mul3A_887 : vector<16xf32>
      %sub3A_889 = arith.subf %add3A_888, %add3A_884 : vector<16xf32>
      %mul3A_890 = vector.broadcast %squeeze3A_627 : f32 to vector<16xf32>
      %mul3A_891 = arith.mulf %sub3A_889, %mul3A_890 : vector<16xf32>
      %add3A_892 = arith.addf %add3A_884, %mul3A_891 : vector<16xf32>
      %swap3A_893 = arith.constant 0 : i32
      %swap3A_894 = arith.index_cast %swap3A_893 : i32 to index
      %swap3A_895 = arith.index_cast %scan3A_618 : i32 to index
      %swap3A_896 = arith.constant 80 : index
      %swap3A_897 = tpu.vector_load %arg16[%swap3A_894, %swap3A_895, %swap3A_896] {strides = array<i32>} : memref<2x64x96xf32, #tpu.memory_space<vmem>>, vector<16xf32>,
      tpu.vector_store %arg16[%swap3A_894, %swap3A_895, %swap3A_896], %add3A_892 {strides = array<i32>} : memref<2x64x96xf32, #tpu.memory_space<vmem>>, vector<16xf32>,
    }
    %scan3A_617 = arith.constant 64 : i32
    %run_scoped3A = arith.constant 0 : i32
    "tpu.region"() ({
      %run_scoped3A_618 = tpu.sem_alloc : memref<!tpu.dma_semaphore, #tpu.memory_space<semaphore_mem>>
      %dma_start3A_619 = arith.constant 0 : i32
      %dma_start3A_620 = arith.constant 0 : i32
      %dma_start3A_621 = tpu.memref_slice %arg16[%run_scoped3A, %dma_start3A_619, %dma_start3A_620] : memref<2x64x96xf32, #tpu.memory_space<vmem>> -> memref<1x64x96xf32, #tpu.memory_space<vmem>>
      %dma_start3A_622 = tpu.memref_squeeze %dma_start3A_621 : memref<1x64x96xf32, #tpu.memory_space<vmem>> -> memref<64x96xf32, #tpu.memory_space<vmem>>
      %dma_start3A_623 = arith.constant 0 : i32
      %dma_start3A_624 = tpu.memref_slice %arg7[%add3A_611, %dma_start3A_623] : memref<100352x96xf32, #tpu.memory_space<hbm>> -> memref<64x96xf32, #tpu.memory_space<hbm>>
      %dma_start3A_625 = arith.constant 0 : i32
      %dma_start3A_626 = tpu.memref_slice %arg7[%add3A_611, %dma_start3A_625] : memref<100352x96xf32, #tpu.memory_space<hbm>> -> memref<64x96xf32, #tpu.memory_space<hbm>>
      %dma_start3A_627 = arith.constant 0 : i32
      %dma_start3A_628 = arith.constant 0 : i32
      %dma_start3A_629 = tpu.memref_slice %arg16[%run_scoped3A, %dma_start3A_627, %dma_start3A_628] : memref<2x64x96xf32, #tpu.memory_space<vmem>> -> memref<1x64x96xf32, #tpu.memory_space<vmem>>
      %dma_start3A_630 = tpu.memref_squeeze %dma_start3A_629 : memref<1x64x96xf32, #tpu.memory_space<vmem>> -> memref<64x96xf32, #tpu.memory_space<vmem>>
      tpu.enqueue_dma source(%dma_start3A_630 : memref<64x96xf32, #tpu.memory_space<vmem>>) target(%dma_start3A_626 : memref<64x96xf32, #tpu.memory_space<hbm>>) target_semaphore(%run_scoped3A_618 : memref<!tpu.dma_semaphore, #tpu.memory_space<semaphore_mem>>)
      %dma_wait3A_631 = arith.constant 0 : i32
      %dma_wait3A_632 = arith.constant 0 : i32
      %dma_wait3A_633 = tpu.memref_slice %arg16[%run_scoped3A, %dma_wait3A_631, %dma_wait3A_632] : memref<2x64x96xf32, #tpu.memory_space<vmem>> -> memref<1x64x96xf32, #tpu.memory_space<vmem>>
      %dma_wait3A_634 = tpu.memref_squeeze %dma_wait3A_633 : memref<1x64x96xf32, #tpu.memory_space<vmem>> -> memref<64x96xf32, #tpu.memory_space<vmem>>
      %dma_wait3A_635 = arith.constant 0 : i32
      %dma_wait3A_636 = tpu.memref_slice %arg7[%add3A_611, %dma_wait3A_635] : memref<100352x96xf32, #tpu.memory_space<hbm>> -> memref<64x96xf32, #tpu.memory_space<hbm>>
      %dma_wait3A_637 = arith.constant 0 : i32
      %dma_wait3A_638 = tpu.memref_slice %arg7[%add3A_611, %dma_wait3A_637] : memref<100352x96xf32, #tpu.memory_space<hbm>> -> memref<64x96xf32, #tpu.memory_space<hbm>>
      %dma_wait3A_639 = arith.constant 0 : i32
      %dma_wait3A_640 = arith.constant 0 : i32
      %dma_wait3A_641 = tpu.memref_slice %arg16[%run_scoped3A, %dma_wait3A_639, %dma_wait3A_640] : memref<2x64x96xf32, #tpu.memory_space<vmem>> -> memref<1x64x96xf32, #tpu.memory_space<vmem>>
      %dma_wait3A_642 = tpu.memref_squeeze %dma_wait3A_641 : memref<1x64x96xf32, #tpu.memory_space<vmem>> -> memref<64x96xf32, #tpu.memory_space<vmem>>
      tpu.wait_dma2 semaphore(%run_scoped3A_618 : memref<!tpu.dma_semaphore, #tpu.memory_space<semaphore_mem>>) src(%dma_wait3A_642 : memref<64x96xf32, #tpu.memory_space<vmem>>) dst(%dma_wait3A_638 : memref<64x96xf32, #tpu.memory_space<hbm>>)
      tpu.yield
    }) : () -> ()
    return
  }
}

module attributes {stable_mosaic.version = 14 : i64} {
  func.func @_tc_relayout_body(%arg0: i32, %arg1: i32, %arg2: memref<1x96x8x224xf32, #tpu.memory_space<vmem>>, %arg3: memref<1792x128xf32, #tpu.memory_space<vmem>>) attributes {dimension_semantics = [#tpu.dimension_semantics<arbitrary>, #tpu.dimension_semantics<arbitrary>], iteration_bounds = array<i64: 4, 28>, scalar_prefetch = 0 : i64, scratch_operands = 0 : i64, tpu.core_type = #tpu.core_type<tc>, window_params = [{transform_indices = @transform_0, window_bounds = array<i64: 1, 96, 8, 224>}, {transform_indices = @transform_1, window_bounds = array<i64: 1792, 128>}]} {
    %get3A = arith.constant 0 : index
    %get3A_0 = arith.constant 0 : index
    %get3A_1 = arith.constant 0 : index
    %get3A_2 = arith.constant 0 : index
    %get3A_3 = vector.load %arg2[%get3A, %get3A_0, %get3A_1, %get3A_2] : memref<1x96x8x224xf32, #tpu.memory_space<vmem>>, vector<1x96x1x224xf32>
    %get3A_4 = vector.shape_cast %get3A_3 : vector<1x96x1x224xf32> to vector<96x224xf32>
    %transpose3A = tpu.transpose %get3A_4, [1, 0] : vector<96x224xf32> -> vector<224x96xf32>
    %swap3A = arith.constant 0 : index
    %swap3A_5 = arith.constant 0 : index
    %swap3A_6 = vector.load %arg3[%swap3A, %swap3A_5] : memref<1792x128xf32, #tpu.memory_space<vmem>>, vector<224x96xf32>
    tpu.vector_store %arg3[%swap3A, %swap3A_5], %transpose3A {strides = array<i32>} : memref<1792x128xf32, #tpu.memory_space<vmem>>, vector<224x96xf32>,
    %get3A_7 = arith.constant 0 : index
    %get3A_8 = arith.constant 0 : index
    %get3A_9 = arith.constant 1 : index
    %get3A_10 = arith.constant 0 : index
    %get3A_11 = vector.load %arg2[%get3A_7, %get3A_8, %get3A_9, %get3A_10] : memref<1x96x8x224xf32, #tpu.memory_space<vmem>>, vector<1x96x1x224xf32>
    %get3A_12 = vector.shape_cast %get3A_11 : vector<1x96x1x224xf32> to vector<96x224xf32>
    %transpose3A_13 = tpu.transpose %get3A_12, [1, 0] : vector<96x224xf32> -> vector<224x96xf32>
    %swap3A_14 = arith.constant 224 : index
    %swap3A_15 = arith.constant 0 : index
    %swap3A_16 = vector.load %arg3[%swap3A_14, %swap3A_15] : memref<1792x128xf32, #tpu.memory_space<vmem>>, vector<224x96xf32>
    tpu.vector_store %arg3[%swap3A_14, %swap3A_15], %transpose3A_13 {strides = array<i32>} : memref<1792x128xf32, #tpu.memory_space<vmem>>, vector<224x96xf32>,
    %get3A_17 = arith.constant 0 : index
    %get3A_18 = arith.constant 0 : index
    %get3A_19 = arith.constant 2 : index
    %get3A_20 = arith.constant 0 : index
    %get3A_21 = vector.load %arg2[%get3A_17, %get3A_18, %get3A_19, %get3A_20] : memref<1x96x8x224xf32, #tpu.memory_space<vmem>>, vector<1x96x1x224xf32>
    %get3A_22 = vector.shape_cast %get3A_21 : vector<1x96x1x224xf32> to vector<96x224xf32>
    %transpose3A_23 = tpu.transpose %get3A_22, [1, 0] : vector<96x224xf32> -> vector<224x96xf32>
    %swap3A_24 = arith.constant 448 : index
    %swap3A_25 = arith.constant 0 : index
    %swap3A_26 = vector.load %arg3[%swap3A_24, %swap3A_25] : memref<1792x128xf32, #tpu.memory_space<vmem>>, vector<224x96xf32>
    tpu.vector_store %arg3[%swap3A_24, %swap3A_25], %transpose3A_23 {strides = array<i32>} : memref<1792x128xf32, #tpu.memory_space<vmem>>, vector<224x96xf32>,
    %get3A_27 = arith.constant 0 : index
    %get3A_28 = arith.constant 0 : index
    %get3A_29 = arith.constant 3 : index
    %get3A_30 = arith.constant 0 : index
    %get3A_31 = vector.load %arg2[%get3A_27, %get3A_28, %get3A_29, %get3A_30] : memref<1x96x8x224xf32, #tpu.memory_space<vmem>>, vector<1x96x1x224xf32>
    %get3A_32 = vector.shape_cast %get3A_31 : vector<1x96x1x224xf32> to vector<96x224xf32>
    %transpose3A_33 = tpu.transpose %get3A_32, [1, 0] : vector<96x224xf32> -> vector<224x96xf32>
    %swap3A_34 = arith.constant 672 : index
    %swap3A_35 = arith.constant 0 : index
    %swap3A_36 = vector.load %arg3[%swap3A_34, %swap3A_35] : memref<1792x128xf32, #tpu.memory_space<vmem>>, vector<224x96xf32>
    tpu.vector_store %arg3[%swap3A_34, %swap3A_35], %transpose3A_33 {strides = array<i32>} : memref<1792x128xf32, #tpu.memory_space<vmem>>, vector<224x96xf32>,
    %get3A_37 = arith.constant 0 : index
    %get3A_38 = arith.constant 0 : index
    %get3A_39 = arith.constant 4 : index
    %get3A_40 = arith.constant 0 : index
    %get3A_41 = vector.load %arg2[%get3A_37, %get3A_38, %get3A_39, %get3A_40] : memref<1x96x8x224xf32, #tpu.memory_space<vmem>>, vector<1x96x1x224xf32>
    %get3A_42 = vector.shape_cast %get3A_41 : vector<1x96x1x224xf32> to vector<96x224xf32>
    %transpose3A_43 = tpu.transpose %get3A_42, [1, 0] : vector<96x224xf32> -> vector<224x96xf32>
    %swap3A_44 = arith.constant 896 : index
    %swap3A_45 = arith.constant 0 : index
    %swap3A_46 = vector.load %arg3[%swap3A_44, %swap3A_45] : memref<1792x128xf32, #tpu.memory_space<vmem>>, vector<224x96xf32>
    tpu.vector_store %arg3[%swap3A_44, %swap3A_45], %transpose3A_43 {strides = array<i32>} : memref<1792x128xf32, #tpu.memory_space<vmem>>, vector<224x96xf32>,
    %get3A_47 = arith.constant 0 : index
    %get3A_48 = arith.constant 0 : index
    %get3A_49 = arith.constant 5 : index
    %get3A_50 = arith.constant 0 : index
    %get3A_51 = vector.load %arg2[%get3A_47, %get3A_48, %get3A_49, %get3A_50] : memref<1x96x8x224xf32, #tpu.memory_space<vmem>>, vector<1x96x1x224xf32>
    %get3A_52 = vector.shape_cast %get3A_51 : vector<1x96x1x224xf32> to vector<96x224xf32>
    %transpose3A_53 = tpu.transpose %get3A_52, [1, 0] : vector<96x224xf32> -> vector<224x96xf32>
    %swap3A_54 = arith.constant 1120 : index
    %swap3A_55 = arith.constant 0 : index
    %swap3A_56 = vector.load %arg3[%swap3A_54, %swap3A_55] : memref<1792x128xf32, #tpu.memory_space<vmem>>, vector<224x96xf32>
    tpu.vector_store %arg3[%swap3A_54, %swap3A_55], %transpose3A_53 {strides = array<i32>} : memref<1792x128xf32, #tpu.memory_space<vmem>>, vector<224x96xf32>,
    %get3A_57 = arith.constant 0 : index
    %get3A_58 = arith.constant 0 : index
    %get3A_59 = arith.constant 6 : index
    %get3A_60 = arith.constant 0 : index
    %get3A_61 = vector.load %arg2[%get3A_57, %get3A_58, %get3A_59, %get3A_60] : memref<1x96x8x224xf32, #tpu.memory_space<vmem>>, vector<1x96x1x224xf32>
    %get3A_62 = vector.shape_cast %get3A_61 : vector<1x96x1x224xf32> to vector<96x224xf32>
    %transpose3A_63 = tpu.transpose %get3A_62, [1, 0] : vector<96x224xf32> -> vector<224x96xf32>
    %swap3A_64 = arith.constant 1344 : index
    %swap3A_65 = arith.constant 0 : index
    %swap3A_66 = vector.load %arg3[%swap3A_64, %swap3A_65] : memref<1792x128xf32, #tpu.memory_space<vmem>>, vector<224x96xf32>
    tpu.vector_store %arg3[%swap3A_64, %swap3A_65], %transpose3A_63 {strides = array<i32>} : memref<1792x128xf32, #tpu.memory_space<vmem>>, vector<224x96xf32>,
    %get3A_67 = arith.constant 0 : index
    %get3A_68 = arith.constant 0 : index
    %get3A_69 = arith.constant 7 : index
    %get3A_70 = arith.constant 0 : index
    %get3A_71 = vector.load %arg2[%get3A_67, %get3A_68, %get3A_69, %get3A_70] : memref<1x96x8x224xf32, #tpu.memory_space<vmem>>, vector<1x96x1x224xf32>
    %get3A_72 = vector.shape_cast %get3A_71 : vector<1x96x1x224xf32> to vector<96x224xf32>
    %transpose3A_73 = tpu.transpose %get3A_72, [1, 0] : vector<96x224xf32> -> vector<224x96xf32>
    %swap3A_74 = arith.constant 1568 : index
    %swap3A_75 = arith.constant 0 : index
    %swap3A_76 = vector.load %arg3[%swap3A_74, %swap3A_75] : memref<1792x128xf32, #tpu.memory_space<vmem>>, vector<224x96xf32>
    tpu.vector_store %arg3[%swap3A_74, %swap3A_75], %transpose3A_73 {strides = array<i32>} : memref<1792x128xf32, #tpu.memory_space<vmem>>, vector<224x96xf32>,
    return
  }
  func.func @transform_0(%arg0: i32, %arg1: i32) -> (i32, i32, i32, i32) {
    %c0_i32 = arith.constant 0 : i32
    %c0_i32_0 = arith.constant 0 : i32
    %c0_i32_1 = arith.constant 0 : i32
    return %arg0, %c0_i32, %arg1, %c0_i32_0 : i32, i32, i32, i32
  }
  func.func @transform_1(%arg0: i32, %arg1: i32) -> (i32, i32) {
    %mul3A = arith.constant 28 : i32
    %mul3A_0 = arith.muli %arg0, %mul3A : i32
    %add3A = arith.addi %mul3A_0, %arg1 : i32
    %c0_i32 = arith.constant 0 : i32
    %c0_i32_1 = arith.constant 0 : i32
    return %add3A, %c0_i32 : i32, i32
  }
}

</mosaic_0001>

<sc_bundles>
// kernel: kernel.4.cloned.1.call-start
scs
__scs_entry_jumppad:
0x0: {  	(pc) =	sbr.rel $0x88, $3  }
0x1: {  	(tag) =	ssettag $0x0;
	lr =	simm.s32 $0x1  }
0x2: {  	[smem:$0x3F9F] =	sst lr;
	_ =	strace $0xD0000000  }
0x3: {  	_ = 	snop  }
0x4: {  	_ = 	snop  }
0x5: {  	_ = 	snop  }
0x6: {  	_ = 	snop  }
0x7: {  	_ = 	snop  }
__scs_overlays_trampoline_lowered:
0x8: {  	[smem:$0x3FAE] =	sst s0  }
0x9: {  	[smem:$0x3FAF] =	sst s1  }
0xa: {  	[smem:$0x3FB0] =	sst s2  }
0xb: {  	[smem:$0x3FB1] =	sst s3  }
0xc: {  	[smem:$0x3FB2] =	sst s4  }
0xd: {  	[smem:$0x3FB3] =	sst s5  }
0xe: {  	[smem:$0x3FB4] =	sst s6  }
0xf: {  	[smem:$0x3FB5] =	sst s7  }
0x10: {  	[smem:$0x3FB6] =	sst s8  }
0x11: {  	[smem:$0x3FB7] =	sst s9;
	s0 =	simm.s32 @!p0 $0x0  }
0x12: {  	s1 =	sld [smem:$0x3F9D];
	s0 =	simm.s32 @p0 $0x1  }
0x13: {  	[smem:$0x3FB8] =	sst s0;
	s0 =	simm.s32 @!p1 $0x0  }
0x14: {  	s2 =	sld [smem:$0x3F9C];
	s0 =	simm.s32 @p1 $0x1  }
0x15: {  	[smem:$0x3FB9] =	sst s0;
	s0 =	simm.s32 @!p2 $0x0  }
0x16: {  	s3 =	sld [smem:$0x3FDB];
	s0 =	simm.s32 @p2 $0x1  }
0x17: {  	s4 =	simm.s32 $0x1BF5;
	[smem:$0x3FBB] =	sst s0  }
0x18: {  	s0 =	sld [smem:$0x3F9E];
	_ =	swait.ge [sflag:s4], $0x0  }
0x19: {  	s7 =	sld [smem:$0x3F9F]  }
0x1a: {  	s8 =	sadd.s32 $0xFFFFE003, lr  }
0x1b: {  	s9 =	sadd.s32 $0xFFFFFEF7, lr;
	s5 =	simm.s32 $0xFFFFFFFF;
	p2 =	slt.u32 s8, $0xFFFFF086  }
0x1c: {  	p1 =	slt.u32 s9, $0xF7A;
	s5 =	simm.s32 @!p2 $0x0  }
0x1d: {  	s5 =	simm.s32 @p1 $0x1;
	p0 =	seq.s32 s7, s2  }
0x1e: {  	s7 =	smul.u32 @!p0 $0xF7A, s2;
	p2 =	seq.s32 @!p0 s5, $0x0  }
0x1f: {  	s9 =	smul.u32 $0xF7A, s1;
	s8 =	simm.s32 @!p0 $0x1BF5;
	p2 =	por !p2, p0  }
0x20: {  	[sflag:s8] =	ssyncset.s32 @!p0 $0xFFFFF086;
	s6 =	sadd.s32 @!p0 s3, s7;
	s7 =	simm.s32 @!p0 $0x108  }
0x21: {  	s3 =	sadd.s32 s3, s9;
	s6 =	sadd.s32 @!p0 $0x88, s6;
	s7 =	simm.s32 @p2 $0x1082  }
0x22: {  	[simem:s7], [sflag:s8] =	dma.local @!p0 [hbm:s6], $0xF7A  }
0x23: {  	s9 =	sor.u32 $0xD0000000, s2;
	s6 =	simm.s32 $0x108;
	_ =	swait.ge @!p0 [sflag:s8], $0x0  }
0x24: {  	s3 =	sadd.s32 $0x88, s3;
	s6 =	simm.s32 @!p1 $0x1082;
	[sflag:s4] =	ssyncset.s32 $0xFFFFF086  }
0x25: {  	[simem:s6], [sflag:s4] =	dma.local [hbm:s3], $0xF7A  }
0x26: {  	[smem:$0x3F9F] =	sst s1;
	(tag) =	ssettag s2;
	_ =	strace s9  }
0x27: {  	s1 =	sld [smem:$0x3FAF]  }
0x28: {  	s2 =	sld [smem:$0x3FB0]  }
0x29: {  	s4 =	sld [smem:$0x3FB2]  }
0x2a: {  	p0 =	seq.s32 s5, $0x0;
	s5 =	sld [smem:$0x3FB3]  }
0x2b: {  	s6 =	sld [smem:$0x3FB4]  }
0x2c: {  	s7 =	sld [smem:$0x3FB5]  }
0x2d: {  	s3 =	simm.s32 $0x108;
	s8 =	sld [smem:$0x3FB6]  }
0x2e: {  	s3 =	simm.s32 @!p0 $0x1082;
	s9 =	sld [smem:$0x3FB7]  }
0x2f: {  	lr =	sadd.s32 s0, s3;
	s0 =	sld [smem:$0x3FAE]  }
0x30: {  	s3 =	sld [smem:$0x3FB1]  }
0x31: {  	[smem:$0x3FBA] =	sst s10  }
0x32: {  	s10 =	sld [smem:$0x3FB8];
	_ =	sdelay $0x3  }
0x33: {  	p0 =	seq.s32 s10, $0x1;
	s10 =	sld [smem:$0x3FBA];
	_ =	sdelay $0x3  }
0x34: {  	[smem:$0x3FBA] =	sst s10  }
0x35: {  	s10 =	sld [smem:$0x3FB9];
	_ =	sdelay $0x3  }
0x36: {  	p1 =	seq.s32 s10, $0x1;
	s10 =	sld [smem:$0x3FBA];
	_ =	sdelay $0x3  }
0x37: {  	[smem:$0x3FBA] =	sst s10  }
0x38: {  	s10 =	sld [smem:$0x3FBB]  }
0x39: {  	_ = 	snop;
	(pc) =	sbr.ind lr, $3  }
0x3a: {  	_ = 	snop  }
0x3b: {  	_ = 	snop  }
0x3c: {  	p2 =	seq.s32 s10, $0x1;
	s10 =	sld [smem:$0x3FBA]  }
0x3d: {  	_ =	shalt  }
0x3e: {  	_ =	shalt  }
0x3f: {  	_ =	shalt  }
0x40: {  	_ =	shalt  }
0x41: {  	_ =	shalt  }
0x42: {  	_ =	shalt  }
0x43: {  	_ =	shalt  }
0x44: {  	_ =	shalt  }
0x45: {  	_ =	shalt  }
0x46: {  	_ =	shalt  }
0x47: {  	_ =	shalt  }
0x48: {  	_ =	shalt  }
0x49: {  	_ =	shalt  }
0x4a: {  	_ =	shalt  }
0x4b: {  	_ =	shalt  }
0x4c: {  	_ =	shalt  }
0x4d: {  	_ =	shalt  }
0x4e: {  	_ =	shalt  }
0x4f: {  	_ =	shalt  }
0x50: {  	_ =	shalt  }
0x51: {  	_ =	shalt  }
0x52: {  	_ =	shalt  }
0x53: {  	_ =	shalt  }
0x54: {  	_ =	shalt  }
0x55: {  	_ =	shalt  }
0x56: {  	_ =	shalt  }
0x57: {  	_ =	shalt  }
0x58: {  	_ =	shalt  }
0x59: {  	_ =	shalt  }
0x5a: {  	_ =	shalt  }
0x5b: {  	_ =	shalt  }
0x5c: {  	_ =	shalt  }
0x5d: {  	_ =	shalt  }
0x5e: {  	_ =	shalt  }
0x5f: {  	_ =	shalt  }
0x60: {  	_ =	shalt  }
0x61: {  	_ =	shalt  }
0x62: {  	_ =	shalt  }
0x63: {  	_ =	shalt  }
0x64: {  	_ =	shalt  }
0x65: {  	_ =	shalt  }
0x66: {  	_ =	shalt  }
0x67: {  	_ =	shalt  }
0x68: {  	_ =	shalt  }
0x69: {  	_ =	shalt  }
0x6a: {  	_ =	shalt  }
0x6b: {  	_ =	shalt  }
0x6c: {  	_ =	shalt  }
0x6d: {  	_ =	shalt  }
0x6e: {  	_ =	shalt  }
0x6f: {  	_ =	shalt  }
0x70: {  	_ =	shalt  }
0x71: {  	_ =	shalt  }
0x72: {  	_ =	shalt  }
0x73: {  	_ =	shalt  }
0x74: {  	_ =	shalt  }
0x75: {  	_ =	shalt  }
0x76: {  	_ =	shalt  }
0x77: {  	_ =	shalt  }
0x78: {  	_ =	shalt  }
0x79: {  	_ =	shalt  }
0x7a: {  	_ =	shalt  }
0x7b: {  	_ =	shalt  }
0x7c: {  	_ =	shalt  }
0x7d: {  	_ =	shalt  }
0x7e: {  	_ =	shalt  }
0x7f: {  	_ =	shalt  }
0x80: {  	_ =	shalt  }
0x81: {  	_ =	shalt  }
0x82: {  	_ =	shalt  }
0x83: {  	_ =	shalt  }
0x84: {  	_ =	shalt  }
0x85: {  	_ =	shalt  }
0x86: {  	_ =	shalt  }
0x87: {  	_ =	shalt  }
.Lfunc_end0:
.L_simem_size_0:
called_computation.1_lowered:
.L_overlay_start_0:
0x88: {  	s2 =	sld [smem:$0x3FD9]  }
0x89: {  	s3 =	sld [smem:$0x3FFE];
	_ =	sdelay $0x1  }
0x8a: {  	s1 =	srdreg.scid  }
0x8b: {  	s0 =	sand.u32 $0x1, s1  }
0x8c: {  	s17 =	sshll.u32 s0, $0xA;
	s2 =	sadd.s32 s3, s2  }
0x8d: {  	s2 =	sadd.s32 s2, s17  }
0x8e: {  	[smem:$0x3FC6] =	sst s2  }
0x8f: {  	_ = 	snop  }
0x90: {  	s2 =	sld [smem:$0x3FD0];
	(tm) =	ssettm $0x1  }
0x91: {  	s18 =	sld [smem:$0x3FFB];
	_ =	sdelay $0x3  }
0x92: {  	_ =	strace s18  }
0x93: {  	s3 =	sld [smem:$0x3FFC];
	_ =	sdelay $0x3  }
0x94: {  	_ =	strace s3  }
0x95: {  	s3 =	sld [smem:$0x3FFD];
	_ =	sdelay $0x3  }
0x96: {  	_ =	strace s3  }
0x97: {  	_ =	strace $0x8FFFFFFF  }
0x98: {  	s19 =	sld [smem:$0x3FDB];
	_ =	sdelay $0x1  }
0x99: {  	s4 =	simm.s32 $_scs_section_size  }
0x9a: {  	s5 =	simm.s32 $_size__tile_overlayer_lowered;
	s6 =	simm.s32 $_tile_overlayer_lowered  }
0x9b: {  	s22 =	simm.s32 $0x1BFF;
	s21 =	sshll.u32 s6, $0x1;
	s3 =	sadd.s32 s4, s19  }
0x9c: {  	s7 =	simm.s32 $0x0;
	s20 =	sshll.u32 s5, $0x1;
	s5 =	sadd.s32 s21, s3  }
0x9d: {  	[timem:s7], [sflag:s22] =	dma.local [hbm:s5], s20  }
0x9e: {  	_ =	swait.ge [sflag:s22], s20  }
0x9f: {  	s4 =	ssub.s32 $0x0, s20;
	[sflag:s22] =	ssyncset.done $0x0  }
0xa0: {  	[sflag:s22] =	ssyncadd.s32 s4;
	_ =	sdelay $0x1  }
0xa1: {  	s23 =	simm.s32 $0x1B8B  }
0xa2: {  	_ =	swait.ge [sflag:s23], $0x1  }
0xa3: {  	[sflag:s23] =	ssyncset.done $0x0  }
0xa4: {  	s25 =	simm.s32 $0x1B8E;
	s24 =	sld [smem:$0x3FFE];
	[sflag:s23] =	ssyncadd.s32 $0xFFFFFFFF  }
0xa5: {  	s26 =	simm.s32 $execute0_lowered;
	[smem:$0x3FD2] =	sst s25  }
0xa6: {  	s5 =	sshll.u32 s26, $0x1;
	_ =	strace $0x80000046;
	[dreg:$0x1] =	wrdreg $0xFFFFFFFF  }
0xa7: {  	s28 =	simm.s32 $_size_execute0_lowered;
	s3 =	sadd.s32 s3, s5;
	[dreg:$0x0] =	wrdreg $0x0  }
0xa8: {  	s5 =	sshll.u32 s28, $0x1;
	[dreg:$0x2] =	wrdreg s3  }
0xa9: {  	[dreg:$0x3] =	wrdreg s5  }
0xaa: {  	[dreg:$0x4] =	wrdreg $0xC0  }
0xab: {  	_ =	task [dreg:s7], $0x5FFFF  }
0xac: {  	[dreg:$0x1] =	wrdreg $0xFFFFFFFF  }
0xad: {  	[dreg:$0x0] =	wrdreg $0x60  }
0xae: {  	[dreg:$0x2] =	wrdreg s24  }
0xaf: {  	[dreg:$0x3] =	wrdreg s2  }
0xb0: {  	[dreg:$0x4] =	wrdreg $0x9  }
0xb1: {  	_ =	task.clear_ibuf [dreg:s7], $0x5FFFF;
	_ =	strace $0x90000046  }
0xb2: {  	s29 =	simm.s32 $0x9;
	_ =	strace $0x80000048  }
0xb3: {  	_ =	swait.ge [sflag:s29], $0x1  }
0xb4: {  	[sflag:s29] =	ssyncadd.s32 $0xFFFFFFFF  }
0xb5: {  	_ =	strace $0x90000048  }
0xb6: {  	_ =	sfence  }
0xb7: {  	s30 =	sld [smem:$0x0];
	_ =	sdelay $0x2  }
0xb8: {  	s31 =	sshll.u32 s1, $0xD;
	s1 =	sshrl.u32 s1, $0x2  }
0xb9: {  	s3 =	sand.u32 $0x4000, s31;
	s1 =	sadd.s32 s1, s30  }
0xba: {  	s0 =	sor.u32 s3, s0;
	s1 =	sshll.u32 s1, $0x11  }
0xbb: {  	s0 =	sor.u32 s1, s0  }
0xbc: {  	s0 =	sadd.s32 $0x8F2B, s0  }
0xbd: {  	[sflag:s0] =	ssyncadd.remote.s32 $0x1  }
0xbe: {  	_ =	sfence.sel $0xFFFF  }
0xbf: {  	[dreg:$0x0] =	wrdreg $0xFFFFFFFF;
	(pc) =	sbr.abs _section_cstart, $3  }
0xc0: {  	[dreg:$0x1] =	wrdreg $0xFFFFFFFF  }
0xc1: {  	_ =	task.clear_ibuf [dreg:s7], $0x2FFFF;
	_ =	strace $0x9FFFFFFF  }
0xc2: {  	(tm) =	ssettm $0x7FFFFFFF  }
0xc3: {  	_ =	shalt  }
tec
execute0_lowered:
.L_overlay_start_1:
0x0: {  	(tag) =	ssettag $0x1  }
0x1: {  	s0 =	srdreg.scid;
	s1 =	stileid.u32  }
0x2: {  	s2 =	sand.u32 $0x1, s0;
	s23 =	sshll.u32 s1, $0x1  }
0x3: {  	s0 =	sor.u32 s2, s23  }
0x4: {  	s3 =	smul.u32 $0xC40, s0  }
0x5: {  	v0 =	vlaneseq.u32  }
0x6: {  	v1 =	vor.u32 s3, v0  }
0x7: {  	v2 =	vmulhi.u32 $0x5397829D, v1  }
0x8: {  	s24 =	simm.s32 $0x0  }
0x9: {  	[smem:$0x7FF] =	sst s24;
	v4 =	vshrl.u32 v2, $0x4  }
0xa: {  	[dreg:$0xd] =	wrdreg s2;
	v2 =	vmul.u32 $0xFFFFFFCF, v4  }
0xb: {  	[dreg:$0x10] =	wrdreg s0  }
0xc: {  	_ =	strace $0x80000047;
	v5 =	vadd.s32 v1, v2  }
0xd: {  	(v2sf) =	vpush v5, $0xD  }
0xe: {  	(v2sf) =	vpush v5, $0xC  }
0xf: {  	(v2sf) =	vpush v5, $0xE  }
0x10: {  	(v2sf) =	vpush v5, $0xF  }
0x11: {  	(v2sf) =	vpush v5, $0x9;
	_ =	sdelay $0x1  }
0x12: {  	(v2sf) =	vpush v5, $0x8;
	_ =	sdelay $0x1  }
0x13: {  	(v2sf) =	vpush v5, $0xA;
	_ =	sdelay $0x1  }
0x14: {  	(v2sf) =	vpush v5, $0xB;
	_ =	sdelay $0x1  }
0x15: {  	(v2sf) =	vpush v5, $0x5;
	_ =	sdelay $0x2  }
0x16: {  	s4 =	spop (v2sf)  }
0x17: {  	(v2sf) =	vpush v5, $0x4;
	s5 =	spop (v2sf)  }
0x18: {  	s28 =	sshra.s32 s5, $0x1F;
	s6 =	spop (v2sf)  }
0x19: {  	(v2sf) =	vpush v5, $0x6;
	s0 =	smul.u32 $0x92492493, s28;
	s7 =	spop (v2sf)  }
0x1a: {  	(v2sf) =	vpush v5, $0x7;
	s29 =	sshra.s32 s6, $0x1F;
	s9 =	spop (v2sf)  }
0x1b: {  	[smem:$0x7A7] =	sst s0;
	s0 =	smul.u32 $0x92492493, s29  }
0x1c: {  	s25 =	sor.u32 $0x10, s3;
	(v2sf) =	vpush v5, $0x1;
	s30 =	sshra.s32 s7, $0x1F;
	s11 =	spop (v2sf)  }
0x1d: {  	v1 =	vor.u32 s25, v0;
	[smem:$0x7A8] =	sst s0;
	s0 =	smul.u32 $0x92492493, s30  }
0x1e: {  	v2 =	vmulhi.u32 $0x5397829D, v1;
	(v2sf) =	vpush v5, $0x0;
	s1 =	sshra.s32 s11, $0x1F;
	s15 =	spop (v2sf)  }
0x1f: {  	[smem:$0x7A9] =	sst s0;
	s0 =	smul.u32 $0x92492493, s1  }
0x20: {  	[dreg:$0x11] =	wrdreg s25;
	v10 =	vshrl.u32 v2, $0x4;
	(v2sf) =	vpush v5, $0x2;
	s2 =	sshra.s32 s15, $0x1F;
	s24 =	spop (v2sf)  }
0x21: {  	v2 =	vmul.u32 $0xFFFFFFCF, v10;
	s31 =	sshra.s32 s9, $0x1F;
	[smem:$0x7AA] =	sst s0;
	s0 =	smul.u32 $0x92492493, s2  }
0x22: {  	(v2sf) =	vpush v5, $0x3;
	s25 =	smul.u32 $0x92492493, s31;
	s8 =	sshra.s32 s24, $0x1F;
	s31 =	spop (v2sf)  }
0x23: {  	v6 =	vadd.s32 v1, v2;
	[smem:$0x7AB] =	sst s0;
	s0 =	smul.u32 $0x92492493, s8  }
0x24: {  	(v2sf) =	vpush v6, $0xD;
	s10 =	sshra.s32 s31, $0x1F  }
0x25: {  	[smem:$0x7AD] =	sst s0;
	s0 =	smul.u32 $0x92492493, s10  }
0x26: {  	(v2sf) =	vpush v6, $0xC;
	s12 =	spop (v2sf)  }
0x27: {  	[smem:$0x7AF] =	sst s0;
	s0 =	sshra.s32 s12, $0x1F  }
0x28: {  	(v2sf) =	vpush v6, $0xE;
	s8 =	spop (v2sf);
	s0 =	smul.u32 $0x92492493, s0  }
0x29: {  	s14 =	sshra.s32 s8, $0x1F;
	s17 =	spop (v2sf)  }
0x2a: {  	(v2sf) =	vpush v6, $0xF;
	[smem:$0x7B1] =	sst s0;
	s0 =	smul.u32 $0x92492493, s14  }
0x2b: {  	s18 =	sshra.s32 s17, $0x1F;
	s19 =	spop (v2sf)  }
0x2c: {  	(v2sf) =	vpush v6, $0x9;
	[smem:$0x7B3] =	sst s0;
	s0 =	smul.u32 $0x92492493, s18  }
0x2d: {  	s20 =	sshra.s32 s19, $0x1F;
	s21 =	spop (v2sf)  }
0x2e: {  	(v2sf) =	vpush v6, $0x8;
	[smem:$0x7B5] =	sst s0;
	s0 =	smul.u32 $0x92492493, s20  }
0x2f: {  	[smem:$0x7B0] =	sst s17;
	s22 =	sshra.s32 s21, $0x1F;
	s17 =	spop (v2sf)  }
0x30: {  	(v2sf) =	vpush v6, $0xA;
	[smem:$0x7B6] =	sst s0;
	s0 =	smul.u32 $0x92492493, s22  }
0x31: {  	[smem:$0x7AC] =	sst s12;
	s23 =	sshra.s32 s17, $0x1F;
	s12 =	spop (v2sf)  }
0x32: {  	s26 =	sshra.s32 s4, $0x1F;
	(v2sf) =	vpush v6, $0xB;
	[smem:$0x7B7] =	sst s0;
	s0 =	smul.u32 $0x92492493, s23  }
0x33: {  	s16 =	smul.u32 $0x92492493, s26;
	s26 =	sshra.s32 s12, $0x1F;
	s10 =	spop (v2sf)  }
0x34: {  	[smem:$0x7B8] =	sst s0;
	s0 =	smul.u32 $0x92492493, s26  }
0x35: {  	[smem:$0x7AE] =	sst s8;
	s28 =	sshra.s32 s10, $0x1F;
	s8 =	spop (v2sf)  }
0x36: {  	(v2sf) =	vpush v6, $0x5;
	[smem:$0x7B9] =	sst s0;
	s0 =	smul.u32 $0x92492493, s28  }
0x37: {  	s29 =	sshra.s32 s8, $0x1F;
	s30 =	spop (v2sf)  }
0x38: {  	(v2sf) =	vpush v6, $0x4;
	[smem:$0x7BB] =	sst s0;
	s0 =	smul.u32 $0x92492493, s29  }
0x39: {  	(v2sf) =	vpush v6, $0x6;
	s1 =	sshra.s32 s30, $0x1F;
	s2 =	spop (v2sf)  }
0x3a: {  	s13 =	sor.u32 $0x20, s3;
	[smem:$0x7BD] =	sst s0;
	s0 =	smul.u32 $0x92492493, s1  }
0x3b: {  	[dreg:$0xe] =	wrdreg s13;
	v1 =	vor.u32 s13, v0;
	(v2sf) =	vpush v6, $0x7;
	s13 =	sshra.s32 s2, $0x1F;
	s29 =	spop (v2sf)  }
0x3c: {  	[smem:$0x7BE] =	sst s0;
	s0 =	smul.u32 $0x92492493, s13  }
0x3d: {  	(v2sf) =	vpush v6, $0x1;
	s14 =	sshra.s32 s29, $0x1F;
	s18 =	spop (v2sf)  }
0x3e: {  	[smem:$0x7C0] =	sst s0;
	s0 =	smul.u32 $0x92492493, s14  }
0x3f: {  	v2 =	vmulhi.u32 $0x5397829D, v1;
	[smem:$0x7B2] =	sst s19;
	(v2sf) =	vpush v6, $0x0;
	s19 =	sshra.s32 s18, $0x1F;
	s26 =	spop (v2sf)  }
0x40: {  	[smem:$0x7C1] =	sst s0;
	s0 =	smul.u32 $0x92492493, s19  }
0x41: {  	[dreg:$0x3] =	wrdreg s3;
	v14 =	vshrl.u32 v2, $0x4;
	(v2sf) =	vpush v6, $0x2;
	s20 =	sshra.s32 s26, $0x1F;
	s28 =	spop (v2sf)  }
0x42: {  	v2 =	vmul.u32 $0xFFFFFFCF, v14;
	[smem:$0x7C2] =	sst s0;
	s0 =	smul.u32 $0x92492493, s20  }
0x43: {  	[smem:$0x7B4] =	sst s21;
	(v2sf) =	vpush v6, $0x3;
	s21 =	sshra.s32 s28, $0x1F  }
0x44: {  	v11 =	vadd.s32 v1, v2;
	[smem:$0x7C4] =	sst s0;
	s0 =	smul.u32 $0x92492493, s21  }
0x45: {  	(v2sf) =	vpush v11, $0xD;
	[smem:$0x7BA] =	sst s30;
	s22 =	spop (v2sf)  }
0x46: {  	[smem:$0x7C6] =	sst s0;
	s0 =	sshra.s32 s22, $0x1F  }
0x47: {  	(v2sf) =	vpush v11, $0xC;
	s23 =	spop (v2sf);
	s0 =	smul.u32 $0x92492493, s0  }
0x48: {  	[smem:$0x7C3] =	sst s22;
	s1 =	sshra.s32 s23, $0x1F;
	s22 =	spop (v2sf)  }
0x49: {  	(v2sf) =	vpush v11, $0xE;
	[smem:$0x7C7] =	sst s0;
	s0 =	smul.u32 $0x92492493, s1  }
0x4a: {  	[smem:$0x7BC] =	sst s2;
	s2 =	sshra.s32 s22, $0x1F;
	s14 =	spop (v2sf)  }
0x4b: {  	(v2sf) =	vpush v11, $0xF;
	[smem:$0x7C8] =	sst s0;
	s0 =	smul.u32 $0x92492493, s2  }
0x4c: {  	s30 =	sor.u32 $0x30, s3;
	s3 =	sshra.s32 s14, $0x1F;
	s20 =	spop (v2sf)  }
0x4d: {  	(v2sf) =	vpush v11, $0x9;
	[smem:$0x7C9] =	sst s0;
	s0 =	smul.u32 $0x92492493, s3  }
0x4e: {  	s13 =	sshra.s32 s20, $0x1F;
	s21 =	spop (v2sf)  }
0x4f: {  	(v2sf) =	vpush v11, $0x8;
	[smem:$0x7CA] =	sst s0;
	s0 =	smul.u32 $0x92492493, s13  }
0x50: {  	[smem:$0x7BF] =	sst s18;
	s18 =	sshra.s32 s21, $0x1F;
	s13 =	spop (v2sf)  }
0x51: {  	(v2sf) =	vpush v11, $0xA;
	[smem:$0x7CB] =	sst s0;
	s0 =	smul.u32 $0x92492493, s18  }
0x52: {  	s19 =	sshra.s32 s13, $0x1F;
	s18 =	spop (v2sf)  }
0x53: {  	(v2sf) =	vpush v11, $0xB;
	[smem:$0x7CC] =	sst s0;
	s0 =	smul.u32 $0x92492493, s19  }
0x54: {  	[smem:$0x7C5] =	sst s23;
	s23 =	sshra.s32 s18, $0x1F;
	s19 =	spop (v2sf)  }
0x55: {  	(v2sf) =	vpush v11, $0x5;
	[smem:$0x7CD] =	sst s0;
	s0 =	smul.u32 $0x92492493, s23  }
0x56: {  	[dreg:$0xf] =	wrdreg s30;
	v1 =	vor.u32 s30, v0;
	s30 =	sshra.s32 s19, $0x1F;
	s23 =	spop (v2sf)  }
0x57: {  	(v2sf) =	vpush v11, $0x4;
	[smem:$0x7CF] =	sst s0;
	s0 =	smul.u32 $0x92492493, s30  }
0x58: {  	s1 =	sshra.s32 s23, $0x1F;
	s30 =	spop (v2sf)  }
0x59: {  	(v2sf) =	vpush v11, $0x6;
	[smem:$0x7D2] =	sst s0;
	s0 =	smul.u32 $0x92492493, s1  }
0x5a: {  	s2 =	sshra.s32 s30, $0x1F;
	s3 =	spop (v2sf)  }
0x5b: {  	(v2sf) =	vpush v11, $0x7;
	[smem:$0x7D6] =	sst s0;
	s0 =	smul.u32 $0x92492493, s2  }
0x5c: {  	[smem:$0x7D3] =	sst s3;
	s2 =	sshra.s32 s3, $0x1F;
	s3 =	spop (v2sf)  }
0x5d: {  	(v2sf) =	vpush v11, $0x1;
	[smem:$0x7D9] =	sst s0;
	s0 =	smul.u32 $0x92492493, s2  }
0x5e: {  	[smem:$0x7D7] =	sst s3;
	s2 =	sshra.s32 s3, $0x1F;
	s3 =	spop (v2sf)  }
0x5f: {  	v2 =	vmulhi.u32 $0x5397829D, v1;
	(v2sf) =	vpush v11, $0x0;
	[smem:$0x7DB] =	sst s0;
	s0 =	smul.u32 $0x92492493, s2  }
0x60: {  	[smem:$0x7DA] =	sst s3;
	s2 =	sshra.s32 s3, $0x1F;
	s3 =	spop (v2sf)  }
0x61: {  	v16 =	vshrl.u32 v2, $0x4;
	(v2sf) =	vpush v11, $0x2;
	[smem:$0x7DE] =	sst s0;
	s0 =	smul.u32 $0x92492493, s2  }
0x62: {  	v2 =	vmul.u32 $0xFFFFFFCF, v16;
	[smem:$0x7DC] =	sst s3;
	s2 =	sshra.s32 s3, $0x1F;
	s3 =	spop (v2sf)  }
0x63: {  	(v2sf) =	vpush v11, $0x3;
	[smem:$0x7E1] =	sst s0;
	s0 =	smul.u32 $0x92492493, s2  }
0x64: {  	v15 =	vadd.s32 v1, v2;
	[smem:$0x7DF] =	sst s3;
	s2 =	sshra.s32 s3, $0x1F;
	s3 =	spop (v2sf)  }
0x65: {  	(v2sf) =	vpush v15, $0xD;
	[smem:$0x7E2] =	sst s0;
	s0 =	smul.u32 $0x92492493, s2  }
0x66: {  	[smem:$0x7E0] =	sst s3;
	s2 =	sshra.s32 s3, $0x1F;
	s3 =	spop (v2sf)  }
0x67: {  	(v2sf) =	vpush v15, $0xC;
	[smem:$0x7E5] =	sst s0;
	s0 =	smul.u32 $0x92492493, s2  }
0x68: {  	[smem:$0x7E3] =	sst s3;
	s2 =	sshra.s32 s3, $0x1F;
	s3 =	spop (v2sf)  }
0x69: {  	(v2sf) =	vpush v15, $0xE;
	[smem:$0x7E6] =	sst s0;
	s0 =	smul.u32 $0x92492493, s2  }
0x6a: {  	[smem:$0x7E4] =	sst s3;
	s2 =	sshra.s32 s3, $0x1F;
	s3 =	spop (v2sf)  }
0x6b: {  	(v2sf) =	vpush v15, $0xF;
	[smem:$0x7EA] =	sst s0;
	s0 =	smul.u32 $0x92492493, s2  }
0x6c: {  	[smem:$0x7E7] =	sst s3;
	s1 =	spop (v2sf);
	s2 =	sshra.s32 s3, $0x1F  }
0x6d: {  	(v2sf) =	vpush v15, $0x9;
	[smem:$0x7EB] =	sst s0;
	s0 =	smul.u32 $0x92492493, s2  }
0x6e: {  	[smem:$0x7E8] =	sst s1;
	s3 =	sshra.s32 s1, $0x1F;
	s2 =	spop (v2sf)  }
0x6f: {  	(v2sf) =	vpush v15, $0x8;
	[smem:$0x7EE] =	sst s0;
	s0 =	smul.u32 $0x92492493, s3  }
0x70: {  	[smem:$0x7EC] =	sst s2;
	s1 =	spop (v2sf);
	s2 =	sshra.s32 s2, $0x1F  }
0x71: {  	(v2sf) =	vpush v15, $0xA;
	[smem:$0x7EF] =	sst s0;
	s0 =	smul.u32 $0x92492493, s2  }
0x72: {  	[smem:$0x7ED] =	sst s1;
	s3 =	sshra.s32 s1, $0x1F;
	s2 =	spop (v2sf)  }
0x73: {  	(v2sf) =	vpush v15, $0xB;
	[smem:$0x7F2] =	sst s0;
	s0 =	smul.u32 $0x92492493, s3  }
0x74: {  	[smem:$0x7F0] =	sst s2;
	s1 =	spop (v2sf);
	s2 =	sshra.s32 s2, $0x1F  }
0x75: {  	(v2sf) =	vpush v15, $0x5;
	[smem:$0x7F3] =	sst s0;
	s0 =	smul.u32 $0x92492493, s2  }
0x76: {  	[smem:$0x7F1] =	sst s1;
	s3 =	sshra.s32 s1, $0x1F;
	s2 =	spop (v2sf)  }
0x77: {  	(v2sf) =	vpush v15, $0x4;
	[smem:$0x7F6] =	sst s0;
	s0 =	smul.u32 $0x92492493, s3  }
0x78: {  	[smem:$0x7F4] =	sst s2;
	s1 =	spop (v2sf);
	s2 =	sshra.s32 s2, $0x1F  }
0x79: {  	(v2sf) =	vpush v15, $0x6;
	[smem:$0x7F7] =	sst s0;
	s0 =	smul.u32 $0x92492493, s2  }
0x7a: {  	[smem:$0x7F5] =	sst s1;
	s3 =	sshra.s32 s1, $0x1F;
	s2 =	spop (v2sf)  }
0x7b: {  	(v2sf) =	vpush v15, $0x7;
	[dreg:$0x1f] =	wrdreg s0;
	s0 =	smul.u32 $0x92492493, s3  }
0x7c: {  	[smem:$0x7F8] =	sst s2;
	s1 =	spop (v2sf);
	s2 =	sshra.s32 s2, $0x1F  }
0x7d: {  	[smem:$0x7FA] =	sst s0;
	s0 =	smul.u32 $0x92492493, s2  }
0x7e: {  	[smem:$0x7F9] =	sst s1;
	s3 =	sshra.s32 s1, $0x1F;
	s2 =	spop (v2sf)  }
0x7f: {  	[dreg:$0x1b] =	wrdreg s0;
	s0 =	smul.u32 $0x92492493, s3  }
0x80: {  	[smem:$0x7FB] =	sst s2;
	s1 =	spop (v2sf);
	s2 =	sshra.s32 s2, $0x1F  }
0x81: {  	[dreg:$0x1d] =	wrdreg s0;
	s0 =	smul.u32 $0x92492493, s2  }
0x82: {  	[smem:$0x7FC] =	sst s1;
	s1 =	sshra.s32 s1, $0x1F;
	s2 =	spop (v2sf)  }
0x83: {  	[dreg:$0x17] =	wrdreg s0;
	s0 =	smul.u32 $0x92492493, s1  }
0x84: {  	s3 =	sshra.s32 s2, $0x1F;
	s1 =	spop (v2sf)  }
0x85: {  	[dreg:$0x19] =	wrdreg s0;
	s0 =	smul.u32 $0x92492493, s3  }
0x86: {  	[dreg:$0x1e] =	wrdreg s1;
	s3 =	sshra.s32 s1, $0x1F;
	s1 =	spop (v2sf)  }
0x87: {  	[dreg:$0x12] =	wrdreg s0;
	s0 =	smul.u32 $0x92492493, s3  }
0x88: {  	[dreg:$0x1c] =	wrdreg s1;
	s3 =	sshra.s32 s1, $0x1F;
	s1 =	spop (v2sf)  }
0x89: {  	[dreg:$0x16] =	wrdreg s0;
	s0 =	smul.u32 $0x92492493, s3  }
0x8a: {  	[dreg:$0x1a] =	wrdreg s1;
	s3 =	sshra.s32 s1, $0x1F;
	s1 =	spop (v2sf)  }
0x8b: {  	[dreg:$0x15] =	wrdreg s0;
	s0 =	smul.u32 $0x92492493, s3  }
0x8c: {  	[smem:$0x7FD] =	sst s2;
	s2 =	sshra.s32 s1, $0x1F;
	s3 =	smulhi.u32 $0x92492493, s4  }
0x8d: {  	[dreg:$0x14] =	wrdreg s0;
	s0 =	smul.u32 $0x92492493, s2  }
0x8e: {  	[dreg:$0x18] =	wrdreg s1;
	s1 =	smulhi.u32 $0x92492493, s5  }
0x8f: {  	s2 =	smulhi.u32 $0x92492493, s7;
	[dreg:$0x13] =	wrdreg s0;
	s0 =	ssub.s32 s3, s4  }
0x90: {  	s0 =	sadd.s32 s16, s0;
	s16 =	ssub.s32 s1, s5;
	s1 =	sld [smem:$0x7A7]  }
0x91: {  	s3 =	smulhi.u32 $0x92492493, s6;
	s5 =	sld [smem:$0x7A8]  }
0x92: {  	[smem:$0x7CE] =	sst s0  }
0x93: {  	s4 =	ssub.s32 s3, s6;
	s6 =	ssub.s32 s2, s7;
	s7 =	smulhi.u32 $0x92492493, s11  }
0x94: {  	s3 =	smulhi.u32 $0x92492493, s9;
	s16 =	sadd.s32 s1, s16;
	s1 =	sld [smem:$0x7A9]  }
0x95: {  	s7 =	ssub.s32 s7, s11;
	s11 =	sld [smem:$0x7AA]  }
0x96: {  	s0 =	sadd.s32 s5, s4;
	s5 =	ssub.s32 s3, s9;
	s3 =	sld [smem:$0x7C0]  }
0x97: {  	[smem:$0x7D0] =	sst s0  }
0x98: {  	s0 =	sadd.s32 s1, s6;
	s1 =	sld [smem:$0x7AB]  }
0x99: {  	s9 =	smulhi.u32 $0x92492493, s24;
	s7 =	sadd.s32 s11, s7;
	s11 =	sld [smem:$0x7AD]  }
0x9a: {  	s6 =	smulhi.u32 $0x92492493, s15;
	[smem:$0x7D4] =	sst s0  }
0x9b: {  	s0 =	sadd.s32 s25, s5;
	s5 =	ssub.s32 s9, s24;
	s24 =	sld [smem:$0x7AE]  }
0x9c: {  	[smem:$0x7D1] =	sst s0  }
0x9d: {  	s25 =	smulhi.u32 $0x92492493, s31;
	s15 =	ssub.s32 s6, s15;
	s6 =	sld [smem:$0x7AC]  }
0x9e: {  	s0 =	sadd.s32 s1, s15;
	s1 =	sld [smem:$0x7AF]  }
0x9f: {  	s15 =	ssub.s32 s25, s31;
	[smem:$0x7D5] =	sst s0  }
0xa0: {  	s0 =	sadd.s32 s11, s5;
	s25 =	smulhi.u32 $0x92492493, s24;
	s5 =	sld [smem:$0x7B0]  }
0xa1: {  	s9 =	smulhi.u32 $0x92492493, s6;
	s31 =	sadd.s32 s1, s15;
	s1 =	sld [smem:$0x7B3]  }
0xa2: {  	s15 =	sld [smem:$0x7B2]  }
0xa3: {  	s11 =	ssub.s32 s25, s24;
	s4 =	ssub.s32 s9, s6;
	s9 =	sld [smem:$0x7B1]  }
0xa4: {  	s2 =	smulhi.u32 $0x92492493, s5;
	s25 =	sadd.s32 s1, s11;
	s11 =	sld [smem:$0x7B5]  }
0xa5: {  	s24 =	smulhi.u32 $0x92492493, s15;
	s1 =	sld [smem:$0x7B6]  }
0xa6: {  	s9 =	sadd.s32 s9, s4;
	s4 =	ssub.s32 s2, s5;
	s5 =	sld [smem:$0x7B4]  }
0xa7: {  	[smem:$0x7D8] =	sst s0;
	s6 =	smulhi.u32 $0x92492493, s12;
	s15 =	ssub.s32 s24, s15  }
0xa8: {  	s24 =	smulhi.u32 $0x92492493, s17;
	s0 =	sadd.s32 s11, s4;
	s11 =	sld [smem:$0x7B7]  }
0xa9: {  	s15 =	sadd.s32 s1, s15;
	s1 =	sld [smem:$0x7B8];
	s2 =	smulhi.u32 $0x92492493, s5  }
0xaa: {  	s4 =	smulhi.u32 $0x92492493, s10;
	[smem:$0x7DD] =	sst s0  }
0xab: {  	s24 =	ssub.s32 s24, s17;
	s0 =	sld [smem:$0x7BC];
	s5 =	ssub.s32 s2, s5  }
0xac: {  	s2 =	smulhi.u32 $0x92492493, s8;
	s5 =	sadd.s32 s11, s5;
	s11 =	sld [smem:$0x7B9]  }
0xad: {  	s6 =	ssub.s32 s6, s12;
	s12 =	ssub.s32 s4, s10;
	s17 =	sadd.s32 s1, s24  }
0xae: {  	s1 =	sld [smem:$0x7BB];
	s10 =	ssub.s32 s2, s8;
	s8 =	smulhi.u32 $0x92492493, s0  }
0xaf: {  	s24 =	sadd.s32 s11, s6;
	s6 =	sld [smem:$0x7BA]  }
0xb0: {  	s8 =	ssub.s32 s8, s0;
	s0 =	sld [smem:$0x7BF]  }
0xb1: {  	s11 =	sld [smem:$0x7BD]  }
0xb2: {  	s12 =	sadd.s32 s1, s12;
	s1 =	sld [smem:$0x7BE];
	s4 =	smulhi.u32 $0x92492493, s6  }
0xb3: {  	s8 =	sadd.s32 s3, s8;
	s3 =	sld [smem:$0x7C2];
	s2 =	smulhi.u32 $0x92492493, s0  }
0xb4: {  	s10 =	sadd.s32 s11, s10;
	s6 =	ssub.s32 s4, s6;
	s4 =	smulhi.u32 $0x92492493, s29  }
0xb5: {  	s0 =	ssub.s32 s2, s0;
	s11 =	sadd.s32 s1, s6;
	s1 =	sld [smem:$0x7C1]  }
0xb6: {  	s2 =	smulhi.u32 $0x92492493, s28;
	s6 =	sadd.s32 s3, s0;
	s0 =	sld [smem:$0x7C3]  }
0xb7: {  	s3 =	sld [smem:$0x7C4];
	s29 =	ssub.s32 s4, s29;
	s4 =	smulhi.u32 $0x92492493, s26  }
0xb8: {  	s29 =	sadd.s32 s1, s29;
	s1 =	ssub.s32 s2, s28;
	s2 =	sld [smem:$0x7C5]  }
0xb9: {  	s28 =	sld [smem:$0x7C6]  }
0xba: {  	s26 =	ssub.s32 s4, s26  }
0xbb: {  	s4 =	smulhi.u32 $0x92492493, s0;
	s26 =	sadd.s32 s3, s26  }
0xbc: {  	s3 =	smulhi.u32 $0x92492493, s2;
	s1 =	sadd.s32 s28, s1;
	s28 =	sld [smem:$0x7C7]  }
0xbd: {  	s0 =	ssub.s32 s4, s0;
	[smem:$0x7E9] =	sst s1  }
0xbe: {  	s4 =	smulhi.u32 $0x92492493, s22;
	s1 =	ssub.s32 s3, s2;
	s3 =	sld [smem:$0x7C8]  }
0xbf: {  	_ = 	snop  }
0xc0: {  	s4 =	ssub.s32 s4, s22;
	s22 =	smulhi.u32 $0x92492493, s20  }
0xc1: {  	s28 =	sadd.s32 s28, s0;
	s0 =	sadd.s32 s3, s1;
	s3 =	sld [smem:$0x7C9]  }
0xc2: {  	_ = 	snop  }
0xc3: {  	v1 =	vmov s16;
	s16 =	sld [smem:$0x7CD];
	s2 =	smulhi.u32 $0x92492493, s14;
	s20 =	ssub.s32 s22, s20  }
0xc4: {  	s22 =	smulhi.u32 $0x92492493, s13;
	s4 =	sadd.s32 s3, s4;
	s3 =	sld [smem:$0x7CA]  }
0xc5: {  	v8 =	vmov s10;
	s10 =	sld [smem:$0x7E3]  }
0xc6: {  	s2 =	ssub.s32 s2, s14;
	s14 =	smulhi.u32 $0x92492493, s21;
	s13 =	ssub.s32 s22, s13  }
0xc7: {  	s22 =	smulhi.u32 $0x92492493, s19;
	s2 =	sadd.s32 s3, s2;
	s3 =	sld [smem:$0x7CB]  }
0xc8: {  	s1 =	sld [smem:$0x7D7]  }
0xc9: {  	v2 =	vmov s7;
	s14 =	ssub.s32 s14, s21;
	s7 =	ssub.s32 s22, s19;
	s22 =	sld [smem:$0x7D0]  }
0xca: {  	vm0 =	vcmask $0xB08;
	s21 =	smulhi.u32 $0x92492493, s18;
	v17 =	vmov s0;
	s20 =	sadd.s32 s3, s20;
	s3 =	sld [smem:$0x7CC]  }
0xcb: {  	s16 =	sadd.s32 s16, s13;
	v17 =	vsel vm0, s28, v17;
	s28 =	sld [smem:$0x7E5]  }
0xcc: {  	s13 =	ssub.s32 s21, s18;
	s18 =	smulhi.u32 $0x92492493, s23;
	s21 =	sld [smem:$0x7CF]  }
0xcd: {  	s14 =	sadd.s32 s3, s14;
	s3 =	sld [smem:$0x7CE]  }
0xce: {  	s18 =	ssub.s32 s18, s23;
	s23 =	sld [smem:$0x7D5]  }
0xcf: {  	s13 =	sadd.s32 s21, s13;
	s21 =	sld [smem:$0x7D2]  }
0xd0: {  	vm1 =	vcmask $0x1310;
	v1 =	vsel vm0, s3, v1;
	s3 =	sld [smem:$0x7D1]  }
0xd1: {  	v18 =	vmov s14;
	v1 =	vsel vm1, s22, v1;
	s22 =	sld [smem:$0x7D4]  }
0xd2: {  	s19 =	smulhi.u32 $0x92492493, s30;
	s14 =	sld [smem:$0x7FD];
	v18 =	vsel vm0, s20, v18  }
0xd3: {  	vm2 =	vcmask $0x1B18;
	v18 =	vsel vm1, s16, v18;
	s16 =	sld [smem:$0x7F7];
	v2 =	vsel vm0, s3, v2  }
0xd4: {  	v3 =	vsel vm2, s22, v1;
	v1 =	vsel vm1, s23, v2;
	s23 =	ssub.s32 s19, s30;
	s30 =	sld [smem:$0x7D8]  }
0xd5: {  	s22 =	sld [smem:$0x7D6]  }
0xd6: {  	s3 =	sld [smem:$0x7D3];
	v2 =	vmov s9;
	s19 =	smulhi.u32 $0x92492493, s1  }
0xd7: {  	v7 =	vsel vm2, s30, v1;
	v1 =	vsel vm0, s31, v2;
	s31 =	sld [smem:$0x7D9]  }
0xd8: {  	s18 =	sadd.s32 s22, s18;
	s22 =	ssub.s32 s19, s1;
	s19 =	rddreg [dreg:$0x10]  }
0xd9: {  	s1 =	rddreg [dreg:$0x11]  }
0xda: {  	v1 =	vsel vm1, s25, v1;
	s25 =	sld [smem:$0x7DC]  }
0xdb: {  	v2 =	vmov s5;
	s9 =	sadd.s32 s31, s23;
	s31 =	sld [smem:$0x7DD]  }
0xdc: {  	v2 =	vsel vm0, s15, v2;
	s15 =	sld [smem:$0x7DB]  }
0xdd: {  	s23 =	sld [smem:$0x7DA];
	s30 =	smulhi.u32 $0x92492493, s25  }
0xde: {  	s7 =	sadd.s32 s21, s7;
	s21 =	smulhi.u32 $0x92492493, s3;
	v9 =	vsel vm2, s31, v1;
	v1 =	vsel vm1, s17, v2;
	v2 =	vsel vm0, s12, v8;
	s12 =	sld [smem:$0x7DE]  }
0xdf: {  	s25 =	ssub.s32 s30, s25;
	s30 =	sld [smem:$0x7E0];
	v2 =	vsel vm1, s11, v2  }
0xe0: {  	s3 =	ssub.s32 s21, s3;
	v13 =	vsel vm2, s8, v2;
	v2 =	vmov s6;
	s6 =	sld [smem:$0x7E1]  }
0xe1: {  	s21 =	smulhi.u32 $0x92492493, s23;
	s17 =	sshll.u32 s19, $0x6;
	s8 =	sld [smem:$0x7E2]  }
0xe2: {  	v12 =	vsel vm2, s24, v1;
	v1 =	vmov s17;
	s17 =	smulhi.u32 $0x92492493, s10;
	s5 =	sadd.s32 s12, s22;
	s22 =	sld [smem:$0x7DF]  }
0xe3: {  	s24 =	ssub.s32 s21, s23;
	v2 =	vsel vm0, s29, v2;
	s29 =	sld [smem:$0x7E6]  }
0xe4: {  	s31 =	smulhi.u32 $0x92492493, s30;
	s20 =	ssub.s32 s17, s10;
	s17 =	sld [smem:$0x7EE]  }
0xe5: {  	s6 =	sadd.s32 s6, s24;
	s24 =	sld [smem:$0x7E4];
	s12 =	smulhi.u32 $0x92492493, s22  }
0xe6: {  	v2 =	vsel vm1, s26, v2;
	s26 =	sld [smem:$0x7EB];
	s8 =	sadd.s32 s8, s25  }
0xe7: {  	s23 =	ssub.s32 s31, s30;
	s30 =	sld [smem:$0x7E7];
	s22 =	ssub.s32 s12, s22  }
0xe8: {  	s25 =	smulhi.u32 $0x92492493, s24;
	s0 =	sadd.s32 s28, s22;
	s22 =	sld [smem:$0x7E8]  }
0xe9: {  	s28 =	sld [smem:$0x7EC]  }
0xea: {  	s31 =	smulhi.u32 $0x92492493, s30;
	s21 =	ssub.s32 s25, s24;
	s24 =	sld [smem:$0x7E9]  }
0xeb: {  	s25 =	sld [smem:$0x7EA]  }
0xec: {  	s30 =	ssub.s32 s31, s30;
	s31 =	sld [smem:$0x7ED]  }
0xed: {  	v17 =	vsel vm1, s4, v17;
	s4 =	sadd.s32 s26, s21;
	s26 =	sld [smem:$0x7F2]  }
0xee: {  	v21 =	vmov s6;
	s6 =	sadd.s32 s17, s30;
	s17 =	sld [smem:$0x7F8]  }
0xef: {  	s11 =	sadd.s32 s29, s23;
	s23 =	smulhi.u32 $0x92492493, s22;
	v19 =	vsel vm2, s24, v2;
	v2 =	vmov s18;
	s18 =	sld [smem:$0x7EF]  }
0xf0: {  	v17 =	vsel vm2, s2, v17;
	s29 =	smulhi.u32 $0x92492493, s28;
	s2 =	sadd.s32 s25, s20;
	s20 =	sld [smem:$0x7F0]  }
0xf1: {  	v8 =	vmov s1;
	s1 =	smulhi.u32 $0x92492493, s31;
	s24 =	sld [smem:$0x7F1]  }
0xf2: {  	s12 =	ssub.s32 s23, s22;
	s22 =	ssub.s32 s29, s28;
	s28 =	sld [smem:$0x7F3]  }
0xf3: {  	s29 =	sld [smem:$0x7F4]  }
0xf4: {  	v2 =	vsel vm0, s7, v2;
	s23 =	ssub.s32 s1, s31;
	s31 =	sld [smem:$0x7F5]  }
0xf5: {  	v20 =	vimm.s32 $0xECA86420;
	v22 =	vsel vm1, s9, v2;
	v2 =	vsel vm0, s5, v21;
	s5 =	sadd.s32 s26, s22;
	s22 =	sld [smem:$0x7F9]  }
0xf6: {  	v20 =	vunpack.c.l.s4.s8 v20;
	s3 =	sadd.s32 s15, s3;
	v9 =	vcombine.low v12, v9;
	s26 =	sld [smem:$0x7FB]  }
0xf7: {  	v58 =	vmov s2;
	s25 =	smulhi.u32 $0x92492493, s24;
	v21 =	vsel vm1, s8, v2;
	v12 =	vsel vm2, s3, v22;
	s3 =	sld [smem:$0x7F6]  }
0xf8: {  	s7 =	sadd.s32 s18, s12;
	s21 =	smulhi.u32 $0x92492493, s20;
	v2 =	vunpack.c.0.s8.s32 v20;
	v20 =	vsel vm2, s0, v21;
	v21 =	vsel vm0, s11, v58;
	s11 =	rddreg [dreg:$0x12]  }
0xf9: {  	(v2sf) =	vpush v15, $0x1;
	s18 =	smulhi.u32 $0x92492493, s17;
	s10 =	ssub.s32 s25, s24;
	s24 =	rddreg [dreg:$0x1f]  }
0xfa: {  	s8 =	sadd.s32 s28, s23;
	s30 =	smulhi.u32 $0x92492493, s29;
	s25 =	sld [smem:$0x7FA]  }
0xfb: {  	(v2sf) =	vpush v15, $0x0;
	s12 =	ssub.s32 s21, s20;
	s0 =	ssub.s32 s18, s17;
	s18 =	rddreg [dreg:$0x1e]  }
0xfc: {  	s1 =	smulhi.u32 $0x92492493, s31;
	s20 =	ssub.s32 s30, s29;
	s30 =	sld [smem:$0x7FC]  }
0xfd: {  	(v2sf) =	vpush v15, $0x2;
	s23 =	smulhi.u32 $0x92492493, s22;
	s3 =	sadd.s32 s3, s12;
	s12 =	rddreg [dreg:$0x1d]  }
0xfe: {  	v7 =	vcombine.low v7, v3;
	v3 =	vmul.u32 $0x2, v0;
	s21 =	ssub.s32 s1, s31;
	s1 =	rddreg [dreg:$0x1b]  }
0xff: {  	(v2sf) =	vpush v15, $0x3;
	s28 =	smulhi.u32 $0x92492493, s26;
	s29 =	ssub.s32 s23, s22;
	s22 =	rddreg [dreg:$0x19]  }
0x100: {  	vm3 =	vmmov $0xff;
	s15 =	smulhi.u32 $0x92492493, s14;
	v9 =	vperm.xlane v9, v3;
	v7 =	vperm.xlane v7, v2;
	s10 =	sadd.s32 s16, s10;
	s23 =	rddreg [dreg:$0x1c]  }
0x101: {  	vm4 =	vcmask $0x300;
	v18 =	vsel vm2, s13, v18;
	v59 =	vmov s5;
	s2 =	sadd.s32 s24, s20;
	s16 =	ssub.s32 s28, s26;
	s26 =	rddreg [dreg:$0x1a]  }
0x102: {  	v22 =	vsel vm0, s7, v59;
	v21 =	vsel vm1, s4, v21;
	v7 =	vsel vm3, v9, v7;
	s20 =	smulhi.u32 $0x92492493, s18;
	s4 =	sadd.s32 s25, s21;
	s21 =	rddreg [dreg:$0x17]  }
0x103: {  	v9 =	vcombine.low v19, v13;
	v13 =	vcombine.low v18, v17;
	v17 =	vsel vm1, s8, v22;
	s9 =	sadd.s32 s1, s0;
	s0 =	sadd.s32 s12, s29;
	s29 =	rddreg [dreg:$0x16]  }
0x104: {  	vm5 =	vcmask $0x2320;
	vm6 =	vcmask $0x2B28;
	s24 =	smulhi.u32 $0x92492493, s23;
	v17 =	vsel vm2, s3, v17;
	s3 =	ssub.s32 s15, s14;
	s15 =	rddreg [dreg:$0x18]  }
0x105: {  	vm7 =	vcmask $0x3330;
	vm8 =	vcmask $0x3B38;
	v18 =	vmov s2;
	s28 =	smulhi.u32 $0x92492493, s26;
	s1 =	rddreg [dreg:$0x3]  }
0x106: {  	v8 =	vmulhi.u32 $0x5397829D, v8;
	v4 =	vsub.s32 v4, v1;
	s31 =	smulhi.u32 $0x92492493, s30;
	s8 =	sadd.s32 s21, s16;
	v18 =	vsel vm0, s10, v18;
	s25 =	ssub.s32 s20, s18  }
0x107: {  	v12 =	vcombine.low v20, v12;
	v21 =	vsel vm2, s6, v21;
	s10 =	smulhi.u32 $0x92492493, s15;
	s16 =	rddreg [dreg:$0x15];
	v18 =	vsel vm1, s4, v18;
	s4 =	sadd.s32 s29, s25  }
0x108: {  	v7 =	vadd.s32 v5, v7;
	v9 =	vperm.xlane v9, v2;
	v13 =	vperm.xlane v13, v3;
	s5 =	ssub.s32 s24, s23;
	s17 =	ssub.s32 s31, s30;
	s30 =	spop (v2sf)  }
0x109: {  	v12 =	vperm.xlane v12, v2;
	v19 =	vshrl.u32 v7, $0x1F;
	v17 =	vcombine.low v17, v21;
	s5 =	sadd.s32 s16, s5;
	s31 =	smulhi.u32 $0x92492493, s30;
	s14 =	sshra.s32 s30, $0x1F  }
0x10a: {  	v7 =	vshra.s32 v7, $0x2;
	v9 =	vsel vm3, v13, v9;
	v13 =	vsel vm2, s9, v18;
	s2 =	sadd.s32 s22, s17;
	s17 =	spop (v2sf);
	s9 =	smul.u32 $0x92492493, s14  }
0x10b: {  	v60 =	vmov s1;
	v7 =	vadd.s32 v19, v7;
	v17 =	vperm.xlane v17, v3;
	s22 =	rddreg [dreg:$0x14];
	s20 =	smulhi.u32 $0x92492493, s17;
	s21 =	sshra.s32 s17, $0x1F  }
0x10c: {  	s18 =	ssub.s32 s28, s26;
	v19 =	vmul.u32 $0xFFFFFFF9, v7;
	v18 =	vmov s8;
	v20 =	vmov s5;
	s23 =	spop (v2sf);
	s12 =	smul.u32 $0x92492493, s21  }
0x10d: {  	s5 =	sadd.s32 s22, s18;
	v12 =	vsel vm3, v17, v12;
	v17 =	vsel vm0, s0, v18;
	v18 =	vsel vm0, s4, v20;
	s4 =	ssub.s32 s10, s15;
	s24 =	smulhi.u32 $0x92492493, s23  }
0x10e: {  	v7 =	vcvt.s32.f32 v7;
	v9 =	vadd.s32 v6, v9;
	v5 =	vadd.s32 v5, v19;
	s25 =	sshra.s32 s23, $0x1F;
	s28 =	spop (v2sf);
	s6 =	ssub.s32 s31, s30  }
0x10f: {  	v19 =	vshrl.u32 v9, $0x1F;
	v9 =	vshra.s32 v9, $0x2;
	v17 =	vsel vm1, s2, v17;
	s2 =	sadd.s32 s11, s3;
	s7 =	ssub.s32 s20, s17;
	s26 =	smul.u32 $0x92492493, s25  }
0x110: {  	v10 =	vsub.s32 v10, v1;
	v9 =	vadd.s32 v19, v9;
	v19 =	vmulhi.u32 $0x29CBD, v60;
	s29 =	smulhi.u32 $0x92492493, s28;
	s30 =	sshra.s32 s28, $0x1F;
	s7 =	sadd.s32 s12, s7  }
0x111: {  	v61 =	vcvt.s32.f32 v5;
	v5 =	vmul.f32 $1.666666720e-01, v7;
	s6 =	sadd.s32 s9, s6;
	s31 =	ssub.s32 s24, s23;
	s8 =	smul.u32 $0x92492493, s30;
	v23 =	vmov s7  }
0x112: {  	v18 =	vsel vm1, s5, v18;
	v7 =	vmul.u32 $0xC400, v19;
	s12 =	rddreg [dreg:$0x13];
	s9 =	sadd.s32 s26, s31;
	s10 =	ssub.s32 s29, s28;
	v19 =	vsel vm0, s6, v23  }
0x113: {  	v62 =	vmul.u32 $0xFFFFFFF9, v9;
	v17 =	vsel vm2, s2, v17;
	s0 =	sadd.s32 s12, s4;
	s13 =	sadd.s32 s8, s10;
	v19 =	vsel vm1, s9, v19  }
0x114: {  	v13 =	vcombine.low v17, v13;
	v18 =	vsel vm2, s0, v18;
	v19 =	vsel vm2, s13, v19  }
0x115: {  	v14 =	vsub.s32 v14, v1;
	s14 =	rddreg [dreg:$0x0];
	s15 =	sshll.u32 s19, $0x3;
	v12 =	vadd.s32 v11, v12;
	v17 =	vcombine.low v19, v18  }
0x116: {  	s16 =	rddreg [dreg:$0xd];
	s18 =	sadd.s32 s15, s14;
	v9 =	vcvt.s32.f32 v9;
	v22 =	vadd.s32 v6, v62;
	v13 =	vperm.xlane v13, v2  }
0x117: {  	s20 =	sadd.s32 $0x310E00, s18;
	s25 =	rddreg [dreg:$0x1];
	v18 =	vshrl.u32 v12, $0x1F;
	v12 =	vshra.s32 v12, $0x2;
	v17 =	vperm.xlane v17, v3  }
0x118: {  	s22 =	sadd.s32 $0x310C00, s18;
	[dreg:$0x5] =	wrdreg s20;
	v20 =	vcvt.s32.f32 v22;
	v19 =	vshrl.u32 v8, $0xD;
	v12 =	vadd.s32 v18, v12  }
0x119: {  	s5 =	simm.s32 $0x0;
	s3 =	sadd.s32 $0x311000, s18;
	[dreg:$0x6] =	wrdreg s22;
	v8 =	vmul.f32 $1.666666720e-01, v9;
	v18 =	vmul.u32 $0xFFFFFFF9, v12;
	v13 =	vsel vm3, v17, v13  }
0x11a: {  	s2 =	ssub.s32 $0x2, s16;
	s17 =	smul.u32 $0x62000, s19;
	[dreg:$0x7] =	wrdreg s3;
	v9 =	vmul.f32 $1.666666720e-01, v20;
	v12 =	vcvt.s32.f32 v12;
	v13 =	vadd.s32 v15, v13  }
0x11b: {  	s18 =	simm.s32 $0x3;
	s16 =	simm.s32 $0x100;
	s23 =	rddreg [dreg:$0xe];
	v11 =	vadd.s32 v11, v18;
	v18 =	vshrl.u32 v13, $0x1F;
	v13 =	vshra.s32 v13, $0x2  }
0x11c: {  	s19 =	sshrl.u32 s2, $0x1;
	s4 =	sadd.s32 $0xC00, s14;
	[dreg:$0x4] =	wrdreg s17;
	v17 =	vmov s23;
	v20 =	vcvt.s32.f32 v11;
	v18 =	vadd.s32 v18, v13  }
0x11d: {  	v16 =	vsub.s32 v16, v1;
	s26 =	sadd.s32 $0x311200, s14;
	s2 =	ssub.s32 s2, s19;
	s31 =	rddreg [dreg:$0xf];
	v17 =	vmulhi.u32 $0x5397829D, v17;
	v63 =	vmul.u32 $0xFFFFFFF9, v18  }
0x11e: {  	s21 =	sshrl.u32 s17, $0x3;
	s28 =	sadd.s32 $0x80, s1;
	s17 =	simm.s32 $0x180;
	v11 =	vmul.f32 $1.666666720e-01, v12;
	v12 =	vmul.f32 $1.666666720e-01, v20;
	v20 =	vmov s31  }
0x11f: {  	s12 =	simm.s32 $0x2;
	s0 =	sadd.s32 s25, s15;
	[dreg:$0x9] =	wrdreg s28;
	v13 =	vmul.u32 $0xC400, v19;
	v19 =	vmulhi.u32 $0x5397829D, v20;
	v15 =	vadd.s32 v15, v63  }
0x120: {  	s24 =	sadd.s32 s26, s21;
	s30 =	smax.u32 s2, $0x1;
	[dreg:$0x8] =	wrdreg s0;
	v17 =	vshrl.u32 v17, $0xD;
	v18 =	vcvt.s32.f32 v18;
	v20 =	vcvt.s32.f32 v15  }
0x121: {  	v6 =	vmul.f32 $1.666666720e-01, v61;
	s1 =	simm.s32 $0x0;
	s29 =	sadd.s32 $0xC000, s24;
	[dreg:$0xb] =	wrdreg s30;
	v19 =	vshrl.u32 v19, $0xD;
	v15 =	vmul.u32 $0xC400, v17  }
0x122: {  	s15 =	simm.s32 $0x80;
	s9 =	simm.s32 $0x1;
	[dreg:$0xa] =	wrdreg s29;
	v17 =	vmul.f32 $1.666666720e-01, v18;
	v19 =	vmul.u32 $0xC400, v19;
	v18 =	vmul.f32 $1.666666720e-01, v20  }
.LBB2_1:
0x123: {  	[dreg:$0xc] =	wrdreg s1  }
0x124: {  	s0 =	rddreg [dreg:$0x5]  }
0x125: {  	[tilespmem:s5], [sflag:$0x3] =	stream.linear.gather [hbm4b:s0+s5], $0x40, $0x38;
	[tilespmem:$0x14800] =	vst v63  }
0x126: {  	_ =	swait.ge [sflag:s18], $0x40  }
0x127: {  	[sflag:s18] =	ssyncset.done $0x0  }
0x128: {  	s14 =	rddreg [dreg:$0x6];
	[sflag:s18] =	ssyncadd.s32 $0xFFFFFFC0  }
0x129: {  	[tilespmem:s15], [sflag:$0x3] =	stream.linear.gather [hbm4b:s14+s5], $0x40, $0x38;
	[tilespmem:$0x14800] =	vst v63  }
0x12a: {  	_ =	swait.ge [sflag:s18], $0x40  }
0x12b: {  	[sflag:s18] =	ssyncset.done $0x0  }
0x12c: {  	s19 =	rddreg [dreg:$0x7];
	[sflag:s18] =	ssyncadd.s32 $0xFFFFFFC0  }
0x12d: {  	[tilespmem:s16], [sflag:$0x3] =	stream.linear.gather [hbm4b:s19+s5], $0x40, $0x38;
	[tilespmem:$0x14800] =	vst v63  }
0x12e: {  	_ =	swait.ge [sflag:s18], $0x40  }
0x12f: {  	[sflag:s18] =	ssyncset.done $0x0  }
0x130: {  	s20 =	rddreg [dreg:$0x8];
	[sflag:s18] =	ssyncadd.s32 $0xFFFFFFC0  }
0x131: {  	[tilespmem:s17], [sflag:$0x3] =	stream.linear.gather [hbm4b:s20+s5], $0x40, $0x38;
	[tilespmem:$0x14800] =	vst v63  }
0x132: {  	_ =	swait.ge [sflag:s18], $0x40  }
0x133: {  	[sflag:s18] =	ssyncset.done $0x0  }
0x134: {  	[sflag:s18] =	ssyncadd.s32 $0xFFFFFFC0  }
0x135: {  	v20 =	vld.idx.msk [tilespmem:v4+s17+$0x0], $0xffff  }
0x136: {  	v21 =	vld.idx.msk [tilespmem:v4+s15+$0x0], $0xffff  }
0x137: {  	v22 =	vld.idx.msk [tilespmem:v4+s16+$0x0], $0xffff  }
0x138: {  	v23 =	vld.idx.msk [tilespmem:v4+s5+$0x0], $0xffff;
	_ =	sdelay $0x1  }
0x139: {  	v20 =	vmul.f32 v20, v6  }
0x13a: {  	v21 =	vmul.f32 v21, v5  }
0x13b: {  	v20 =	vadd.f32 v20, v22  }
0x13c: {  	v21 =	vadd.f32 v21, v23  }
0x13d: {  	v20 =	vmul.f32 $2.230000000e+02, v20  }
0x13e: {  	v21 =	vmul.f32 $2.230000000e+02, v21  }
0x13f: {  	v20 =	vmax.f32 v20, $0.0e+00  }
0x140: {  	v21 =	vmax.f32 v21, $0.0e+00;
	v20 =	vmin.f32 v20, $2.230000000e+02  }
0x141: {  	v21 =	vmin.f32 v21, $2.230000000e+02;
	v39 =	vtrunc.f32 v20  }
0x142: {  	v40 =	vtrunc.f32 v21;
	v22 =	vcvt.f32.s32 v39  }
0x143: {  	v23 =	vcvt.f32.s32 v40  }
0x144: {  	vm9 =	vlt.s32 v22, $0xDE  }
0x145: {  	v22 =	vnsel vm9, $0xDE, v22;
	vm9 =	vlt.s32 v23, $0xDE  }
0x146: {  	v23 =	vnsel vm9, $0xDE, v23;
	v24 =	vmul.u32 $0xE0, v22  }
0x147: {  	v25 =	vadd.s32 v7, v23  }
0x148: {  	v24 =	vadd.s32 v24, v25  }
0x149: {  	v22 =	vcvt.s32.f32 v22;
	[tilespmem:$0x200] =	vst v24;
	v25 =	vadd.s32 $0x1, v24  }
0x14a: {  	v23 =	vcvt.s32.f32 v23;
	v41 =	vadd.s32 $0xE0, v24;
	[tilespmem:$0x280] =	vst v25  }
0x14b: {  	v20 =	vsub.f32 v20, v22;
	v42 =	vadd.s32 $0xE1, v24;
	[tilespmem:$0x300] =	vst v41  }
0x14c: {  	v21 =	vsub.f32 v21, v23;
	[tilespmem:$0x380] =	vst v42  }
0x14d: {  	[tilespmem:$0x700] =	vst v20  }
0x14e: {  	[tilespmem:$0x600] =	vst v21  }
0x14f: {  	v20 =	vld.idx.msk [tilespmem:v10+s17+$0x0], $0xffff  }
0x150: {  	v21 =	vld.idx.msk [tilespmem:v10+s15+$0x0], $0xffff  }
0x151: {  	v43 =	vld.idx.msk [tilespmem:v10+s16+$0x0], $0xffff  }
0x152: {  	v23 =	vld.idx.msk [tilespmem:v10+s5+$0x0], $0xffff;
	_ =	sdelay $0x1  }
0x153: {  	v20 =	vmul.f32 v20, v9  }
0x154: {  	v21 =	vmul.f32 v21, v8  }
0x155: {  	v20 =	vadd.f32 v20, v43  }
0x156: {  	v21 =	vadd.f32 v21, v23  }
0x157: {  	v20 =	vmul.f32 $2.230000000e+02, v20  }
0x158: {  	v21 =	vmul.f32 $2.230000000e+02, v21  }
0x159: {  	v20 =	vmax.f32 v20, $0.0e+00  }
0x15a: {  	v21 =	vmax.f32 v21, $0.0e+00;
	v20 =	vmin.f32 v20, $2.230000000e+02  }
0x15b: {  	v21 =	vmin.f32 v21, $2.230000000e+02;
	v44 =	vtrunc.f32 v20  }
0x15c: {  	v45 =	vtrunc.f32 v21;
	v22 =	vcvt.f32.s32 v44  }
0x15d: {  	v23 =	vcvt.f32.s32 v45  }
0x15e: {  	vm9 =	vlt.s32 v22, $0xDE  }
0x15f: {  	v22 =	vnsel vm9, $0xDE, v22;
	vm9 =	vlt.s32 v23, $0xDE  }
0x160: {  	v23 =	vnsel vm9, $0xDE, v23;
	v46 =	vmul.u32 $0xE0, v22  }
0x161: {  	v47 =	vadd.s32 v13, v23  }
0x162: {  	v24 =	vadd.s32 v46, v47  }
0x163: {  	v22 =	vcvt.s32.f32 v22;
	[tilespmem:$0x210] =	vst v24;
	v25 =	vadd.s32 $0x1, v24  }
0x164: {  	v23 =	vcvt.s32.f32 v23;
	v48 =	vadd.s32 $0xE0, v24;
	[tilespmem:$0x290] =	vst v25  }
0x165: {  	v20 =	vsub.f32 v20, v22;
	v49 =	vadd.s32 $0xE1, v24;
	[tilespmem:$0x310] =	vst v48  }
0x166: {  	v21 =	vsub.f32 v21, v23;
	[tilespmem:$0x390] =	vst v49  }
0x167: {  	[tilespmem:$0x710] =	vst v20  }
0x168: {  	[tilespmem:$0x610] =	vst v21  }
0x169: {  	v20 =	vld.idx.msk [tilespmem:v14+s17+$0x0], $0xffff  }
0x16a: {  	v21 =	vld.idx.msk [tilespmem:v14+s15+$0x0], $0xffff  }
0x16b: {  	v50 =	vld.idx.msk [tilespmem:v14+s16+$0x0], $0xffff  }
0x16c: {  	v23 =	vld.idx.msk [tilespmem:v14+s5+$0x0], $0xffff;
	_ =	sdelay $0x1  }
0x16d: {  	v20 =	vmul.f32 v20, v12  }
0x16e: {  	v21 =	vmul.f32 v21, v11  }
0x16f: {  	v20 =	vadd.f32 v20, v50  }
0x170: {  	v21 =	vadd.f32 v21, v23  }
0x171: {  	v20 =	vmul.f32 $2.230000000e+02, v20  }
0x172: {  	v21 =	vmul.f32 $2.230000000e+02, v21  }
0x173: {  	v20 =	vmax.f32 v20, $0.0e+00  }
0x174: {  	v21 =	vmax.f32 v21, $0.0e+00;
	v20 =	vmin.f32 v20, $2.230000000e+02  }
0x175: {  	v21 =	vmin.f32 v21, $2.230000000e+02;
	v51 =	vtrunc.f32 v20  }
0x176: {  	v52 =	vtrunc.f32 v21;
	v22 =	vcvt.f32.s32 v51  }
0x177: {  	v23 =	vcvt.f32.s32 v52  }
0x178: {  	vm9 =	vlt.s32 v22, $0xDE  }
0x179: {  	v22 =	vnsel vm9, $0xDE, v22;
	vm9 =	vlt.s32 v23, $0xDE  }
0x17a: {  	v23 =	vnsel vm9, $0xDE, v23;
	v53 =	vmul.u32 $0xE0, v22  }
0x17b: {  	v54 =	vadd.s32 v15, v23  }
0x17c: {  	v24 =	vadd.s32 v53, v54  }
0x17d: {  	v22 =	vcvt.s32.f32 v22;
	[tilespmem:$0x220] =	vst v24;
	v25 =	vadd.s32 $0x1, v24  }
0x17e: {  	v23 =	vcvt.s32.f32 v23;
	v55 =	vadd.s32 $0xE0, v24;
	[tilespmem:$0x2A0] =	vst v25  }
0x17f: {  	v20 =	vsub.f32 v20, v22;
	v56 =	vadd.s32 $0xE1, v24;
	[tilespmem:$0x320] =	vst v55  }
0x180: {  	v21 =	vsub.f32 v21, v23;
	[tilespmem:$0x3A0] =	vst v56  }
0x181: {  	[tilespmem:$0x720] =	vst v20  }
0x182: {  	[tilespmem:$0x620] =	vst v21  }
0x183: {  	v20 =	vld.idx.msk [tilespmem:v16+s17+$0x0], $0xffff  }
0x184: {  	v21 =	vld.idx.msk [tilespmem:v16+s15+$0x0], $0xffff  }
0x185: {  	v57 =	vld.idx.msk [tilespmem:v16+s16+$0x0], $0xffff  }
0x186: {  	v23 =	vld.idx.msk [tilespmem:v16+s5+$0x0], $0xffff;
	_ =	sdelay $0x1  }
0x187: {  	v20 =	vmul.f32 v20, v18  }
0x188: {  	v21 =	vmul.f32 v21, v17  }
0x189: {  	v20 =	vadd.f32 v20, v57  }
0x18a: {  	v21 =	vadd.f32 v21, v23  }
0x18b: {  	v20 =	vmul.f32 $2.230000000e+02, v20  }
0x18c: {  	v21 =	vmul.f32 $2.230000000e+02, v21  }
0x18d: {  	v20 =	vmax.f32 v20, $0.0e+00  }
0x18e: {  	v21 =	vmax.f32 v21, $0.0e+00;
	v20 =	vmin.f32 v20, $2.230000000e+02  }
0x18f: {  	v21 =	vmin.f32 v21, $2.230000000e+02;
	v58 =	vtrunc.f32 v20  }
0x190: {  	v59 =	vtrunc.f32 v21;
	v22 =	vcvt.f32.s32 v58  }
0x191: {  	v23 =	vcvt.f32.s32 v59  }
0x192: {  	vm9 =	vlt.s32 v22, $0xDE  }
0x193: {  	v22 =	vnsel vm9, $0xDE, v22;
	vm9 =	vlt.s32 v23, $0xDE  }
0x194: {  	v23 =	vnsel vm9, $0xDE, v23;
	v60 =	vmul.u32 $0xE0, v22  }
0x195: {  	v61 =	vadd.s32 v19, v23  }
0x196: {  	v24 =	vadd.s32 v60, v61  }
0x197: {  	v22 =	vcvt.s32.f32 v22;
	[tilespmem:$0x230] =	vst v24;
	v25 =	vadd.s32 $0x1, v24  }
0x198: {  	v23 =	vcvt.s32.f32 v23;
	v62 =	vadd.s32 $0xE0, v24;
	[tilespmem:$0x2B0] =	vst v25  }
0x199: {  	v20 =	vsub.f32 v20, v22;
	v63 =	vadd.s32 $0xE1, v24;
	[tilespmem:$0x330] =	vst v62  }
0x19a: {  	v21 =	vsub.f32 v21, v23;
	[tilespmem:$0x3B0] =	vst v63  }
0x19b: {  	[tilespmem:$0x730] =	vst v20  }
0x19c: {  	s21 =	simm.s32 $0x40;
	s22 =	simm.s32 $0x200;
	s2 =	simm.s32 $0x800;
	[tilespmem:$0x630] =	vst v21  }
0x19d: {  	[tilespmem:s2], [sflag:$0x1] =	stream.indirect.gather [hbm4b:s4+s21], $0x80, s22, s21, $0xb8;
	[tilespmem:$0x14800] =	vst v63  }
0x19e: {  	s23 =	simm.s32 $0x280;
	s24 =	simm.s32 $0x2800  }
0x19f: {  	[tilespmem:s24], [sflag:$0x1] =	stream.indirect.gather [hbm4b:s4+s21], $0x80, s23, s21, $0xb8;
	[tilespmem:$0x14800] =	vst v63  }
0x1a0: {  	s25 =	simm.s32 $0x300;
	s29 =	simm.s32 $0x4800  }
0x1a1: {  	[tilespmem:s29], [sflag:$0x1] =	stream.indirect.gather [hbm4b:s4+s21], $0x80, s25, s21, $0xb8;
	[tilespmem:$0x14800] =	vst v63  }
0x1a2: {  	s30 =	simm.s32 $0x380;
	s31 =	simm.s32 $0x6800;
	s28 =	simm.s32 $0x0  }
0x1a3: {  	[tilespmem:s31], [sflag:$0x1] =	stream.indirect.gather [hbm4b:s4+s21], $0x80, s30, s21, $0xb8;
	[tilespmem:$0x14800] =	vst v63  }
.LBB2_2:
0x1a4: {  	s30 =	sshll.u32 s28, $0x7;
	s0 =	rddreg [dreg:$0x3]  }
0x1a5: {  	s7 =	sadd.s32 s30, s0  }
0x1a6: {  	s29 =	sadd.s32 $0x40, s7  }
0x1a7: {  	v20 =	vor.u32 s29, v0  }
0x1a8: {  	v21 =	vmulhi.u32 $0x5397829D, v20;
	_ =	sdelay $0x1  }
0x1a9: {  	v21 =	vshrl.u32 v21, $0x4  }
0x1aa: {  	v22 =	vmul.u32 $0xFFFFFFCF, v21;
	_ =	sdelay $0x1  }
0x1ab: {  	v20 =	vadd.s32 v20, v22  }
0x1ac: {  	(v2sf) =	vpush v20, $0xD;
	_ =	sdelay $0x1  }
0x1ad: {  	(v2sf) =	vpush v20, $0xC;
	_ =	sdelay $0x1  }
0x1ae: {  	(v2sf) =	vpush v20, $0xE  }
0x1af: {  	(v2sf) =	vpush v20, $0xF;
	_ =	sdelay $0x1  }
0x1b0: {  	(v2sf) =	vpush v20, $0x9;
	_ =	sdelay $0x1  }
0x1b1: {  	(v2sf) =	vpush v20, $0x8;
	_ =	sdelay $0x2  }
0x1b2: {  	(v2sf) =	vpush v20, $0xA;
	_ =	sdelay $0x1  }
0x1b3: {  	(v2sf) =	vpush v20, $0xB  }
0x1b4: {  	s6 =	spop (v2sf)  }
0x1b5: {  	(v2sf) =	vpush v20, $0x1;
	s2 =	smulhi.u32 $0x92492493, s6;
	s3 =	sshra.s32 s6, $0x1F  }
0x1b6: {  	s8 =	spop (v2sf);
	s3 =	smul.u32 $0x92492493, s3  }
0x1b7: {  	s18 =	smov.u32 s26;
	(v2sf) =	vpush v20, $0x0;
	s13 =	smulhi.u32 $0x92492493, s8;
	s19 =	sshra.s32 s8, $0x1F  }
0x1b8: {  	s20 =	spop (v2sf);
	s0 =	ssub.s32 s2, s6;
	s19 =	smul.u32 $0x92492493, s19  }
0x1b9: {  	(v2sf) =	vpush v20, $0x2;
	s10 =	smulhi.u32 $0x92492493, s20;
	s11 =	sshra.s32 s20, $0x1F;
	s21 =	spop (v2sf)  }
0x1ba: {  	s2 =	sadd.s32 s3, s0;
	s8 =	ssub.s32 s13, s8;
	s3 =	smul.u32 $0x92492493, s11  }
0x1bb: {  	(v2sf) =	vpush v20, $0x3;
	s14 =	smulhi.u32 $0x92492493, s21;
	s25 =	sshra.s32 s21, $0x1F;
	s26 =	spop (v2sf)  }
0x1bc: {  	s13 =	sadd.s32 s19, s8;
	s0 =	ssub.s32 s10, s20;
	s19 =	smul.u32 $0x92492493, s25  }
0x1bd: {  	(v2sf) =	vpush v20, $0x4;
	s22 =	smulhi.u32 $0x92492493, s26;
	s1 =	sshra.s32 s26, $0x1F;
	s24 =	spop (v2sf)  }
0x1be: {  	s3 =	sadd.s32 s3, s0;
	s23 =	smul.u32 $0x92492493, s1;
	s0 =	sadd.s32 $0x50, s7  }
0x1bf: {  	(v2sf) =	vpush v20, $0x5;
	s8 =	ssub.s32 s14, s21;
	s5 =	smulhi.u32 $0x92492493, s24;
	s31 =	sshra.s32 s24, $0x1F;
	v22 =	vor.u32 s0, v0  }
0x1c0: {  	s25 =	spop (v2sf);
	s8 =	sadd.s32 s19, s8;
	s31 =	smul.u32 $0x92492493, s31;
	v23 =	vmulhi.u32 $0x5397829D, v22  }
0x1c1: {  	(v2sf) =	vpush v20, $0x6;
	s6 =	ssub.s32 s22, s26;
	s10 =	smulhi.u32 $0x92492493, s25;
	s11 =	sshra.s32 s25, $0x1F  }
0x1c2: {  	s19 =	sadd.s32 s23, s6;
	s22 =	smul.u32 $0x92492493, s11;
	s23 =	spop (v2sf);
	v23 =	vshrl.u32 v23, $0x4  }
0x1c3: {  	(v2sf) =	vpush v20, $0x7;
	s21 =	ssub.s32 s5, s24;
	s14 =	smulhi.u32 $0x92492493, s23;
	s1 =	sshra.s32 s23, $0x1F;
	v24 =	vmul.u32 $0xFFFFFFCF, v23  }
0x1c4: {  	s21 =	sadd.s32 s31, s21;
	s26 =	smul.u32 $0x92492493, s1;
	s5 =	spop (v2sf)  }
0x1c5: {  	s20 =	ssub.s32 s10, s25;
	v22 =	vadd.s32 v22, v24;
	s6 =	smulhi.u32 $0x92492493, s5;
	s10 =	sshra.s32 s5, $0x1F  }
0x1c6: {  	s20 =	sadd.s32 s22, s20;
	s11 =	spop (v2sf);
	(v2sf) =	vpush v22, $0xD;
	s10 =	smul.u32 $0x92492493, s10  }
0x1c7: {  	s23 =	ssub.s32 s14, s23;
	s14 =	smulhi.u32 $0x92492493, s11;
	s1 =	sshra.s32 s11, $0x1F  }
0x1c8: {  	s23 =	sadd.s32 s26, s23;
	s26 =	spop (v2sf);
	(v2sf) =	vpush v22, $0xC;
	s1 =	smul.u32 $0x92492493, s1  }
0x1c9: {  	s25 =	ssub.s32 s6, s5;
	s6 =	smulhi.u32 $0x92492493, s26;
	s5 =	sshra.s32 s26, $0x1F  }
0x1ca: {  	(v2sf) =	vpush v22, $0xE;
	s10 =	sadd.s32 s10, s25;
	s5 =	smul.u32 $0x92492493, s5;
	s25 =	spop (v2sf)  }
0x1cb: {  	s22 =	ssub.s32 s14, s11;
	s14 =	smulhi.u32 $0x92492493, s25;
	s11 =	sshra.s32 s25, $0x1F  }
0x1cc: {  	(v2sf) =	vpush v22, $0xF;
	s1 =	sadd.s32 s1, s22;
	s22 =	spop (v2sf);
	s11 =	smul.u32 $0x92492493, s11  }
0x1cd: {  	s26 =	ssub.s32 s6, s26;
	s31 =	smulhi.u32 $0x92492493, s22;
	s6 =	sshra.s32 s22, $0x1F  }
0x1ce: {  	(v2sf) =	vpush v22, $0x9;
	s5 =	sadd.s32 s5, s26;
	s26 =	spop (v2sf);
	s6 =	smul.u32 $0x92492493, s6  }
0x1cf: {  	v24 =	vmov s1;
	s25 =	ssub.s32 s14, s25;
	s24 =	smulhi.u32 $0x92492493, s26;
	s14 =	sshra.s32 s26, $0x1F  }
0x1d0: {  	v25 =	vmov s13;
	v24 =	vnsel vm4, $0x0, v24;
	s13 =	spop (v2sf);
	s1 =	sadd.s32 s11, s25;
	s11 =	smul.u32 $0x92492493, s14  }
0x1d1: {  	(v2sf) =	vpush v22, $0x8;
	v24 =	vsel vm0, s10, v24;
	s25 =	ssub.s32 s31, s22;
	s10 =	smulhi.u32 $0x92492493, s13;
	s31 =	sshra.s32 s13, $0x1F  }
0x1d2: {  	v25 =	vsel vm0, s2, v25;
	s2 =	sadd.s32 s6, s25;
	s6 =	smul.u32 $0x92492493, s31;
	s25 =	spop (v2sf)  }
0x1d3: {  	v26 =	vmov s21;
	(v2sf) =	vpush v22, $0xA;
	v24 =	vsel vm1, s5, v24;
	s26 =	ssub.s32 s24, s26;
	s31 =	smulhi.u32 $0x92492493, s25  }
0x1d4: {  	v25 =	vsel vm1, s3, v25;
	v26 =	vsel vm0, s19, v26;
	v24 =	vsel vm2, s1, v24;
	s14 =	sshra.s32 s25, $0x1F;
	s1 =	sadd.s32 s11, s26;
	s21 =	ssub.s32 s10, s13  }
0x1d5: {  	v26 =	vsel vm1, s20, v26;
	(v2sf) =	vpush v22, $0xB;
	v24 =	vsel vm5, s2, v24;
	s22 =	smul.u32 $0x92492493, s14;
	s24 =	sadd.s32 s6, s21;
	s26 =	spop (v2sf)  }
0x1d6: {  	v25 =	vsel vm2, s8, v25;
	v26 =	vsel vm2, s23, v26;
	v24 =	vsel vm6, s1, v24;
	s25 =	ssub.s32 s31, s25;
	s6 =	smulhi.u32 $0x92492493, s26;
	s8 =	sshra.s32 s26, $0x1F  }
0x1d7: {  	v25 =	vcombine.low v26, v25;
	(v2sf) =	vpush v22, $0x1;
	v24 =	vsel vm7, s24, v24;
	s5 =	sadd.s32 s22, s25;
	s11 =	spop (v2sf);
	s10 =	smul.u32 $0x92492493, s8  }
0x1d8: {  	v24 =	vsel vm8, s5, v24;
	s14 =	smulhi.u32 $0x92492493, s11;
	s19 =	sshra.s32 s11, $0x1F  }
0x1d9: {  	v25 =	vperm.xlane v25, v2;
	s31 =	simm.s32 $0x0;
	v24 =	vperm.xlane v24, v3;
	(v2sf) =	vpush v22, $0x0;
	s21 =	spop (v2sf);
	s20 =	smul.u32 $0x92492493, s19  }
0x1da: {  	s2 =	ssub.s32 s6, s26;
	s22 =	smulhi.u32 $0x92492493, s21;
	s23 =	sshra.s32 s21, $0x1F  }
0x1db: {  	v21 =	vsub.s32 v21, v1;
	v24 =	vsel vm3, v24, v25;
	(v2sf) =	vpush v22, $0x2;
	s25 =	spop (v2sf);
	s8 =	sadd.s32 s10, s2;
	s24 =	smul.u32 $0x92492493, s23  }
0x1dc: {  	v24 =	vadd.s32 v20, v24;
	s5 =	ssub.s32 s14, s11;
	s26 =	smulhi.u32 $0x92492493, s25;
	s11 =	sshra.s32 s25, $0x1F  }
0x1dd: {  	v25 =	vshrl.u32 v24, $0x1F;
	v24 =	vshra.s32 v24, $0x2;
	(v2sf) =	vpush v22, $0x3;
	s19 =	spop (v2sf);
	s2 =	sadd.s32 $0x60, s7;
	s1 =	smul.u32 $0x92492493, s11  }
0x1de: {  	v24 =	vadd.s32 v25, v24;
	s3 =	ssub.s32 s22, s21;
	s20 =	sadd.s32 s20, s5;
	s21 =	smulhi.u32 $0x92492493, s19  }
0x1df: {  	(v2sf) =	vpush v22, $0x4;
	v25 =	vmul.u32 $0xFFFFFFF9, v24;
	s22 =	sshra.s32 s19, $0x1F;
	s13 =	sadd.s32 s24, s3;
	s14 =	ssub.s32 s26, s25  }
0x1e0: {  	v27 =	vld.idx.msk [tilespmem:v21+s17+$0x0], $0xffff;
	v26 =	vor.u32 s2, v0;
	s23 =	smul.u32 $0x92492493, s22;
	s24 =	spop (v2sf);
	s3 =	sadd.s32 s1, s14  }
0x1e1: {  	(v2sf) =	vpush v22, $0x5;
	v28 =	vmulhi.u32 $0x5397829D, v26;
	v20 =	vadd.s32 v20, v25;
	v25 =	vld.idx.msk [tilespmem:v21+s15+$0x0], $0xffff;
	s5 =	ssub.s32 s21, s19;
	s25 =	smulhi.u32 $0x92492493, s24;
	s26 =	sshra.s32 s24, $0x1F  }
0x1e2: {  	v30 =	vld.idx.msk [tilespmem:v21+s16+$0x0], $0xffff;
	v24 =	vcvt.s32.f32 v24;
	s14 =	spop (v2sf);
	v20 =	vcvt.s32.f32 v20;
	s19 =	sadd.s32 s23, s5;
	s11 =	smul.u32 $0x92492493, s26  }
0x1e3: {  	v29 =	vld.idx.msk [tilespmem:v21+s31+$0x0], $0xffff;
	(v2sf) =	vpush v22, $0x6;
	s21 =	smulhi.u32 $0x92492493, s14;
	s23 =	sshra.s32 s14, $0x1F;
	v21 =	vshrl.u32 v28, $0x4;
	s6 =	ssub.s32 s25, s24  }
0x1e4: {  	v24 =	vmul.f32 $1.666666720e-01, v24;
	s24 =	smul.u32 $0x92492493, s23;
	s25 =	spop (v2sf);
	v28 =	vmul.u32 $0xFFFFFFCF, v21;
	v20 =	vmul.f32 $1.666666720e-01, v20;
	s22 =	sadd.s32 s11, s6  }
0x1e5: {  	(v2sf) =	vpush v22, $0x7;
	s5 =	ssub.s32 s21, s14;
	s26 =	smulhi.u32 $0x92492493, s25;
	s14 =	sshra.s32 s25, $0x1F  }
0x1e6: {  	s21 =	sadd.s32 s24, s5;
	s23 =	smul.u32 $0x92492493, s14;
	s24 =	spop (v2sf);
	v24 =	vmul.f32 v25, v24;
	v25 =	vmul.f32 v27, v20;
	v20 =	vadd.s32 v26, v28  }
0x1e7: {  	s6 =	ssub.s32 s26, s25;
	s25 =	smulhi.u32 $0x92492493, s24;
	s26 =	sshra.s32 s24, $0x1F;
	(v2sf) =	vpush v20, $0xD  }
0x1e8: {  	s23 =	sadd.s32 s23, s6;
	s11 =	smul.u32 $0x92492493, s26;
	s14 =	spop (v2sf)  }
0x1e9: {  	s5 =	ssub.s32 s25, s24;
	(v2sf) =	vpush v20, $0xC;
	s24 =	smulhi.u32 $0x92492493, s14;
	s25 =	sshra.s32 s14, $0x1F  }
0x1ea: {  	s1 =	sadd.s32 s11, s5;
	s11 =	spop (v2sf);
	s26 =	smul.u32 $0x92492493, s25  }
0x1eb: {  	v33 =	vmov s22;
	v28 =	vmov s29;
	(v2sf) =	vpush v20, $0xE;
	s25 =	sshra.s32 s11, $0x1F;
	s6 =	ssub.s32 s24, s14;
	s14 =	smulhi.u32 $0x92492493, s11  }
0x1ec: {  	v33 =	vsel vm0, s19, v33;
	v28 =	vmulhi.u32 $0x5397829D, v28;
	v24 =	vadd.f32 v24, v29;
	s24 =	spop (v2sf);
	s5 =	sadd.s32 s26, s6;
	s26 =	smul.u32 $0x92492493, s25  }
0x1ed: {  	v33 =	vsel vm1, s21, v33;
	v25 =	vadd.f32 v25, v30;
	(v2sf) =	vpush v20, $0xF;
	s10 =	ssub.s32 s14, s11;
	s11 =	smulhi.u32 $0x92492493, s24;
	s14 =	sshra.s32 s24, $0x1F  }
0x1ee: {  	v29 =	vmov s20;
	v33 =	vsel vm2, s23, v33;
	v28 =	vshrl.u32 v28, $0xD;
	s25 =	spop (v2sf);
	s6 =	sadd.s32 s26, s10;
	s26 =	smul.u32 $0x92492493, s14  }
0x1ef: {  	v29 =	vsel vm0, s8, v29;
	v24 =	vmul.f32 $2.230000000e+02, v24;
	(v2sf) =	vpush v20, $0x9;
	s14 =	sshra.s32 s25, $0x1F;
	s11 =	ssub.s32 s11, s24;
	s24 =	smulhi.u32 $0x92492493, s25  }
0x1f0: {  	v25 =	vmul.f32 $2.230000000e+02, v25;
	v28 =	vmul.u32 $0xC400, v28;
	v29 =	vsel vm1, s13, v29;
	s10 =	sadd.s32 s26, s11;
	s11 =	smul.u32 $0x92492493, s14;
	s26 =	spop (v2sf)  }
0x1f1: {  	v29 =	vsel vm2, s3, v29;
	v24 =	vmax.f32 v24, $0.0e+00;
	(v2sf) =	vpush v20, $0x8;
	s25 =	ssub.s32 s24, s25;
	s24 =	smulhi.u32 $0x92492493, s26;
	s14 =	sshra.s32 s26, $0x1F  }
0x1f2: {  	v25 =	vmax.f32 v25, $0.0e+00;
	v29 =	vcombine.low v33, v29;
	(v2sf) =	vpush v20, $0xA;
	s11 =	sadd.s32 s11, s25;
	s20 =	smul.u32 $0x92492493, s14;
	s25 =	spop (v2sf)  }
0x1f3: {  	v24 =	vmin.f32 v24, $2.230000000e+02;
	v25 =	vmin.f32 v25, $2.230000000e+02;
	v31 =	vmov s5;
	s26 =	ssub.s32 s24, s26;
	s24 =	smulhi.u32 $0x92492493, s25;
	s14 =	sshra.s32 s25, $0x1F  }
0x1f4: {  	v26 =	vtrunc.f32 v24;
	v27 =	vtrunc.f32 v25;
	v31 =	vnsel vm4, $0x0, v31;
	s5 =	sadd.s32 s20, s26;
	s20 =	smul.u32 $0x92492493, s14;
	s26 =	spop (v2sf)  }
0x1f5: {  	(v2sf) =	vpush v20, $0xB;
	v26 =	vcvt.f32.s32 v26;
	v31 =	vsel vm0, s1, v31;
	s24 =	ssub.s32 s24, s25;
	s25 =	smulhi.u32 $0x92492493, s26;
	s14 =	sshra.s32 s26, $0x1F  }
0x1f6: {  	v29 =	vperm.xlane v29, v2;
	v27 =	vcvt.f32.s32 v27;
	v31 =	vsel vm1, s6, v31;
	s1 =	sadd.s32 s20, s24;
	s22 =	smul.u32 $0x92492493, s14;
	s24 =	spop (v2sf)  }
0x1f7: {  	(v2sf) =	vpush v20, $0x1;
	vm9 =	vlt.s32 v26, $0xDE;
	v31 =	vsel vm2, s10, v31;
	s8 =	ssub.s32 s25, s26;
	s25 =	smulhi.u32 $0x92492493, s24;
	s26 =	sshra.s32 s24, $0x1F  }
0x1f8: {  	s7 =	sadd.s32 $0x70, s7;
	vm10 =	vlt.s32 v27, $0xDE;
	v26 =	vnsel vm9, $0xDE, v26;
	v31 =	vsel vm5, s11, v31;
	s14 =	spop (v2sf);
	s11 =	smul.u32 $0x92492493, s26  }
0x1f9: {  	v27 =	vnsel vm10, $0xDE, v27;
	(v2sf) =	vpush v20, $0x0;
	v30 =	vcvt.s32.f32 v26;
	s8 =	sadd.s32 s22, s8;
	s20 =	smulhi.u32 $0x92492493, s14;
	s21 =	sshra.s32 s14, $0x1F  }
0x1fa: {  	v32 =	vmul.u32 $0xE0, v27;
	(v2sf) =	vpush v20, $0x2;
	v31 =	vsel vm6, s5, v31;
	s23 =	spop (v2sf);
	s19 =	ssub.s32 s25, s24;
	s22 =	smul.u32 $0x92492493, s21  }
0x1fb: {  	v26 =	vadd.s32 v28, v26;
	v27 =	vcvt.s32.f32 v27;
	v31 =	vsel vm7, s1, v31;
	s25 =	smulhi.u32 $0x92492493, s23;
	s26 =	sshra.s32 s23, $0x1F;
	s13 =	sadd.s32 s11, s19  }
0x1fc: {  	v24 =	vsub.f32 v24, v30;
	v26 =	vadd.s32 v32, v26;
	v28 =	vsel vm8, s8, v31;
	s24 =	ssub.s32 s20, s14;
	s10 =	smul.u32 $0x92492493, s26;
	s11 =	spop (v2sf)  }
0x1fd: {  	(v2sf) =	vpush v20, $0x3;
	v25 =	vsub.f32 v25, v27;
	v28 =	vperm.xlane v28, v3;
	s3 =	sadd.s32 s22, s24;
	s14 =	smulhi.u32 $0x92492493, s11;
	s20 =	sshra.s32 s11, $0x1F  }
0x1fe: {  	v27 =	vor.u32 s7, v0;
	[tilespmem:$0x400] =	vst v26;
	v30 =	vadd.s32 $0x1, v26;
	(v2sf) =	vpush v20, $0x4;
	s5 =	ssub.s32 s25, s23;
	s22 =	spop (v2sf);
	s21 =	smul.u32 $0x92492493, s20  }
0x1ff: {  	[tilespmem:$0x480] =	vst v30;
	v30 =	vadd.s32 $0xE0, v26;
	(v2sf) =	vpush v20, $0x5;
	v28 =	vsel vm3, v28, v29;
	s19 =	sadd.s32 s10, s5;
	s23 =	smulhi.u32 $0x92492493, s22;
	s24 =	sshra.s32 s22, $0x1F  }
0x200: {  	[tilespmem:$0x680] =	vst v24;
	v29 =	vsub.s32 v23, v1;
	v23 =	vadd.s32 $0xE1, v26;
	s25 =	spop (v2sf);
	v26 =	vadd.s32 v22, v28;
	s6 =	ssub.s32 s14, s11;
	s11 =	smul.u32 $0x92492493, s24  }
0x201: {  	[tilespmem:$0x580] =	vst v23;
	s14 =	smulhi.u32 $0x92492493, s25;
	s20 =	sshra.s32 s25, $0x1F;
	s10 =	spop (v2sf);
	v23 =	vshrl.u32 v26, $0x1F;
	v24 =	vshra.s32 v26, $0x2;
	v26 =	vmulhi.u32 $0x5397829D, v27  }
0x202: {  	s8 =	sadd.s32 s21, s6;
	s5 =	ssub.s32 s23, s22;
	s6 =	smul.u32 $0x92492493, s20;
	v24 =	vadd.s32 v23, v24  }
0x203: {  	[tilespmem:$0x780] =	vst v25;
	(v2sf) =	vpush v20, $0x6;
	s22 =	smulhi.u32 $0x92492493, s10;
	s26 =	sshra.s32 s10, $0x1F;
	s20 =	sadd.s32 s11, s5;
	v25 =	vmul.u32 $0xFFFFFFF9, v24;
	v23 =	vshrl.u32 v26, $0x4  }
0x204: {  	[tilespmem:$0x500] =	vst v30;
	s1 =	ssub.s32 s14, s25;
	s11 =	smul.u32 $0x92492493, s26;
	s14 =	spop (v2sf);
	v30 =	vmul.u32 $0xFFFFFFCF, v23  }
0x205: {  	(v2sf) =	vpush v20, $0x7;
	s23 =	sadd.s32 s6, s1;
	s24 =	smulhi.u32 $0x92492493, s14;
	s25 =	sshra.s32 s14, $0x1F;
	v22 =	vadd.s32 v22, v25  }
0x206: {  	v24 =	vcvt.s32.f32 v24;
	s5 =	ssub.s32 s22, s10;
	s10 =	spop (v2sf);
	v28 =	vld.idx.msk [tilespmem:v29+s15+$0x0], $0xffff;
	s6 =	smul.u32 $0x92492493, s25;
	v31 =	vcvt.s32.f32 v22;
	v22 =	vadd.s32 v27, v30  }
0x207: {  	s21 =	sadd.s32 s11, s5;
	s5 =	smulhi.u32 $0x92492493, s10;
	s26 =	sshra.s32 s10, $0x1F;
	(v2sf) =	vpush v22, $0xD  }
0x208: {  	v26 =	vld.idx.msk [tilespmem:v29+s31+$0x0], $0xffff;
	s25 =	spop (v2sf);
	v24 =	vmul.f32 $1.666666720e-01, v24;
	s1 =	ssub.s32 s24, s14;
	s11 =	smul.u32 $0x92492493, s26  }
0x209: {  	v25 =	vld.idx.msk [tilespmem:v29+s17+$0x0], $0xffff;
	s26 =	smulhi.u32 $0x92492493, s25;
	s24 =	sshra.s32 s25, $0x1F;
	s14 =	spop (v2sf);
	(v2sf) =	vpush v22, $0xC  }
0x20a: {  	s22 =	sadd.s32 s6, s1;
	s6 =	ssub.s32 s5, s10;
	s10 =	smul.u32 $0x92492493, s24  }
0x20b: {  	v27 =	vld.idx.msk [tilespmem:v29+s16+$0x0], $0xffff;
	s1 =	smulhi.u32 $0x92492493, s14;
	s24 =	sadd.s32 s11, s6;
	s11 =	sshra.s32 s14, $0x1F;
	v24 =	vmul.f32 v28, v24;
	(v2sf) =	vpush v22, $0xE  }
0x20c: {  	s25 =	ssub.s32 s26, s25;
	v29 =	vmul.f32 $1.666666720e-01, v31;
	s6 =	smul.u32 $0x92492493, s11;
	s11 =	spop (v2sf)  }
0x20d: {  	v61 =	vmov s23;
	s5 =	sadd.s32 s10, s25;
	s10 =	smulhi.u32 $0x92492493, s11;
	s26 =	sshra.s32 s11, $0x1F;
	(v2sf) =	vpush v22, $0xF;
	v24 =	vadd.f32 v24, v26  }
0x20e: {  	v32 =	vsel vm0, s20, v61;
	s1 =	ssub.s32 s1, s14;
	v25 =	vmul.f32 v25, v29;
	s14 =	smul.u32 $0x92492493, s26;
	s25 =	spop (v2sf)  }
0x20f: {  	(v2sf) =	vpush v22, $0x9;
	v26 =	vmov s0;
	s0 =	sadd.s32 s6, s1;
	v24 =	vmul.f32 $2.230000000e+02, v24;
	s1 =	smulhi.u32 $0x92492493, s25;
	s26 =	sshra.s32 s25, $0x1F  }
0x210: {  	v28 =	vmov s3;
	v31 =	vmov s5;
	s10 =	ssub.s32 s10, s11;
	v25 =	vadd.f32 v25, v27;
	s11 =	spop (v2sf);
	s6 =	smul.u32 $0x92492493, s26  }
0x211: {  	v28 =	vsel vm0, s13, v28;
	s3 =	sadd.s32 s14, s10;
	(v2sf) =	vpush v22, $0x8;
	s10 =	smulhi.u32 $0x92492493, s11;
	s26 =	sshra.s32 s11, $0x1F;
	v24 =	vmax.f32 v24, $0.0e+00  }
0x212: {  	v31 =	vnsel vm4, $0x0, v31;
	v25 =	vmul.f32 $2.230000000e+02, v25;
	s14 =	spop (v2sf);
	s1 =	ssub.s32 s1, s25;
	s26 =	smul.u32 $0x92492493, s26;
	v24 =	vmin.f32 v24, $2.230000000e+02  }
0x213: {  	v28 =	vsel vm1, s19, v28;
	(v2sf) =	vpush v22, $0xA;
	s25 =	sshra.s32 s14, $0x1F;
	s1 =	sadd.s32 s6, s1;
	s6 =	smulhi.u32 $0x92492493, s14;
	v27 =	vtrunc.f32 v24  }
0x214: {  	v26 =	vmulhi.u32 $0x5397829D, v26;
	v25 =	vmax.f32 v25, $0.0e+00;
	s10 =	ssub.s32 s10, s11;
	s11 =	smul.u32 $0x92492493, s25;
	s19 =	spop (v2sf);
	v27 =	vcvt.f32.s32 v27  }
0x215: {  	v31 =	vsel vm0, s24, v31;
	(v2sf) =	vpush v22, $0xB;
	v25 =	vmin.f32 v25, $2.230000000e+02;
	s5 =	sadd.s32 s26, s10;
	s10 =	smulhi.u32 $0x92492493, s19;
	s26 =	sshra.s32 s19, $0x1F  }
0x216: {  	v31 =	vsel vm1, s0, v31;
	v29 =	vtrunc.f32 v25;
	s6 =	ssub.s32 s6, s14;
	s13 =	smul.u32 $0x92492493, s26;
	vm9 =	vlt.s32 v27, $0xDE;
	s14 =	spop (v2sf)  }
0x217: {  	v29 =	vcvt.f32.s32 v29;
	v27 =	vnsel vm9, $0xDE, v27;
	(v2sf) =	vpush v22, $0x1;
	s25 =	smulhi.u32 $0x92492493, s14;
	s26 =	sshra.s32 s14, $0x1F  }
0x218: {  	v28 =	vsel vm2, s8, v28;
	v26 =	vshrl.u32 v26, $0xD;
	s0 =	sadd.s32 s11, s6;
	v30 =	vcvt.s32.f32 v27;
	s24 =	spop (v2sf);
	s11 =	smul.u32 $0x92492493, s26  }
0x219: {  	v26 =	vmul.u32 $0xC400, v26;
	vm9 =	vlt.s32 v29, $0xDE;
	(v2sf) =	vpush v22, $0x0;
	s23 =	smulhi.u32 $0x92492493, s24;
	s26 =	sshra.s32 s24, $0x1F  }
0x21a: {  	s19 =	ssub.s32 s10, s19;
	s6 =	spop (v2sf);
	v24 =	vsub.f32 v24, v30;
	v30 =	vsel vm2, s3, v31;
	v31 =	vsel vm1, s21, v32;
	s21 =	smul.u32 $0x92492493, s26  }
0x21b: {  	v29 =	vnsel vm9, $0xDE, v29;
	v30 =	vsel vm5, s1, v30;
	s20 =	ssub.s32 s25, s14;
	v31 =	vsel vm2, s22, v31;
	s22 =	smulhi.u32 $0x92492493, s6;
	s25 =	sshra.s32 s6, $0x1F  }
0x21c: {  	s8 =	sadd.s32 s13, s19;
	v26 =	vadd.s32 v26, v27;
	s26 =	spop (v2sf);
	(v2sf) =	vpush v22, $0x2;
	v30 =	vsel vm6, s5, v30;
	s13 =	smul.u32 $0x92492493, s25  }
0x21d: {  	v62 =	vmul.u32 $0xE0, v29;
	v28 =	vcombine.low v31, v28;
	s19 =	smulhi.u32 $0x92492493, s26;
	v30 =	vsel vm7, s0, v30;
	s0 =	sadd.s32 s11, s20  }
0x21e: {  	v29 =	vcvt.s32.f32 v29;
	s11 =	ssub.s32 s23, s24;
	s23 =	sshra.s32 s26, $0x1F;
	s24 =	spop (v2sf);
	(v2sf) =	vpush v22, $0x3;
	v27 =	vsel vm8, s8, v30  }
0x21f: {  	v26 =	vadd.s32 v62, v26;
	s5 =	ssub.s32 s22, s6;
	v28 =	vperm.xlane v28, v2;
	s3 =	sadd.s32 s21, s11;
	s11 =	smul.u32 $0x92492493, s23;
	v27 =	vperm.xlane v27, v3  }
0x220: {  	v21 =	vsub.s32 v21, v1;
	[tilespmem:$0x410] =	vst v26;
	v30 =	vadd.s32 $0x1, v26;
	s20 =	smulhi.u32 $0x92492493, s24;
	s21 =	sshra.s32 s24, $0x1F;
	s22 =	spop (v2sf);
	(v2sf) =	vpush v22, $0x4  }
0x221: {  	v25 =	vsub.f32 v25, v29;
	s8 =	sadd.s32 s13, s5;
	s1 =	ssub.s32 s19, s26;
	[tilespmem:$0x490] =	vst v30;
	v30 =	vadd.s32 $0xE0, v26;
	s23 =	smul.u32 $0x92492493, s21;
	v27 =	vsel vm3, v27, v28  }
0x222: {  	[tilespmem:$0x690] =	vst v24;
	v26 =	vadd.s32 $0xE1, v26;
	s25 =	smulhi.u32 $0x92492493, s22;
	s26 =	sshra.s32 s22, $0x1F;
	s21 =	spop (v2sf);
	(v2sf) =	vpush v22, $0x5;
	v27 =	vadd.s32 v20, v27  }
0x223: {  	[tilespmem:$0x590] =	vst v26;
	s13 =	sadd.s32 s11, s1;
	s6 =	ssub.s32 s20, s24;
	s11 =	smul.u32 $0x92492493, s26;
	v26 =	vshrl.u32 v27, $0x1F;
	v27 =	vshra.s32 v27, $0x2  }
0x224: {  	[tilespmem:$0x790] =	vst v25;
	s24 =	smulhi.u32 $0x92492493, s21;
	s26 =	sshra.s32 s21, $0x1F;
	s19 =	spop (v2sf);
	(v2sf) =	vpush v22, $0x6;
	v24 =	vadd.s32 v26, v27  }
0x225: {  	[tilespmem:$0x510] =	vst v30;
	s1 =	sadd.s32 s23, s6;
	s10 =	ssub.s32 s25, s22;
	s14 =	smul.u32 $0x92492493, s26;
	v25 =	vmul.u32 $0xFFFFFFF9, v24  }
0x226: {  	s25 =	smulhi.u32 $0x92492493, s19;
	s26 =	sshra.s32 s19, $0x1F;
	v26 =	vld.idx.msk [tilespmem:v21+s15+$0x0], $0xffff;
	s22 =	spop (v2sf);
	(v2sf) =	vpush v22, $0x7  }
0x227: {  	s5 =	sadd.s32 s11, s10;
	s6 =	smul.u32 $0x92492493, s26;
	s11 =	ssub.s32 s24, s21;
	v20 =	vadd.s32 v20, v25;
	v25 =	vld.idx.msk [tilespmem:v21+s17+$0x0], $0xffff  }
0x228: {  	s10 =	sadd.s32 s14, s11;
	v27 =	vld.idx.msk [tilespmem:v21+s31+$0x0], $0xffff;
	v24 =	vcvt.s32.f32 v24;
	v20 =	vcvt.s32.f32 v20;
	s20 =	smulhi.u32 $0x92492493, s22;
	s24 =	sshra.s32 s22, $0x1F  }
0x229: {  	s25 =	ssub.s32 s25, s19;
	v21 =	vld.idx.msk [tilespmem:v21+s16+$0x0], $0xffff;
	s23 =	spop (v2sf);
	s26 =	smul.u32 $0x92492493, s24  }
0x22a: {  	s19 =	sadd.s32 s6, s25;
	v24 =	vmul.f32 $1.666666720e-01, v24;
	s24 =	smulhi.u32 $0x92492493, s23;
	s25 =	sshra.s32 s23, $0x1F;
	v20 =	vmul.f32 $1.666666720e-01, v20  }
0x22b: {  	s21 =	spop (v2sf);
	s20 =	ssub.s32 s20, s22;
	s11 =	smul.u32 $0x92492493, s25  }
0x22c: {  	v24 =	vmul.f32 v26, v24;
	v26 =	vmov s5;
	s14 =	sadd.s32 s26, s20;
	s20 =	smulhi.u32 $0x92492493, s21;
	s26 =	sshra.s32 s21, $0x1F;
	v20 =	vmul.f32 v25, v20  }
0x22d: {  	v26 =	vsel vm0, s1, v26;
	s6 =	ssub.s32 s24, s23;
	v25 =	vmov s3;
	s23 =	spop (v2sf);
	s22 =	smul.u32 $0x92492493, s26  }
0x22e: {  	v24 =	vadd.f32 v24, v27;
	s24 =	sadd.s32 s11, s6;
	s25 =	smulhi.u32 $0x92492493, s23;
	s26 =	sshra.s32 s23, $0x1F;
	v20 =	vadd.f32 v20, v21;
	v21 =	vsel vm0, s0, v25  }
0x22f: {  	v26 =	vsel vm1, s10, v26;
	s11 =	smul.u32 $0x92492493, s26;
	v21 =	vsel vm1, s8, v21;
	s8 =	ssub.s32 s20, s21;
	s20 =	spop (v2sf)  }
0x230: {  	v24 =	vmul.f32 $2.230000000e+02, v24;
	v27 =	vmov s24;
	v25 =	vmov s2;
	s2 =	sadd.s32 s22, s8;
	s21 =	smulhi.u32 $0x92492493, s20;
	s22 =	sshra.s32 s20, $0x1F  }
0x231: {  	v26 =	vsel vm2, s19, v26;
	v27 =	vnsel vm4, $0x0, v27;
	s23 =	ssub.s32 s25, s23;
	s24 =	spop (v2sf);
	s25 =	smul.u32 $0x92492493, s22  }
0x232: {  	v24 =	vmax.f32 v24, $0.0e+00;
	v27 =	vsel vm0, s14, v27;
	v20 =	vmul.f32 $2.230000000e+02, v20;
	s0 =	sadd.s32 s11, s23;
	s26 =	smulhi.u32 $0x92492493, s24;
	s11 =	sshra.s32 s24, $0x1F  }
0x233: {  	v25 =	vmulhi.u32 $0x5397829D, v25;
	v21 =	vsel vm2, s13, v21;
	v24 =	vmin.f32 v24, $2.230000000e+02;
	s13 =	spop (v2sf);
	s10 =	smul.u32 $0x92492493, s11  }
0x234: {  	v28 =	vtrunc.f32 v24;
	v27 =	vsel vm1, s2, v27;
	v20 =	vmax.f32 v20, $0.0e+00;
	s5 =	ssub.s32 s21, s20;
	s20 =	smulhi.u32 $0x92492493, s13;
	s21 =	sshra.s32 s13, $0x1F  }
0x235: {  	v25 =	vshrl.u32 v25, $0xD;
	v28 =	vcvt.f32.s32 v28;
	v20 =	vmin.f32 v20, $2.230000000e+02;
	s22 =	ssub.s32 s26, s24;
	s23 =	smul.u32 $0x92492493, s21;
	s24 =	spop (v2sf)  }
0x236: {  	v21 =	vcombine.low v26, v21;
	v27 =	vsel vm2, s0, v27;
	s14 =	sadd.s32 s25, s5;
	v29 =	vtrunc.f32 v20;
	s25 =	smulhi.u32 $0x92492493, s24;
	s26 =	sshra.s32 s24, $0x1F  }
0x237: {  	v27 =	vsel vm5, s14, v27;
	s0 =	sadd.s32 s10, s22;
	s10 =	ssub.s32 s20, s13;
	vm9 =	vlt.s32 v28, $0xDE;
	v29 =	vcvt.f32.s32 v29;
	s11 =	smul.u32 $0x92492493, s26  }
0x238: {  	v25 =	vmul.u32 $0xC400, v25;
	v27 =	vsel vm6, s0, v27;
	s0 =	sadd.s32 s23, s10;
	v28 =	vnsel vm9, $0xDE, v28;
	s13 =	ssub.s32 s25, s24  }
0x239: {  	v26 =	vsel vm7, s0, v27;
	v27 =	vcvt.s32.f32 v28;
	vm10 =	vlt.s32 v29, $0xDE;
	s14 =	sadd.s32 s11, s13  }
0x23a: {  	v21 =	vperm.xlane v21, v2;
	v29 =	vnsel vm10, $0xDE, v29;
	v26 =	vsel vm8, s14, v26  }
0x23b: {  	v24 =	vsub.f32 v24, v27;
	v30 =	vmul.u32 $0xE0, v29;
	v26 =	vperm.xlane v26, v3  }
0x23c: {  	v25 =	vadd.s32 v25, v28;
	v27 =	vcvt.s32.f32 v29  }
0x23d: {  	v23 =	vsub.s32 v23, v1;
	[tilespmem:$0x6A0] =	vst v24;
	v25 =	vadd.s32 v30, v25;
	v21 =	vsel vm3, v26, v21  }
0x23e: {  	v20 =	vsub.f32 v20, v27;
	[tilespmem:$0x420] =	vst v25;
	v26 =	vadd.s32 $0xE0, v25;
	v21 =	vadd.s32 v22, v21  }
0x23f: {  	v28 =	vadd.s32 $0x1, v25;
	[tilespmem:$0x520] =	vst v26;
	v26 =	vshrl.u32 v21, $0x1F;
	v21 =	vshra.s32 v21, $0x2  }
0x240: {  	[tilespmem:$0x4A0] =	vst v28;
	v21 =	vadd.s32 v26, v21  }
0x241: {  	[tilespmem:$0x7A0] =	vst v20;
	v25 =	vadd.s32 $0xE1, v25;
	v24 =	vmul.u32 $0xFFFFFFF9, v21  }
0x242: {  	[tilespmem:$0x5A0] =	vst v25  }
0x243: {  	v20 =	vadd.s32 v22, v24;
	v22 =	vld.idx.msk [tilespmem:v23+s17+$0x0], $0xffff  }
0x244: {  	v24 =	vld.idx.msk [tilespmem:v23+s15+$0x0], $0xffff;
	v20 =	vcvt.s32.f32 v20  }
0x245: {  	v25 =	vld.idx.msk [tilespmem:v23+s16+$0x0], $0xffff;
	v21 =	vcvt.s32.f32 v21  }
0x246: {  	v23 =	vld.idx.msk [tilespmem:v23+s31+$0x0], $0xffff;
	v20 =	vmul.f32 $1.666666720e-01, v20  }
0x247: {  	v21 =	vmul.f32 $1.666666720e-01, v21  }
0x248: {  	v20 =	vmul.f32 v22, v20  }
0x249: {  	v21 =	vmul.f32 v24, v21  }
0x24a: {  	v20 =	vadd.f32 v20, v25  }
0x24b: {  	v21 =	vadd.f32 v21, v23  }
0x24c: {  	v20 =	vmul.f32 $2.230000000e+02, v20  }
0x24d: {  	v21 =	vmul.f32 $2.230000000e+02, v21  }
0x24e: {  	v20 =	vmax.f32 v20, $0.0e+00  }
0x24f: {  	v22 =	vmov s7;
	v21 =	vmax.f32 v21, $0.0e+00;
	v20 =	vmin.f32 v20, $2.230000000e+02  }
0x250: {  	v22 =	vmulhi.u32 $0x5397829D, v22;
	v21 =	vmin.f32 v21, $2.230000000e+02;
	v23 =	vtrunc.f32 v20  }
0x251: {  	v24 =	vtrunc.f32 v21;
	v23 =	vcvt.f32.s32 v23  }
0x252: {  	v24 =	vcvt.f32.s32 v24  }
0x253: {  	v22 =	vshrl.u32 v22, $0xD;
	vm9 =	vlt.s32 v23, $0xDE  }
0x254: {  	v22 =	vmul.u32 $0xC400, v22;
	v23 =	vnsel vm9, $0xDE, v23;
	vm9 =	vlt.s32 v24, $0xDE  }
0x255: {  	v24 =	vnsel vm9, $0xDE, v24;
	v25 =	vmul.u32 $0xE0, v23  }
0x256: {  	v23 =	vcvt.s32.f32 v23;
	v22 =	vadd.s32 v22, v24  }
0x257: {  	v22 =	vadd.s32 v25, v22  }
0x258: {  	v20 =	vsub.f32 v20, v23;
	[tilespmem:$0x430] =	vst v22;
	v25 =	vadd.s32 $0x1, v22  }
0x259: {  	v24 =	vcvt.s32.f32 v24;
	[tilespmem:$0x4B0] =	vst v25  }
0x25a: {  	v25 =	vadd.s32 $0xE0, v22;
	[tilespmem:$0x7B0] =	vst v20  }
0x25b: {  	v21 =	vsub.f32 v21, v24;
	v22 =	vadd.s32 $0xE1, v22;
	[tilespmem:$0x530] =	vst v25  }
0x25c: {  	[tilespmem:$0x5B0] =	vst v22  }
0x25d: {  	s19 =	simm.s32 $0x40;
	s21 =	simm.s32 $0x8800;
	s20 =	simm.s32 $0x400;
	[tilespmem:$0x6B0] =	vst v21  }
0x25e: {  	[tilespmem:s21], [sflag:$0x2] =	stream.indirect.gather [hbm4b:s4+s19], $0x80, s20, s19, $0xb8;
	[tilespmem:$0x14800] =	vst v63  }
0x25f: {  	s22 =	simm.s32 $0x480;
	s23 =	simm.s32 $0xA800  }
0x260: {  	[tilespmem:s23], [sflag:$0x2] =	stream.indirect.gather [hbm4b:s4+s19], $0x80, s22, s19, $0xb8;
	[tilespmem:$0x14800] =	vst v63  }
0x261: {  	s24 =	simm.s32 $0x500;
	s25 =	simm.s32 $0xC800  }
0x262: {  	[tilespmem:s25], [sflag:$0x2] =	stream.indirect.gather [hbm4b:s4+s19], $0x80, s24, s19, $0xb8;
	[tilespmem:$0x14800] =	vst v63  }
0x263: {  	s26 =	simm.s32 $0x580;
	s31 =	simm.s32 $0xE800  }
0x264: {  	[tilespmem:s31], [sflag:$0x2] =	stream.indirect.gather [hbm4b:s4+s19], $0x80, s26, s19, $0xb8;
	[tilespmem:$0x14800] =	vst v63  }
0x265: {  	_ =	swait.ge [sflag:s9], $0x2000  }
0x266: {  	[sflag:s9] =	ssyncset.done $0x0  }
0x267: {  	[sflag:s9] =	ssyncadd.s32 $0xFFFFE000  }
0x268: {  	_ =	swait.ge [sflag:s9], $0x2000  }
0x269: {  	[sflag:s9] =	ssyncset.done $0x0  }
0x26a: {  	[sflag:s9] =	ssyncadd.s32 $0xFFFFE000  }
0x26b: {  	_ =	swait.ge [sflag:s9], $0x2000  }
0x26c: {  	[sflag:s9] =	ssyncset.done $0x0  }
0x26d: {  	[sflag:s9] =	ssyncadd.s32 $0xFFFFE000  }
0x26e: {  	_ =	swait.ge [sflag:s9], $0x2000  }
0x26f: {  	[sflag:s9] =	ssyncset.done $0x0  }
0x270: {  	s2 =	simm.s32 $0x0;
	[sflag:s9] =	ssyncadd.s32 $0xFFFFE000  }
0x271: {  	v37 =	vld [tilespmem:s2+$0x6820]  }
0x272: {  	v20 =	vld [tilespmem:s2+$0x4820]  }
0x273: {  	v27 =	vld [tilespmem:s2+$0x6840]  }
0x274: {  	v25 =	vld [tilespmem:s2+$0x6850]  }
0x275: {  	v23 =	vld [tilespmem:s2+$0x4830]  }
0x276: {  	v42 =	vld [tilespmem:s2+$0x2830]  }
0x277: {  	v63 =	vld [tilespmem:s2+$0x6830]  }
0x278: {  	v22 =	vld [tilespmem:s2+$0x830]  }
0x279: {  	v24 =	vld [tilespmem:s2+$0x840]  }
0x27a: {  	v30 =	vld [tilespmem:s2+$0x2850]  }
0x27b: {  	v34 =	vld [tilespmem:s2+$0x2840]  }
0x27c: {  	v26 =	vld [tilespmem:s2+$0x850]  }
0x27d: {  	v21 =	vld [tilespmem:s2+$0x4840]  }
0x27e: {  	v38 =	vld [tilespmem:s2+$0x2820]  }
0x27f: {  	v33 =	vld [tilespmem:s2+$0x4810]  }
0x280: {  	v29 =	vld [tilespmem:s2+$0x820]  }
0x281: {  	v44 =	vld [tilespmem:s2+$0x6800]  }
0x282: {  	v35 =	vld [tilespmem:s2+$0x810]  }
0x283: {  	v39 =	vld [tilespmem:s2+$0x6810]  }
0x284: {  	v31 =	vld [tilespmem:s2+$0x4800]  }
0x285: {  	s7 =	simm.s32 $0x600;
	v41 =	vld [tilespmem:s2+$0x2810]  }
0x286: {  	v32 =	vld.msk [tilespmem:s7+$0x0 ss:$0x0], $0xffff;
	v28 =	vsub.f32 v27, v21;
	v36 =	vsub.f32 v63, v23  }
0x287: {  	v27 =	vld [tilespmem:s2+$0x800];
	v34 =	vsub.f32 v34, v24;
	v37 =	vsub.f32 v37, v20  }
0x288: {  	v43 =	vsub.f32 v39, v33;
	v39 =	vld [tilespmem:s2+$0x4850];
	v40 =	vsub.f32 v38, v29  }
0x289: {  	s3 =	simm.s32 $0x701;
	s0 =	simm.s32 $0x700;
	s19 =	simm.s32 $0x200;
	v38 =	vld [tilespmem:s2+$0x2800];
	v44 =	vsub.f32 v44, v31;
	v42 =	vsub.f32 v42, v22  }
.LBB2_3:
0x28a: {  	s13 =	sshra.s32 s19, $0x2;
	v45 =	vld.msk [tilespmem:s0+$0x0 ss:$0x0], $0xffff;
	s0 =	smov.u32 s19  }
0x28b: {  	v41 =	vsub.f32 v41, v35;
	s7 =	sadd.s32 $0x1, s7;
	s8 =	sadd.s32 $0x200, s19;
	s0 =	smov.u32 s3  }
0x28c: {  	p0 =	sne.s32 s19, $0x7E00;
	v30 =	vsub.f32 v30, v26;
	v46 =	vld [tilespmem:s13+$0x6820]  }
0x28d: {  	v44 =	vmul.f32 v44, v32;
	v41 =	vmul.f32 v41, v32;
	v48 =	vsub.f32 v25, v39;
	v47 =	vld [tilespmem:s13+$0x4820]  }
0x28e: {  	v43 =	vmul.f32 v43, v32;
	v30 =	vmul.f32 v30, v32;
	v49 =	vld [tilespmem:s13+$0x6840]  }
0x28f: {  	v40 =	vmul.f32 v40, v32;
	v35 =	vadd.f32 v41, v35;
	v41 =	vmul.f32 v48, v32;
	v25 =	vld [tilespmem:s13+$0x6850]  }
0x290: {  	v37 =	vmul.f32 v37, v32;
	v42 =	vmul.f32 v42, v32;
	v33 =	vadd.f32 v43, v33;
	v48 =	vld [tilespmem:s13+$0x4830]  }
0x291: {  	v36 =	vmul.f32 v36, v32;
	v43 =	vadd.f32 v30, v26;
	v26 =	vadd.f32 v41, v39;
	v50 =	vld [tilespmem:s13+$0x2830]  }
0x292: {  	v34 =	vmul.f32 v34, v32;
	v40 =	vadd.f32 v40, v29;
	v29 =	vadd.f32 v42, v22;
	v39 =	vld [tilespmem:s13+$0x6830]  }
0x293: {  	v51 =	vadd.f32 v36, v23;
	v26 =	vsub.f32 v26, v43;
	v22 =	vld [tilespmem:s13+$0x830]  }
0x294: {  	v31 =	vadd.f32 v44, v31;
	v38 =	vsub.f32 v38, v27;
	v36 =	vld [tilespmem:s13+$0x840]  }
0x295: {  	v28 =	vmul.f32 v28, v32;
	v41 =	vsub.f32 v51, v29;
	v42 =	vmul.f32 v26, v45;
	v30 =	vld [tilespmem:s13+$0x2850];
	v23 =	vmovc v48  }
0x296: {  	v34 =	vadd.f32 v34, v24;
	v32 =	vmul.f32 v38, v32;
	v33 =	vsub.f32 v33, v35;
	v44 =	vld [tilespmem:s13+$0x2840]  }
0x297: {  	v28 =	vadd.f32 v28, v21;
	v48 =	vmul.f32 v41, v45;
	v38 =	vadd.f32 v42, v43;
	v26 =	vld [tilespmem:s13+$0x850]  }
0x298: {  	v37 =	vadd.f32 v37, v20;
	v27 =	vadd.f32 v32, v27;
	v32 =	vmul.f32 v33, v45;
	v20 =	vmovc v47;
	v21 =	vld [tilespmem:s13+$0x4840]  }
0x299: {  	v28 =	vsub.f32 v28, v34;
	v41 =	vadd.f32 v48, v29;
	v42 =	vld [tilespmem:s13+$0x2820];
	[tilespmem:s2+$0x10850] =	vst v38;
	v24 =	vmov v36  }
0x29a: {  	v31 =	vsub.f32 v31, v27;
	v36 =	vsub.f32 v37, v40;
	v33 =	vld [tilespmem:s13+$0x4810]  }
0x29b: {  	v32 =	vadd.f32 v32, v35;
	v37 =	vmul.f32 v28, v45;
	v29 =	vld [tilespmem:s13+$0x820];
	[tilespmem:s2+$0x10830] =	vst v41  }
0x29c: {  	v31 =	vmul.f32 v31, v45;
	v36 =	vmul.f32 v36, v45;
	v47 =	vld [tilespmem:s13+$0x6800]  }
0x29d: {  	v35 =	vld [tilespmem:s13+$0x810];
	v28 =	vsub.f32 v49, v21;
	[tilespmem:s2+$0x10810] =	vst v32;
	v32 =	vadd.f32 v37, v34  }
0x29e: {  	v27 =	vadd.f32 v31, v27;
	v37 =	vadd.f32 v36, v40;
	v38 =	vld [tilespmem:s13+$0x6810]  }
0x29f: {  	v41 =	vld [tilespmem:s13+$0x2810];
	[tilespmem:s2+$0x10840] =	vst v32  }
0x2a0: {  	v36 =	vsub.f32 v39, v23;
	v31 =	vld [tilespmem:s13+$0x4800];
	[tilespmem:s2+$0x10800] =	vst v27  }
.Ltmp0:
0x2a1: {  	v34 =	vsub.f32 v44, v24;
	v27 =	vld [tilespmem:s13+$0x800];
	[tilespmem:s2+$0x10820] =	vst v37;
	s2 =	smov.u32 s13;
	(pc) =	sbr.rel @p0 .LBB2_3-.Ltmp0, $4  }
0x2a2: {  	v37 =	vsub.f32 v46, v20;
	v32 =	vld.msk [tilespmem:s7+$0x0 ss:$0x0], $0xffff  }
0x2a3: {  	v43 =	vsub.f32 v38, v33;
	v39 =	vld [tilespmem:s2+$0x4850]  }
0x2a4: {  	v40 =	vsub.f32 v42, v29  }
0x2a5: {  	s3 =	sadd.s32 $0x1, s3;
	s19 =	smov.u32 s8;
	v42 =	vsub.f32 v50, v22;
	v38 =	vld [tilespmem:s2+$0x2800];
	v44 =	vsub.f32 v47, v31  }
0x2a6: {  	_ = 	snop  }
0x2a7: {  	v43 =	vmul.f32 v43, v32  }
0x2a8: {  	v30 =	vsub.f32 v30, v26;
	v40 =	vmul.f32 v40, v32;
	v49 =	vmul.f32 v42, v32  }
0x2a9: {  	v41 =	vsub.f32 v41, v35;
	v36 =	vmul.f32 v36, v32;
	v50 =	vmul.f32 v44, v32  }
0x2aa: {  	v25 =	vsub.f32 v25, v39;
	v30 =	vmul.f32 v30, v32;
	v33 =	vadd.f32 v43, v33  }
0x2ab: {  	v34 =	vmul.f32 v34, v32;
	v29 =	vadd.f32 v40, v29;
	v22 =	vadd.f32 v49, v22  }
0x2ac: {  	v23 =	vadd.f32 v36, v23;
	v25 =	vmul.f32 v25, v32;
	v26 =	vadd.f32 v30, v26;
	v30 =	vld.msk [tilespmem:s0+$0x0 ss:$0x0], $0xffff  }
0x2ad: {  	v28 =	vmul.f32 v28, v32;
	v31 =	vadd.f32 v50, v31;
	v24 =	vadd.f32 v34, v24  }
0x2ae: {  	v41 =	vmul.f32 v41, v32;
	v51 =	vsub.f32 v38, v27;
	v25 =	vadd.f32 v25, v39  }
0x2af: {  	v52 =	vmul.f32 v37, v32;
	v21 =	vadd.f32 v28, v21;
	v23 =	vsub.f32 v23, v22  }
0x2b0: {  	v48 =	vadd.f32 v41, v35;
	v36 =	vmul.f32 v51, v32;
	v25 =	vsub.f32 v25, v26  }
0x2b1: {  	v20 =	vadd.f32 v52, v20;
	v21 =	vsub.f32 v21, v24;
	v23 =	vmul.f32 v23, v30  }
0x2b2: {  	v28 =	vsub.f32 v33, v48;
	v27 =	vadd.f32 v36, v27;
	v25 =	vmul.f32 v25, v30  }
0x2b3: {  	v20 =	vsub.f32 v20, v29;
	v21 =	vmul.f32 v21, v30;
	v22 =	vadd.f32 v23, v22  }
0x2b4: {  	s7 =	rddreg [dreg:$0x9];
	v25 =	vadd.f32 v25, v26;
	v26 =	vmul.f32 v28, v30;
	v28 =	vsub.f32 v31, v27  }
0x2b5: {  	s0 =	sadd.s32 s30, s7;
	v20 =	vmul.f32 v20, v30;
	v21 =	vadd.f32 v21, v24;
	[tilespmem:s2+$0x10830] =	vst v22  }
0x2b6: {  	v22 =	vor.u32 s0, v0;
	[tilespmem:s2+$0x10850] =	vst v25;
	v23 =	vadd.f32 v26, v48;
	v25 =	vmul.f32 v28, v30  }
0x2b7: {  	s1 =	sshll.u32 s28, $0xE;
	s3 =	rddreg [dreg:$0x4];
	v20 =	vadd.f32 v20, v29;
	[tilespmem:s2+$0x10840] =	vst v21;
	v24 =	vmulhi.u32 $0x5397829D, v22  }
0x2b8: {  	s1 =	sadd.s32 s3, s1;
	[tilespmem:s2+$0x10810] =	vst v23;
	v23 =	vadd.f32 v25, v27  }
0x2b9: {  	s26 =	smov.u32 s18;
	s8 =	simm.s32 $0x10800;
	s1 =	sshrl.u32 s1, $0x3;
	[tilespmem:s2+$0x10820] =	vst v20;
	v21 =	vshrl.u32 v24, $0x4  }
0x2ba: {  	s1 =	sadd.s32 s18, s1;
	s18 =	simm.s32 $0x3;
	s30 =	simm.s32 $0x0;
	v20 =	vmul.u32 $0xFFFFFFCF, v21;
	[tilespmem:s2+$0x10800] =	vst v23  }
0x2bb: {  	[hbm4b:s1+s30] =	stream.linear.scatter [tilespmem:s8], [sflag:$0x3], $0x2000, $0x38;
	[tilespmem:$0x14800] =	vst v63  }
0x2bc: {  	v20 =	vadd.s32 v22, v20;
	_ =	swait.ge [sflag:s18], $0x2000  }
0x2bd: {  	(v2sf) =	vpush v20, $0xD;
	_ =	sdelay $0x1  }
0x2be: {  	(v2sf) =	vpush v20, $0xC;
	_ =	sdelay $0x1  }
0x2bf: {  	(v2sf) =	vpush v20, $0xE;
	_ =	sdelay $0x1  }
0x2c0: {  	(v2sf) =	vpush v20, $0xF;
	_ =	sdelay $0x1  }
0x2c1: {  	(v2sf) =	vpush v20, $0x9;
	_ =	sdelay $0x1  }
0x2c2: {  	(v2sf) =	vpush v20, $0x8;
	_ =	sdelay $0x1  }
0x2c3: {  	(v2sf) =	vpush v20, $0xA;
	_ =	sdelay $0x1  }
0x2c4: {  	(v2sf) =	vpush v20, $0xB  }
0x2c5: {  	s10 =	spop (v2sf)  }
0x2c6: {  	(v2sf) =	vpush v20, $0x1;
	s11 =	smulhi.u32 $0x92492493, s10;
	s13 =	sshra.s32 s10, $0x1F  }
0x2c7: {  	s5 =	spop (v2sf);
	s3 =	smul.u32 $0x92492493, s13  }
0x2c8: {  	(v2sf) =	vpush v20, $0x0;
	s6 =	smulhi.u32 $0x92492493, s5;
	s7 =	sshra.s32 s5, $0x1F  }
0x2c9: {  	s1 =	ssub.s32 s11, s10;
	s7 =	smul.u32 $0x92492493, s7;
	s10 =	spop (v2sf)  }
0x2ca: {  	s31 =	sor.u32 $0x10, s0;
	(v2sf) =	vpush v20, $0x2;
	s14 =	smulhi.u32 $0x92492493, s10;
	s19 =	sshra.s32 s10, $0x1F  }
0x2cb: {  	s2 =	sadd.s32 s3, s1;
	s20 =	spop (v2sf);
	s3 =	smul.u32 $0x92492493, s19  }
0x2cc: {  	s5 =	ssub.s32 s6, s5;
	(v2sf) =	vpush v20, $0x3;
	s21 =	smulhi.u32 $0x92492493, s20;
	s22 =	sshra.s32 s20, $0x1F  }
0x2cd: {  	s8 =	sadd.s32 s7, s5;
	s23 =	spop (v2sf);
	s7 =	smul.u32 $0x92492493, s22  }
0x2ce: {  	(v2sf) =	vpush v20, $0x4;
	s1 =	ssub.s32 s14, s10;
	s24 =	smulhi.u32 $0x92492493, s23;
	s11 =	sshra.s32 s23, $0x1F  }
0x2cf: {  	s14 =	spop (v2sf);
	s3 =	sadd.s32 s3, s1;
	s11 =	smul.u32 $0x92492493, s11  }
0x2d0: {  	v22 =	vor.u32 s31, v0;
	(v2sf) =	vpush v20, $0x5;
	s5 =	ssub.s32 s21, s20;
	s25 =	smulhi.u32 $0x92492493, s14;
	s13 =	sshra.s32 s14, $0x1F  }
0x2d1: {  	v23 =	vmulhi.u32 $0x5397829D, v22;
	s19 =	spop (v2sf);
	s7 =	sadd.s32 s7, s5;
	s21 =	smul.u32 $0x92492493, s13  }
0x2d2: {  	(v2sf) =	vpush v20, $0x6;
	s1 =	ssub.s32 s24, s23;
	s23 =	smulhi.u32 $0x92492493, s19;
	s20 =	sshra.s32 s19, $0x1F  }
0x2d3: {  	v23 =	vshrl.u32 v23, $0x4;
	s22 =	spop (v2sf);
	s13 =	sadd.s32 s11, s1;
	s11 =	smul.u32 $0x92492493, s20  }
0x2d4: {  	v24 =	vmul.u32 $0xFFFFFFCF, v23;
	(v2sf) =	vpush v20, $0x7;
	s6 =	ssub.s32 s25, s14;
	s24 =	smulhi.u32 $0x92492493, s22;
	s25 =	sshra.s32 s22, $0x1F  }
0x2d5: {  	s5 =	sadd.s32 s21, s6;
	s20 =	smul.u32 $0x92492493, s25;
	s25 =	spop (v2sf)  }
0x2d6: {  	v22 =	vadd.s32 v22, v24;
	s10 =	ssub.s32 s23, s19;
	s23 =	smulhi.u32 $0x92492493, s25;
	s21 =	sshra.s32 s25, $0x1F  }
0x2d7: {  	s1 =	sadd.s32 s11, s10;
	s10 =	smul.u32 $0x92492493, s21;
	s21 =	spop (v2sf);
	(v2sf) =	vpush v22, $0xD  }
0x2d8: {  	s11 =	ssub.s32 s24, s22;
	s24 =	smulhi.u32 $0x92492493, s21;
	s22 =	sshra.s32 s21, $0x1F  }
0x2d9: {  	s6 =	sadd.s32 s20, s11;
	s11 =	smul.u32 $0x92492493, s22;
	s22 =	spop (v2sf);
	(v2sf) =	vpush v22, $0xC  }
0x2da: {  	s19 =	ssub.s32 s23, s25;
	s25 =	smulhi.u32 $0x92492493, s22;
	s23 =	sshra.s32 s22, $0x1F  }
0x2db: {  	s10 =	sadd.s32 s10, s19;
	(v2sf) =	vpush v22, $0xE;
	s19 =	smul.u32 $0x92492493, s23;
	s23 =	spop (v2sf)  }
0x2dc: {  	s14 =	ssub.s32 s24, s21;
	s21 =	smulhi.u32 $0x92492493, s23;
	s24 =	sshra.s32 s23, $0x1F  }
0x2dd: {  	s11 =	sadd.s32 s11, s14;
	(v2sf) =	vpush v22, $0xF;
	s14 =	smul.u32 $0x92492493, s24;
	s24 =	spop (v2sf)  }
0x2de: {  	s20 =	ssub.s32 s25, s22;
	(v2sf) =	vpush v22, $0x9;
	s22 =	smulhi.u32 $0x92492493, s24;
	s25 =	sshra.s32 s24, $0x1F  }
0x2df: {  	s19 =	sadd.s32 s19, s20;
	s20 =	smul.u32 $0x92492493, s25;
	s25 =	spop (v2sf)  }
0x2e0: {  	v24 =	vmov s11;
	s11 =	ssub.s32 s21, s23;
	s21 =	smulhi.u32 $0x92492493, s25;
	s23 =	sshra.s32 s25, $0x1F  }
0x2e1: {  	v25 =	vmov s8;
	v24 =	vnsel vm4, $0x0, v24;
	(v2sf) =	vpush v22, $0x8;
	s8 =	sadd.s32 s14, s11;
	s14 =	spop (v2sf);
	s11 =	smul.u32 $0x92492493, s23  }
0x2e2: {  	v25 =	vsel vm0, s2, v25;
	v24 =	vsel vm0, s10, v24;
	s23 =	ssub.s32 s22, s24;
	s10 =	smulhi.u32 $0x92492493, s14;
	s24 =	sshra.s32 s14, $0x1F  }
0x2e3: {  	v25 =	vsel vm1, s3, v25;
	v26 =	vmov s5;
	s5 =	spop (v2sf);
	s3 =	smul.u32 $0x92492493, s24  }
0x2e4: {  	v24 =	vsel vm1, s19, v24;
	(v2sf) =	vpush v22, $0xA;
	s2 =	sadd.s32 s20, s23;
	s23 =	ssub.s32 s21, s25;
	s24 =	smulhi.u32 $0x92492493, s5  }
0x2e5: {  	v26 =	vsel vm0, s13, v26;
	v24 =	vsel vm2, s8, v24;
	s25 =	sshra.s32 s5, $0x1F;
	s20 =	sadd.s32 s11, s23;
	s21 =	ssub.s32 s10, s14  }
0x2e6: {  	v26 =	vsel vm1, s1, v26;
	(v2sf) =	vpush v22, $0xB;
	v24 =	vsel vm5, s2, v24;
	s22 =	smul.u32 $0x92492493, s25;
	s23 =	sadd.s32 s3, s21;
	s25 =	spop (v2sf)  }
0x2e7: {  	v25 =	vsel vm2, s7, v25;
	v26 =	vsel vm2, s6, v26;
	v24 =	vsel vm6, s20, v24;
	s24 =	ssub.s32 s24, s5;
	s6 =	smulhi.u32 $0x92492493, s25;
	s7 =	sshra.s32 s25, $0x1F  }
0x2e8: {  	v25 =	vcombine.low v26, v25;
	(v2sf) =	vpush v22, $0x1;
	v24 =	vsel vm7, s23, v24;
	s5 =	sadd.s32 s22, s24;
	s8 =	smul.u32 $0x92492493, s7;
	s10 =	spop (v2sf)  }
0x2e9: {  	[sflag:s18] =	ssyncset.done $0x0;
	v24 =	vsel vm8, s5, v24;
	s13 =	smulhi.u32 $0x92492493, s10;
	s14 =	sshra.s32 s10, $0x1F  }
0x2ea: {  	[sflag:s18] =	ssyncadd.s32 $0xFFFFE000;
	v25 =	vperm.xlane v25, v2;
	v24 =	vperm.xlane v24, v3;
	(v2sf) =	vpush v22, $0x0;
	s20 =	spop (v2sf);
	s19 =	smul.u32 $0x92492493, s14  }
0x2eb: {  	s2 =	ssub.s32 s6, s25;
	s21 =	smulhi.u32 $0x92492493, s20;
	s22 =	sshra.s32 s20, $0x1F  }
0x2ec: {  	v21 =	vsub.s32 v21, v1;
	v24 =	vsel vm3, v24, v25;
	(v2sf) =	vpush v22, $0x2;
	s7 =	sadd.s32 s8, s2;
	s24 =	spop (v2sf);
	s23 =	smul.u32 $0x92492493, s22  }
0x2ed: {  	v24 =	vadd.s32 v20, v24;
	s5 =	ssub.s32 s13, s10;
	s25 =	smulhi.u32 $0x92492493, s24;
	s11 =	spop (v2sf)  }
0x2ee: {  	(v2sf) =	vpush v22, $0x3;
	v25 =	vshrl.u32 v24, $0x1F;
	v24 =	vshra.s32 v24, $0x2;
	s19 =	sadd.s32 s19, s5;
	s5 =	sshra.s32 s24, $0x1F;
	s13 =	smulhi.u32 $0x92492493, s11  }
0x2ef: {  	s2 =	sor.u32 $0x20, s0;
	v24 =	vadd.s32 v25, v24;
	s14 =	sshra.s32 s11, $0x1F;
	s1 =	smul.u32 $0x92492493, s5  }
0x2f0: {  	(v2sf) =	vpush v22, $0x4;
	s3 =	ssub.s32 s21, s20;
	s21 =	spop (v2sf);
	v25 =	vmul.u32 $0xFFFFFFF9, v24;
	s20 =	smul.u32 $0x92492493, s14  }
0x2f1: {  	v27 =	vld.idx.msk [tilespmem:v21+s17+$0x0], $0xffff;
	v26 =	vor.u32 s2, v0;
	s8 =	sadd.s32 s23, s3;
	s22 =	smulhi.u32 $0x92492493, s21;
	s23 =	sshra.s32 s21, $0x1F  }
0x2f2: {  	(v2sf) =	vpush v22, $0x5;
	v28 =	vmulhi.u32 $0x5397829D, v26;
	s10 =	ssub.s32 s25, s24;
	s5 =	ssub.s32 s13, s11;
	s24 =	smul.u32 $0x92492493, s23;
	v20 =	vadd.s32 v20, v25;
	v25 =	vld.idx.msk [tilespmem:v21+s15+$0x0], $0xffff  }
0x2f3: {  	v29 =	vld.idx.msk [tilespmem:v21+s30+$0x0], $0xffff;
	v24 =	vcvt.s32.f32 v24;
	s25 =	spop (v2sf);
	s3 =	sadd.s32 s1, s10;
	s13 =	sadd.s32 s20, s5;
	v20 =	vcvt.s32.f32 v20  }
0x2f4: {  	v30 =	vld.idx.msk [tilespmem:v21+s16+$0x0], $0xffff;
	(v2sf) =	vpush v22, $0x6;
	s6 =	ssub.s32 s22, s21;
	s14 =	smulhi.u32 $0x92492493, s25;
	s20 =	sshra.s32 s25, $0x1F;
	v21 =	vshrl.u32 v28, $0x4  }
0x2f5: {  	v24 =	vmul.f32 $1.666666720e-01, v24;
	s23 =	spop (v2sf);
	s21 =	sadd.s32 s24, s6;
	s22 =	smul.u32 $0x92492493, s20;
	v28 =	vmul.u32 $0xFFFFFFCF, v21;
	v20 =	vmul.f32 $1.666666720e-01, v20  }
0x2f6: {  	(v2sf) =	vpush v22, $0x7;
	s24 =	smulhi.u32 $0x92492493, s23;
	s5 =	ssub.s32 s14, s25;
	s25 =	sshra.s32 s23, $0x1F  }
0x2f7: {  	s20 =	sadd.s32 s22, s5;
	s11 =	smul.u32 $0x92492493, s25;
	s5 =	spop (v2sf);
	v24 =	vmul.f32 v25, v24;
	v25 =	vmul.f32 v27, v20;
	v20 =	vadd.s32 v26, v28  }
0x2f8: {  	s6 =	ssub.s32 s24, s23;
	s14 =	smulhi.u32 $0x92492493, s5;
	s23 =	sshra.s32 s5, $0x1F;
	(v2sf) =	vpush v20, $0xD  }
0x2f9: {  	s22 =	sadd.s32 s11, s6;
	s24 =	smul.u32 $0x92492493, s23;
	s25 =	spop (v2sf)  }
0x2fa: {  	s5 =	ssub.s32 s14, s5;
	(v2sf) =	vpush v20, $0xC;
	s14 =	smulhi.u32 $0x92492493, s25;
	s23 =	sshra.s32 s25, $0x1F  }
0x2fb: {  	v54 =	vmov s21;
	s1 =	sadd.s32 s24, s5;
	s11 =	spop (v2sf);
	s24 =	smul.u32 $0x92492493, s23  }
0x2fc: {  	v33 =	vsel vm0, s13, v54;
	v28 =	vmov s0;
	(v2sf) =	vpush v20, $0xE;
	s23 =	sshra.s32 s11, $0x1F;
	s6 =	ssub.s32 s14, s25;
	s25 =	smulhi.u32 $0x92492493, s11  }
0x2fd: {  	v33 =	vsel vm1, s20, v33;
	v28 =	vmulhi.u32 $0x5397829D, v28;
	s14 =	spop (v2sf);
	s5 =	sadd.s32 s24, s6;
	s24 =	smul.u32 $0x92492493, s23  }
0x2fe: {  	v33 =	vsel vm2, s22, v33;
	v24 =	vadd.f32 v24, v29;
	(v2sf) =	vpush v20, $0xF;
	s10 =	ssub.s32 s25, s11;
	s11 =	smulhi.u32 $0x92492493, s14;
	s25 =	sshra.s32 s14, $0x1F  }
0x2ff: {  	v25 =	vadd.f32 v25, v30;
	v29 =	vmov s19;
	v28 =	vshrl.u32 v28, $0xD;
	s23 =	spop (v2sf);
	s6 =	sadd.s32 s24, s10;
	s24 =	smul.u32 $0x92492493, s25  }
0x300: {  	v29 =	vsel vm0, s7, v29;
	v24 =	vmul.f32 $2.230000000e+02, v24;
	(v2sf) =	vpush v20, $0x9;
	s25 =	sshra.s32 s23, $0x1F;
	s11 =	ssub.s32 s11, s14;
	s14 =	smulhi.u32 $0x92492493, s23  }
0x301: {  	v25 =	vmul.f32 $2.230000000e+02, v25;
	v28 =	vmul.u32 $0xC400, v28;
	v29 =	vsel vm1, s8, v29;
	s10 =	sadd.s32 s24, s11;
	s11 =	smul.u32 $0x92492493, s25;
	s24 =	spop (v2sf)  }
0x302: {  	v29 =	vsel vm2, s3, v29;
	v24 =	vmax.f32 v24, $0.0e+00;
	(v2sf) =	vpush v20, $0x8;
	s14 =	ssub.s32 s14, s23;
	s19 =	smulhi.u32 $0x92492493, s24;
	s25 =	sshra.s32 s24, $0x1F  }
0x303: {  	v25 =	vmax.f32 v25, $0.0e+00;
	v29 =	vcombine.low v33, v29;
	v24 =	vmin.f32 v24, $2.230000000e+02;
	s23 =	spop (v2sf);
	s11 =	sadd.s32 s11, s14;
	s14 =	smul.u32 $0x92492493, s25  }
0x304: {  	v25 =	vmin.f32 v25, $2.230000000e+02;
	(v2sf) =	vpush v20, $0xA;
	v26 =	vtrunc.f32 v24;
	s25 =	sshra.s32 s23, $0x1F;
	s24 =	ssub.s32 s19, s24;
	s19 =	smulhi.u32 $0x92492493, s23  }
0x305: {  	v27 =	vtrunc.f32 v25;
	v31 =	vmov s5;
	(v2sf) =	vpush v20, $0xB;
	s5 =	sadd.s32 s14, s24;
	s14 =	smul.u32 $0x92492493, s25;
	s24 =	spop (v2sf)  }
0x306: {  	v26 =	vcvt.f32.s32 v26;
	v27 =	vcvt.f32.s32 v27;
	v31 =	vnsel vm4, $0x0, v31;
	s23 =	ssub.s32 s19, s23;
	s7 =	smulhi.u32 $0x92492493, s24;
	s25 =	sshra.s32 s24, $0x1F  }
0x307: {  	v29 =	vperm.xlane v29, v2;
	(v2sf) =	vpush v20, $0x1;
	v31 =	vsel vm0, s1, v31;
	s1 =	sadd.s32 s14, s23;
	s23 =	smul.u32 $0x92492493, s25;
	s25 =	spop (v2sf)  }
0x308: {  	vm9 =	vlt.s32 v26, $0xDE;
	vm10 =	vlt.s32 v27, $0xDE;
	v31 =	vsel vm1, s6, v31;
	s7 =	ssub.s32 s7, s24;
	s14 =	smulhi.u32 $0x92492493, s25;
	s19 =	sshra.s32 s25, $0x1F  }
0x309: {  	(v2sf) =	vpush v20, $0x0;
	v26 =	vnsel vm9, $0xDE, v26;
	v31 =	vsel vm2, s10, v31;
	s20 =	sadd.s32 s23, s7;
	s21 =	smul.u32 $0x92492493, s19;
	s23 =	spop (v2sf)  }
0x30a: {  	v27 =	vnsel vm10, $0xDE, v27;
	(v2sf) =	vpush v20, $0x2;
	v31 =	vsel vm5, s11, v31;
	s24 =	ssub.s32 s14, s25;
	s25 =	smulhi.u32 $0x92492493, s23;
	s13 =	sshra.s32 s23, $0x1F  }
0x30b: {  	s0 =	sor.u32 $0x30, s0;
	v30 =	vcvt.s32.f32 v26;
	v53 =	vmul.u32 $0xE0, v27;
	v31 =	vsel vm6, s5, v31;
	s19 =	spop (v2sf);
	s14 =	smul.u32 $0x92492493, s13  }
0x30c: {  	v26 =	vadd.s32 v28, v26;
	v27 =	vcvt.s32.f32 v27;
	v31 =	vsel vm7, s1, v31;
	s8 =	sadd.s32 s21, s24;
	s21 =	smulhi.u32 $0x92492493, s19;
	s22 =	sshra.s32 s19, $0x1F  }
0x30d: {  	(v2sf) =	vpush v20, $0x3;
	v26 =	vadd.s32 v53, v26;
	v28 =	vsel vm8, s20, v31;
	s24 =	spop (v2sf);
	s20 =	ssub.s32 s25, s23;
	s23 =	smul.u32 $0x92492493, s22  }
0x30e: {  	v24 =	vsub.f32 v24, v30;
	v30 =	vadd.s32 $0x1, v26;
	v28 =	vperm.xlane v28, v3;
	s25 =	smulhi.u32 $0x92492493, s24;
	s11 =	sshra.s32 s24, $0x1F;
	s3 =	sadd.s32 s14, s20  }
0x30f: {  	v25 =	vsub.f32 v25, v27;
	v27 =	vor.u32 s0, v0;
	[tilespmem:$0x280] =	vst v30;
	v30 =	vadd.s32 $0xE0, v26;
	s5 =	ssub.s32 s21, s19;
	s14 =	smul.u32 $0x92492493, s11;
	s19 =	spop (v2sf)  }
0x310: {  	[tilespmem:$0x200] =	vst v26;
	(v2sf) =	vpush v20, $0x4;
	v28 =	vsel vm3, v28, v29;
	v29 =	vsub.s32 v23, v1;
	s13 =	sadd.s32 s23, s5;
	s20 =	smulhi.u32 $0x92492493, s19;
	s21 =	sshra.s32 s19, $0x1F  }
0x311: {  	[tilespmem:$0x600] =	vst v24;
	v23 =	vadd.s32 $0xE1, v26;
	(v2sf) =	vpush v20, $0x5;
	v26 =	vadd.s32 v22, v28;
	s6 =	ssub.s32 s25, s24;
	s22 =	spop (v2sf);
	s11 =	smul.u32 $0x92492493, s21  }
0x312: {  	[tilespmem:$0x380] =	vst v23;
	v23 =	vshrl.u32 v26, $0x1F;
	v24 =	vshra.s32 v26, $0x2;
	s7 =	sadd.s32 s14, s6;
	s23 =	smulhi.u32 $0x92492493, s22;
	s24 =	sshra.s32 s22, $0x1F;
	v26 =	vmulhi.u32 $0x5397829D, v27  }
0x313: {  	s10 =	spop (v2sf);
	v24 =	vadd.s32 v23, v24;
	s5 =	ssub.s32 s20, s19;
	s6 =	smul.u32 $0x92492493, s24  }
0x314: {  	[tilespmem:$0x700] =	vst v25;
	(v2sf) =	vpush v20, $0x6;
	s25 =	smulhi.u32 $0x92492493, s10;
	s20 =	sshra.s32 s10, $0x1F;
	s21 =	spop (v2sf);
	v25 =	vmul.u32 $0xFFFFFFF9, v24;
	v23 =	vshrl.u32 v26, $0x4  }
0x315: {  	[tilespmem:$0x300] =	vst v30;
	s19 =	sadd.s32 s11, s5;
	s1 =	ssub.s32 s23, s22;
	s11 =	smul.u32 $0x92492493, s20;
	v30 =	vmul.u32 $0xFFFFFFCF, v23  }
0x316: {  	(v2sf) =	vpush v20, $0x7;
	s23 =	smulhi.u32 $0x92492493, s21;
	s24 =	sshra.s32 s21, $0x1F;
	v28 =	vld.idx.msk [tilespmem:v29+s15+$0x0], $0xffff;
	s22 =	sadd.s32 s6, s1;
	v22 =	vadd.s32 v22, v25  }
0x317: {  	v24 =	vcvt.s32.f32 v24;
	v26 =	vld.idx.msk [tilespmem:v29+s30+$0x0], $0xffff;
	s5 =	ssub.s32 s25, s10;
	s6 =	smul.u32 $0x92492493, s24;
	s10 =	spop (v2sf);
	v31 =	vcvt.s32.f32 v22;
	v22 =	vadd.s32 v27, v30  }
0x318: {  	v25 =	vld.idx.msk [tilespmem:v29+s17+$0x0], $0xffff;
	s20 =	sadd.s32 s11, s5;
	s5 =	smulhi.u32 $0x92492493, s10;
	s25 =	sshra.s32 s10, $0x1F;
	(v2sf) =	vpush v22, $0xD  }
0x319: {  	v24 =	vmul.f32 $1.666666720e-01, v24;
	s1 =	ssub.s32 s23, s21;
	s14 =	spop (v2sf);
	s11 =	smul.u32 $0x92492493, s25  }
0x31a: {  	v27 =	vld.idx.msk [tilespmem:v29+s16+$0x0], $0xffff;
	s24 =	smulhi.u32 $0x92492493, s14;
	s23 =	sshra.s32 s14, $0x1F;
	s25 =	spop (v2sf);
	(v2sf) =	vpush v22, $0xC  }
0x31b: {  	s21 =	sadd.s32 s6, s1;
	s6 =	ssub.s32 s5, s10;
	s10 =	smul.u32 $0x92492493, s23;
	v29 =	vmul.f32 $1.666666720e-01, v31;
	v24 =	vmul.f32 v28, v24  }
0x31c: {  	s1 =	smulhi.u32 $0x92492493, s25;
	s23 =	sadd.s32 s11, s6;
	s11 =	sshra.s32 s25, $0x1F;
	(v2sf) =	vpush v22, $0xE  }
0x31d: {  	s14 =	ssub.s32 s24, s14;
	s6 =	smul.u32 $0x92492493, s11;
	s11 =	spop (v2sf);
	v25 =	vmul.f32 v25, v29;
	(v2sf) =	vpush v22, $0xF;
	v24 =	vadd.f32 v24, v26  }
0x31e: {  	v55 =	vmov s22;
	s5 =	sadd.s32 s10, s14;
	v28 =	vmov s3;
	s10 =	smulhi.u32 $0x92492493, s11;
	s24 =	sshra.s32 s11, $0x1F  }
0x31f: {  	s1 =	ssub.s32 s1, s25;
	s14 =	smul.u32 $0x92492493, s24;
	(v2sf) =	vpush v22, $0x9;
	v25 =	vadd.f32 v25, v27;
	s24 =	spop (v2sf);
	v24 =	vmul.f32 $2.230000000e+02, v24  }
0x320: {  	v32 =	vsel vm0, s19, v55;
	v28 =	vsel vm0, s8, v28;
	v26 =	vmov s31;
	s1 =	sadd.s32 s6, s1;
	s6 =	smulhi.u32 $0x92492493, s24;
	s31 =	sshra.s32 s24, $0x1F  }
0x321: {  	s10 =	ssub.s32 s10, s11;
	v25 =	vmul.f32 $2.230000000e+02, v25;
	s11 =	smul.u32 $0x92492493, s31;
	s25 =	spop (v2sf);
	(v2sf) =	vpush v22, $0x8;
	v24 =	vmax.f32 v24, $0.0e+00  }
0x322: {  	v31 =	vmov s5;
	v28 =	vsel vm1, s13, v28;
	s3 =	sadd.s32 s14, s10;
	s10 =	smulhi.u32 $0x92492493, s25;
	s31 =	sshra.s32 s25, $0x1F;
	v24 =	vmin.f32 v24, $2.230000000e+02  }
0x323: {  	s6 =	ssub.s32 s6, s24;
	s14 =	spop (v2sf);
	(v2sf) =	vpush v22, $0xA;
	v25 =	vmax.f32 v25, $0.0e+00;
	s8 =	smul.u32 $0x92492493, s31;
	v27 =	vtrunc.f32 v24  }
0x324: {  	v31 =	vnsel vm4, $0x0, v31;
	s6 =	sadd.s32 s11, s6;
	s31 =	smulhi.u32 $0x92492493, s14;
	s24 =	sshra.s32 s14, $0x1F;
	v25 =	vmin.f32 v25, $2.230000000e+02;
	v27 =	vcvt.f32.s32 v27  }
0x325: {  	v26 =	vmulhi.u32 $0x5397829D, v26;
	(v2sf) =	vpush v22, $0xB;
	s10 =	ssub.s32 s10, s25;
	s13 =	smul.u32 $0x92492493, s24;
	s24 =	spop (v2sf);
	v29 =	vtrunc.f32 v25  }
0x326: {  	v31 =	vsel vm0, s23, v31;
	s5 =	sadd.s32 s8, s10;
	s8 =	smulhi.u32 $0x92492493, s24;
	s25 =	sshra.s32 s24, $0x1F;
	v29 =	vcvt.f32.s32 v29;
	vm9 =	vlt.s32 v27, $0xDE  }
0x327: {  	v31 =	vsel vm1, s1, v31;
	s11 =	ssub.s32 s31, s14;
	s10 =	smul.u32 $0x92492493, s25;
	v27 =	vnsel vm9, $0xDE, v27;
	s14 =	spop (v2sf);
	(v2sf) =	vpush v22, $0x1  }
0x328: {  	v26 =	vshrl.u32 v26, $0xD;
	s1 =	sadd.s32 s13, s11;
	vm9 =	vlt.s32 v29, $0xDE;
	v30 =	vcvt.s32.f32 v27;
	s19 =	smulhi.u32 $0x92492493, s14;
	s31 =	sshra.s32 s14, $0x1F  }
0x329: {  	v28 =	vsel vm2, s7, v28;
	v26 =	vmul.u32 $0xC400, v26;
	s24 =	ssub.s32 s8, s24;
	v29 =	vnsel vm9, $0xDE, v29;
	s23 =	spop (v2sf);
	s13 =	smul.u32 $0x92492493, s31  }
0x32a: {  	s7 =	sadd.s32 s10, s24;
	(v2sf) =	vpush v22, $0x0;
	v24 =	vsub.f32 v24, v30;
	v30 =	vsel vm2, s3, v31;
	s25 =	smulhi.u32 $0x92492493, s23;
	s31 =	sshra.s32 s23, $0x1F  }
0x32b: {  	v26 =	vadd.s32 v26, v27;
	s11 =	spop (v2sf);
	v31 =	vsel vm1, s20, v32;
	v30 =	vsel vm5, s6, v30;
	s19 =	ssub.s32 s19, s14;
	s24 =	smul.u32 $0x92492493, s31  }
0x32c: {  	v31 =	vsel vm2, s21, v31;
	s20 =	smulhi.u32 $0x92492493, s11;
	s21 =	sshra.s32 s11, $0x1F;
	s14 =	spop (v2sf);
	(v2sf) =	vpush v22, $0x2;
	v30 =	vsel vm6, s5, v30  }
0x32d: {  	v56 =	vmul.u32 $0xE0, v29;
	v28 =	vcombine.low v31, v28;
	s3 =	sadd.s32 s13, s19;
	s22 =	ssub.s32 s25, s23;
	s23 =	smul.u32 $0x92492493, s21;
	v30 =	vsel vm7, s1, v30  }
0x32e: {  	v29 =	vcvt.s32.f32 v29;
	s25 =	smulhi.u32 $0x92492493, s14;
	s31 =	sshra.s32 s14, $0x1F;
	s19 =	spop (v2sf);
	(v2sf) =	vpush v22, $0x3;
	v27 =	vsel vm8, s7, v30  }
0x32f: {  	v26 =	vadd.s32 v56, v26;
	s11 =	ssub.s32 s20, s11;
	s13 =	smul.u32 $0x92492493, s31;
	s21 =	sshra.s32 s19, $0x1F;
	v28 =	vperm.xlane v28, v2;
	v27 =	vperm.xlane v27, v3  }
0x330: {  	v21 =	vsub.s32 v21, v1;
	[tilespmem:$0x210] =	vst v26;
	s7 =	sadd.s32 s24, s22;
	v30 =	vadd.s32 $0x1, v26;
	s24 =	smulhi.u32 $0x92492493, s19;
	s20 =	spop (v2sf);
	(v2sf) =	vpush v22, $0x4  }
0x331: {  	v25 =	vsub.f32 v25, v29;
	s8 =	sadd.s32 s23, s11;
	s22 =	ssub.s32 s25, s14;
	s23 =	smul.u32 $0x92492493, s21;
	[tilespmem:$0x290] =	vst v30;
	v30 =	vadd.s32 $0xE0, v26;
	v27 =	vsel vm3, v27, v28  }
0x332: {  	[tilespmem:$0x610] =	vst v24;
	v26 =	vadd.s32 $0xE1, v26;
	s25 =	smulhi.u32 $0x92492493, s20;
	s31 =	sshra.s32 s20, $0x1F;
	s21 =	spop (v2sf);
	(v2sf) =	vpush v22, $0x5;
	v27 =	vadd.s32 v20, v27  }
0x333: {  	s13 =	sadd.s32 s13, s22;
	[tilespmem:$0x390] =	vst v26;
	s5 =	ssub.s32 s24, s19;
	s10 =	smul.u32 $0x92492493, s31;
	v26 =	vshrl.u32 v27, $0x1F;
	v27 =	vshra.s32 v27, $0x2  }
0x334: {  	[tilespmem:$0x710] =	vst v25;
	s24 =	smulhi.u32 $0x92492493, s21;
	s31 =	sshra.s32 s21, $0x1F;
	s19 =	spop (v2sf);
	(v2sf) =	vpush v22, $0x6;
	v24 =	vadd.s32 v26, v27  }
0x335: {  	[tilespmem:$0x310] =	vst v30;
	s1 =	sadd.s32 s23, s5;
	s11 =	ssub.s32 s25, s20;
	s14 =	smul.u32 $0x92492493, s31;
	v25 =	vmul.u32 $0xFFFFFFF9, v24  }
0x336: {  	s25 =	smulhi.u32 $0x92492493, s19;
	s31 =	sshra.s32 s19, $0x1F;
	v26 =	vld.idx.msk [tilespmem:v21+s15+$0x0], $0xffff;
	s22 =	spop (v2sf);
	(v2sf) =	vpush v22, $0x7  }
0x337: {  	s5 =	sadd.s32 s10, s11;
	s6 =	smul.u32 $0x92492493, s31;
	s10 =	ssub.s32 s24, s21;
	v20 =	vadd.s32 v20, v25;
	v25 =	vld.idx.msk [tilespmem:v21+s17+$0x0], $0xffff  }
0x338: {  	v27 =	vld.idx.msk [tilespmem:v21+s30+$0x0], $0xffff;
	s10 =	sadd.s32 s14, s10;
	v24 =	vcvt.s32.f32 v24;
	v20 =	vcvt.s32.f32 v20;
	s20 =	smulhi.u32 $0x92492493, s22;
	s24 =	sshra.s32 s22, $0x1F  }
0x339: {  	s25 =	ssub.s32 s25, s19;
	v21 =	vld.idx.msk [tilespmem:v21+s16+$0x0], $0xffff;
	s23 =	spop (v2sf);
	s31 =	smul.u32 $0x92492493, s24  }
0x33a: {  	s19 =	sadd.s32 s6, s25;
	v24 =	vmul.f32 $1.666666720e-01, v24;
	s24 =	smulhi.u32 $0x92492493, s23;
	s25 =	sshra.s32 s23, $0x1F;
	v20 =	vmul.f32 $1.666666720e-01, v20  }
0x33b: {  	s21 =	spop (v2sf);
	s20 =	ssub.s32 s20, s22;
	s11 =	smul.u32 $0x92492493, s25  }
0x33c: {  	v24 =	vmul.f32 v26, v24;
	v26 =	vmov s5;
	s14 =	sadd.s32 s31, s20;
	s20 =	smulhi.u32 $0x92492493, s21;
	s31 =	sshra.s32 s21, $0x1F;
	v20 =	vmul.f32 v25, v20  }
0x33d: {  	v26 =	vsel vm0, s1, v26;
	s6 =	ssub.s32 s24, s23;
	s23 =	spop (v2sf);
	v25 =	vmov s7;
	s22 =	smul.u32 $0x92492493, s31  }
0x33e: {  	v24 =	vadd.f32 v24, v27;
	s24 =	sadd.s32 s11, s6;
	s25 =	smulhi.u32 $0x92492493, s23;
	s31 =	sshra.s32 s23, $0x1F;
	v20 =	vadd.f32 v20, v21;
	v21 =	vsel vm0, s3, v25  }
0x33f: {  	v26 =	vsel vm1, s10, v26;
	s11 =	smul.u32 $0x92492493, s31;
	v21 =	vsel vm1, s8, v21;
	s8 =	ssub.s32 s20, s21;
	s20 =	spop (v2sf)  }
0x340: {  	v24 =	vmul.f32 $2.230000000e+02, v24;
	v27 =	vmov s24;
	v25 =	vmov s2;
	s2 =	sadd.s32 s22, s8;
	s21 =	smulhi.u32 $0x92492493, s20;
	s22 =	sshra.s32 s20, $0x1F  }
0x341: {  	v26 =	vsel vm2, s19, v26;
	s23 =	ssub.s32 s25, s23;
	v27 =	vnsel vm4, $0x0, v27;
	s24 =	spop (v2sf);
	s25 =	smul.u32 $0x92492493, s22  }
0x342: {  	v24 =	vmax.f32 v24, $0.0e+00;
	s1 =	sadd.s32 s11, s23;
	v27 =	vsel vm0, s14, v27;
	v20 =	vmul.f32 $2.230000000e+02, v20;
	s31 =	smulhi.u32 $0x92492493, s24;
	s11 =	sshra.s32 s24, $0x1F  }
0x343: {  	v25 =	vmulhi.u32 $0x5397829D, v25;
	v21 =	vsel vm2, s13, v21;
	v24 =	vmin.f32 v24, $2.230000000e+02;
	s13 =	spop (v2sf);
	s10 =	smul.u32 $0x92492493, s11  }
0x344: {  	v28 =	vtrunc.f32 v24;
	v27 =	vsel vm1, s2, v27;
	v20 =	vmax.f32 v20, $0.0e+00;
	s5 =	ssub.s32 s21, s20;
	s20 =	smulhi.u32 $0x92492493, s13;
	s21 =	sshra.s32 s13, $0x1F  }
0x345: {  	v25 =	vshrl.u32 v25, $0xD;
	v28 =	vcvt.f32.s32 v28;
	v20 =	vmin.f32 v20, $2.230000000e+02;
	s22 =	ssub.s32 s31, s24;
	s23 =	smul.u32 $0x92492493, s21;
	s24 =	spop (v2sf)  }
0x346: {  	v21 =	vcombine.low v26, v21;
	v27 =	vsel vm2, s1, v27;
	s14 =	sadd.s32 s25, s5;
	v29 =	vtrunc.f32 v20;
	s25 =	smulhi.u32 $0x92492493, s24;
	s31 =	sshra.s32 s24, $0x1F  }
0x347: {  	v27 =	vsel vm5, s14, v27;
	s1 =	sadd.s32 s10, s22;
	s10 =	ssub.s32 s20, s13;
	vm9 =	vlt.s32 v28, $0xDE;
	v29 =	vcvt.f32.s32 v29;
	s11 =	smul.u32 $0x92492493, s31  }
0x348: {  	v25 =	vmul.u32 $0xC400, v25;
	v27 =	vsel vm6, s1, v27;
	s1 =	sadd.s32 s23, s10;
	v28 =	vnsel vm9, $0xDE, v28;
	s2 =	ssub.s32 s25, s24  }
0x349: {  	v26 =	vsel vm7, s1, v27;
	v27 =	vcvt.s32.f32 v28;
	vm10 =	vlt.s32 v29, $0xDE;
	s13 =	sadd.s32 s11, s2  }
0x34a: {  	v21 =	vperm.xlane v21, v2;
	v29 =	vnsel vm10, $0xDE, v29;
	v26 =	vsel vm8, s13, v26  }
0x34b: {  	v24 =	vsub.f32 v24, v27;
	v30 =	vmul.u32 $0xE0, v29;
	v26 =	vperm.xlane v26, v3  }
0x34c: {  	v25 =	vadd.s32 v25, v28;
	v27 =	vcvt.s32.f32 v29  }
0x34d: {  	v23 =	vsub.s32 v23, v1;
	[tilespmem:$0x620] =	vst v24;
	v25 =	vadd.s32 v30, v25;
	v21 =	vsel vm3, v26, v21  }
0x34e: {  	v20 =	vsub.f32 v20, v27;
	[tilespmem:$0x220] =	vst v25;
	v26 =	vadd.s32 $0xE0, v25;
	v21 =	vadd.s32 v22, v21  }
0x34f: {  	v28 =	vadd.s32 $0x1, v25;
	[tilespmem:$0x320] =	vst v26;
	v26 =	vshrl.u32 v21, $0x1F;
	v21 =	vshra.s32 v21, $0x2  }
0x350: {  	[tilespmem:$0x2A0] =	vst v28;
	v21 =	vadd.s32 v26, v21  }
0x351: {  	[tilespmem:$0x720] =	vst v20;
	v25 =	vadd.s32 $0xE1, v25;
	v24 =	vmul.u32 $0xFFFFFFF9, v21  }
0x352: {  	[tilespmem:$0x3A0] =	vst v25  }
0x353: {  	v20 =	vadd.s32 v22, v24;
	v22 =	vld.idx.msk [tilespmem:v23+s17+$0x0], $0xffff  }
0x354: {  	v24 =	vld.idx.msk [tilespmem:v23+s15+$0x0], $0xffff;
	v20 =	vcvt.s32.f32 v20  }
0x355: {  	v25 =	vld.idx.msk [tilespmem:v23+s16+$0x0], $0xffff;
	v21 =	vcvt.s32.f32 v21  }
0x356: {  	v23 =	vld.idx.msk [tilespmem:v23+s30+$0x0], $0xffff;
	v20 =	vmul.f32 $1.666666720e-01, v20  }
0x357: {  	v21 =	vmul.f32 $1.666666720e-01, v21  }
0x358: {  	v20 =	vmul.f32 v22, v20  }
0x359: {  	v21 =	vmul.f32 v24, v21  }
0x35a: {  	v20 =	vadd.f32 v20, v25  }
0x35b: {  	v21 =	vadd.f32 v21, v23  }
0x35c: {  	v20 =	vmul.f32 $2.230000000e+02, v20  }
0x35d: {  	v21 =	vmul.f32 $2.230000000e+02, v21  }
0x35e: {  	v20 =	vmax.f32 v20, $0.0e+00  }
0x35f: {  	v22 =	vmov s0;
	v21 =	vmax.f32 v21, $0.0e+00;
	v20 =	vmin.f32 v20, $2.230000000e+02  }
0x360: {  	v22 =	vmulhi.u32 $0x5397829D, v22;
	v21 =	vmin.f32 v21, $2.230000000e+02;
	v23 =	vtrunc.f32 v20  }
0x361: {  	v24 =	vtrunc.f32 v21;
	v23 =	vcvt.f32.s32 v23  }
0x362: {  	v24 =	vcvt.f32.s32 v24  }
0x363: {  	v22 =	vshrl.u32 v22, $0xD;
	vm9 =	vlt.s32 v23, $0xDE  }
0x364: {  	v22 =	vmul.u32 $0xC400, v22;
	v23 =	vnsel vm9, $0xDE, v23;
	vm9 =	vlt.s32 v24, $0xDE  }
0x365: {  	v24 =	vnsel vm9, $0xDE, v24;
	v25 =	vmul.u32 $0xE0, v23  }
0x366: {  	v23 =	vcvt.s32.f32 v23;
	v22 =	vadd.s32 v22, v24  }
0x367: {  	v22 =	vadd.s32 v25, v22  }
0x368: {  	v20 =	vsub.f32 v20, v23;
	[tilespmem:$0x230] =	vst v22;
	v25 =	vadd.s32 $0x1, v22  }
0x369: {  	v24 =	vcvt.s32.f32 v24;
	[tilespmem:$0x2B0] =	vst v25  }
0x36a: {  	v25 =	vadd.s32 $0xE0, v22;
	[tilespmem:$0x730] =	vst v20  }
0x36b: {  	v21 =	vsub.f32 v21, v24;
	v22 =	vadd.s32 $0xE1, v22;
	[tilespmem:$0x330] =	vst v25  }
0x36c: {  	[tilespmem:$0x3B0] =	vst v22  }
0x36d: {  	s19 =	simm.s32 $0x200;
	s14 =	simm.s32 $0x40;
	s20 =	simm.s32 $0x800;
	[tilespmem:$0x630] =	vst v21  }
0x36e: {  	[tilespmem:s20], [sflag:$0x1] =	stream.indirect.gather [hbm4b:s4+s14], $0x80, s19, s14, $0xb8;
	[tilespmem:$0x14800] =	vst v63  }
0x36f: {  	s21 =	simm.s32 $0x280;
	s22 =	simm.s32 $0x2800  }
0x370: {  	[tilespmem:s22], [sflag:$0x1] =	stream.indirect.gather [hbm4b:s4+s14], $0x80, s21, s14, $0xb8;
	[tilespmem:$0x14800] =	vst v63  }
0x371: {  	s23 =	simm.s32 $0x300;
	s24 =	simm.s32 $0x4800  }
0x372: {  	[tilespmem:s24], [sflag:$0x1] =	stream.indirect.gather [hbm4b:s4+s14], $0x80, s23, s14, $0xb8;
	[tilespmem:$0x14800] =	vst v63  }
0x373: {  	s25 =	simm.s32 $0x380;
	s30 =	simm.s32 $0x6800  }
0x374: {  	[tilespmem:s30], [sflag:$0x1] =	stream.indirect.gather [hbm4b:s4+s14], $0x80, s25, s14, $0xb8;
	[tilespmem:$0x14800] =	vst v63  }
0x375: {  	_ =	swait.ge [sflag:s12], $0x2000  }
0x376: {  	[sflag:s12] =	ssyncset.done $0x0  }
0x377: {  	[sflag:s12] =	ssyncadd.s32 $0xFFFFE000  }
0x378: {  	_ =	swait.ge [sflag:s12], $0x2000  }
0x379: {  	[sflag:s12] =	ssyncset.done $0x0  }
0x37a: {  	[sflag:s12] =	ssyncadd.s32 $0xFFFFE000  }
0x37b: {  	_ =	swait.ge [sflag:s12], $0x2000  }
0x37c: {  	[sflag:s12] =	ssyncset.done $0x0  }
0x37d: {  	[sflag:s12] =	ssyncadd.s32 $0xFFFFE000  }
0x37e: {  	_ =	swait.ge [sflag:s12], $0x2000  }
0x37f: {  	[sflag:s12] =	ssyncset.done $0x0  }
0x380: {  	s0 =	simm.s32 $0x0;
	[sflag:s12] =	ssyncadd.s32 $0xFFFFE000  }
0x381: {  	v57 =	vld [tilespmem:s0+$0xE820]  }
0x382: {  	v20 =	vld [tilespmem:s0+$0xC820]  }
0x383: {  	v27 =	vld [tilespmem:s0+$0xE840]  }
0x384: {  	v25 =	vld [tilespmem:s0+$0xE850]  }
0x385: {  	v23 =	vld [tilespmem:s0+$0xC830]  }
0x386: {  	v58 =	vld [tilespmem:s0+$0xA830]  }
0x387: {  	v59 =	vld [tilespmem:s0+$0xE830]  }
0x388: {  	v22 =	vld [tilespmem:s0+$0x8830]  }
0x389: {  	v24 =	vld [tilespmem:s0+$0x8840]  }
0x38a: {  	v30 =	vld [tilespmem:s0+$0xA850]  }
0x38b: {  	v60 =	vld [tilespmem:s0+$0xA840]  }
0x38c: {  	v26 =	vld [tilespmem:s0+$0x8850]  }
0x38d: {  	v21 =	vld [tilespmem:s0+$0xC840]  }
0x38e: {  	v61 =	vld [tilespmem:s0+$0xA820]  }
0x38f: {  	v33 =	vld [tilespmem:s0+$0xC810]  }
0x390: {  	v29 =	vld [tilespmem:s0+$0x8820]  }
0x391: {  	v62 =	vld [tilespmem:s0+$0xE800]  }
0x392: {  	v35 =	vld [tilespmem:s0+$0x8810]  }
0x393: {  	v63 =	vld [tilespmem:s0+$0xE810]  }
0x394: {  	v31 =	vld [tilespmem:s0+$0xC800]  }
0x395: {  	s31 =	simm.s32 $0x680;
	v40 =	vld [tilespmem:s0+$0xA810]  }
0x396: {  	v32 =	vld.msk [tilespmem:s31+$0x0 ss:$0x0], $0xffff;
	v28 =	vsub.f32 v27, v21;
	v36 =	vsub.f32 v59, v23  }
0x397: {  	v39 =	vld [tilespmem:s0+$0xC850];
	v34 =	vsub.f32 v60, v24;
	v37 =	vsub.f32 v57, v20  }
0x398: {  	v38 =	vld [tilespmem:s0+$0xA800];
	v43 =	vsub.f32 v63, v33;
	v41 =	vsub.f32 v61, v29  }
0x399: {  	s3 =	simm.s32 $0x681;
	s2 =	simm.s32 $0x780;
	s13 =	simm.s32 $0x200;
	v27 =	vld [tilespmem:s0+$0x8800];
	v44 =	vsub.f32 v62, v31;
	v42 =	vsub.f32 v58, v22  }
.LBB2_5:
0x39a: {  	s8 =	sshra.s32 s13, $0x2  }
0x39b: {  	v45 =	vld.msk [tilespmem:s2+$0x0 ss:$0x0], $0xffff;
	v40 =	vsub.f32 v40, v35;
	s2 =	sadd.s32 $0x1, s2;
	s1 =	smov.u32 s13;
	s7 =	sadd.s32 $0x200, s13  }
0x39c: {  	p0 =	sne.s32 s13, $0x7E00;
	v30 =	vsub.f32 v30, v26;
	v46 =	vld [tilespmem:s8+$0xE820]  }
0x39d: {  	v44 =	vmul.f32 v44, v32;
	v47 =	vld [tilespmem:s8+$0xC820];
	v40 =	vmul.f32 v40, v32;
	v48 =	vsub.f32 v25, v39  }
0x39e: {  	v43 =	vmul.f32 v43, v32;
	v30 =	vmul.f32 v30, v32;
	v49 =	vld [tilespmem:s8+$0xE840]  }
0x39f: {  	v25 =	vld [tilespmem:s8+$0xE850];
	v35 =	vadd.f32 v40, v35;
	v40 =	vmul.f32 v41, v32;
	v41 =	vmul.f32 v48, v32  }
0x3a0: {  	v37 =	vmul.f32 v37, v32;
	v42 =	vmul.f32 v42, v32;
	v33 =	vadd.f32 v43, v33;
	v48 =	vld [tilespmem:s8+$0xC830]  }
0x3a1: {  	v36 =	vmul.f32 v36, v32;
	v43 =	vadd.f32 v30, v26;
	v50 =	vld [tilespmem:s8+$0xA830];
	v26 =	vadd.f32 v41, v39  }
0x3a2: {  	v34 =	vmul.f32 v34, v32;
	v40 =	vadd.f32 v40, v29;
	v29 =	vadd.f32 v42, v22;
	v39 =	vld [tilespmem:s8+$0xE830]  }
0x3a3: {  	v51 =	vadd.f32 v36, v23;
	v22 =	vld [tilespmem:s8+$0x8830];
	v26 =	vsub.f32 v26, v43  }
0x3a4: {  	v31 =	vadd.f32 v44, v31;
	v38 =	vsub.f32 v38, v27;
	v36 =	vld [tilespmem:s8+$0x8840]  }
0x3a5: {  	v28 =	vmul.f32 v28, v32;
	v41 =	vsub.f32 v51, v29;
	v30 =	vld [tilespmem:s8+$0xA850];
	v42 =	vmul.f32 v26, v45;
	v23 =	vmovc v48  }
0x3a6: {  	v34 =	vadd.f32 v34, v24;
	v32 =	vmul.f32 v38, v32;
	v33 =	vsub.f32 v33, v35;
	v44 =	vld [tilespmem:s8+$0xA840]  }
0x3a7: {  	v28 =	vadd.f32 v28, v21;
	v48 =	vmul.f32 v41, v45;
	v26 =	vld [tilespmem:s8+$0x8850];
	v38 =	vadd.f32 v42, v43  }
0x3a8: {  	v37 =	vadd.f32 v37, v20;
	v20 =	vmovc v47;
	v27 =	vadd.f32 v32, v27;
	v32 =	vmul.f32 v33, v45;
	v21 =	vld [tilespmem:s8+$0xC840]  }
0x3a9: {  	v28 =	vsub.f32 v28, v34;
	v42 =	vadd.f32 v48, v29;
	v41 =	vld [tilespmem:s8+$0xA820];
	[tilespmem:s0+$0x12850] =	vst v38;
	v24 =	vmov v36  }
0x3aa: {  	v31 =	vsub.f32 v31, v27;
	v36 =	vsub.f32 v37, v40;
	v33 =	vld [tilespmem:s8+$0xC810]  }
0x3ab: {  	v32 =	vadd.f32 v32, v35;
	v37 =	vmul.f32 v28, v45;
	v29 =	vld [tilespmem:s8+$0x8820];
	[tilespmem:s0+$0x12830] =	vst v42  }
0x3ac: {  	v31 =	vmul.f32 v31, v45;
	v36 =	vmul.f32 v36, v45;
	v42 =	vld [tilespmem:s8+$0xE800]  }
0x3ad: {  	v35 =	vld [tilespmem:s8+$0x8810];
	v28 =	vsub.f32 v49, v21;
	[tilespmem:s0+$0x12810] =	vst v32;
	v32 =	vadd.f32 v37, v34  }
0x3ae: {  	v27 =	vadd.f32 v31, v27;
	v37 =	vadd.f32 v36, v40;
	v38 =	vld [tilespmem:s8+$0xE810]  }
0x3af: {  	v40 =	vld [tilespmem:s8+$0xA810];
	[tilespmem:s0+$0x12840] =	vst v32  }
0x3b0: {  	v36 =	vsub.f32 v39, v23;
	v31 =	vld [tilespmem:s8+$0xC800];
	[tilespmem:s0+$0x12800] =	vst v27  }
.Ltmp1:
0x3b1: {  	v34 =	vsub.f32 v44, v24;
	v27 =	vld [tilespmem:s8+$0x8800];
	[tilespmem:s0+$0x12820] =	vst v37;
	s0 =	smov.u32 s8;
	(pc) =	sbr.rel @p0 .LBB2_5-.Ltmp1, $4  }
0x3b2: {  	v37 =	vsub.f32 v46, v20;
	v32 =	vld.msk [tilespmem:s3+$0x0 ss:$0x0], $0xffff  }
0x3b3: {  	v43 =	vsub.f32 v38, v33;
	v39 =	vld [tilespmem:s0+$0xC850]  }
0x3b4: {  	v41 =	vsub.f32 v41, v29  }
0x3b5: {  	s13 =	smov.u32 s7;
	s3 =	sadd.s32 $0x1, s3;
	v38 =	vld [tilespmem:s0+$0xA800];
	v44 =	vsub.f32 v42, v31;
	v42 =	vsub.f32 v50, v22  }
0x3b6: {  	_ = 	snop  }
0x3b7: {  	v43 =	vmul.f32 v43, v32  }
0x3b8: {  	v40 =	vsub.f32 v40, v35;
	v50 =	vmul.f32 v41, v32;
	v51 =	vmul.f32 v42, v32  }
0x3b9: {  	v30 =	vsub.f32 v30, v26;
	v36 =	vmul.f32 v36, v32;
	v54 =	vmul.f32 v44, v32  }
0x3ba: {  	v34 =	vmul.f32 v34, v32;
	v25 =	vsub.f32 v25, v39;
	v33 =	vadd.f32 v43, v33  }
0x3bb: {  	v28 =	vmul.f32 v28, v32;
	v29 =	vadd.f32 v50, v29;
	v22 =	vadd.f32 v51, v22  }
0x3bc: {  	v53 =	vld.msk [tilespmem:s2+$0x0 ss:$0x0], $0xffff;
	v56 =	vmul.f32 v37, v32;
	v23 =	vadd.f32 v36, v23;
	v31 =	vadd.f32 v54, v31  }
0x3bd: {  	v40 =	vmul.f32 v40, v32;
	v24 =	vadd.f32 v34, v24;
	v21 =	vadd.f32 v28, v21  }
0x3be: {  	v30 =	vmul.f32 v30, v32;
	v20 =	vadd.f32 v56, v20;
	v55 =	vsub.f32 v38, v27  }
0x3bf: {  	v49 =	vadd.f32 v40, v35;
	v25 =	vmul.f32 v25, v32;
	v23 =	vsub.f32 v23, v22  }
0x3c0: {  	v52 =	vadd.f32 v30, v26;
	v21 =	vsub.f32 v21, v24;
	v36 =	vmul.f32 v55, v32  }
0x3c1: {  	v20 =	vsub.f32 v20, v29;
	v25 =	vadd.f32 v25, v39;
	v23 =	vmul.f32 v23, v53  }
0x3c2: {  	v57 =	vsub.f32 v33, v49;
	v21 =	vmul.f32 v21, v53;
	v58 =	vadd.f32 v36, v27  }
0x3c3: {  	v20 =	vmul.f32 v20, v53;
	v25 =	vsub.f32 v25, v52;
	v22 =	vadd.f32 v23, v22  }
0x3c4: {  	v59 =	vmul.f32 v57, v53;
	v21 =	vadd.f32 v21, v24;
	v60 =	vsub.f32 v31, v58  }
0x3c5: {  	v20 =	vadd.f32 v20, v29;
	v25 =	vmul.f32 v25, v53;
	[tilespmem:s0+$0x12830] =	vst v22  }
0x3c6: {  	v61 =	vadd.f32 v59, v49;
	[tilespmem:s0+$0x12840] =	vst v21;
	v62 =	vmul.f32 v60, v53  }
0x3c7: {  	[tilespmem:s0+$0x12820] =	vst v20;
	v25 =	vadd.f32 v25, v52  }
0x3c8: {  	s28 =	sadd.s32 $0x1, s28;
	[tilespmem:s0+$0x12810] =	vst v61;
	v63 =	vadd.f32 v62, v58  }
0x3c9: {  	s1 =	sshll.u32 s29, $0x4;
	s5 =	simm.s32 $0x0;
	p0 =	sne.s32 s28, $0x18;
	[tilespmem:s0+$0x12850] =	vst v25  }
.Ltmp2:
0x3ca: {  	s31 =	simm.s32 $0x12800;
	s30 =	sadd.s32 s26, s1;
	[tilespmem:s0+$0x12800] =	vst v63;
	(pc) =	sbr.rel @p0 .LBB2_2-.Ltmp2, $4  }
0x3cb: {  	[hbm4b:s30+s5] =	stream.linear.scatter [tilespmem:s31], [sflag:$0x3], $0x2000, $0x38;
	[tilespmem:$0x14800] =	vst v63  }
0x3cc: {  	_ =	swait.ge [sflag:s18], $0x2000  }
0x3cd: {  	[sflag:s18] =	ssyncset.done $0x0  }
0x3ce: {  	[sflag:s18] =	ssyncadd.s32 $0xFFFFE000  }
0x3cf: {  	_ =	swait.ge [sflag:s9], $0x2000  }
0x3d0: {  	[sflag:s9] =	ssyncset.done $0x0  }
0x3d1: {  	[sflag:s9] =	ssyncadd.s32 $0xFFFFE000  }
0x3d2: {  	_ =	swait.ge [sflag:s9], $0x2000  }
0x3d3: {  	[sflag:s9] =	ssyncset.done $0x0  }
0x3d4: {  	[sflag:s9] =	ssyncadd.s32 $0xFFFFE000  }
0x3d5: {  	_ =	swait.ge [sflag:s9], $0x2000  }
0x3d6: {  	[sflag:s9] =	ssyncset.done $0x0  }
0x3d7: {  	[sflag:s9] =	ssyncadd.s32 $0xFFFFE000  }
0x3d8: {  	_ =	swait.ge [sflag:s9], $0x2000  }
0x3d9: {  	[sflag:s9] =	ssyncset.done $0x0  }
0x3da: {  	s0 =	simm.s32 $0x0;
	[sflag:s9] =	ssyncadd.s32 $0xFFFFE000  }
0x3db: {  	v37 =	vld [tilespmem:s0+$0x6820]  }
0x3dc: {  	v20 =	vld [tilespmem:s0+$0x4820]  }
0x3dd: {  	v27 =	vld [tilespmem:s0+$0x6840]  }
0x3de: {  	v25 =	vld [tilespmem:s0+$0x6850]  }
0x3df: {  	v23 =	vld [tilespmem:s0+$0x4830]  }
0x3e0: {  	v42 =	vld [tilespmem:s0+$0x2830]  }
0x3e1: {  	v32 =	vld [tilespmem:s0+$0x6830]  }
0x3e2: {  	v22 =	vld [tilespmem:s0+$0x830]  }
0x3e3: {  	v24 =	vld [tilespmem:s0+$0x840]  }
0x3e4: {  	v30 =	vld [tilespmem:s0+$0x2850]  }
0x3e5: {  	v34 =	vld [tilespmem:s0+$0x2840]  }
0x3e6: {  	v26 =	vld [tilespmem:s0+$0x850]  }
0x3e7: {  	v21 =	vld [tilespmem:s0+$0x4840]  }
0x3e8: {  	v38 =	vld [tilespmem:s0+$0x2820]  }
0x3e9: {  	v33 =	vld [tilespmem:s0+$0x4810]  }
0x3ea: {  	v29 =	vld [tilespmem:s0+$0x820]  }
0x3eb: {  	v44 =	vld [tilespmem:s0+$0x6800]  }
0x3ec: {  	v35 =	vld [tilespmem:s0+$0x810]  }
0x3ed: {  	v39 =	vld [tilespmem:s0+$0x6810]  }
0x3ee: {  	v31 =	vld [tilespmem:s0+$0x4800]  }
0x3ef: {  	v41 =	vld [tilespmem:s0+$0x2810]  }
0x3f0: {  	s7 =	simm.s32 $0x600;
	v28 =	vsub.f32 v27, v21;
	v36 =	vsub.f32 v32, v23;
	v27 =	vld [tilespmem:s0+$0x800]  }
0x3f1: {  	v34 =	vsub.f32 v34, v24;
	v32 =	vld.msk [tilespmem:s7+$0x0 ss:$0x0], $0xffff;
	v37 =	vsub.f32 v37, v20  }
0x3f2: {  	v43 =	vsub.f32 v39, v33;
	v39 =	vld [tilespmem:s0+$0x4850];
	v40 =	vsub.f32 v38, v29  }
0x3f3: {  	s2 =	simm.s32 $0x700;
	s19 =	simm.s32 $0x200;
	s3 =	simm.s32 $0x701;
	v38 =	vld [tilespmem:s0+$0x2800];
	v44 =	vsub.f32 v44, v31;
	v42 =	vsub.f32 v42, v22  }
.LBB2_8:
0x3f4: {  	s13 =	sshra.s32 s19, $0x2;
	s7 =	sadd.s32 $0x1, s7  }
0x3f5: {  	v45 =	vld.msk [tilespmem:s2+$0x0 ss:$0x0], $0xffff;
	v41 =	vsub.f32 v41, v35;
	s1 =	smov.u32 s19;
	s8 =	sadd.s32 $0x200, s19;
	s2 =	smov.u32 s3  }
0x3f6: {  	p0 =	sne.s32 s19, $0x7E00;
	v30 =	vsub.f32 v30, v26;
	v46 =	vld [tilespmem:s13+$0x6820]  }
0x3f7: {  	v44 =	vmul.f32 v44, v32;
	v47 =	vld [tilespmem:s13+$0x4820];
	v41 =	vmul.f32 v41, v32;
	v48 =	vsub.f32 v25, v39  }
0x3f8: {  	v43 =	vmul.f32 v43, v32;
	v30 =	vmul.f32 v30, v32;
	v49 =	vld [tilespmem:s13+$0x6840]  }
0x3f9: {  	v40 =	vmul.f32 v40, v32;
	v25 =	vld [tilespmem:s13+$0x6850];
	v35 =	vadd.f32 v41, v35;
	v41 =	vmul.f32 v48, v32  }
0x3fa: {  	v37 =	vmul.f32 v37, v32;
	v42 =	vmul.f32 v42, v32;
	v33 =	vadd.f32 v43, v33;
	v48 =	vld [tilespmem:s13+$0x4830]  }
0x3fb: {  	v36 =	vmul.f32 v36, v32;
	v43 =	vadd.f32 v30, v26;
	v50 =	vld [tilespmem:s13+$0x2830];
	v26 =	vadd.f32 v41, v39  }
0x3fc: {  	v34 =	vmul.f32 v34, v32;
	v40 =	vadd.f32 v40, v29;
	v29 =	vadd.f32 v42, v22;
	v39 =	vld [tilespmem:s13+$0x6830]  }
0x3fd: {  	v51 =	vadd.f32 v36, v23;
	v22 =	vld [tilespmem:s13+$0x830];
	v26 =	vsub.f32 v26, v43  }
0x3fe: {  	v31 =	vadd.f32 v44, v31;
	v38 =	vsub.f32 v38, v27;
	v36 =	vld [tilespmem:s13+$0x840]  }
0x3ff: {  	v28 =	vmul.f32 v28, v32;
	v41 =	vsub.f32 v51, v29;
	v30 =	vld [tilespmem:s13+$0x2850];
	v42 =	vmul.f32 v26, v45;
	v23 =	vmovc v48  }
0x400: {  	v34 =	vadd.f32 v34, v24;
	v32 =	vmul.f32 v38, v32;
	v33 =	vsub.f32 v33, v35;
	v44 =	vld [tilespmem:s13+$0x2840]  }
0x401: {  	v28 =	vadd.f32 v28, v21;
	v48 =	vmul.f32 v41, v45;
	v26 =	vld [tilespmem:s13+$0x850];
	v38 =	vadd.f32 v42, v43  }
0x402: {  	v37 =	vadd.f32 v37, v20;
	v20 =	vmovc v47;
	v27 =	vadd.f32 v32, v27;
	v32 =	vmul.f32 v33, v45;
	v21 =	vld [tilespmem:s13+$0x4840]  }
0x403: {  	v28 =	vsub.f32 v28, v34;
	v41 =	vadd.f32 v48, v29;
	v42 =	vld [tilespmem:s13+$0x2820];
	[tilespmem:s0+$0x10850] =	vst v38;
	v24 =	vmov v36  }
0x404: {  	v31 =	vsub.f32 v31, v27;
	v36 =	vsub.f32 v37, v40;
	v33 =	vld [tilespmem:s13+$0x4810]  }
0x405: {  	v32 =	vadd.f32 v32, v35;
	v37 =	vmul.f32 v28, v45;
	v29 =	vld [tilespmem:s13+$0x820];
	[tilespmem:s0+$0x10830] =	vst v41  }
0x406: {  	v31 =	vmul.f32 v31, v45;
	v36 =	vmul.f32 v36, v45;
	v47 =	vld [tilespmem:s13+$0x6800]  }
0x407: {  	v35 =	vld [tilespmem:s13+$0x810];
	v28 =	vsub.f32 v49, v21;
	[tilespmem:s0+$0x10810] =	vst v32;
	v32 =	vadd.f32 v37, v34  }
0x408: {  	v27 =	vadd.f32 v31, v27;
	v37 =	vadd.f32 v36, v40;
	v38 =	vld [tilespmem:s13+$0x6810]  }
0x409: {  	v41 =	vld [tilespmem:s13+$0x2810];
	[tilespmem:s0+$0x10840] =	vst v32  }
0x40a: {  	v36 =	vsub.f32 v39, v23;
	v31 =	vld [tilespmem:s13+$0x4800];
	[tilespmem:s0+$0x10800] =	vst v27  }
.Ltmp3:
0x40b: {  	v34 =	vsub.f32 v44, v24;
	v27 =	vld [tilespmem:s13+$0x800];
	[tilespmem:s0+$0x10820] =	vst v37;
	s0 =	smov.u32 s13;
	(pc) =	sbr.rel @p0 .LBB2_8-.Ltmp3, $4  }
0x40c: {  	v37 =	vsub.f32 v46, v20;
	v32 =	vld.msk [tilespmem:s7+$0x0 ss:$0x0], $0xffff  }
0x40d: {  	v43 =	vsub.f32 v38, v33;
	v39 =	vld [tilespmem:s0+$0x4850]  }
0x40e: {  	v40 =	vsub.f32 v42, v29  }
0x40f: {  	s3 =	sadd.s32 $0x1, s3;
	s19 =	smov.u32 s8;
	v42 =	vsub.f32 v50, v22;
	v38 =	vld [tilespmem:s0+$0x2800];
	v44 =	vsub.f32 v47, v31  }
0x410: {  	_ = 	snop  }
0x411: {  	v43 =	vmul.f32 v43, v32  }
0x412: {  	v41 =	vsub.f32 v41, v35;
	v40 =	vmul.f32 v40, v32;
	v51 =	vmul.f32 v42, v32  }
0x413: {  	v30 =	vsub.f32 v30, v26;
	v36 =	vmul.f32 v36, v32;
	v54 =	vmul.f32 v44, v32  }
0x414: {  	v34 =	vmul.f32 v34, v32;
	v25 =	vsub.f32 v25, v39;
	v33 =	vadd.f32 v43, v33  }
0x415: {  	v28 =	vmul.f32 v28, v32;
	v29 =	vadd.f32 v40, v29;
	v22 =	vadd.f32 v51, v22  }
0x416: {  	v53 =	vld.msk [tilespmem:s2+$0x0 ss:$0x0], $0xffff;
	v56 =	vmul.f32 v37, v32;
	v23 =	vadd.f32 v36, v23;
	v31 =	vadd.f32 v54, v31  }
0x417: {  	v41 =	vmul.f32 v41, v32;
	v24 =	vadd.f32 v34, v24;
	v21 =	vadd.f32 v28, v21  }
0x418: {  	v30 =	vmul.f32 v30, v32;
	v20 =	vadd.f32 v56, v20;
	v55 =	vsub.f32 v38, v27  }
0x419: {  	v50 =	vadd.f32 v41, v35;
	v25 =	vmul.f32 v25, v32;
	v23 =	vsub.f32 v23, v22  }
0x41a: {  	v52 =	vadd.f32 v30, v26;
	v21 =	vsub.f32 v21, v24;
	v36 =	vmul.f32 v55, v32  }
0x41b: {  	v20 =	vsub.f32 v20, v29;
	v25 =	vadd.f32 v25, v39;
	v23 =	vmul.f32 v23, v53  }
0x41c: {  	v57 =	vsub.f32 v33, v50;
	v21 =	vmul.f32 v21, v53;
	v58 =	vadd.f32 v36, v27  }
0x41d: {  	v20 =	vmul.f32 v20, v53;
	v25 =	vsub.f32 v25, v52;
	v22 =	vadd.f32 v23, v22  }
0x41e: {  	v59 =	vmul.f32 v57, v53;
	v21 =	vadd.f32 v21, v24;
	v60 =	vsub.f32 v31, v58  }
0x41f: {  	v20 =	vadd.f32 v20, v29;
	v25 =	vmul.f32 v25, v53;
	[tilespmem:s0+$0x10830] =	vst v22  }
0x420: {  	v61 =	vadd.f32 v59, v50;
	[tilespmem:s0+$0x10840] =	vst v21;
	v62 =	vmul.f32 v60, v53  }
0x421: {  	[tilespmem:s0+$0x10820] =	vst v20;
	v25 =	vadd.f32 v25, v52  }
0x422: {  	[tilespmem:s0+$0x10810] =	vst v61;
	v63 =	vadd.f32 v62, v58  }
0x423: {  	[tilespmem:s0+$0x10850] =	vst v25  }
0x424: {  	s29 =	rddreg [dreg:$0xa];
	s1 =	simm.s32 $0x10800;
	[tilespmem:s0+$0x10800] =	vst v63  }
0x425: {  	[hbm4b:s29+s5] =	stream.linear.scatter [tilespmem:s1], [sflag:$0x3], $0x2000, $0x38;
	[tilespmem:$0x14800] =	vst v63  }
0x426: {  	_ =	swait.ge [sflag:s18], $0x2000  }
0x427: {  	s30 =	rddreg [dreg:$0xc]  }
0x428: {  	s31 =	rddreg [dreg:$0xb];
	s1 =	sadd.s32 $0x1, s30  }
0x429: {  	p0 =	sne.s32 s1, s31  }
.Ltmp4:
0x42a: {  	_ = 	snop;
	(pc) =	sbr.rel @p0 .LBB2_1-.Ltmp4, $3  }
0x42b: {  	_ =	sdelay $0x1  }
0x42c: {  	[sflag:s18] =	ssyncset.done $0x0  }
0x42d: {  	[sflag:s18] =	ssyncadd.s32 $0xFFFFE000  }
0x42e: {  	_ =	sfence.sel $0x180000  }
0x42f: {  	[bflag:$0x0] =	sbarrier.arrive $0xFFFF  }
0x430: {  	_ =	strace $0x90000047  }
0x431: {  	s0 =	stileid.u32;
	[bflag:$0x2] =	sbarrier.arrive $0xFFFF  }
0x432: {  	p0 =	sne.s32 s0, $0x0;
	s0 =	rddreg [dreg:$0x2]  }
0x433: {  	s0 =	sadd.s32 @!p0 $0x100000, s0  }
0x434: {  	[sflag:s0] =	ssyncadd.tile.s32 @!p0 $0x1;
	_ =	shalt  }
.Lfunc_end2:
_tile_overlayer_lowered:
.L_overlay_start_2:
0x435: {  	(tag) =	ssettag $0x2  }
0x436: {  	s0 =	rddreg [dreg:$0x0];
	s2 =	stileid.u32  }
0x437: {  	s1 =	rddreg [dreg:$0x1];
	p0 =	sne.s32 s2, $0x0  }
0x438: {  	s3 =	rddreg [dreg:$0x2];
	[bflag:$0x3] =	sbarrier.arrive $0xFFFF;
	s2 =	simm.s32 @!p0 $0x1C03  }
0x439: {  	[timem:s3], [sflag:s2] =	dma.local @!p0 [hbm:s0], s1  }
0x43a: {  	s0 =	simm.s32 @!p0 $0x3  }
0x43b: {  	_ =	swait.ge @!p0 [sflag:s0], s1  }
0x43c: {  	s1 =	ssub.s32 @!p0 $0x0, s1;
	[sflag:s0] =	ssyncset.done @!p0 $0x0  }
0x43d: {  	[sflag:s0] =	ssyncadd.s32 @!p0 s1  }
0x43e: {  	[bflag:$0x3] =	sbarrier.arrive $0xFFFF  }
0x43f: {  	_ =	shalt  }

// kernel: sparse-core-data-format-call.cloned.1.call-start
scs
called_computation_lowered:
.L_overlay_start_0:
0x0: {  	s2 =	sld [smem:$0x3FD9]  }
0x1: {  	s3 =	sld [smem:$0x3FFE];
	_ =	sdelay $0x1  }
0x2: {  	s1 =	srdreg.scid  }
0x3: {  	s0 =	sand.u32 $0x1, s1  }
0x4: {  	s18 =	sshll.u32 s0, $0xA;
	s2 =	sadd.s32 s3, s2  }
0x5: {  	s2 =	sadd.s32 s2, s18  }
0x6: {  	[smem:$0x3FC6] =	sst s2  }
0x7: {  	_ = 	snop  }
0x8: {  	s2 =	sld [smem:$0x3FD0];
	(tm) =	ssettm $0x1  }
0x9: {  	s19 =	sld [smem:$0x3FFB];
	_ =	sdelay $0x3  }
0xa: {  	_ =	strace s19  }
0xb: {  	s3 =	sld [smem:$0x3FFC];
	_ =	sdelay $0x3  }
0xc: {  	_ =	strace s3  }
0xd: {  	s3 =	sld [smem:$0x3FFD];
	_ =	sdelay $0x3  }
0xe: {  	_ =	strace s3  }
0xf: {  	_ =	strace $0x8FFFFFFF  }
0x10: {  	s20 =	sld [smem:$0x3FDB];
	_ =	sdelay $0x1  }
0x11: {  	s4 =	simm.s32 $_scs_section_size  }
0x12: {  	s5 =	simm.s32 $_size__tile_overlayer_lowered;
	s6 =	simm.s32 $_tile_overlayer_lowered  }
0x13: {  	s23 =	simm.s32 $0x1BFF;
	s22 =	sshll.u32 s6, $0x1;
	s3 =	sadd.s32 s4, s20  }
0x14: {  	s7 =	simm.s32 $0x0;
	s21 =	sshll.u32 s5, $0x1;
	s5 =	sadd.s32 s22, s3  }
0x15: {  	[timem:s7], [sflag:s23] =	dma.local [hbm:s5], s21  }
0x16: {  	_ =	swait.ge [sflag:s23], s21  }
0x17: {  	s4 =	ssub.s32 $0x0, s21;
	[sflag:s23] =	ssyncset.done $0x0  }
0x18: {  	[sflag:s23] =	ssyncadd.s32 s4;
	_ =	sdelay $0x1  }
0x19: {  	s24 =	simm.s32 $0x1B8B  }
0x1a: {  	_ =	swait.ge [sflag:s24], $0x1  }
0x1b: {  	[sflag:s24] =	ssyncset.done $0x0  }
0x1c: {  	s26 =	simm.s32 $0x1B8E;
	s25 =	sld [smem:$0x3FFE];
	[sflag:s24] =	ssyncadd.s32 $0xFFFFFFFF  }
0x1d: {  	s27 =	simm.s32 $execute0_lowered;
	[smem:$0x3FD2] =	sst s26  }
0x1e: {  	s5 =	sshll.u32 s27, $0x1;
	_ =	strace $0x80000049;
	[dreg:$0x1] =	wrdreg $0xFFFFFFFF  }
0x1f: {  	s28 =	simm.s32 $_size_execute0_lowered;
	s3 =	sadd.s32 s3, s5;
	[dreg:$0x0] =	wrdreg $0x0  }
0x20: {  	s5 =	sshll.u32 s28, $0x1;
	[dreg:$0x2] =	wrdreg s3  }
0x21: {  	[dreg:$0x3] =	wrdreg s5  }
0x22: {  	[dreg:$0x4] =	wrdreg $0xC0  }
0x23: {  	_ =	task [dreg:s7], $0x5FFFF  }
0x24: {  	[dreg:$0x1] =	wrdreg $0xFFFFFFFF  }
0x25: {  	[dreg:$0x0] =	wrdreg $0x60  }
0x26: {  	[dreg:$0x2] =	wrdreg s25  }
0x27: {  	[dreg:$0x3] =	wrdreg s2  }
0x28: {  	[dreg:$0x4] =	wrdreg $0x9  }
0x29: {  	_ =	task.clear_ibuf [dreg:s7], $0x5FFFF;
	_ =	strace $0x90000049  }
0x2a: {  	s29 =	simm.s32 $0x9;
	_ =	strace $0x8000004B  }
0x2b: {  	_ =	swait.ge [sflag:s29], $0x1  }
0x2c: {  	[sflag:s29] =	ssyncadd.s32 $0xFFFFFFFF  }
0x2d: {  	_ =	strace $0x9000004B  }
0x2e: {  	_ =	sfence  }
0x2f: {  	s30 =	sld [smem:$0x0];
	_ =	sdelay $0x2  }
0x30: {  	s31 =	sshll.u32 s1, $0xD;
	s1 =	sshrl.u32 s1, $0x2  }
0x31: {  	s3 =	sand.u32 $0x4000, s31;
	s1 =	sadd.s32 s1, s30  }
0x32: {  	s0 =	sor.u32 s3, s0;
	s1 =	sshll.u32 s1, $0x11  }
0x33: {  	s0 =	sor.u32 s1, s0  }
0x34: {  	s0 =	sadd.s32 $0x8F2B, s0  }
0x35: {  	[sflag:s0] =	ssyncadd.remote.s32 $0x1  }
0x36: {  	_ =	sfence.sel $0xFFFF  }
0x37: {  	[dreg:$0x0] =	wrdreg $0xFFFFFFFF;
	(pc) =	sbr.abs _section_cstart, $3  }
0x38: {  	[dreg:$0x1] =	wrdreg $0xFFFFFFFF  }
0x39: {  	_ =	task.clear_ibuf [dreg:s7], $0x2FFFF;
	_ =	strace $0x9FFFFFFF  }
0x3a: {  	(tm) =	ssettm $0x7FFFFFFF  }
0x3b: {  	_ =	shalt  }
tec
execute0_lowered:
.L_overlay_start_1:
0x0: {  	(tag) =	ssettag $0x1  }
0x1: {  	s0 =	stileid.u32;
	s4 =	rddreg [dreg:$0x0]  }
0x2: {  	s1 =	srdreg.scid;
	s2 =	rddreg [dreg:$0x1]  }
0x3: {  	s8 =	simm.s32 $0x1;
	s9 =	simm.s32 $0x2;
	s15 =	simm.s32 $0x0  }
0x4: {  	s16 =	simm.s32 $0x0;
	s3 =	sshll.u32 s0, $0x5;
	s1 =	sshll.u32 s1, $0x9  }
0x5: {  	s10 =	simm.s32 $0x0;
	s11 =	simm.s32 $0x0;
	s3 =	sor.u32 s3, s1  }
0x6: {  	s14 =	simm.s32 $0x0;
	s4 =	sadd.s32 $0x311200, s4;
	s3 =	sand.u32 $0x380, s3  }
0x7: {  	s5 =	sand.u32 $0x3, s0;
	s1 =	rddreg [dreg:$0x2];
	s7 =	ssub.s32 $0x6200, s3  }
.Ltmp0:
0x8: {  	_ =	strace $0x8000004A;
	s6 =	sand.u32 $0x380, s7;
	(pc) =	sbr.rel .LBB1_1-.Ltmp0, $4  }
0x9: {  	s13 =	smov.u32 s5;
	s12 =	smov.u32 s3;
	p0 =	sne.s32 s6, $0x0  }
0xa: {  	s7 =	sshrl.u32 s7, $0xA;
	s6 =	simm.s32 $0x1;
	s8 =	simm.s32 @!p0 $0x0  }
0xb: {  	[sflag:s6] =	ssyncpa.u1 $0x0;
	p0 =	por $0x0, $0x0;
	s7 =	sadd.s32 s8, s7  }
0xc: {  	[sflag:s9] =	ssyncpa.u1 $0x0;
	s9 =	simm.s32 $0x31000;
	s8 =	sadd.s32 $0x1, s7  }
.LBB1_4:
0xd: {  	s22 =	sshll.u32 s10, $0x3;
	s23 =	sand.u32 $0x7F, s10  }
0xe: {  	s21 =	sshra.s32 s21, $0x2;
	p1 =	sgt.s32 s11, $0x3;
	s25 =	smov.u32 s11  }
0xf: {  	s26 =	sshra.s32 s11, $0x1F;
	s31 =	sshra.s32 s10, $0x1F;
	s22 =	sand.u32 $0xFFFFFC00, s22  }
0x10: {  	s25 =	simm.s32 @!p1 $0x3;
	s23 =	sor.u32 s23, s22;
	s22 =	smulhi.u32 $0x5397829D, s22  }
0x11: {  	v5 =	vld [tilespmem:s18+$0xFFFFFFD0];
	[tilespmem:s19+$0x2040 ss:$0x81] =	vst.msk $0xffff, v4;
	s26 =	sand.u32 s26, s11;
	s20 =	sadd.s32 s21, s20;
	p1 =	sgt.s32 s10, $0x6180  }
0x12: {  	v58 =	vld [tilespmem:s18+$0xFFFFFFE0];
	[tilespmem:s19+$0x2850 ss:$0x81] =	vst.msk $0xffff, v3;
	s28 =	ssub.s32 s25, s26;
	s24 =	smulhi.u32 $0x5397829D, s23;
	s22 =	sshrl.u32 s22, $0xD  }
0x13: {  	v59 =	vld [tilespmem:s18+$0xFFFFFFF0];
	[tilespmem:s19+$0x3060 ss:$0x81] =	vst.msk $0xffff, v2;
	s21 =	smov.u32 s10;
	s30 =	ssub.s32 $0x4, s28;
	s27 =	smulhi.u32 $0x2AAAAAB, s22  }
0x14: {  	v60 =	vld [tilespmem:s18+$0x0];
	[tilespmem:s19+$0x0 ss:$0x81] =	vst.msk $0xffff, v1;
	s21 =	simm.s32 @!p1 $0x6180;
	s26 =	sadd.s32 $0xFFFFFFFD, s28;
	s19 =	smul.u32 $0x60, s30  }
0x15: {  	v61 =	vld [tilespmem:s18+$0x10];
	[tilespmem:s20+$0x3870 ss:$0x81] =	vst.msk $0xffff, v0;
	s24 =	sshrl.u32 s24, $0xD;
	s29 =	smul.u32 $0x60, s27;
	s27 =	sand.u32 s31, s10  }
0x16: {  	v62 =	vld [tilespmem:s18+$0x20];
	p1 =	sgt.s32 s26, $0x0;
	[tilespmem:s20+$0x810 ss:$0x81] =	vst.msk $0xffff, v5;
	s24 =	smul.u32 $0x6200, s24;
	s21 =	ssub.s32 s21, s27  }
0x17: {  	v63 =	vld [tilespmem:s18+$0xFFFFFFC0];
	[tilespmem:s20+$0x1020 ss:$0x81] =	vst.msk $0xffff, v58;
	s19 =	simm.s32 @p1 $0x0;
	s27 =	smul.u32 $0x49800, s11;
	s26 =	sadd.s32 $0xFFFF9E80, s21  }
0x18: {  	[tilespmem:s20+$0x1830 ss:$0x81] =	vst.msk $0xffff, v59;
	s25 =	ssub.s32 s22, s29;
	s21 =	ssub.s32 $0x6200, s21;
	p1 =	sgt.s32 s26, $0x7F  }
0x19: {  	[tilespmem:s20+$0x2040 ss:$0x81] =	vst.msk $0xffff, v60;
	s23 =	ssub.s32 s23, s24;
	s18 =	smul.u32 $0xC40, s25;
	s21 =	simm.s32 @p1 $0x0  }
0x1a: {  	[tilespmem:s20+$0x2850 ss:$0x81] =	vst.msk $0xffff, v61;
	s29 =	sand.u32 $0x7, s23;
	s28 =	sadd.s32 s2, s27;
	s19 =	smul.u32 s21, s19  }
0x1b: {  	[tilespmem:s20+$0x3060 ss:$0x81] =	vst.msk $0xffff, v62;
	s30 =	sshrl.u32 s23, $0x3;
	s22 =	sshll.u32 s29, $0x12;
	s18 =	sadd.s32 s18, s28  }
0x1c: {  	[tilespmem:s20+$0x0 ss:$0x81] =	vst.msk $0xffff, v63;
	s31 =	sor.u32 $0x400, s22;
	s18 =	sadd.s32 s30, s18;
	s19 =	sand.u32 $0x3FFFFFE0, s19  }
0x1d: {  	[hbm4b:s18+s31] =	stream.strided.scatter [tilespmem:s17], [sflag:$0x2], s19, s9, s31, $0x20;
	[tilespmem:$0x10100] =	vst v63  }
.LBB1_5:
0x1e: {  	p1 =	slt.u32 s14, $0x2  }
0x1f: {  	s18 =	smov.u32 s16;
	p2 =	sgt.s32 @!p1 s16, $0x3;
	s17 =	sshra.s32 @!p1 s16, $0x1F  }
0x20: {  	p3 =	sgt.s32 @!p1 s15, $0x6180;
	s19 =	sshra.s32 @!p1 s15, $0x1F;
	p2 =	por !p2, p1  }
0x21: {  	s16 =	sand.u32 @!p1 s17, s16;
	p3 =	por !p3, p1;
	s17 =	smov.u32 s15  }
0x22: {  	s15 =	sand.u32 @!p1 s19, s15;
	s18 =	simm.s32 @p2 $0x3;
	s17 =	simm.s32 @p3 $0x6180  }
0x23: {  	s19 =	smov.u32 s13;
	s16 =	ssub.s32 @!p1 s18, s16;
	s15 =	ssub.s32 @!p1 s17, s15  }
0x24: {  	s17 =	sadd.s32 @!p1 $0xFFFFFFFD, s16;
	s16 =	ssub.s32 @!p1 $0x4, s16;
	s18 =	sadd.s32 @!p1 $0xFFFF9E80, s15  }
0x25: {  	p2 =	sgt.s32 @!p1 s17, $0x0;
	s16 =	smul.u32 @!p1 $0x60, s16;
	p3 =	sgt.s32 @!p1 s18, $0x7F  }
0x26: {  	s15 =	ssub.s32 @!p1 $0x6200, s15;
	p2 =	por !p2, p1;
	p3 =	por !p3, p1  }
0x27: {  	s17 =	sadd.s32 $0x400, s12;
	s16 =	simm.s32 @!p2 $0x0;
	s15 =	simm.s32 @!p3 $0x0  }
0x28: {  	p2 =	sgt.s32 s17, $0x61FF;
	s15 =	smul.u32 @!p1 s15, s16;
	s16 =	sadd.s32 $0x4, s13  }
0x29: {  	s19 =	smov.u32 @p2 s16  }
0x2a: {  	s17 =	smov.u32 @p2 s3;
	p2 =	sgt.s32 s19, $0x3  }
0x2b: {  	s19 =	smov.u32 @p2 s5;
	p2 =	sne.s32 s14, s8  }
.Ltmp1:
0x2c: {  	p0 =	por !p0, !p0;
	s18 =	simm.s32 @!p1 $0x2;
	(pc) =	sbr.rel @!p2 .LBB1_6-.Ltmp1, $4  }
0x2d: {  	s16 =	smov.u32 s11;
	s11 =	smov.u32 s13;
	s15 =	sand.u32 @!p1 $0x3FFFFFE0, s15  }
0x2e: {  	_ =	swait.ge @!p1 [sflag:s18], s15;
	s20 =	ssub.s32 @!p1 $0x0, s15;
	s15 =	smov.u32 s10  }
0x2f: {  	s14 =	sadd.s32 $0x1, s14;
	s10 =	smov.u32 s12;
	[sflag:s18] =	ssyncset.done @!p1 $0x0  }
0x30: {  	s12 =	smov.u32 s17;
	s13 =	smov.u32 s19;
	[sflag:s18] =	ssyncadd.s32 @!p1 s20  }
.LBB1_1:
0x31: {  	p1 =	sge.u32 s14, s7  }
0x32: {  	s17 =	sand.u32 @!p1 $0x1FFFFFF, s12  }
0x33: {  	s18 =	smulhi.u32 @!p1 $0x14E5E0B, s17;
	_ =	sdelay $0x1  }
0x34: {  	s18 =	sshrl.u32 @!p1 s18, $0x7  }
0x35: {  	s18 =	smul.u32 @!p1 $0x6200, s18  }
0x36: {  	s19 =	smul.u32 @!p1 $0x62000, s13  }
0x37: {  	s31 =	sadd.s32 $0xFFFFFFFF, s14;
	s17 =	ssub.s32 @!p1 s17, s18;
	s18 =	sxor.u32 @!p1 $0xFFFFFFFF, s14  }
0x38: {  	s19 =	sadd.s32 @!p1 s4, s19;
	s18 =	sshll.u32 @!p1 s18, $0xE;
	s17 =	sshll.u32 @!p1 s17, $0x4  }
0x39: {  	s18 =	sand.u32 @!p1 $0x4000, s18;
	s17 =	sadd.s32 @!p1 s17, s19;
	s19 =	simm.s32 @!p1 $0x0  }
0x3a: {  	[tilespmem:s18], [sflag:$0x1] =	stream.linear.gather @!p1 [hbm4b:s17+s19], $0x4000, $0x38;
	[tilespmem:$0x10100] =	vst v63  }
0x3b: {  	p1 =	sge.u32 s31, s7  }
.Ltmp2:
0x3c: {  	_ = 	snop;
	(pc) =	sbr.rel @p1 .LBB1_5-.Ltmp2, $1  }
0x3d: {  	_ =	sdelay $0x3  }
0x3e: {  	s17 =	simm.s32 $0x1  }
0x3f: {  	_ =	swait.ge [sflag:s6], $0x4000;
	s17 =	simm.s32 @!p0 $0x0  }
0x40: {  	[sflag:s6] =	ssyncset.done $0x0;
	s18 =	sshll.u32 s17, $0xE  }
0x41: {  	[sflag:s6] =	ssyncadd.s32 $0xFFFFC000;
	s18 =	sor.u32 $0x40, s18  }
0x42: {  	s17 =	smul.u32 $0x10200, s17;
	v0 =	vld [tilespmem:s18+$0x30]  }
0x43: {  	v1 =	vld [tilespmem:s18+$0xFFFFFFD0]  }
0x44: {  	s17 =	sshrl.u32 s17, $0x2;
	v5 =	vld [tilespmem:s18+$0xFFFFFFE0]  }
0x45: {  	v6 =	vld [tilespmem:s18+$0xFFFFFFF0];
	s20 =	sor.u32 $0x8000, s17  }
0x46: {  	s31 =	sand.u32 $0x1, s14;
	v4 =	vld [tilespmem:s18+$0x0];
	s19 =	sadd.s32 $0x0, s20  }
0x47: {  	v3 =	vld [tilespmem:s18+$0x10];
	s17 =	smul.u32 $0x10200, s31;
	[tilespmem:s19+$0x3870 ss:$0x81] =	vst.msk $0xffff, v0  }
0x48: {  	v2 =	vld [tilespmem:s18+$0x20];
	[tilespmem:s19+$0x810 ss:$0x81] =	vst.msk $0xffff, v1  }
0x49: {  	s17 =	sshrl.u32 s17, $0x2;
	v1 =	vld [tilespmem:s18+$0xFFFFFFC0];
	[tilespmem:s19+$0x1020 ss:$0x81] =	vst.msk $0xffff, v5;
	s18 =	sadd.s32 $0x80, s18  }
0x4a: {  	s21 =	simm.s32 $0x4;
	s22 =	simm.s32 $0x8;
	s17 =	sor.u32 $0x8000, s17;
	[tilespmem:s19+$0x1830 ss:$0x81] =	vst.msk $0xffff, v6;
	v0 =	vld [tilespmem:s18+$0x30]  }
.LBB1_3:
0x4b: {  	p1 =	sne.s32 s22, $0x1FC;
	v5 =	vld [tilespmem:s18+$0xFFFFFFD0];
	[tilespmem:s19+$0x2040 ss:$0x81] =	vst.msk $0xffff, v4  }
0x4c: {  	v6 =	vld [tilespmem:s18+$0xFFFFFFE0];
	[tilespmem:s19+$0x2850 ss:$0x81] =	vst.msk $0xffff, v3  }
0x4d: {  	s23 =	sshra.s32 s21, $0x2;
	s21 =	smov.u32 s22;
	v7 =	vld [tilespmem:s18+$0xFFFFFFF0];
	[tilespmem:s19+$0x3060 ss:$0x81] =	vst.msk $0xffff, v2  }
.Ltmp3:
0x4e: {  	v4 =	vld [tilespmem:s18+$0x0];
	[tilespmem:s19+$0x0 ss:$0x81] =	vst.msk $0xffff, v1;
	s19 =	sadd.s32 s23, s20;
	(pc) =	sbr.rel @p1 .LBB1_3-.Ltmp3, $4  }
0x4f: {  	v3 =	vld [tilespmem:s18+$0x10];
	[tilespmem:s19+$0x3870 ss:$0x81] =	vst.msk $0xffff, v0  }
0x50: {  	[tilespmem:s19+$0x810 ss:$0x81] =	vst.msk $0xffff, v5;
	v2 =	vld [tilespmem:s18+$0x20]  }
0x51: {  	v1 =	vld [tilespmem:s18+$0xFFFFFFC0];
	[tilespmem:s19+$0x1020 ss:$0x81] =	vst.msk $0xffff, v6;
	s18 =	sadd.s32 $0x80, s18  }
0x52: {  	s22 =	sadd.s32 $0x4, s22;
	v0 =	vld [tilespmem:s18+$0x30];
	[tilespmem:s19+$0x1830 ss:$0x81] =	vst.msk $0xffff, v7  }
.Ltmp4:
0x53: {  	_ = 	snop;
	(pc) =	sbr.rel .LBB1_4-.Ltmp4, $1  }
0x54: {  	_ =	sdelay $0x3  }
.LBB1_6:
0x55: {  	_ =	sfence.sel $0x180000  }
0x56: {  	s2 =	simm.s32 $0x1;
	[bflag:$0x0] =	sbarrier.arrive $0xFFFF  }
0x57: {  	s31 =	simm.s32 $0x2;
	[sflag:s2] =	ssyncpa.u1 $0x1  }
0x58: {  	[sflag:s31] =	ssyncpa.u1 $0x1  }
0x59: {  	p0 =	sne.s32 s0, $0x0;
	_ =	strace $0x9000004A  }
0x5a: {  	s0 =	sadd.s32 @!p0 $0x100000, s1;
	[bflag:$0x2] =	sbarrier.arrive $0xFFFF  }
0x5b: {  	[sflag:s0] =	ssyncadd.tile.s32 @!p0 $0x1;
	_ =	shalt  }
.Lfunc_end1:
_tile_overlayer_lowered:
.L_overlay_start_2:
0x5c: {  	(tag) =	ssettag $0x2  }
0x5d: {  	s0 =	rddreg [dreg:$0x0];
	s2 =	stileid.u32  }
0x5e: {  	s1 =	rddreg [dreg:$0x1];
	p0 =	sne.s32 s2, $0x0  }
0x5f: {  	s3 =	rddreg [dreg:$0x2];
	[bflag:$0x3] =	sbarrier.arrive $0xFFFF;
	s2 =	simm.s32 @!p0 $0x1C01  }
0x60: {  	[timem:s3], [sflag:s2] =	dma.local @!p0 [hbm:s0], s1  }
0x61: {  	s0 =	simm.s32 @!p0 $0x1  }
0x62: {  	_ =	swait.ge @!p0 [sflag:s0], s1  }
0x63: {  	s1 =	ssub.s32 @!p0 $0x0, s1;
	[sflag:s0] =	ssyncset.done @!p0 $0x0  }
0x64: {  	[sflag:s0] =	ssyncadd.s32 @!p0 s1  }
0x65: {  	[bflag:$0x3] =	sbarrier.arrive $0xFFFF  }
0x66: {  	_ =	shalt  }

</sc_bundles>
